<compile_context>
chip_gen: v7x
topology: tpu7x:2x2x1
jax: 0.10.2.dev20260603
libtpu: 0.0.44.dev20260713+nightly
codegen_flags: <defaults>
</compile_context>

<pallas_src>
import jax
import jax.numpy as jnp
from jax import lax
from jax.experimental import pallas as pl
from jax.experimental.pallas import tpu as pltpu
from jax.experimental.pallas import tpu_sc as plsc

_NC = 2
_NS = 16
_HH = 64


def _sc_mesh():
    return plsc.VectorSubcoreMesh(
        core_axis_name="c", subcore_axis_name="s",
        num_cores=_NC, num_subcores=_NS)


def _chunks(total, step):
    out, o = [], 0
    while o < total:
        sz = min(step, total - o)
        out.append((o, sz))
        o += sz
    assert all(sz % 8 == 0 for _, sz in out)
    return out


def _make_seg(n, n_pad, e, chunk, b4, with_deg):
    assert e % (_NS * chunk) == 0 and chunk % 8 == 0
    steps = e // (_NS * chunk)
    nb = 4
    assert steps % nb == 0
    half = steps // 2
    epw = e // _NS
    rpt = n_pad // _NS

    if with_deg:
        out_type = [jax.ShapeDtypeStruct((n_pad, 128), jnp.float32),
                    jax.ShapeDtypeStruct((n_pad, 16), jnp.float32),
                    jax.ShapeDtypeStruct((n_pad, 16), jnp.float32)]
    else:
        out_type = [jax.ShapeDtypeStruct((b4, 128), jnp.float32),
                    jax.ShapeDtypeStruct((b4, 128), jnp.float32),
                    jax.ShapeDtypeStruct((b4, 16), jnp.float32)]
    scratch = [
        *[pltpu.VMEM((2, chunk), jnp.int32) for _ in range(nb)],
        *[pltpu.VMEM((chunk, _HH), jnp.float32) for _ in range(nb)],
        pltpu.VMEM_SHARED((n_pad, _HH), jnp.float32),
        pltpu.SemaphoreType.DMA,
        pltpu.SemaphoreType.DMA,
    ]
    if with_deg:
        scratch += [
            pltpu.VMEM((chunk, 16), jnp.float32),
            pltpu.VMEM_SHARED((n_pad, 16), jnp.float32),
        ]
    else:
        scratch += [
            pltpu.VMEM((chunk, 16), jnp.float32),
            pltpu.VMEM((chunk, 16), jnp.float32),
        ]

    def body(*refs):
        if with_deg:
            (h_lo, h_hi, ei, z64, z16, ones_h, out, d0, d1) = refs[:9]
            rest = refs[9:]
        else:
            (h_lo, h_hi, ei, z64, idx_hbm, rd,
             g_h, g_p, g_r) = refs[:9]
            rest = refs[9:]
        idx = rest[0:nb]
        rows = rest[nb:2 * nb]
        acc, gsem, isem = rest[2 * nb:2 * nb + 3]
        if with_deg:
            ones_v, dacc = rest[2 * nb + 3:]
        else:
            db0, db1 = rest[2 * nb + 3:]
        c = lax.axis_index("c")
        s = lax.axis_index("s")
        r0 = s * rpt
        pltpu.sync_copy(z64.at[pl.ds(r0, rpt)], acc.at[pl.ds(r0, rpt)])
        if with_deg:
            pltpu.sync_copy(z16.at[pl.ds(r0, rpt)], dacc.at[pl.ds(r0, rpt)])
            pltpu.sync_copy(ones_h, ones_v)
        plsc.subcore_barrier()
        base = s * epw

        def off(g):
            gc = jnp.minimum(g, steps - 1) if isinstance(g, jax.Array) \
                else min(g, steps - 1)
            return pl.multiple_of(base + gc * chunk, 8)

        def idx_start(g, slot):
            pltpu.async_copy(ei.at[:, pl.ds(off(g), chunk)], idx[slot], isem)

        def idx_wait(slot):
            pltpu.make_async_copy(ei.at[:, pl.ds(base, chunk)], idx[slot],
                                  isem).wait()

        def gather_start(slot):
            @pl.when(c == 0)
            def _():
                pltpu.async_copy(h_lo.at[idx[slot].at[0]], rows[slot], gsem)

            @pl.when(c == 1)
            def _():
                pltpu.async_copy(h_hi.at[idx[slot].at[0]], rows[slot], gsem)

        def gather_wait(slot):
            pltpu.make_async_copy(h_lo.at[idx[slot].at[0]], rows[slot],
                                  gsem).wait()

        pltpu.sync_copy(ei.at[:, pl.ds(off(0), chunk)], idx[0])
        pltpu.sync_copy(ei.at[:, pl.ds(off(1), chunk)], idx[1])
        gather_start(0)
        gather_start(1)
        idx_start(2, 2)

        def phase(g, b):
            b2 = (b + 2) % nb
            b3 = (b + 3) % nb
            idx_wait(b2)
            gather_start(b2)
            idx_start(g + 3, b3)
            gather_wait(b)
            pltpu.sync_copy(rows[b], acc.at[idx[b].at[1]], add=True)
            if with_deg:
                @pl.when((g < half) == (c == 0))
                def _():
                    pltpu.sync_copy(ones_v, dacc.at[idx[b].at[1]], add=True)

        def outer(k, carry):
            g0 = k * nb
            for b in range(nb):
                phase(g0 + b, b)
            return carry

        lax.fori_loop(0, steps // nb, outer, 0)
        gather_wait(0)
        gather_wait(1)
        idx_wait(2)
        plsc.subcore_barrier()

        if with_deg:
            pltpu.sync_copy(acc.at[pl.ds(r0, rpt)],
                            out.at[pl.ds(r0, rpt), pl.ds(c * _HH, _HH)])

            @pl.when(c == 0)
            def _():
                pltpu.sync_copy(dacc.at[pl.ds(r0, rpt)], d0.at[pl.ds(r0, rpt)])

            @pl.when(c == 1)
            def _():
                pltpu.sync_copy(dacc.at[pl.ds(r0, rpt)], d1.at[pl.ds(r0, rpt)])
            return

        wid = c * _NS + s
        bpw = b4 // (_NC * _NS)
        gb = wid * bpw
        achunks = _chunks(bpw, chunk)
        asets = [(rows[0], rows[1], db0, idx[0]),
                 (rows[2], rows[3], db1, idx[2])]

        def a_fire(k):
            o, sz = achunks[k]
            r1, r2, dbuf, ix = asets[k % 2]
            pltpu.sync_copy(idx_hbm.at[pl.ds(gb + o, sz)],
                            ix.at[0, pl.ds(0, sz)])
            ib = ix.at[0, pl.ds(0, sz)]
            pltpu.async_copy(h_lo.at[ib], r1.at[pl.ds(0, sz)], gsem)
            pltpu.async_copy(h_hi.at[ib], r2.at[pl.ds(0, sz)], gsem)
            pltpu.async_copy(rd.at[ib], dbuf.at[pl.ds(0, sz)], gsem)

        def a_drain(k):
            o, sz = achunks[k]
            r1, r2, dbuf, ix = asets[k % 2]
            ib = ix.at[0, pl.ds(0, sz)]
            pltpu.make_async_copy(h_lo.at[ib], r1.at[pl.ds(0, sz)],
                                  gsem).wait()
            pltpu.make_async_copy(h_hi.at[ib], r2.at[pl.ds(0, sz)],
                                  gsem).wait()
            pltpu.make_async_copy(rd.at[ib], dbuf.at[pl.ds(0, sz)],
                                  gsem).wait()
            pltpu.sync_copy(r1.at[pl.ds(0, sz)],
                            g_h.at[pl.ds(gb + o, sz), pl.ds(0, _HH)])
            pltpu.sync_copy(r2.at[pl.ds(0, sz)],
                            g_h.at[pl.ds(gb + o, sz), pl.ds(_HH, _HH)])
            pltpu.sync_copy(dbuf.at[pl.ds(0, sz)], g_r.at[pl.ds(gb + o, sz)])

        a_fire(0)
        for k in range(len(achunks)):
            if k + 1 < len(achunks):
                a_fire(k + 1)
            a_drain(k)

        ppw = b4 // _NS
        pb = s * ppw
        bchunks = _chunks(ppw, chunk)
        bsets = [(rows[0], idx[1]), (rows[1], idx[3])]

        def b_fire(k):
            o, sz = bchunks[k]
            rb, ix = bsets[k % 2]
            pltpu.sync_copy(idx_hbm.at[pl.ds(pb + o, sz)],
                            ix.at[0, pl.ds(0, sz)])
            pltpu.async_copy(acc.at[ix.at[0, pl.ds(0, sz)]],
                             rb.at[pl.ds(0, sz)], gsem)

        def b_drain(k):
            o, sz = bchunks[k]
            rb, ix = bsets[k % 2]
            pltpu.make_async_copy(acc.at[ix.at[0, pl.ds(0, sz)]],
                                  rb.at[pl.ds(0, sz)], gsem).wait()
            pltpu.sync_copy(rb.at[pl.ds(0, sz)],
                            g_p.at[pl.ds(pb + o, sz), pl.ds(c * _HH, _HH)])

        b_fire(0)
        for k in range(len(bchunks)):
            if k + 1 < len(bchunks):
                b_fire(k + 1)
            b_drain(k)

    return pl.kernel(body, out_type=tuple(out_type), mesh=_sc_mesh(),
                     scratch_types=tuple(scratch),
                     compiler_params=pltpu.CompilerParams(
                         use_tc_tiling_on_sc=False))


def _dense_body(h_ref, p_ref, d0_ref, d1_ref, ws_ref,
                wn_ref, b_ref, olo_ref, ohi_ref, ord_ref):
    h = h_ref[...]
    rdeg = 1.0 / jnp.maximum(d0_ref[:, 0:1] + d1_ref[:, 0:1], 1.0)
    hn = p_ref[...] * rdeg
    acc = jnp.dot(h, ws_ref[...], preferred_element_type=jnp.float32)
    acc += jnp.dot(hn, wn_ref[...], preferred_element_type=jnp.float32)
    res = jnp.maximum(acc + b_ref[...], 0.0)
    olo_ref[...] = res[:, :_HH]
    ohi_ref[...] = res[:, _HH:]
    ord_ref[...] = jnp.broadcast_to(rdeg, (rdeg.shape[0], 16))


def _make_dense(n, n_pad, blk=1024):
    grid = (n_pad // blk,)
    return pl.pallas_call(
        _dense_body,
        grid=grid,
        in_specs=[
            pl.BlockSpec((blk, 128), lambda i: (i, 0)),
            pl.BlockSpec((blk, 128), lambda i: (i, 0)),
            pl.BlockSpec((blk, 16), lambda i: (i, 0)),
            pl.BlockSpec((blk, 16), lambda i: (i, 0)),
            pl.BlockSpec((128, 128), lambda i: (0, 0)),
            pl.BlockSpec((128, 128), lambda i: (0, 0)),
            pl.BlockSpec((1, 128), lambda i: (0, 0)),
        ],
        out_specs=[pl.BlockSpec((blk, _HH), lambda i: (i, 0)),
                   pl.BlockSpec((blk, _HH), lambda i: (i, 0)),
                   pl.BlockSpec((blk, 16), lambda i: (i, 0))],
        out_shape=[jax.ShapeDtypeStruct((n, _HH), jnp.float32),
                   jax.ShapeDtypeStruct((n, _HH), jnp.float32),
                   jax.ShapeDtypeStruct((n, 16), jnp.float32)],
    )


def _head_body(gh_ref, gp_ref, gr_ref, ws1, wn1, b1_ref,
               w1a, w1b, w1c, bl1, gam, bet, w2, b2,
               hp_ref, hs_ref, ht_ref):
    b = hs_ref.shape[0]

    def mm(x, w):
        return jnp.dot(x, w[...], preferred_element_type=jnp.float32)

    rdeg = gr_ref[:, 0:1]
    h2 = mm(gh_ref[...], ws1) + mm(gp_ref[...] * rdeg, wn1) + b1_ref[...]
    h2 = jnp.maximum(h2, 0.0)
    ha, hb = h2[:b], h2[b:]
    z = mm(ha, w1a) + mm(hb, w1b) + mm(jnp.abs(ha - hb), w1c) + bl1[...]
    mu = jnp.mean(z, axis=0, keepdims=True)
    var = jnp.mean((z - mu) ** 2, axis=0, keepdims=True)
    zn = gam[...] * (z - mu) / jnp.sqrt(var + 1e-5) + bet[...]
    res = jnp.maximum(zn, 0.0)
    i = pl.program_id(0)

    @pl.when(i == 0)
    def _():
        hs_ref[...] = res
        hp_ref[...] = mm(res, w2) + b2[...]

    @pl.when(i == 1)
    def _():
        ht_ref[...] = res


def _make_head(b):
    w = lambda shape: pl.BlockSpec(shape, lambda i: tuple(0 for _ in shape))
    return pl.pallas_call(
        _head_body,
        grid=(2,),
        in_specs=[
            pl.BlockSpec((2 * b, 128), lambda i: (i, 0)),
            pl.BlockSpec((2 * b, 128), lambda i: (i, 0)),
            pl.BlockSpec((2 * b, 16), lambda i: (i, 0)),
            w((128, 128)), w((128, 128)), w((1, 128)),
            w((128, 128)), w((128, 128)), w((128, 128)),
            w((1, 128)), w((1, 128)), w((1, 128)),
            w((128, 128)), w((1, 128)),
        ],
        out_specs=[w((b, 128)), w((b, 128)), w((b, 128))],
        out_shape=[
            jax.ShapeDtypeStruct((b, 128), jnp.float32),
            jax.ShapeDtypeStruct((b, 128), jnp.float32),
            jax.ShapeDtypeStruct((b, 128), jnp.float32),
        ],
    )


def kernel(h, edge_index, x1, x2, x1_tar, x2_tar,
           W_self0, W_neigh0, b0, W_self1, W_neigh1, b1,
           W_lin1, b_lin1, bn_gamma, bn_beta, W_lin2, b_lin2):
    n, d = h.shape
    e = edge_index.shape[1]
    bsz = x1.shape[0]
    hdim = W_self0.shape[1]
    c_out = W_lin2.shape[1]
    n_pad = ((n + 1023) // 1024) * 1024
    chunk = 200
    b4 = 4 * bsz
    assert d == 128 and hdim == 128

    ei = edge_index.astype(jnp.int32)
    h_lo = h[:, :_HH]
    h_hi = h[:, _HH:]

    z64 = jnp.zeros((n_pad, _HH), jnp.float32)
    z16 = jnp.zeros((n_pad, 16), jnp.float32)
    ones16 = jnp.ones((chunk, 16), jnp.float32)

    seg0 = _make_seg(n, n_pad, e, chunk, b4, with_deg=True)
    seg1 = _make_seg(n, n_pad, e, chunk, b4, with_deg=False)
    dense = _make_dense(n, n_pad)
    head = _make_head(bsz)

    idx_all = jnp.concatenate([x1, x2, x1_tar, x2_tar]).astype(jnp.int32)

    p0, d0, d1 = seg0(h_lo, h_hi, ei, z64, z16, ones16)
    h1_lo, h1_hi, rd16 = dense(h, p0, d0, d1, W_self0, W_neigh0,
                               b0.reshape(1, 128))
    g_h, g_p, g_r = seg1(h1_lo, h1_hi, ei, z64, idx_all, rd16)

    w1a = W_lin1[0 * hdim:1 * hdim]
    w1b = W_lin1[1 * hdim:2 * hdim]
    w1c = W_lin1[2 * hdim:3 * hdim]
    w2p = jnp.zeros((hdim, 128), jnp.float32).at[:, :c_out].set(W_lin2)
    b2p = jnp.zeros((1, 128), jnp.float32).at[0, :c_out].set(b_lin2)

    hp_pad, hs, ht = head(g_h, g_p, g_r, W_self1, W_neigh1,
                          b1.reshape(1, 128), w1a, w1b, w1c,
                          b_lin1.reshape(1, 128), bn_gamma.reshape(1, 128),
                          bn_beta.reshape(1, 128), w2p, b2p)
    return hp_pad[:, :c_out], hs, ht

# --- scband reference (transcript-rebuilt; emitter-appended) ---
"""Pipeline reference for scband-graph-sage-8504035246140 (READ-ONLY COPY).

The authoritative reference and input builder live on the scoring server;
editing this copy changes nothing except your own understanding.
"""

import jax, jax.numpy as jnp
import numpy as np

N = 10000
E = 320000
D = 128
H = 128
C = 2
B = 4096


def setup_inputs(seed: int = 0) -> dict:
    key = jax.random.key(seed)
    ks = jax.random.split(key, 24)
    sc = 0.05
    inp = {}
    inp["h"] = jax.random.normal(ks[0], (N, D), dtype=jnp.float32)
    inp["edge_index"] = jax.random.randint(ks[1], (2, E), 0, N)
    inp["x1"] = jax.random.randint(ks[2], (B,), 0, N)
    inp["x2"] = jax.random.randint(ks[3], (B,), 0, N)
    inp["x1_tar"] = jax.random.randint(ks[4], (B,), 0, N)
    inp["x2_tar"] = jax.random.randint(ks[5], (B,), 0, N)
    inp["W_self0"] = jax.random.normal(ks[6], (D, H), dtype=jnp.float32) * sc
    inp["W_neigh0"] = jax.random.normal(ks[7], (D, H), dtype=jnp.float32) * sc
    inp["b0"] = jnp.zeros((H,), jnp.float32)
    inp["W_self1"] = jax.random.normal(ks[8], (H, H), dtype=jnp.float32) * sc
    inp["W_neigh1"] = jax.random.normal(ks[9], (H, H), dtype=jnp.float32) * sc
    inp["b1"] = jnp.zeros((H,), jnp.float32)
    inp["W_lin1"] = jax.random.normal(ks[10], (3 * H, H), dtype=jnp.float32) * sc
    inp["b_lin1"] = jnp.zeros((H,), jnp.float32)
    inp["bn_gamma"] = jnp.ones((H,), jnp.float32)
    inp["bn_beta"] = jnp.zeros((H,), jnp.float32)
    inp["W_lin2"] = jax.random.normal(ks[11], (H, C), dtype=jnp.float32) * sc
    inp["b_lin2"] = jnp.zeros((C,), jnp.float32)
    return inp


def _sage_layer(x, src, dst, W_self, W_neigh, b):
    # DGL SAGEConv with mean aggregator: h_neigh = mean over in-edges, rst = fc_self(h) + fc_neigh(h_neigh) + bias, then activation
    msg = jnp.take(x, src, axis=0)
    ssum = jax.ops.segment_sum(msg, dst, num_segments=N)
    deg = jax.ops.segment_sum(jnp.ones((src.shape[0], 1), x.dtype), dst, num_segments=N)
    h_neigh = ssum / jnp.maximum(deg, 1.0)
    return jax.nn.relu(x @ W_self + h_neigh @ W_neigh + b)


def _batchnorm(x, gamma, beta):
    mu = jnp.mean(x, axis=0)
    var = jnp.var(x, axis=0)
    return gamma * (x - mu) / jnp.sqrt(var + 1e-5) + beta


def reference(h, edge_index, x1, x2, x1_tar, x2_tar, W_self0, W_neigh0, b0, W_self1, W_neigh1, b1, W_lin1, b_lin1, bn_gamma, bn_beta, W_lin2, b_lin2):
    src, dst = edge_index[0], edge_index[1]
    h = _sage_layer(h, src, dst, W_self0, W_neigh0, b0)
    h = _sage_layer(h, src, dst, W_self1, W_neigh1, b1)

    def pair_feat(a, b):
        ha = jnp.take(h, a, axis=0)
        hb = jnp.take(h, b, axis=0)
        return jnp.concatenate([ha, hb, jnp.abs(ha - hb)], axis=1)

    h_src = pair_feat(x1, x2) @ W_lin1 + b_lin1
    h_tar = pair_feat(x1_tar, x2_tar) @ W_lin1 + b_lin1
    h_src = _batchnorm(h_src, bn_gamma, bn_beta)
    h_tar = _batchnorm(h_tar, bn_gamma, bn_beta)
    h_src_mmd = jax.nn.relu(h_src)
    h_tar_mmd = jax.nn.relu(h_tar)
    h_p = h_src_mmd @ W_lin2 + b_lin2
    return (h_p, h_src_mmd, h_tar_mmd)

if __name__ == "__main__":
    import jax
    _d = setup_inputs()
    print(jax.jit(kernel)(*tuple(_d.values())))

</pallas_src>

<mosaic_0001>
#map = affine_map<(d0, d1) -> (0, 0)>
module attributes {stable_mosaic.version = 14 : i64} {
  func.func @body(%arg0: i32, %arg1: i32, %arg2: memref<10000x64xf32, #tpu.memory_space<hbm>>, %arg3: memref<10000x64xf32, #tpu.memory_space<hbm>>, %arg4: memref<2x320000xi32, #tpu.memory_space<hbm>>, %arg5: memref<10240x64xf32, #tpu.memory_space<hbm>>, %arg6: memref<10240x16xf32, #tpu.memory_space<hbm>>, %arg7: memref<200x16xf32, #tpu.memory_space<hbm>>, %arg8: memref<10240x128xf32, #tpu.memory_space<hbm>>, %arg9: memref<10240x16xf32, #tpu.memory_space<hbm>>, %arg10: memref<10240x16xf32, #tpu.memory_space<hbm>>, %arg11: memref<2x200xi32, #tpu.memory_space<vmem>>, %arg12: memref<2x200xi32, #tpu.memory_space<vmem>>, %arg13: memref<2x200xi32, #tpu.memory_space<vmem>>, %arg14: memref<2x200xi32, #tpu.memory_space<vmem>>, %arg15: memref<200x64xf32, #tpu.memory_space<vmem>>, %arg16: memref<200x64xf32, #tpu.memory_space<vmem>>, %arg17: memref<200x64xf32, #tpu.memory_space<vmem>>, %arg18: memref<200x64xf32, #tpu.memory_space<vmem>>, %arg19: memref<10240x64xf32, #tpu.memory_space<vmem_shared>>, %arg20: memref<!tpu.dma_semaphore, #tpu.memory_space<semaphore_mem>>, %arg21: memref<!tpu.dma_semaphore, #tpu.memory_space<semaphore_mem>>, %arg22: memref<200x16xf32, #tpu.memory_space<vmem>>, %arg23: memref<10240x16xf32, #tpu.memory_space<vmem_shared>>) attributes {dimension_semantics = [#tpu.dimension_semantics<core_parallel>, #tpu.dimension_semantics<subcore_parallel>], iteration_bounds = array<i64: 2, 16>, scalar_prefetch = 0 : i64, scratch_operands = 13 : i64, tpu.core_type = #tpu.core_type<sc_vector_subcore>, window_params = [{transform_indices = #map}, {transform_indices = #map}, {transform_indices = #map}, {transform_indices = #map}, {transform_indices = #map}, {transform_indices = #map}, {transform_indices = #map}, {transform_indices = #map}, {transform_indices = #map}]} {
    %mul3A = arith.constant 640 : i32
    %mul3A_0 = arith.muli %arg1, %mul3A : i32
    "tpu.region"() ({
      %run_scoped3A = tpu.sem_alloc : memref<!tpu.dma_semaphore, #tpu.memory_space<semaphore_mem>>
      %dma_start3A_65 = arith.constant 0 : i32
      %dma_start3A_66 = tpu.memref_slice %arg19[%mul3A_0, %dma_start3A_65] : memref<10240x64xf32, #tpu.memory_space<vmem_shared>> -> memref<640x64xf32, #tpu.memory_space<vmem_shared>>
      %dma_start3A_67 = arith.constant 0 : i32
      %dma_start3A_68 = tpu.memref_slice %arg5[%mul3A_0, %dma_start3A_67] : memref<10240x64xf32, #tpu.memory_space<hbm>> -> memref<640x64xf32, #tpu.memory_space<hbm>>
      tpu.enqueue_dma source(%dma_start3A_68 : memref<640x64xf32, #tpu.memory_space<hbm>>) target(%dma_start3A_66 : memref<640x64xf32, #tpu.memory_space<vmem_shared>>) target_semaphore(%run_scoped3A : memref<!tpu.dma_semaphore, #tpu.memory_space<semaphore_mem>>)
      %dma_wait3A_69 = arith.constant 0 : i32
      %dma_wait3A_70 = tpu.memref_slice %arg19[%mul3A_0, %dma_wait3A_69] : memref<10240x64xf32, #tpu.memory_space<vmem_shared>> -> memref<640x64xf32, #tpu.memory_space<vmem_shared>>
      %dma_wait3A_71 = arith.constant 0 : i32
      %dma_wait3A_72 = tpu.memref_slice %arg5[%mul3A_0, %dma_wait3A_71] : memref<10240x64xf32, #tpu.memory_space<hbm>> -> memref<640x64xf32, #tpu.memory_space<hbm>>
      tpu.wait_dma2 semaphore(%run_scoped3A : memref<!tpu.dma_semaphore, #tpu.memory_space<semaphore_mem>>) src(%dma_wait3A_72 : memref<640x64xf32, #tpu.memory_space<hbm>>) dst(%dma_wait3A_70 : memref<640x64xf32, #tpu.memory_space<vmem_shared>>)
      tpu.yield
    }) : () -> ()
    "tpu.region"() ({
      %run_scoped3A = tpu.sem_alloc : memref<!tpu.dma_semaphore, #tpu.memory_space<semaphore_mem>>
      %dma_start3A_65 = arith.constant 0 : i32
      %dma_start3A_66 = tpu.memref_slice %arg23[%mul3A_0, %dma_start3A_65] : memref<10240x16xf32, #tpu.memory_space<vmem_shared>> -> memref<640x16xf32, #tpu.memory_space<vmem_shared>>
      %dma_start3A_67 = arith.constant 0 : i32
      %dma_start3A_68 = tpu.memref_slice %arg6[%mul3A_0, %dma_start3A_67] : memref<10240x16xf32, #tpu.memory_space<hbm>> -> memref<640x16xf32, #tpu.memory_space<hbm>>
      tpu.enqueue_dma source(%dma_start3A_68 : memref<640x16xf32, #tpu.memory_space<hbm>>) target(%dma_start3A_66 : memref<640x16xf32, #tpu.memory_space<vmem_shared>>) target_semaphore(%run_scoped3A : memref<!tpu.dma_semaphore, #tpu.memory_space<semaphore_mem>>)
      %dma_wait3A_69 = arith.constant 0 : i32
      %dma_wait3A_70 = tpu.memref_slice %arg23[%mul3A_0, %dma_wait3A_69] : memref<10240x16xf32, #tpu.memory_space<vmem_shared>> -> memref<640x16xf32, #tpu.memory_space<vmem_shared>>
      %dma_wait3A_71 = arith.constant 0 : i32
      %dma_wait3A_72 = tpu.memref_slice %arg6[%mul3A_0, %dma_wait3A_71] : memref<10240x16xf32, #tpu.memory_space<hbm>> -> memref<640x16xf32, #tpu.memory_space<hbm>>
      tpu.wait_dma2 semaphore(%run_scoped3A : memref<!tpu.dma_semaphore, #tpu.memory_space<semaphore_mem>>) src(%dma_wait3A_72 : memref<640x16xf32, #tpu.memory_space<hbm>>) dst(%dma_wait3A_70 : memref<640x16xf32, #tpu.memory_space<vmem_shared>>)
      tpu.yield
    }) : () -> ()
    "tpu.region"() ({
      %run_scoped3A = tpu.sem_alloc : memref<!tpu.dma_semaphore, #tpu.memory_space<semaphore_mem>>
      tpu.enqueue_dma source(%arg7 : memref<200x16xf32, #tpu.memory_space<hbm>>) target(%arg22 : memref<200x16xf32, #tpu.memory_space<vmem>>) target_semaphore(%run_scoped3A : memref<!tpu.dma_semaphore, #tpu.memory_space<semaphore_mem>>)
      tpu.wait_dma2 semaphore(%run_scoped3A : memref<!tpu.dma_semaphore, #tpu.memory_space<semaphore_mem>>) src(%arg7 : memref<200x16xf32, #tpu.memory_space<hbm>>) dst(%arg22 : memref<200x16xf32, #tpu.memory_space<vmem>>)
      tpu.yield
    }) : () -> ()
    %barrier3A = arith.constant 0 : index
    tpu.barrier barrier_id(%barrier3A)
    %mul3A_1 = arith.constant 20000 : i32
    %mul3A_2 = arith.muli %arg1, %mul3A_1 : i32
    %add3A = arith.constant 0 : i32
    %add3A_3 = arith.addi %mul3A_2, %add3A : i32
    %multiple_of3A = tpu.assume_multiple %add3A_3, 8 : i32
    "tpu.region"() ({
      %run_scoped3A = tpu.sem_alloc : memref<!tpu.dma_semaphore, #tpu.memory_space<semaphore_mem>>
      %dma_start3A_65 = arith.constant 0 : i32
      %dma_start3A_66 = tpu.memref_slice %arg4[%dma_start3A_65, %multiple_of3A] : memref<2x320000xi32, #tpu.memory_space<hbm>> -> memref<2x200xi32, #tpu.memory_space<hbm>>
      %dma_start3A_67 = arith.constant 0 : i32
      %dma_start3A_68 = tpu.memref_slice %arg4[%dma_start3A_67, %multiple_of3A] : memref<2x320000xi32, #tpu.memory_space<hbm>> -> memref<2x200xi32, #tpu.memory_space<hbm>>
      tpu.enqueue_dma source(%dma_start3A_68 : memref<2x200xi32, #tpu.memory_space<hbm>>) target(%arg11 : memref<2x200xi32, #tpu.memory_space<vmem>>) target_semaphore(%run_scoped3A : memref<!tpu.dma_semaphore, #tpu.memory_space<semaphore_mem>>)
      %dma_wait3A_69 = arith.constant 0 : i32
      %dma_wait3A_70 = tpu.memref_slice %arg4[%dma_wait3A_69, %multiple_of3A] : memref<2x320000xi32, #tpu.memory_space<hbm>> -> memref<2x200xi32, #tpu.memory_space<hbm>>
      %dma_wait3A_71 = arith.constant 0 : i32
      %dma_wait3A_72 = tpu.memref_slice %arg4[%dma_wait3A_71, %multiple_of3A] : memref<2x320000xi32, #tpu.memory_space<hbm>> -> memref<2x200xi32, #tpu.memory_space<hbm>>
      tpu.wait_dma2 semaphore(%run_scoped3A : memref<!tpu.dma_semaphore, #tpu.memory_space<semaphore_mem>>) src(%dma_wait3A_72 : memref<2x200xi32, #tpu.memory_space<hbm>>) dst(%arg11 : memref<2x200xi32, #tpu.memory_space<vmem>>)
      tpu.yield
    }) : () -> ()
    %add3A_4 = arith.constant 200 : i32
    %add3A_5 = arith.addi %mul3A_2, %add3A_4 : i32
    %multiple_of3A_6 = tpu.assume_multiple %add3A_5, 8 : i32
    "tpu.region"() ({
      %run_scoped3A = tpu.sem_alloc : memref<!tpu.dma_semaphore, #tpu.memory_space<semaphore_mem>>
      %dma_start3A_65 = arith.constant 0 : i32
      %dma_start3A_66 = tpu.memref_slice %arg4[%dma_start3A_65, %multiple_of3A_6] : memref<2x320000xi32, #tpu.memory_space<hbm>> -> memref<2x200xi32, #tpu.memory_space<hbm>>
      %dma_start3A_67 = arith.constant 0 : i32
      %dma_start3A_68 = tpu.memref_slice %arg4[%dma_start3A_67, %multiple_of3A_6] : memref<2x320000xi32, #tpu.memory_space<hbm>> -> memref<2x200xi32, #tpu.memory_space<hbm>>
      tpu.enqueue_dma source(%dma_start3A_68 : memref<2x200xi32, #tpu.memory_space<hbm>>) target(%arg12 : memref<2x200xi32, #tpu.memory_space<vmem>>) target_semaphore(%run_scoped3A : memref<!tpu.dma_semaphore, #tpu.memory_space<semaphore_mem>>)
      %dma_wait3A_69 = arith.constant 0 : i32
      %dma_wait3A_70 = tpu.memref_slice %arg4[%dma_wait3A_69, %multiple_of3A_6] : memref<2x320000xi32, #tpu.memory_space<hbm>> -> memref<2x200xi32, #tpu.memory_space<hbm>>
      %dma_wait3A_71 = arith.constant 0 : i32
      %dma_wait3A_72 = tpu.memref_slice %arg4[%dma_wait3A_71, %multiple_of3A_6] : memref<2x320000xi32, #tpu.memory_space<hbm>> -> memref<2x200xi32, #tpu.memory_space<hbm>>
      tpu.wait_dma2 semaphore(%run_scoped3A : memref<!tpu.dma_semaphore, #tpu.memory_space<semaphore_mem>>) src(%dma_wait3A_72 : memref<2x200xi32, #tpu.memory_space<hbm>>) dst(%arg12 : memref<2x200xi32, #tpu.memory_space<vmem>>)
      tpu.yield
    }) : () -> ()
    %eq3A = arith.constant 0 : i32
    %eq3A_7 = arith.cmpi eq, %arg0, %eq3A : i32
    %convert_element_type3A = arith.extui %eq3A_7 : i1 to i32
    %cond3A = arith.constant 0 : i32
    %cond3A_8 = arith.cmpi ne, %convert_element_type3A, %cond3A : i32
    scf.if %cond3A_8 {
      %dma_start3A_65 = arith.constant 0 : i32
      %dma_start3A_66 = arith.constant 0 : i32
      %dma_start3A_67 = tpu.memref_slice %arg11[%dma_start3A_65, %dma_start3A_66] : memref<2x200xi32, #tpu.memory_space<vmem>> -> memref<1x200xi32, #tpu.memory_space<vmem>>
      %dma_start3A_68 = tpu.memref_squeeze %dma_start3A_67 : memref<1x200xi32, #tpu.memory_space<vmem>> -> memref<200xi32, #tpu.memory_space<vmem>>
      %dma_start3A_69 = arith.constant 0 : i32
      %dma_start3A_70 = arith.constant 0 : i32
      %dma_start3A_71 = tpu.memref_slice %arg2[%dma_start3A_69, %dma_start3A_70] : memref<10000x64xf32, #tpu.memory_space<hbm>> -> memref<10000x64xf32, #tpu.memory_space<hbm>>
      tpu.enqueue_indirect_dma source(%dma_start3A_71 : memref<10000x64xf32, #tpu.memory_space<hbm>>) target(%arg15 : memref<200x64xf32, #tpu.memory_space<vmem>>) offsets(%dma_start3A_68 : memref<200xi32, #tpu.memory_space<vmem>>) semaphore(%arg20 : memref<!tpu.dma_semaphore, #tpu.memory_space<semaphore_mem>>)
    } else {
    }
    %eq3A_9 = arith.constant 1 : i32
    %eq3A_10 = arith.cmpi eq, %arg0, %eq3A_9 : i32
    %convert_element_type3A_11 = arith.extui %eq3A_10 : i1 to i32
    %cond3A_12 = arith.constant 0 : i32
    %cond3A_13 = arith.cmpi ne, %convert_element_type3A_11, %cond3A_12 : i32
    scf.if %cond3A_13 {
      %dma_start3A_65 = arith.constant 0 : i32
      %dma_start3A_66 = arith.constant 0 : i32
      %dma_start3A_67 = tpu.memref_slice %arg11[%dma_start3A_65, %dma_start3A_66] : memref<2x200xi32, #tpu.memory_space<vmem>> -> memref<1x200xi32, #tpu.memory_space<vmem>>
      %dma_start3A_68 = tpu.memref_squeeze %dma_start3A_67 : memref<1x200xi32, #tpu.memory_space<vmem>> -> memref<200xi32, #tpu.memory_space<vmem>>
      %dma_start3A_69 = arith.constant 0 : i32
      %dma_start3A_70 = arith.constant 0 : i32
      %dma_start3A_71 = tpu.memref_slice %arg3[%dma_start3A_69, %dma_start3A_70] : memref<10000x64xf32, #tpu.memory_space<hbm>> -> memref<10000x64xf32, #tpu.memory_space<hbm>>
      tpu.enqueue_indirect_dma source(%dma_start3A_71 : memref<10000x64xf32, #tpu.memory_space<hbm>>) target(%arg15 : memref<200x64xf32, #tpu.memory_space<vmem>>) offsets(%dma_start3A_68 : memref<200xi32, #tpu.memory_space<vmem>>) semaphore(%arg20 : memref<!tpu.dma_semaphore, #tpu.memory_space<semaphore_mem>>)
    } else {
    }
    %eq3A_14 = arith.constant 0 : i32
    %eq3A_15 = arith.cmpi eq, %arg0, %eq3A_14 : i32
    %convert_element_type3A_16 = arith.extui %eq3A_15 : i1 to i32
    %cond3A_17 = arith.constant 0 : i32
    %cond3A_18 = arith.cmpi ne, %convert_element_type3A_16, %cond3A_17 : i32
    scf.if %cond3A_18 {
      %dma_start3A_65 = arith.constant 0 : i32
      %dma_start3A_66 = arith.constant 0 : i32
      %dma_start3A_67 = tpu.memref_slice %arg12[%dma_start3A_65, %dma_start3A_66] : memref<2x200xi32, #tpu.memory_space<vmem>> -> memref<1x200xi32, #tpu.memory_space<vmem>>
      %dma_start3A_68 = tpu.memref_squeeze %dma_start3A_67 : memref<1x200xi32, #tpu.memory_space<vmem>> -> memref<200xi32, #tpu.memory_space<vmem>>
      %dma_start3A_69 = arith.constant 0 : i32
      %dma_start3A_70 = arith.constant 0 : i32
      %dma_start3A_71 = tpu.memref_slice %arg2[%dma_start3A_69, %dma_start3A_70] : memref<10000x64xf32, #tpu.memory_space<hbm>> -> memref<10000x64xf32, #tpu.memory_space<hbm>>
      tpu.enqueue_indirect_dma source(%dma_start3A_71 : memref<10000x64xf32, #tpu.memory_space<hbm>>) target(%arg16 : memref<200x64xf32, #tpu.memory_space<vmem>>) offsets(%dma_start3A_68 : memref<200xi32, #tpu.memory_space<vmem>>) semaphore(%arg20 : memref<!tpu.dma_semaphore, #tpu.memory_space<semaphore_mem>>)
    } else {
    }
    %eq3A_19 = arith.constant 1 : i32
    %eq3A_20 = arith.cmpi eq, %arg0, %eq3A_19 : i32
    %convert_element_type3A_21 = arith.extui %eq3A_20 : i1 to i32
    %cond3A_22 = arith.constant 0 : i32
    %cond3A_23 = arith.cmpi ne, %convert_element_type3A_21, %cond3A_22 : i32
    scf.if %cond3A_23 {
      %dma_start3A_65 = arith.constant 0 : i32
      %dma_start3A_66 = arith.constant 0 : i32
      %dma_start3A_67 = tpu.memref_slice %arg12[%dma_start3A_65, %dma_start3A_66] : memref<2x200xi32, #tpu.memory_space<vmem>> -> memref<1x200xi32, #tpu.memory_space<vmem>>
      %dma_start3A_68 = tpu.memref_squeeze %dma_start3A_67 : memref<1x200xi32, #tpu.memory_space<vmem>> -> memref<200xi32, #tpu.memory_space<vmem>>
      %dma_start3A_69 = arith.constant 0 : i32
      %dma_start3A_70 = arith.constant 0 : i32
      %dma_start3A_71 = tpu.memref_slice %arg3[%dma_start3A_69, %dma_start3A_70] : memref<10000x64xf32, #tpu.memory_space<hbm>> -> memref<10000x64xf32, #tpu.memory_space<hbm>>
      tpu.enqueue_indirect_dma source(%dma_start3A_71 : memref<10000x64xf32, #tpu.memory_space<hbm>>) target(%arg16 : memref<200x64xf32, #tpu.memory_space<vmem>>) offsets(%dma_start3A_68 : memref<200xi32, #tpu.memory_space<vmem>>) semaphore(%arg20 : memref<!tpu.dma_semaphore, #tpu.memory_space<semaphore_mem>>)
    } else {
    }
    %add3A_24 = arith.constant 400 : i32
    %add3A_25 = arith.addi %mul3A_2, %add3A_24 : i32
    %multiple_of3A_26 = tpu.assume_multiple %add3A_25, 8 : i32
    %dma_start3A = arith.constant 0 : i32
    %dma_start3A_27 = tpu.memref_slice %arg4[%dma_start3A, %multiple_of3A_26] : memref<2x320000xi32, #tpu.memory_space<hbm>> -> memref<2x200xi32, #tpu.memory_space<hbm>>
    %dma_start3A_28 = arith.constant 0 : i32
    %dma_start3A_29 = tpu.memref_slice %arg4[%dma_start3A_28, %multiple_of3A_26] : memref<2x320000xi32, #tpu.memory_space<hbm>> -> memref<2x200xi32, #tpu.memory_space<hbm>>
    tpu.enqueue_dma source(%dma_start3A_29 : memref<2x200xi32, #tpu.memory_space<hbm>>) target(%arg13 : memref<2x200xi32, #tpu.memory_space<vmem>>) target_semaphore(%arg21 : memref<!tpu.dma_semaphore, #tpu.memory_space<semaphore_mem>>)
    %scan3A = arith.constant 0 : i32
    %scan3A_30 = arith.constant 0 : i32
    %scan3A_31 = arith.constant 25 : i32
    %scan3A_32 = arith.addi %scan3A_30, %scan3A_31 : i32
    %scan3A_33 = arith.constant 1 : i32
    scf.for %scan3A_65 = %scan3A_30 to %scan3A_32 step %scan3A_33  : i32 {
      %mul3A_66 = arith.constant 4 : i32
      %mul3A_67 = arith.muli %scan3A_65, %mul3A_66 : i32
      %add3A_68 = arith.constant 0 : i32
      %add3A_69 = arith.addi %mul3A_67, %add3A_68 : i32
      %dma_wait3A_70 = arith.constant 0 : i32
      %dma_wait3A_71 = tpu.memref_slice %arg4[%dma_wait3A_70, %mul3A_2] : memref<2x320000xi32, #tpu.memory_space<hbm>> -> memref<2x200xi32, #tpu.memory_space<hbm>>
      %dma_wait3A_72 = arith.constant 0 : i32
      %dma_wait3A_73 = tpu.memref_slice %arg4[%dma_wait3A_72, %mul3A_2] : memref<2x320000xi32, #tpu.memory_space<hbm>> -> memref<2x200xi32, #tpu.memory_space<hbm>>
      tpu.wait_dma2 semaphore(%arg21 : memref<!tpu.dma_semaphore, #tpu.memory_space<semaphore_mem>>) src(%dma_wait3A_73 : memref<2x200xi32, #tpu.memory_space<hbm>>) dst(%arg13 : memref<2x200xi32, #tpu.memory_space<vmem>>)
      %eq3A_74 = arith.constant 0 : i32
      %eq3A_75 = arith.cmpi eq, %arg0, %eq3A_74 : i32
      %convert_element_type3A_76 = arith.extui %eq3A_75 : i1 to i32
      %cond3A_77 = arith.constant 0 : i32
      %cond3A_78 = arith.cmpi ne, %convert_element_type3A_76, %cond3A_77 : i32
      scf.if %cond3A_78 {
        %dma_start3A_249 = arith.constant 0 : i32
        %dma_start3A_250 = arith.constant 0 : i32
        %dma_start3A_251 = tpu.memref_slice %arg13[%dma_start3A_249, %dma_start3A_250] : memref<2x200xi32, #tpu.memory_space<vmem>> -> memref<1x200xi32, #tpu.memory_space<vmem>>
        %dma_start3A_252 = tpu.memref_squeeze %dma_start3A_251 : memref<1x200xi32, #tpu.memory_space<vmem>> -> memref<200xi32, #tpu.memory_space<vmem>>
        %dma_start3A_253 = arith.constant 0 : i32
        %dma_start3A_254 = arith.constant 0 : i32
        %dma_start3A_255 = tpu.memref_slice %arg2[%dma_start3A_253, %dma_start3A_254] : memref<10000x64xf32, #tpu.memory_space<hbm>> -> memref<10000x64xf32, #tpu.memory_space<hbm>>
        tpu.enqueue_indirect_dma source(%dma_start3A_255 : memref<10000x64xf32, #tpu.memory_space<hbm>>) target(%arg17 : memref<200x64xf32, #tpu.memory_space<vmem>>) offsets(%dma_start3A_252 : memref<200xi32, #tpu.memory_space<vmem>>) semaphore(%arg20 : memref<!tpu.dma_semaphore, #tpu.memory_space<semaphore_mem>>)
      } else {
      }
      %eq3A_79 = arith.constant 1 : i32
      %eq3A_80 = arith.cmpi eq, %arg0, %eq3A_79 : i32
      %convert_element_type3A_81 = arith.extui %eq3A_80 : i1 to i32
      %cond3A_82 = arith.constant 0 : i32
      %cond3A_83 = arith.cmpi ne, %convert_element_type3A_81, %cond3A_82 : i32
      scf.if %cond3A_83 {
        %dma_start3A_249 = arith.constant 0 : i32
        %dma_start3A_250 = arith.constant 0 : i32
        %dma_start3A_251 = tpu.memref_slice %arg13[%dma_start3A_249, %dma_start3A_250] : memref<2x200xi32, #tpu.memory_space<vmem>> -> memref<1x200xi32, #tpu.memory_space<vmem>>
        %dma_start3A_252 = tpu.memref_squeeze %dma_start3A_251 : memref<1x200xi32, #tpu.memory_space<vmem>> -> memref<200xi32, #tpu.memory_space<vmem>>
        %dma_start3A_253 = arith.constant 0 : i32
        %dma_start3A_254 = arith.constant 0 : i32
        %dma_start3A_255 = tpu.memref_slice %arg3[%dma_start3A_253, %dma_start3A_254] : memref<10000x64xf32, #tpu.memory_space<hbm>> -> memref<10000x64xf32, #tpu.memory_space<hbm>>
        tpu.enqueue_indirect_dma source(%dma_start3A_255 : memref<10000x64xf32, #tpu.memory_space<hbm>>) target(%arg17 : memref<200x64xf32, #tpu.memory_space<vmem>>) offsets(%dma_start3A_252 : memref<200xi32, #tpu.memory_space<vmem>>) semaphore(%arg20 : memref<!tpu.dma_semaphore, #tpu.memory_space<semaphore_mem>>)
      } else {
      }
      %add3A_84 = arith.constant 3 : i32
      %add3A_85 = arith.addi %add3A_69, %add3A_84 : i32
      %min3A = arith.constant 99 : i32
      %min3A_86 = arith.minsi %add3A_85, %min3A : i32
      %mul3A_87 = arith.constant 200 : i32
      %mul3A_88 = arith.muli %min3A_86, %mul3A_87 : i32
      %add3A_89 = arith.addi %mul3A_2, %mul3A_88 : i32
      %multiple_of3A_90 = tpu.assume_multiple %add3A_89, 8 : i32
      %dma_start3A_91 = arith.constant 0 : i32
      %dma_start3A_92 = tpu.memref_slice %arg4[%dma_start3A_91, %multiple_of3A_90] : memref<2x320000xi32, #tpu.memory_space<hbm>> -> memref<2x200xi32, #tpu.memory_space<hbm>>
      %dma_start3A_93 = arith.constant 0 : i32
      %dma_start3A_94 = tpu.memref_slice %arg4[%dma_start3A_93, %multiple_of3A_90] : memref<2x320000xi32, #tpu.memory_space<hbm>> -> memref<2x200xi32, #tpu.memory_space<hbm>>
      tpu.enqueue_dma source(%dma_start3A_94 : memref<2x200xi32, #tpu.memory_space<hbm>>) target(%arg14 : memref<2x200xi32, #tpu.memory_space<vmem>>) target_semaphore(%arg21 : memref<!tpu.dma_semaphore, #tpu.memory_space<semaphore_mem>>)
      %dma_wait3A_95 = arith.constant 0 : i32
      %dma_wait3A_96 = arith.constant 0 : i32
      %dma_wait3A_97 = tpu.memref_slice %arg11[%dma_wait3A_95, %dma_wait3A_96] : memref<2x200xi32, #tpu.memory_space<vmem>> -> memref<1x200xi32, #tpu.memory_space<vmem>>
      %dma_wait3A_98 = tpu.memref_squeeze %dma_wait3A_97 : memref<1x200xi32, #tpu.memory_space<vmem>> -> memref<200xi32, #tpu.memory_space<vmem>>
      %dma_wait3A_99 = arith.constant 0 : i32
      %dma_wait3A_100 = arith.constant 0 : i32
      %dma_wait3A_101 = tpu.memref_slice %arg2[%dma_wait3A_99, %dma_wait3A_100] : memref<10000x64xf32, #tpu.memory_space<hbm>> -> memref<10000x64xf32, #tpu.memory_space<hbm>>
      tpu.wait_indirect_dma semaphore(%arg20 : memref<!tpu.dma_semaphore, #tpu.memory_space<semaphore_mem>>) src(%dma_wait3A_101 : memref<10000x64xf32, #tpu.memory_space<hbm>>) dst(%arg15 : memref<200x64xf32, #tpu.memory_space<vmem>>)
      %run_scoped3A = arith.constant 1 : i32
      "tpu.region"() ({
        %run_scoped3A_249 = tpu.sem_alloc : memref<!tpu.dma_semaphore, #tpu.memory_space<semaphore_mem>>
        %dma_start3A_250 = arith.constant 0 : i32
        %dma_start3A_251 = tpu.memref_slice %arg11[%run_scoped3A, %dma_start3A_250] : memref<2x200xi32, #tpu.memory_space<vmem>> -> memref<1x200xi32, #tpu.memory_space<vmem>>
        %dma_start3A_252 = tpu.memref_squeeze %dma_start3A_251 : memref<1x200xi32, #tpu.memory_space<vmem>> -> memref<200xi32, #tpu.memory_space<vmem>>
        %dma_start3A_253 = arith.constant 0 : i32
        %dma_start3A_254 = arith.constant 0 : i32
        %dma_start3A_255 = tpu.memref_slice %arg19[%dma_start3A_253, %dma_start3A_254] : memref<10240x64xf32, #tpu.memory_space<vmem_shared>> -> memref<10240x64xf32, #tpu.memory_space<vmem_shared>>
        tpu.enqueue_indirect_dma source(%arg15 : memref<200x64xf32, #tpu.memory_space<vmem>>) target(%dma_start3A_255 : memref<10240x64xf32, #tpu.memory_space<vmem_shared>>) offsets(%dma_start3A_252 : memref<200xi32, #tpu.memory_space<vmem>>) semaphore(%run_scoped3A_249 : memref<!tpu.dma_semaphore, #tpu.memory_space<semaphore_mem>>) {add = true}
        %dma_wait3A_256 = arith.constant 0 : i32
        %dma_wait3A_257 = tpu.memref_slice %arg11[%run_scoped3A, %dma_wait3A_256] : memref<2x200xi32, #tpu.memory_space<vmem>> -> memref<1x200xi32, #tpu.memory_space<vmem>>
        %dma_wait3A_258 = tpu.memref_squeeze %dma_wait3A_257 : memref<1x200xi32, #tpu.memory_space<vmem>> -> memref<200xi32, #tpu.memory_space<vmem>>
        %dma_wait3A_259 = arith.constant 0 : i32
        %dma_wait3A_260 = arith.constant 0 : i32
        %dma_wait3A_261 = tpu.memref_slice %arg19[%dma_wait3A_259, %dma_wait3A_260] : memref<10240x64xf32, #tpu.memory_space<vmem_shared>> -> memref<10240x64xf32, #tpu.memory_space<vmem_shared>>
        tpu.wait_indirect_dma semaphore(%run_scoped3A_249 : memref<!tpu.dma_semaphore, #tpu.memory_space<semaphore_mem>>) src(%arg15 : memref<200x64xf32, #tpu.memory_space<vmem>>) dst(%dma_wait3A_261 : memref<10240x64xf32, #tpu.memory_space<vmem_shared>>)
        tpu.yield
      }) : () -> ()
      %lt3A = arith.constant 50 : i32
      %lt3A_102 = arith.cmpi slt, %add3A_69, %lt3A : i32
      %eq3A_103 = arith.constant 0 : i32
      %eq3A_104 = arith.cmpi eq, %arg0, %eq3A_103 : i32
      %eq3A_105 = arith.xori %lt3A_102, %eq3A_104 : i1
      %eq3A_106 = arith.constant true
      %eq3A_107 = arith.xori %eq3A_105, %eq3A_106 : i1
      %convert_element_type3A_108 = arith.extui %eq3A_107 : i1 to i32
      %cond3A_109 = arith.constant 0 : i32
      %cond3A_110 = arith.cmpi ne, %convert_element_type3A_108, %cond3A_109 : i32
      scf.if %cond3A_110 {
        %run_scoped3A_249 = arith.constant 1 : i32
        "tpu.region"() ({
          %run_scoped3A_250 = tpu.sem_alloc : memref<!tpu.dma_semaphore, #tpu.memory_space<semaphore_mem>>
          %dma_start3A_251 = arith.constant 0 : i32
          %dma_start3A_252 = tpu.memref_slice %arg11[%run_scoped3A_249, %dma_start3A_251] : memref<2x200xi32, #tpu.memory_space<vmem>> -> memref<1x200xi32, #tpu.memory_space<vmem>>
          %dma_start3A_253 = tpu.memref_squeeze %dma_start3A_252 : memref<1x200xi32, #tpu.memory_space<vmem>> -> memref<200xi32, #tpu.memory_space<vmem>>
          %dma_start3A_254 = arith.constant 0 : i32
          %dma_start3A_255 = arith.constant 0 : i32
          %dma_start3A_256 = tpu.memref_slice %arg23[%dma_start3A_254, %dma_start3A_255] : memref<10240x16xf32, #tpu.memory_space<vmem_shared>> -> memref<10240x16xf32, #tpu.memory_space<vmem_shared>>
          tpu.enqueue_indirect_dma source(%arg22 : memref<200x16xf32, #tpu.memory_space<vmem>>) target(%dma_start3A_256 : memref<10240x16xf32, #tpu.memory_space<vmem_shared>>) offsets(%dma_start3A_253 : memref<200xi32, #tpu.memory_space<vmem>>) semaphore(%run_scoped3A_250 : memref<!tpu.dma_semaphore, #tpu.memory_space<semaphore_mem>>) {add = true}
          %dma_wait3A_257 = arith.constant 0 : i32
          %dma_wait3A_258 = tpu.memref_slice %arg11[%run_scoped3A_249, %dma_wait3A_257] : memref<2x200xi32, #tpu.memory_space<vmem>> -> memref<1x200xi32, #tpu.memory_space<vmem>>
          %dma_wait3A_259 = tpu.memref_squeeze %dma_wait3A_258 : memref<1x200xi32, #tpu.memory_space<vmem>> -> memref<200xi32, #tpu.memory_space<vmem>>
          %dma_wait3A_260 = arith.constant 0 : i32
          %dma_wait3A_261 = arith.constant 0 : i32
          %dma_wait3A_262 = tpu.memref_slice %arg23[%dma_wait3A_260, %dma_wait3A_261] : memref<10240x16xf32, #tpu.memory_space<vmem_shared>> -> memref<10240x16xf32, #tpu.memory_space<vmem_shared>>
          tpu.wait_indirect_dma semaphore(%run_scoped3A_250 : memref<!tpu.dma_semaphore, #tpu.memory_space<semaphore_mem>>) src(%arg22 : memref<200x16xf32, #tpu.memory_space<vmem>>) dst(%dma_wait3A_262 : memref<10240x16xf32, #tpu.memory_space<vmem_shared>>)
          tpu.yield
        }) : () -> ()
      } else {
      }
      %add3A_111 = arith.constant 1 : i32
      %add3A_112 = arith.addi %mul3A_67, %add3A_111 : i32
      %dma_wait3A_113 = arith.constant 0 : i32
      %dma_wait3A_114 = tpu.memref_slice %arg4[%dma_wait3A_113, %mul3A_2] : memref<2x320000xi32, #tpu.memory_space<hbm>> -> memref<2x200xi32, #tpu.memory_space<hbm>>
      %dma_wait3A_115 = arith.constant 0 : i32
      %dma_wait3A_116 = tpu.memref_slice %arg4[%dma_wait3A_115, %mul3A_2] : memref<2x320000xi32, #tpu.memory_space<hbm>> -> memref<2x200xi32, #tpu.memory_space<hbm>>
      tpu.wait_dma2 semaphore(%arg21 : memref<!tpu.dma_semaphore, #tpu.memory_space<semaphore_mem>>) src(%dma_wait3A_116 : memref<2x200xi32, #tpu.memory_space<hbm>>) dst(%arg14 : memref<2x200xi32, #tpu.memory_space<vmem>>)
      %eq3A_117 = arith.constant 0 : i32
      %eq3A_118 = arith.cmpi eq, %arg0, %eq3A_117 : i32
      %convert_element_type3A_119 = arith.extui %eq3A_118 : i1 to i32
      %cond3A_120 = arith.constant 0 : i32
      %cond3A_121 = arith.cmpi ne, %convert_element_type3A_119, %cond3A_120 : i32
      scf.if %cond3A_121 {
        %dma_start3A_249 = arith.constant 0 : i32
        %dma_start3A_250 = arith.constant 0 : i32
        %dma_start3A_251 = tpu.memref_slice %arg14[%dma_start3A_249, %dma_start3A_250] : memref<2x200xi32, #tpu.memory_space<vmem>> -> memref<1x200xi32, #tpu.memory_space<vmem>>
        %dma_start3A_252 = tpu.memref_squeeze %dma_start3A_251 : memref<1x200xi32, #tpu.memory_space<vmem>> -> memref<200xi32, #tpu.memory_space<vmem>>
        %dma_start3A_253 = arith.constant 0 : i32
        %dma_start3A_254 = arith.constant 0 : i32
        %dma_start3A_255 = tpu.memref_slice %arg2[%dma_start3A_253, %dma_start3A_254] : memref<10000x64xf32, #tpu.memory_space<hbm>> -> memref<10000x64xf32, #tpu.memory_space<hbm>>
        tpu.enqueue_indirect_dma source(%dma_start3A_255 : memref<10000x64xf32, #tpu.memory_space<hbm>>) target(%arg18 : memref<200x64xf32, #tpu.memory_space<vmem>>) offsets(%dma_start3A_252 : memref<200xi32, #tpu.memory_space<vmem>>) semaphore(%arg20 : memref<!tpu.dma_semaphore, #tpu.memory_space<semaphore_mem>>)
      } else {
      }
      %eq3A_122 = arith.constant 1 : i32
      %eq3A_123 = arith.cmpi eq, %arg0, %eq3A_122 : i32
      %convert_element_type3A_124 = arith.extui %eq3A_123 : i1 to i32
      %cond3A_125 = arith.constant 0 : i32
      %cond3A_126 = arith.cmpi ne, %convert_element_type3A_124, %cond3A_125 : i32
      scf.if %cond3A_126 {
        %dma_start3A_249 = arith.constant 0 : i32
        %dma_start3A_250 = arith.constant 0 : i32
        %dma_start3A_251 = tpu.memref_slice %arg14[%dma_start3A_249, %dma_start3A_250] : memref<2x200xi32, #tpu.memory_space<vmem>> -> memref<1x200xi32, #tpu.memory_space<vmem>>
        %dma_start3A_252 = tpu.memref_squeeze %dma_start3A_251 : memref<1x200xi32, #tpu.memory_space<vmem>> -> memref<200xi32, #tpu.memory_space<vmem>>
        %dma_start3A_253 = arith.constant 0 : i32
        %dma_start3A_254 = arith.constant 0 : i32
        %dma_start3A_255 = tpu.memref_slice %arg3[%dma_start3A_253, %dma_start3A_254] : memref<10000x64xf32, #tpu.memory_space<hbm>> -> memref<10000x64xf32, #tpu.memory_space<hbm>>
        tpu.enqueue_indirect_dma source(%dma_start3A_255 : memref<10000x64xf32, #tpu.memory_space<hbm>>) target(%arg18 : memref<200x64xf32, #tpu.memory_space<vmem>>) offsets(%dma_start3A_252 : memref<200xi32, #tpu.memory_space<vmem>>) semaphore(%arg20 : memref<!tpu.dma_semaphore, #tpu.memory_space<semaphore_mem>>)
      } else {
      }
      %add3A_127 = arith.constant 3 : i32
      %add3A_128 = arith.addi %add3A_112, %add3A_127 : i32
      %min3A_129 = arith.constant 99 : i32
      %min3A_130 = arith.minsi %add3A_128, %min3A_129 : i32
      %mul3A_131 = arith.constant 200 : i32
      %mul3A_132 = arith.muli %min3A_130, %mul3A_131 : i32
      %add3A_133 = arith.addi %mul3A_2, %mul3A_132 : i32
      %multiple_of3A_134 = tpu.assume_multiple %add3A_133, 8 : i32
      %dma_start3A_135 = arith.constant 0 : i32
      %dma_start3A_136 = tpu.memref_slice %arg4[%dma_start3A_135, %multiple_of3A_134] : memref<2x320000xi32, #tpu.memory_space<hbm>> -> memref<2x200xi32, #tpu.memory_space<hbm>>
      %dma_start3A_137 = arith.constant 0 : i32
      %dma_start3A_138 = tpu.memref_slice %arg4[%dma_start3A_137, %multiple_of3A_134] : memref<2x320000xi32, #tpu.memory_space<hbm>> -> memref<2x200xi32, #tpu.memory_space<hbm>>
      tpu.enqueue_dma source(%dma_start3A_138 : memref<2x200xi32, #tpu.memory_space<hbm>>) target(%arg11 : memref<2x200xi32, #tpu.memory_space<vmem>>) target_semaphore(%arg21 : memref<!tpu.dma_semaphore, #tpu.memory_space<semaphore_mem>>)
      %dma_wait3A_139 = arith.constant 0 : i32
      %dma_wait3A_140 = arith.constant 0 : i32
      %dma_wait3A_141 = tpu.memref_slice %arg12[%dma_wait3A_139, %dma_wait3A_140] : memref<2x200xi32, #tpu.memory_space<vmem>> -> memref<1x200xi32, #tpu.memory_space<vmem>>
      %dma_wait3A_142 = tpu.memref_squeeze %dma_wait3A_141 : memref<1x200xi32, #tpu.memory_space<vmem>> -> memref<200xi32, #tpu.memory_space<vmem>>
      %dma_wait3A_143 = arith.constant 0 : i32
      %dma_wait3A_144 = arith.constant 0 : i32
      %dma_wait3A_145 = tpu.memref_slice %arg2[%dma_wait3A_143, %dma_wait3A_144] : memref<10000x64xf32, #tpu.memory_space<hbm>> -> memref<10000x64xf32, #tpu.memory_space<hbm>>
      tpu.wait_indirect_dma semaphore(%arg20 : memref<!tpu.dma_semaphore, #tpu.memory_space<semaphore_mem>>) src(%dma_wait3A_145 : memref<10000x64xf32, #tpu.memory_space<hbm>>) dst(%arg16 : memref<200x64xf32, #tpu.memory_space<vmem>>)
      %run_scoped3A_146 = arith.constant 1 : i32
      "tpu.region"() ({
        %run_scoped3A_249 = tpu.sem_alloc : memref<!tpu.dma_semaphore, #tpu.memory_space<semaphore_mem>>
        %dma_start3A_250 = arith.constant 0 : i32
        %dma_start3A_251 = tpu.memref_slice %arg12[%run_scoped3A_146, %dma_start3A_250] : memref<2x200xi32, #tpu.memory_space<vmem>> -> memref<1x200xi32, #tpu.memory_space<vmem>>
        %dma_start3A_252 = tpu.memref_squeeze %dma_start3A_251 : memref<1x200xi32, #tpu.memory_space<vmem>> -> memref<200xi32, #tpu.memory_space<vmem>>
        %dma_start3A_253 = arith.constant 0 : i32
        %dma_start3A_254 = arith.constant 0 : i32
        %dma_start3A_255 = tpu.memref_slice %arg19[%dma_start3A_253, %dma_start3A_254] : memref<10240x64xf32, #tpu.memory_space<vmem_shared>> -> memref<10240x64xf32, #tpu.memory_space<vmem_shared>>
        tpu.enqueue_indirect_dma source(%arg16 : memref<200x64xf32, #tpu.memory_space<vmem>>) target(%dma_start3A_255 : memref<10240x64xf32, #tpu.memory_space<vmem_shared>>) offsets(%dma_start3A_252 : memref<200xi32, #tpu.memory_space<vmem>>) semaphore(%run_scoped3A_249 : memref<!tpu.dma_semaphore, #tpu.memory_space<semaphore_mem>>) {add = true}
        %dma_wait3A_256 = arith.constant 0 : i32
        %dma_wait3A_257 = tpu.memref_slice %arg12[%run_scoped3A_146, %dma_wait3A_256] : memref<2x200xi32, #tpu.memory_space<vmem>> -> memref<1x200xi32, #tpu.memory_space<vmem>>
        %dma_wait3A_258 = tpu.memref_squeeze %dma_wait3A_257 : memref<1x200xi32, #tpu.memory_space<vmem>> -> memref<200xi32, #tpu.memory_space<vmem>>
        %dma_wait3A_259 = arith.constant 0 : i32
        %dma_wait3A_260 = arith.constant 0 : i32
        %dma_wait3A_261 = tpu.memref_slice %arg19[%dma_wait3A_259, %dma_wait3A_260] : memref<10240x64xf32, #tpu.memory_space<vmem_shared>> -> memref<10240x64xf32, #tpu.memory_space<vmem_shared>>
        tpu.wait_indirect_dma semaphore(%run_scoped3A_249 : memref<!tpu.dma_semaphore, #tpu.memory_space<semaphore_mem>>) src(%arg16 : memref<200x64xf32, #tpu.memory_space<vmem>>) dst(%dma_wait3A_261 : memref<10240x64xf32, #tpu.memory_space<vmem_shared>>)
        tpu.yield
      }) : () -> ()
      %lt3A_147 = arith.constant 50 : i32
      %lt3A_148 = arith.cmpi slt, %add3A_112, %lt3A_147 : i32
      %eq3A_149 = arith.constant 0 : i32
      %eq3A_150 = arith.cmpi eq, %arg0, %eq3A_149 : i32
      %eq3A_151 = arith.xori %lt3A_148, %eq3A_150 : i1
      %eq3A_152 = arith.constant true
      %eq3A_153 = arith.xori %eq3A_151, %eq3A_152 : i1
      %convert_element_type3A_154 = arith.extui %eq3A_153 : i1 to i32
      %cond3A_155 = arith.constant 0 : i32
      %cond3A_156 = arith.cmpi ne, %convert_element_type3A_154, %cond3A_155 : i32
      scf.if %cond3A_156 {
        %run_scoped3A_249 = arith.constant 1 : i32
        "tpu.region"() ({
          %run_scoped3A_250 = tpu.sem_alloc : memref<!tpu.dma_semaphore, #tpu.memory_space<semaphore_mem>>
          %dma_start3A_251 = arith.constant 0 : i32
          %dma_start3A_252 = tpu.memref_slice %arg12[%run_scoped3A_249, %dma_start3A_251] : memref<2x200xi32, #tpu.memory_space<vmem>> -> memref<1x200xi32, #tpu.memory_space<vmem>>
          %dma_start3A_253 = tpu.memref_squeeze %dma_start3A_252 : memref<1x200xi32, #tpu.memory_space<vmem>> -> memref<200xi32, #tpu.memory_space<vmem>>
          %dma_start3A_254 = arith.constant 0 : i32
          %dma_start3A_255 = arith.constant 0 : i32
          %dma_start3A_256 = tpu.memref_slice %arg23[%dma_start3A_254, %dma_start3A_255] : memref<10240x16xf32, #tpu.memory_space<vmem_shared>> -> memref<10240x16xf32, #tpu.memory_space<vmem_shared>>
          tpu.enqueue_indirect_dma source(%arg22 : memref<200x16xf32, #tpu.memory_space<vmem>>) target(%dma_start3A_256 : memref<10240x16xf32, #tpu.memory_space<vmem_shared>>) offsets(%dma_start3A_253 : memref<200xi32, #tpu.memory_space<vmem>>) semaphore(%run_scoped3A_250 : memref<!tpu.dma_semaphore, #tpu.memory_space<semaphore_mem>>) {add = true}
          %dma_wait3A_257 = arith.constant 0 : i32
          %dma_wait3A_258 = tpu.memref_slice %arg12[%run_scoped3A_249, %dma_wait3A_257] : memref<2x200xi32, #tpu.memory_space<vmem>> -> memref<1x200xi32, #tpu.memory_space<vmem>>
          %dma_wait3A_259 = tpu.memref_squeeze %dma_wait3A_258 : memref<1x200xi32, #tpu.memory_space<vmem>> -> memref<200xi32, #tpu.memory_space<vmem>>
          %dma_wait3A_260 = arith.constant 0 : i32
          %dma_wait3A_261 = arith.constant 0 : i32
          %dma_wait3A_262 = tpu.memref_slice %arg23[%dma_wait3A_260, %dma_wait3A_261] : memref<10240x16xf32, #tpu.memory_space<vmem_shared>> -> memref<10240x16xf32, #tpu.memory_space<vmem_shared>>
          tpu.wait_indirect_dma semaphore(%run_scoped3A_250 : memref<!tpu.dma_semaphore, #tpu.memory_space<semaphore_mem>>) src(%arg22 : memref<200x16xf32, #tpu.memory_space<vmem>>) dst(%dma_wait3A_262 : memref<10240x16xf32, #tpu.memory_space<vmem_shared>>)
          tpu.yield
        }) : () -> ()
      } else {
      }
      %add3A_157 = arith.constant 2 : i32
      %add3A_158 = arith.addi %mul3A_67, %add3A_157 : i32
      %dma_wait3A_159 = arith.constant 0 : i32
      %dma_wait3A_160 = tpu.memref_slice %arg4[%dma_wait3A_159, %mul3A_2] : memref<2x320000xi32, #tpu.memory_space<hbm>> -> memref<2x200xi32, #tpu.memory_space<hbm>>
      %dma_wait3A_161 = arith.constant 0 : i32
      %dma_wait3A_162 = tpu.memref_slice %arg4[%dma_wait3A_161, %mul3A_2] : memref<2x320000xi32, #tpu.memory_space<hbm>> -> memref<2x200xi32, #tpu.memory_space<hbm>>
      tpu.wait_dma2 semaphore(%arg21 : memref<!tpu.dma_semaphore, #tpu.memory_space<semaphore_mem>>) src(%dma_wait3A_162 : memref<2x200xi32, #tpu.memory_space<hbm>>) dst(%arg11 : memref<2x200xi32, #tpu.memory_space<vmem>>)
      %eq3A_163 = arith.constant 0 : i32
      %eq3A_164 = arith.cmpi eq, %arg0, %eq3A_163 : i32
      %convert_element_type3A_165 = arith.extui %eq3A_164 : i1 to i32
      %cond3A_166 = arith.constant 0 : i32
      %cond3A_167 = arith.cmpi ne, %convert_element_type3A_165, %cond3A_166 : i32
      scf.if %cond3A_167 {
        %dma_start3A_249 = arith.constant 0 : i32
        %dma_start3A_250 = arith.constant 0 : i32
        %dma_start3A_251 = tpu.memref_slice %arg11[%dma_start3A_249, %dma_start3A_250] : memref<2x200xi32, #tpu.memory_space<vmem>> -> memref<1x200xi32, #tpu.memory_space<vmem>>
        %dma_start3A_252 = tpu.memref_squeeze %dma_start3A_251 : memref<1x200xi32, #tpu.memory_space<vmem>> -> memref<200xi32, #tpu.memory_space<vmem>>
        %dma_start3A_253 = arith.constant 0 : i32
        %dma_start3A_254 = arith.constant 0 : i32
        %dma_start3A_255 = tpu.memref_slice %arg2[%dma_start3A_253, %dma_start3A_254] : memref<10000x64xf32, #tpu.memory_space<hbm>> -> memref<10000x64xf32, #tpu.memory_space<hbm>>
        tpu.enqueue_indirect_dma source(%dma_start3A_255 : memref<10000x64xf32, #tpu.memory_space<hbm>>) target(%arg15 : memref<200x64xf32, #tpu.memory_space<vmem>>) offsets(%dma_start3A_252 : memref<200xi32, #tpu.memory_space<vmem>>) semaphore(%arg20 : memref<!tpu.dma_semaphore, #tpu.memory_space<semaphore_mem>>)
      } else {
      }
      %eq3A_168 = arith.constant 1 : i32
      %eq3A_169 = arith.cmpi eq, %arg0, %eq3A_168 : i32
      %convert_element_type3A_170 = arith.extui %eq3A_169 : i1 to i32
      %cond3A_171 = arith.constant 0 : i32
      %cond3A_172 = arith.cmpi ne, %convert_element_type3A_170, %cond3A_171 : i32
      scf.if %cond3A_172 {
        %dma_start3A_249 = arith.constant 0 : i32
        %dma_start3A_250 = arith.constant 0 : i32
        %dma_start3A_251 = tpu.memref_slice %arg11[%dma_start3A_249, %dma_start3A_250] : memref<2x200xi32, #tpu.memory_space<vmem>> -> memref<1x200xi32, #tpu.memory_space<vmem>>
        %dma_start3A_252 = tpu.memref_squeeze %dma_start3A_251 : memref<1x200xi32, #tpu.memory_space<vmem>> -> memref<200xi32, #tpu.memory_space<vmem>>
        %dma_start3A_253 = arith.constant 0 : i32
        %dma_start3A_254 = arith.constant 0 : i32
        %dma_start3A_255 = tpu.memref_slice %arg3[%dma_start3A_253, %dma_start3A_254] : memref<10000x64xf32, #tpu.memory_space<hbm>> -> memref<10000x64xf32, #tpu.memory_space<hbm>>
        tpu.enqueue_indirect_dma source(%dma_start3A_255 : memref<10000x64xf32, #tpu.memory_space<hbm>>) target(%arg15 : memref<200x64xf32, #tpu.memory_space<vmem>>) offsets(%dma_start3A_252 : memref<200xi32, #tpu.memory_space<vmem>>) semaphore(%arg20 : memref<!tpu.dma_semaphore, #tpu.memory_space<semaphore_mem>>)
      } else {
      }
      %add3A_173 = arith.constant 3 : i32
      %add3A_174 = arith.addi %add3A_158, %add3A_173 : i32
      %min3A_175 = arith.constant 99 : i32
      %min3A_176 = arith.minsi %add3A_174, %min3A_175 : i32
      %mul3A_177 = arith.constant 200 : i32
      %mul3A_178 = arith.muli %min3A_176, %mul3A_177 : i32
      %add3A_179 = arith.addi %mul3A_2, %mul3A_178 : i32
      %multiple_of3A_180 = tpu.assume_multiple %add3A_179, 8 : i32
      %dma_start3A_181 = arith.constant 0 : i32
      %dma_start3A_182 = tpu.memref_slice %arg4[%dma_start3A_181, %multiple_of3A_180] : memref<2x320000xi32, #tpu.memory_space<hbm>> -> memref<2x200xi32, #tpu.memory_space<hbm>>
      %dma_start3A_183 = arith.constant 0 : i32
      %dma_start3A_184 = tpu.memref_slice %arg4[%dma_start3A_183, %multiple_of3A_180] : memref<2x320000xi32, #tpu.memory_space<hbm>> -> memref<2x200xi32, #tpu.memory_space<hbm>>
      tpu.enqueue_dma source(%dma_start3A_184 : memref<2x200xi32, #tpu.memory_space<hbm>>) target(%arg12 : memref<2x200xi32, #tpu.memory_space<vmem>>) target_semaphore(%arg21 : memref<!tpu.dma_semaphore, #tpu.memory_space<semaphore_mem>>)
      %dma_wait3A_185 = arith.constant 0 : i32
      %dma_wait3A_186 = arith.constant 0 : i32
      %dma_wait3A_187 = tpu.memref_slice %arg13[%dma_wait3A_185, %dma_wait3A_186] : memref<2x200xi32, #tpu.memory_space<vmem>> -> memref<1x200xi32, #tpu.memory_space<vmem>>
      %dma_wait3A_188 = tpu.memref_squeeze %dma_wait3A_187 : memref<1x200xi32, #tpu.memory_space<vmem>> -> memref<200xi32, #tpu.memory_space<vmem>>
      %dma_wait3A_189 = arith.constant 0 : i32
      %dma_wait3A_190 = arith.constant 0 : i32
      %dma_wait3A_191 = tpu.memref_slice %arg2[%dma_wait3A_189, %dma_wait3A_190] : memref<10000x64xf32, #tpu.memory_space<hbm>> -> memref<10000x64xf32, #tpu.memory_space<hbm>>
      tpu.wait_indirect_dma semaphore(%arg20 : memref<!tpu.dma_semaphore, #tpu.memory_space<semaphore_mem>>) src(%dma_wait3A_191 : memref<10000x64xf32, #tpu.memory_space<hbm>>) dst(%arg17 : memref<200x64xf32, #tpu.memory_space<vmem>>)
      %run_scoped3A_192 = arith.constant 1 : i32
      "tpu.region"() ({
        %run_scoped3A_249 = tpu.sem_alloc : memref<!tpu.dma_semaphore, #tpu.memory_space<semaphore_mem>>
        %dma_start3A_250 = arith.constant 0 : i32
        %dma_start3A_251 = tpu.memref_slice %arg13[%run_scoped3A_192, %dma_start3A_250] : memref<2x200xi32, #tpu.memory_space<vmem>> -> memref<1x200xi32, #tpu.memory_space<vmem>>
        %dma_start3A_252 = tpu.memref_squeeze %dma_start3A_251 : memref<1x200xi32, #tpu.memory_space<vmem>> -> memref<200xi32, #tpu.memory_space<vmem>>
        %dma_start3A_253 = arith.constant 0 : i32
        %dma_start3A_254 = arith.constant 0 : i32
        %dma_start3A_255 = tpu.memref_slice %arg19[%dma_start3A_253, %dma_start3A_254] : memref<10240x64xf32, #tpu.memory_space<vmem_shared>> -> memref<10240x64xf32, #tpu.memory_space<vmem_shared>>
        tpu.enqueue_indirect_dma source(%arg17 : memref<200x64xf32, #tpu.memory_space<vmem>>) target(%dma_start3A_255 : memref<10240x64xf32, #tpu.memory_space<vmem_shared>>) offsets(%dma_start3A_252 : memref<200xi32, #tpu.memory_space<vmem>>) semaphore(%run_scoped3A_249 : memref<!tpu.dma_semaphore, #tpu.memory_space<semaphore_mem>>) {add = true}
        %dma_wait3A_256 = arith.constant 0 : i32
        %dma_wait3A_257 = tpu.memref_slice %arg13[%run_scoped3A_192, %dma_wait3A_256] : memref<2x200xi32, #tpu.memory_space<vmem>> -> memref<1x200xi32, #tpu.memory_space<vmem>>
        %dma_wait3A_258 = tpu.memref_squeeze %dma_wait3A_257 : memref<1x200xi32, #tpu.memory_space<vmem>> -> memref<200xi32, #tpu.memory_space<vmem>>
        %dma_wait3A_259 = arith.constant 0 : i32
        %dma_wait3A_260 = arith.constant 0 : i32
        %dma_wait3A_261 = tpu.memref_slice %arg19[%dma_wait3A_259, %dma_wait3A_260] : memref<10240x64xf32, #tpu.memory_space<vmem_shared>> -> memref<10240x64xf32, #tpu.memory_space<vmem_shared>>
        tpu.wait_indirect_dma semaphore(%run_scoped3A_249 : memref<!tpu.dma_semaphore, #tpu.memory_space<semaphore_mem>>) src(%arg17 : memref<200x64xf32, #tpu.memory_space<vmem>>) dst(%dma_wait3A_261 : memref<10240x64xf32, #tpu.memory_space<vmem_shared>>)
        tpu.yield
      }) : () -> ()
      %lt3A_193 = arith.constant 50 : i32
      %lt3A_194 = arith.cmpi slt, %add3A_158, %lt3A_193 : i32
      %eq3A_195 = arith.constant 0 : i32
      %eq3A_196 = arith.cmpi eq, %arg0, %eq3A_195 : i32
      %eq3A_197 = arith.xori %lt3A_194, %eq3A_196 : i1
      %eq3A_198 = arith.constant true
      %eq3A_199 = arith.xori %eq3A_197, %eq3A_198 : i1
      %convert_element_type3A_200 = arith.extui %eq3A_199 : i1 to i32
      %cond3A_201 = arith.constant 0 : i32
      %cond3A_202 = arith.cmpi ne, %convert_element_type3A_200, %cond3A_201 : i32
      scf.if %cond3A_202 {
        %run_scoped3A_249 = arith.constant 1 : i32
        "tpu.region"() ({
          %run_scoped3A_250 = tpu.sem_alloc : memref<!tpu.dma_semaphore, #tpu.memory_space<semaphore_mem>>
          %dma_start3A_251 = arith.constant 0 : i32
          %dma_start3A_252 = tpu.memref_slice %arg13[%run_scoped3A_249, %dma_start3A_251] : memref<2x200xi32, #tpu.memory_space<vmem>> -> memref<1x200xi32, #tpu.memory_space<vmem>>
          %dma_start3A_253 = tpu.memref_squeeze %dma_start3A_252 : memref<1x200xi32, #tpu.memory_space<vmem>> -> memref<200xi32, #tpu.memory_space<vmem>>
          %dma_start3A_254 = arith.constant 0 : i32
          %dma_start3A_255 = arith.constant 0 : i32
          %dma_start3A_256 = tpu.memref_slice %arg23[%dma_start3A_254, %dma_start3A_255] : memref<10240x16xf32, #tpu.memory_space<vmem_shared>> -> memref<10240x16xf32, #tpu.memory_space<vmem_shared>>
          tpu.enqueue_indirect_dma source(%arg22 : memref<200x16xf32, #tpu.memory_space<vmem>>) target(%dma_start3A_256 : memref<10240x16xf32, #tpu.memory_space<vmem_shared>>) offsets(%dma_start3A_253 : memref<200xi32, #tpu.memory_space<vmem>>) semaphore(%run_scoped3A_250 : memref<!tpu.dma_semaphore, #tpu.memory_space<semaphore_mem>>) {add = true}
          %dma_wait3A_257 = arith.constant 0 : i32
          %dma_wait3A_258 = tpu.memref_slice %arg13[%run_scoped3A_249, %dma_wait3A_257] : memref<2x200xi32, #tpu.memory_space<vmem>> -> memref<1x200xi32, #tpu.memory_space<vmem>>
          %dma_wait3A_259 = tpu.memref_squeeze %dma_wait3A_258 : memref<1x200xi32, #tpu.memory_space<vmem>> -> memref<200xi32, #tpu.memory_space<vmem>>
          %dma_wait3A_260 = arith.constant 0 : i32
          %dma_wait3A_261 = arith.constant 0 : i32
          %dma_wait3A_262 = tpu.memref_slice %arg23[%dma_wait3A_260, %dma_wait3A_261] : memref<10240x16xf32, #tpu.memory_space<vmem_shared>> -> memref<10240x16xf32, #tpu.memory_space<vmem_shared>>
          tpu.wait_indirect_dma semaphore(%run_scoped3A_250 : memref<!tpu.dma_semaphore, #tpu.memory_space<semaphore_mem>>) src(%arg22 : memref<200x16xf32, #tpu.memory_space<vmem>>) dst(%dma_wait3A_262 : memref<10240x16xf32, #tpu.memory_space<vmem_shared>>)
          tpu.yield
        }) : () -> ()
      } else {
      }
      %add3A_203 = arith.constant 3 : i32
      %add3A_204 = arith.addi %mul3A_67, %add3A_203 : i32
      %dma_wait3A_205 = arith.constant 0 : i32
      %dma_wait3A_206 = tpu.memref_slice %arg4[%dma_wait3A_205, %mul3A_2] : memref<2x320000xi32, #tpu.memory_space<hbm>> -> memref<2x200xi32, #tpu.memory_space<hbm>>
      %dma_wait3A_207 = arith.constant 0 : i32
      %dma_wait3A_208 = tpu.memref_slice %arg4[%dma_wait3A_207, %mul3A_2] : memref<2x320000xi32, #tpu.memory_space<hbm>> -> memref<2x200xi32, #tpu.memory_space<hbm>>
      tpu.wait_dma2 semaphore(%arg21 : memref<!tpu.dma_semaphore, #tpu.memory_space<semaphore_mem>>) src(%dma_wait3A_208 : memref<2x200xi32, #tpu.memory_space<hbm>>) dst(%arg12 : memref<2x200xi32, #tpu.memory_space<vmem>>)
      %eq3A_209 = arith.constant 0 : i32
      %eq3A_210 = arith.cmpi eq, %arg0, %eq3A_209 : i32
      %convert_element_type3A_211 = arith.extui %eq3A_210 : i1 to i32
      %cond3A_212 = arith.constant 0 : i32
      %cond3A_213 = arith.cmpi ne, %convert_element_type3A_211, %cond3A_212 : i32
      scf.if %cond3A_213 {
        %dma_start3A_249 = arith.constant 0 : i32
        %dma_start3A_250 = arith.constant 0 : i32
        %dma_start3A_251 = tpu.memref_slice %arg12[%dma_start3A_249, %dma_start3A_250] : memref<2x200xi32, #tpu.memory_space<vmem>> -> memref<1x200xi32, #tpu.memory_space<vmem>>
        %dma_start3A_252 = tpu.memref_squeeze %dma_start3A_251 : memref<1x200xi32, #tpu.memory_space<vmem>> -> memref<200xi32, #tpu.memory_space<vmem>>
        %dma_start3A_253 = arith.constant 0 : i32
        %dma_start3A_254 = arith.constant 0 : i32
        %dma_start3A_255 = tpu.memref_slice %arg2[%dma_start3A_253, %dma_start3A_254] : memref<10000x64xf32, #tpu.memory_space<hbm>> -> memref<10000x64xf32, #tpu.memory_space<hbm>>
        tpu.enqueue_indirect_dma source(%dma_start3A_255 : memref<10000x64xf32, #tpu.memory_space<hbm>>) target(%arg16 : memref<200x64xf32, #tpu.memory_space<vmem>>) offsets(%dma_start3A_252 : memref<200xi32, #tpu.memory_space<vmem>>) semaphore(%arg20 : memref<!tpu.dma_semaphore, #tpu.memory_space<semaphore_mem>>)
      } else {
      }
      %eq3A_214 = arith.constant 1 : i32
      %eq3A_215 = arith.cmpi eq, %arg0, %eq3A_214 : i32
      %convert_element_type3A_216 = arith.extui %eq3A_215 : i1 to i32
      %cond3A_217 = arith.constant 0 : i32
      %cond3A_218 = arith.cmpi ne, %convert_element_type3A_216, %cond3A_217 : i32
      scf.if %cond3A_218 {
        %dma_start3A_249 = arith.constant 0 : i32
        %dma_start3A_250 = arith.constant 0 : i32
        %dma_start3A_251 = tpu.memref_slice %arg12[%dma_start3A_249, %dma_start3A_250] : memref<2x200xi32, #tpu.memory_space<vmem>> -> memref<1x200xi32, #tpu.memory_space<vmem>>
        %dma_start3A_252 = tpu.memref_squeeze %dma_start3A_251 : memref<1x200xi32, #tpu.memory_space<vmem>> -> memref<200xi32, #tpu.memory_space<vmem>>
        %dma_start3A_253 = arith.constant 0 : i32
        %dma_start3A_254 = arith.constant 0 : i32
        %dma_start3A_255 = tpu.memref_slice %arg3[%dma_start3A_253, %dma_start3A_254] : memref<10000x64xf32, #tpu.memory_space<hbm>> -> memref<10000x64xf32, #tpu.memory_space<hbm>>
        tpu.enqueue_indirect_dma source(%dma_start3A_255 : memref<10000x64xf32, #tpu.memory_space<hbm>>) target(%arg16 : memref<200x64xf32, #tpu.memory_space<vmem>>) offsets(%dma_start3A_252 : memref<200xi32, #tpu.memory_space<vmem>>) semaphore(%arg20 : memref<!tpu.dma_semaphore, #tpu.memory_space<semaphore_mem>>)
      } else {
      }
      %add3A_219 = arith.constant 3 : i32
      %add3A_220 = arith.addi %add3A_204, %add3A_219 : i32
      %min3A_221 = arith.constant 99 : i32
      %min3A_222 = arith.minsi %add3A_220, %min3A_221 : i32
      %mul3A_223 = arith.constant 200 : i32
      %mul3A_224 = arith.muli %min3A_222, %mul3A_223 : i32
      %add3A_225 = arith.addi %mul3A_2, %mul3A_224 : i32
      %multiple_of3A_226 = tpu.assume_multiple %add3A_225, 8 : i32
      %dma_start3A_227 = arith.constant 0 : i32
      %dma_start3A_228 = tpu.memref_slice %arg4[%dma_start3A_227, %multiple_of3A_226] : memref<2x320000xi32, #tpu.memory_space<hbm>> -> memref<2x200xi32, #tpu.memory_space<hbm>>
      %dma_start3A_229 = arith.constant 0 : i32
      %dma_start3A_230 = tpu.memref_slice %arg4[%dma_start3A_229, %multiple_of3A_226] : memref<2x320000xi32, #tpu.memory_space<hbm>> -> memref<2x200xi32, #tpu.memory_space<hbm>>
      tpu.enqueue_dma source(%dma_start3A_230 : memref<2x200xi32, #tpu.memory_space<hbm>>) target(%arg13 : memref<2x200xi32, #tpu.memory_space<vmem>>) target_semaphore(%arg21 : memref<!tpu.dma_semaphore, #tpu.memory_space<semaphore_mem>>)
      %dma_wait3A_231 = arith.constant 0 : i32
      %dma_wait3A_232 = arith.constant 0 : i32
      %dma_wait3A_233 = tpu.memref_slice %arg14[%dma_wait3A_231, %dma_wait3A_232] : memref<2x200xi32, #tpu.memory_space<vmem>> -> memref<1x200xi32, #tpu.memory_space<vmem>>
      %dma_wait3A_234 = tpu.memref_squeeze %dma_wait3A_233 : memref<1x200xi32, #tpu.memory_space<vmem>> -> memref<200xi32, #tpu.memory_space<vmem>>
      %dma_wait3A_235 = arith.constant 0 : i32
      %dma_wait3A_236 = arith.constant 0 : i32
      %dma_wait3A_237 = tpu.memref_slice %arg2[%dma_wait3A_235, %dma_wait3A_236] : memref<10000x64xf32, #tpu.memory_space<hbm>> -> memref<10000x64xf32, #tpu.memory_space<hbm>>
      tpu.wait_indirect_dma semaphore(%arg20 : memref<!tpu.dma_semaphore, #tpu.memory_space<semaphore_mem>>) src(%dma_wait3A_237 : memref<10000x64xf32, #tpu.memory_space<hbm>>) dst(%arg18 : memref<200x64xf32, #tpu.memory_space<vmem>>)
      %run_scoped3A_238 = arith.constant 1 : i32
      "tpu.region"() ({
        %run_scoped3A_249 = tpu.sem_alloc : memref<!tpu.dma_semaphore, #tpu.memory_space<semaphore_mem>>
        %dma_start3A_250 = arith.constant 0 : i32
        %dma_start3A_251 = tpu.memref_slice %arg14[%run_scoped3A_238, %dma_start3A_250] : memref<2x200xi32, #tpu.memory_space<vmem>> -> memref<1x200xi32, #tpu.memory_space<vmem>>
        %dma_start3A_252 = tpu.memref_squeeze %dma_start3A_251 : memref<1x200xi32, #tpu.memory_space<vmem>> -> memref<200xi32, #tpu.memory_space<vmem>>
        %dma_start3A_253 = arith.constant 0 : i32
        %dma_start3A_254 = arith.constant 0 : i32
        %dma_start3A_255 = tpu.memref_slice %arg19[%dma_start3A_253, %dma_start3A_254] : memref<10240x64xf32, #tpu.memory_space<vmem_shared>> -> memref<10240x64xf32, #tpu.memory_space<vmem_shared>>
        tpu.enqueue_indirect_dma source(%arg18 : memref<200x64xf32, #tpu.memory_space<vmem>>) target(%dma_start3A_255 : memref<10240x64xf32, #tpu.memory_space<vmem_shared>>) offsets(%dma_start3A_252 : memref<200xi32, #tpu.memory_space<vmem>>) semaphore(%run_scoped3A_249 : memref<!tpu.dma_semaphore, #tpu.memory_space<semaphore_mem>>) {add = true}
        %dma_wait3A_256 = arith.constant 0 : i32
        %dma_wait3A_257 = tpu.memref_slice %arg14[%run_scoped3A_238, %dma_wait3A_256] : memref<2x200xi32, #tpu.memory_space<vmem>> -> memref<1x200xi32, #tpu.memory_space<vmem>>
        %dma_wait3A_258 = tpu.memref_squeeze %dma_wait3A_257 : memref<1x200xi32, #tpu.memory_space<vmem>> -> memref<200xi32, #tpu.memory_space<vmem>>
        %dma_wait3A_259 = arith.constant 0 : i32
        %dma_wait3A_260 = arith.constant 0 : i32
        %dma_wait3A_261 = tpu.memref_slice %arg19[%dma_wait3A_259, %dma_wait3A_260] : memref<10240x64xf32, #tpu.memory_space<vmem_shared>> -> memref<10240x64xf32, #tpu.memory_space<vmem_shared>>
        tpu.wait_indirect_dma semaphore(%run_scoped3A_249 : memref<!tpu.dma_semaphore, #tpu.memory_space<semaphore_mem>>) src(%arg18 : memref<200x64xf32, #tpu.memory_space<vmem>>) dst(%dma_wait3A_261 : memref<10240x64xf32, #tpu.memory_space<vmem_shared>>)
        tpu.yield
      }) : () -> ()
      %lt3A_239 = arith.constant 50 : i32
      %lt3A_240 = arith.cmpi slt, %add3A_204, %lt3A_239 : i32
      %eq3A_241 = arith.constant 0 : i32
      %eq3A_242 = arith.cmpi eq, %arg0, %eq3A_241 : i32
      %eq3A_243 = arith.xori %lt3A_240, %eq3A_242 : i1
      %eq3A_244 = arith.constant true
      %eq3A_245 = arith.xori %eq3A_243, %eq3A_244 : i1
      %convert_element_type3A_246 = arith.extui %eq3A_245 : i1 to i32
      %cond3A_247 = arith.constant 0 : i32
      %cond3A_248 = arith.cmpi ne, %convert_element_type3A_246, %cond3A_247 : i32
      scf.if %cond3A_248 {
        %run_scoped3A_249 = arith.constant 1 : i32
        "tpu.region"() ({
          %run_scoped3A_250 = tpu.sem_alloc : memref<!tpu.dma_semaphore, #tpu.memory_space<semaphore_mem>>
          %dma_start3A_251 = arith.constant 0 : i32
          %dma_start3A_252 = tpu.memref_slice %arg14[%run_scoped3A_249, %dma_start3A_251] : memref<2x200xi32, #tpu.memory_space<vmem>> -> memref<1x200xi32, #tpu.memory_space<vmem>>
          %dma_start3A_253 = tpu.memref_squeeze %dma_start3A_252 : memref<1x200xi32, #tpu.memory_space<vmem>> -> memref<200xi32, #tpu.memory_space<vmem>>
          %dma_start3A_254 = arith.constant 0 : i32
          %dma_start3A_255 = arith.constant 0 : i32
          %dma_start3A_256 = tpu.memref_slice %arg23[%dma_start3A_254, %dma_start3A_255] : memref<10240x16xf32, #tpu.memory_space<vmem_shared>> -> memref<10240x16xf32, #tpu.memory_space<vmem_shared>>
          tpu.enqueue_indirect_dma source(%arg22 : memref<200x16xf32, #tpu.memory_space<vmem>>) target(%dma_start3A_256 : memref<10240x16xf32, #tpu.memory_space<vmem_shared>>) offsets(%dma_start3A_253 : memref<200xi32, #tpu.memory_space<vmem>>) semaphore(%run_scoped3A_250 : memref<!tpu.dma_semaphore, #tpu.memory_space<semaphore_mem>>) {add = true}
          %dma_wait3A_257 = arith.constant 0 : i32
          %dma_wait3A_258 = tpu.memref_slice %arg14[%run_scoped3A_249, %dma_wait3A_257] : memref<2x200xi32, #tpu.memory_space<vmem>> -> memref<1x200xi32, #tpu.memory_space<vmem>>
          %dma_wait3A_259 = tpu.memref_squeeze %dma_wait3A_258 : memref<1x200xi32, #tpu.memory_space<vmem>> -> memref<200xi32, #tpu.memory_space<vmem>>
          %dma_wait3A_260 = arith.constant 0 : i32
          %dma_wait3A_261 = arith.constant 0 : i32
          %dma_wait3A_262 = tpu.memref_slice %arg23[%dma_wait3A_260, %dma_wait3A_261] : memref<10240x16xf32, #tpu.memory_space<vmem_shared>> -> memref<10240x16xf32, #tpu.memory_space<vmem_shared>>
          tpu.wait_indirect_dma semaphore(%run_scoped3A_250 : memref<!tpu.dma_semaphore, #tpu.memory_space<semaphore_mem>>) src(%arg22 : memref<200x16xf32, #tpu.memory_space<vmem>>) dst(%dma_wait3A_262 : memref<10240x16xf32, #tpu.memory_space<vmem_shared>>)
          tpu.yield
        }) : () -> ()
      } else {
      }
    }
    %scan3A_34 = arith.constant 25 : i32
    %dma_wait3A = arith.constant 0 : i32
    %dma_wait3A_35 = arith.constant 0 : i32
    %dma_wait3A_36 = tpu.memref_slice %arg11[%dma_wait3A, %dma_wait3A_35] : memref<2x200xi32, #tpu.memory_space<vmem>> -> memref<1x200xi32, #tpu.memory_space<vmem>>
    %dma_wait3A_37 = tpu.memref_squeeze %dma_wait3A_36 : memref<1x200xi32, #tpu.memory_space<vmem>> -> memref<200xi32, #tpu.memory_space<vmem>>
    %dma_wait3A_38 = arith.constant 0 : i32
    %dma_wait3A_39 = arith.constant 0 : i32
    %dma_wait3A_40 = tpu.memref_slice %arg2[%dma_wait3A_38, %dma_wait3A_39] : memref<10000x64xf32, #tpu.memory_space<hbm>> -> memref<10000x64xf32, #tpu.memory_space<hbm>>
    tpu.wait_indirect_dma semaphore(%arg20 : memref<!tpu.dma_semaphore, #tpu.memory_space<semaphore_mem>>) src(%dma_wait3A_40 : memref<10000x64xf32, #tpu.memory_space<hbm>>) dst(%arg15 : memref<200x64xf32, #tpu.memory_space<vmem>>)
    %dma_wait3A_41 = arith.constant 0 : i32
    %dma_wait3A_42 = arith.constant 0 : i32
    %dma_wait3A_43 = tpu.memref_slice %arg12[%dma_wait3A_41, %dma_wait3A_42] : memref<2x200xi32, #tpu.memory_space<vmem>> -> memref<1x200xi32, #tpu.memory_space<vmem>>
    %dma_wait3A_44 = tpu.memref_squeeze %dma_wait3A_43 : memref<1x200xi32, #tpu.memory_space<vmem>> -> memref<200xi32, #tpu.memory_space<vmem>>
    %dma_wait3A_45 = arith.constant 0 : i32
    %dma_wait3A_46 = arith.constant 0 : i32
    %dma_wait3A_47 = tpu.memref_slice %arg2[%dma_wait3A_45, %dma_wait3A_46] : memref<10000x64xf32, #tpu.memory_space<hbm>> -> memref<10000x64xf32, #tpu.memory_space<hbm>>
    tpu.wait_indirect_dma semaphore(%arg20 : memref<!tpu.dma_semaphore, #tpu.memory_space<semaphore_mem>>) src(%dma_wait3A_47 : memref<10000x64xf32, #tpu.memory_space<hbm>>) dst(%arg16 : memref<200x64xf32, #tpu.memory_space<vmem>>)
    %dma_wait3A_48 = arith.constant 0 : i32
    %dma_wait3A_49 = tpu.memref_slice %arg4[%dma_wait3A_48, %mul3A_2] : memref<2x320000xi32, #tpu.memory_space<hbm>> -> memref<2x200xi32, #tpu.memory_space<hbm>>
    %dma_wait3A_50 = arith.constant 0 : i32
    %dma_wait3A_51 = tpu.memref_slice %arg4[%dma_wait3A_50, %mul3A_2] : memref<2x320000xi32, #tpu.memory_space<hbm>> -> memref<2x200xi32, #tpu.memory_space<hbm>>
    tpu.wait_dma2 semaphore(%arg21 : memref<!tpu.dma_semaphore, #tpu.memory_space<semaphore_mem>>) src(%dma_wait3A_51 : memref<2x200xi32, #tpu.memory_space<hbm>>) dst(%arg13 : memref<2x200xi32, #tpu.memory_space<vmem>>)
    %barrier3A_52 = arith.constant 0 : index
    tpu.barrier barrier_id(%barrier3A_52)
    %mul3A_53 = arith.constant 64 : i32
    %mul3A_54 = arith.muli %arg0, %mul3A_53 : i32
    "tpu.region"() ({
      %run_scoped3A = tpu.sem_alloc : memref<!tpu.dma_semaphore, #tpu.memory_space<semaphore_mem>>
      %dma_start3A_65 = tpu.memref_slice %arg8[%mul3A_0, %mul3A_54] : memref<10240x128xf32, #tpu.memory_space<hbm>> -> memref<640x64xf32, #tpu.memory_space<hbm>>
      %dma_start3A_66 = arith.constant 0 : i32
      %dma_start3A_67 = tpu.memref_slice %arg19[%mul3A_0, %dma_start3A_66] : memref<10240x64xf32, #tpu.memory_space<vmem_shared>> -> memref<640x64xf32, #tpu.memory_space<vmem_shared>>
      tpu.enqueue_dma source(%dma_start3A_67 : memref<640x64xf32, #tpu.memory_space<vmem_shared>>) target(%dma_start3A_65 : memref<640x64xf32, #tpu.memory_space<hbm>>) target_semaphore(%run_scoped3A : memref<!tpu.dma_semaphore, #tpu.memory_space<semaphore_mem>>)
      %dma_wait3A_68 = tpu.memref_slice %arg8[%mul3A_0, %mul3A_54] : memref<10240x128xf32, #tpu.memory_space<hbm>> -> memref<640x64xf32, #tpu.memory_space<hbm>>
      %dma_wait3A_69 = arith.constant 0 : i32
      %dma_wait3A_70 = tpu.memref_slice %arg19[%mul3A_0, %dma_wait3A_69] : memref<10240x64xf32, #tpu.memory_space<vmem_shared>> -> memref<640x64xf32, #tpu.memory_space<vmem_shared>>
      tpu.wait_dma2 semaphore(%run_scoped3A : memref<!tpu.dma_semaphore, #tpu.memory_space<semaphore_mem>>) src(%dma_wait3A_70 : memref<640x64xf32, #tpu.memory_space<vmem_shared>>) dst(%dma_wait3A_68 : memref<640x64xf32, #tpu.memory_space<hbm>>)
      tpu.yield
    }) : () -> ()
    %eq3A_55 = arith.constant 0 : i32
    %eq3A_56 = arith.cmpi eq, %arg0, %eq3A_55 : i32
    %convert_element_type3A_57 = arith.extui %eq3A_56 : i1 to i32
    %cond3A_58 = arith.constant 0 : i32
    %cond3A_59 = arith.cmpi ne, %convert_element_type3A_57, %cond3A_58 : i32
    scf.if %cond3A_59 {
      "tpu.region"() ({
        %run_scoped3A = tpu.sem_alloc : memref<!tpu.dma_semaphore, #tpu.memory_space<semaphore_mem>>
        %dma_start3A_65 = arith.constant 0 : i32
        %dma_start3A_66 = tpu.memref_slice %arg9[%mul3A_0, %dma_start3A_65] : memref<10240x16xf32, #tpu.memory_space<hbm>> -> memref<640x16xf32, #tpu.memory_space<hbm>>
        %dma_start3A_67 = arith.constant 0 : i32
        %dma_start3A_68 = tpu.memref_slice %arg23[%mul3A_0, %dma_start3A_67] : memref<10240x16xf32, #tpu.memory_space<vmem_shared>> -> memref<640x16xf32, #tpu.memory_space<vmem_shared>>
        tpu.enqueue_dma source(%dma_start3A_68 : memref<640x16xf32, #tpu.memory_space<vmem_shared>>) target(%dma_start3A_66 : memref<640x16xf32, #tpu.memory_space<hbm>>) target_semaphore(%run_scoped3A : memref<!tpu.dma_semaphore, #tpu.memory_space<semaphore_mem>>)
        %dma_wait3A_69 = arith.constant 0 : i32
        %dma_wait3A_70 = tpu.memref_slice %arg9[%mul3A_0, %dma_wait3A_69] : memref<10240x16xf32, #tpu.memory_space<hbm>> -> memref<640x16xf32, #tpu.memory_space<hbm>>
        %dma_wait3A_71 = arith.constant 0 : i32
        %dma_wait3A_72 = tpu.memref_slice %arg23[%mul3A_0, %dma_wait3A_71] : memref<10240x16xf32, #tpu.memory_space<vmem_shared>> -> memref<640x16xf32, #tpu.memory_space<vmem_shared>>
        tpu.wait_dma2 semaphore(%run_scoped3A : memref<!tpu.dma_semaphore, #tpu.memory_space<semaphore_mem>>) src(%dma_wait3A_72 : memref<640x16xf32, #tpu.memory_space<vmem_shared>>) dst(%dma_wait3A_70 : memref<640x16xf32, #tpu.memory_space<hbm>>)
        tpu.yield
      }) : () -> ()
    } else {
    }
    %eq3A_60 = arith.constant 1 : i32
    %eq3A_61 = arith.cmpi eq, %arg0, %eq3A_60 : i32
    %convert_element_type3A_62 = arith.extui %eq3A_61 : i1 to i32
    %cond3A_63 = arith.constant 0 : i32
    %cond3A_64 = arith.cmpi ne, %convert_element_type3A_62, %cond3A_63 : i32
    scf.if %cond3A_64 {
      "tpu.region"() ({
        %run_scoped3A = tpu.sem_alloc : memref<!tpu.dma_semaphore, #tpu.memory_space<semaphore_mem>>
        %dma_start3A_65 = arith.constant 0 : i32
        %dma_start3A_66 = tpu.memref_slice %arg10[%mul3A_0, %dma_start3A_65] : memref<10240x16xf32, #tpu.memory_space<hbm>> -> memref<640x16xf32, #tpu.memory_space<hbm>>
        %dma_start3A_67 = arith.constant 0 : i32
        %dma_start3A_68 = tpu.memref_slice %arg23[%mul3A_0, %dma_start3A_67] : memref<10240x16xf32, #tpu.memory_space<vmem_shared>> -> memref<640x16xf32, #tpu.memory_space<vmem_shared>>
        tpu.enqueue_dma source(%dma_start3A_68 : memref<640x16xf32, #tpu.memory_space<vmem_shared>>) target(%dma_start3A_66 : memref<640x16xf32, #tpu.memory_space<hbm>>) target_semaphore(%run_scoped3A : memref<!tpu.dma_semaphore, #tpu.memory_space<semaphore_mem>>)
        %dma_wait3A_69 = arith.constant 0 : i32
        %dma_wait3A_70 = tpu.memref_slice %arg10[%mul3A_0, %dma_wait3A_69] : memref<10240x16xf32, #tpu.memory_space<hbm>> -> memref<640x16xf32, #tpu.memory_space<hbm>>
        %dma_wait3A_71 = arith.constant 0 : i32
        %dma_wait3A_72 = tpu.memref_slice %arg23[%mul3A_0, %dma_wait3A_71] : memref<10240x16xf32, #tpu.memory_space<vmem_shared>> -> memref<640x16xf32, #tpu.memory_space<vmem_shared>>
        tpu.wait_dma2 semaphore(%run_scoped3A : memref<!tpu.dma_semaphore, #tpu.memory_space<semaphore_mem>>) src(%dma_wait3A_72 : memref<640x16xf32, #tpu.memory_space<vmem_shared>>) dst(%dma_wait3A_70 : memref<640x16xf32, #tpu.memory_space<hbm>>)
        tpu.yield
      }) : () -> ()
    } else {
    }
    return
  }
}

#map = affine_map<(d0, d1) -> (0, 0)>
#map1 = affine_map<(d0, d1) -> (0)>
module attributes {stable_mosaic.version = 14 : i64} {
  func.func @body(%arg0: i32, %arg1: i32, %arg2: memref<10000x64xf32, #tpu.memory_space<hbm>>, %arg3: memref<10000x64xf32, #tpu.memory_space<hbm>>, %arg4: memref<2x320000xi32, #tpu.memory_space<hbm>>, %arg5: memref<10240x64xf32, #tpu.memory_space<hbm>>, %arg6: memref<16384xi32, #tpu.memory_space<hbm>>, %arg7: memref<10000x16xf32, #tpu.memory_space<hbm>>, %arg8: memref<16384x128xf32, #tpu.memory_space<hbm>>, %arg9: memref<16384x128xf32, #tpu.memory_space<hbm>>, %arg10: memref<16384x16xf32, #tpu.memory_space<hbm>>, %arg11: memref<2x200xi32, #tpu.memory_space<vmem>>, %arg12: memref<2x200xi32, #tpu.memory_space<vmem>>, %arg13: memref<2x200xi32, #tpu.memory_space<vmem>>, %arg14: memref<2x200xi32, #tpu.memory_space<vmem>>, %arg15: memref<200x64xf32, #tpu.memory_space<vmem>>, %arg16: memref<200x64xf32, #tpu.memory_space<vmem>>, %arg17: memref<200x64xf32, #tpu.memory_space<vmem>>, %arg18: memref<200x64xf32, #tpu.memory_space<vmem>>, %arg19: memref<10240x64xf32, #tpu.memory_space<vmem_shared>>, %arg20: memref<!tpu.dma_semaphore, #tpu.memory_space<semaphore_mem>>, %arg21: memref<!tpu.dma_semaphore, #tpu.memory_space<semaphore_mem>>, %arg22: memref<200x16xf32, #tpu.memory_space<vmem>>, %arg23: memref<200x16xf32, #tpu.memory_space<vmem>>) attributes {dimension_semantics = [#tpu.dimension_semantics<core_parallel>, #tpu.dimension_semantics<subcore_parallel>], iteration_bounds = array<i64: 2, 16>, scalar_prefetch = 0 : i64, scratch_operands = 13 : i64, tpu.core_type = #tpu.core_type<sc_vector_subcore>, window_params = [{transform_indices = #map}, {transform_indices = #map}, {transform_indices = #map}, {transform_indices = #map}, {transform_indices = #map1}, {transform_indices = #map}, {transform_indices = #map}, {transform_indices = #map}, {transform_indices = #map}]} {
    %mul3A = arith.constant 640 : i32
    %mul3A_0 = arith.muli %arg1, %mul3A : i32
    "tpu.region"() ({
      %run_scoped3A_428 = tpu.sem_alloc : memref<!tpu.dma_semaphore, #tpu.memory_space<semaphore_mem>>
      %dma_start3A_429 = arith.constant 0 : i32
      %dma_start3A_430 = tpu.memref_slice %arg19[%mul3A_0, %dma_start3A_429] : memref<10240x64xf32, #tpu.memory_space<vmem_shared>> -> memref<640x64xf32, #tpu.memory_space<vmem_shared>>
      %dma_start3A_431 = arith.constant 0 : i32
      %dma_start3A_432 = tpu.memref_slice %arg5[%mul3A_0, %dma_start3A_431] : memref<10240x64xf32, #tpu.memory_space<hbm>> -> memref<640x64xf32, #tpu.memory_space<hbm>>
      tpu.enqueue_dma source(%dma_start3A_432 : memref<640x64xf32, #tpu.memory_space<hbm>>) target(%dma_start3A_430 : memref<640x64xf32, #tpu.memory_space<vmem_shared>>) target_semaphore(%run_scoped3A_428 : memref<!tpu.dma_semaphore, #tpu.memory_space<semaphore_mem>>)
      %dma_wait3A_433 = arith.constant 0 : i32
      %dma_wait3A_434 = tpu.memref_slice %arg19[%mul3A_0, %dma_wait3A_433] : memref<10240x64xf32, #tpu.memory_space<vmem_shared>> -> memref<640x64xf32, #tpu.memory_space<vmem_shared>>
      %dma_wait3A_435 = arith.constant 0 : i32
      %dma_wait3A_436 = tpu.memref_slice %arg5[%mul3A_0, %dma_wait3A_435] : memref<10240x64xf32, #tpu.memory_space<hbm>> -> memref<640x64xf32, #tpu.memory_space<hbm>>
      tpu.wait_dma2 semaphore(%run_scoped3A_428 : memref<!tpu.dma_semaphore, #tpu.memory_space<semaphore_mem>>) src(%dma_wait3A_436 : memref<640x64xf32, #tpu.memory_space<hbm>>) dst(%dma_wait3A_434 : memref<640x64xf32, #tpu.memory_space<vmem_shared>>)
      tpu.yield
    }) : () -> ()
    %barrier3A = arith.constant 0 : index
    tpu.barrier barrier_id(%barrier3A)
    %mul3A_1 = arith.constant 20000 : i32
    %mul3A_2 = arith.muli %arg1, %mul3A_1 : i32
    %add3A = arith.constant 0 : i32
    %add3A_3 = arith.addi %mul3A_2, %add3A : i32
    %multiple_of3A = tpu.assume_multiple %add3A_3, 8 : i32
    "tpu.region"() ({
      %run_scoped3A_428 = tpu.sem_alloc : memref<!tpu.dma_semaphore, #tpu.memory_space<semaphore_mem>>
      %dma_start3A_429 = arith.constant 0 : i32
      %dma_start3A_430 = tpu.memref_slice %arg4[%dma_start3A_429, %multiple_of3A] : memref<2x320000xi32, #tpu.memory_space<hbm>> -> memref<2x200xi32, #tpu.memory_space<hbm>>
      %dma_start3A_431 = arith.constant 0 : i32
      %dma_start3A_432 = tpu.memref_slice %arg4[%dma_start3A_431, %multiple_of3A] : memref<2x320000xi32, #tpu.memory_space<hbm>> -> memref<2x200xi32, #tpu.memory_space<hbm>>
      tpu.enqueue_dma source(%dma_start3A_432 : memref<2x200xi32, #tpu.memory_space<hbm>>) target(%arg11 : memref<2x200xi32, #tpu.memory_space<vmem>>) target_semaphore(%run_scoped3A_428 : memref<!tpu.dma_semaphore, #tpu.memory_space<semaphore_mem>>)
      %dma_wait3A_433 = arith.constant 0 : i32
      %dma_wait3A_434 = tpu.memref_slice %arg4[%dma_wait3A_433, %multiple_of3A] : memref<2x320000xi32, #tpu.memory_space<hbm>> -> memref<2x200xi32, #tpu.memory_space<hbm>>
      %dma_wait3A_435 = arith.constant 0 : i32
      %dma_wait3A_436 = tpu.memref_slice %arg4[%dma_wait3A_435, %multiple_of3A] : memref<2x320000xi32, #tpu.memory_space<hbm>> -> memref<2x200xi32, #tpu.memory_space<hbm>>
      tpu.wait_dma2 semaphore(%run_scoped3A_428 : memref<!tpu.dma_semaphore, #tpu.memory_space<semaphore_mem>>) src(%dma_wait3A_436 : memref<2x200xi32, #tpu.memory_space<hbm>>) dst(%arg11 : memref<2x200xi32, #tpu.memory_space<vmem>>)
      tpu.yield
    }) : () -> ()
    %add3A_4 = arith.constant 200 : i32
    %add3A_5 = arith.addi %mul3A_2, %add3A_4 : i32
    %multiple_of3A_6 = tpu.assume_multiple %add3A_5, 8 : i32
    "tpu.region"() ({
      %run_scoped3A_428 = tpu.sem_alloc : memref<!tpu.dma_semaphore, #tpu.memory_space<semaphore_mem>>
      %dma_start3A_429 = arith.constant 0 : i32
      %dma_start3A_430 = tpu.memref_slice %arg4[%dma_start3A_429, %multiple_of3A_6] : memref<2x320000xi32, #tpu.memory_space<hbm>> -> memref<2x200xi32, #tpu.memory_space<hbm>>
      %dma_start3A_431 = arith.constant 0 : i32
      %dma_start3A_432 = tpu.memref_slice %arg4[%dma_start3A_431, %multiple_of3A_6] : memref<2x320000xi32, #tpu.memory_space<hbm>> -> memref<2x200xi32, #tpu.memory_space<hbm>>
      tpu.enqueue_dma source(%dma_start3A_432 : memref<2x200xi32, #tpu.memory_space<hbm>>) target(%arg12 : memref<2x200xi32, #tpu.memory_space<vmem>>) target_semaphore(%run_scoped3A_428 : memref<!tpu.dma_semaphore, #tpu.memory_space<semaphore_mem>>)
      %dma_wait3A_433 = arith.constant 0 : i32
      %dma_wait3A_434 = tpu.memref_slice %arg4[%dma_wait3A_433, %multiple_of3A_6] : memref<2x320000xi32, #tpu.memory_space<hbm>> -> memref<2x200xi32, #tpu.memory_space<hbm>>
      %dma_wait3A_435 = arith.constant 0 : i32
      %dma_wait3A_436 = tpu.memref_slice %arg4[%dma_wait3A_435, %multiple_of3A_6] : memref<2x320000xi32, #tpu.memory_space<hbm>> -> memref<2x200xi32, #tpu.memory_space<hbm>>
      tpu.wait_dma2 semaphore(%run_scoped3A_428 : memref<!tpu.dma_semaphore, #tpu.memory_space<semaphore_mem>>) src(%dma_wait3A_436 : memref<2x200xi32, #tpu.memory_space<hbm>>) dst(%arg12 : memref<2x200xi32, #tpu.memory_space<vmem>>)
      tpu.yield
    }) : () -> ()
    %eq3A = arith.constant 0 : i32
    %eq3A_7 = arith.cmpi eq, %arg0, %eq3A : i32
    %convert_element_type3A = arith.extui %eq3A_7 : i1 to i32
    %cond3A = arith.constant 0 : i32
    %cond3A_8 = arith.cmpi ne, %convert_element_type3A, %cond3A : i32
    scf.if %cond3A_8 {
      %dma_start3A_428 = arith.constant 0 : i32
      %dma_start3A_429 = arith.constant 0 : i32
      %dma_start3A_430 = tpu.memref_slice %arg11[%dma_start3A_428, %dma_start3A_429] : memref<2x200xi32, #tpu.memory_space<vmem>> -> memref<1x200xi32, #tpu.memory_space<vmem>>
      %dma_start3A_431 = tpu.memref_squeeze %dma_start3A_430 : memref<1x200xi32, #tpu.memory_space<vmem>> -> memref<200xi32, #tpu.memory_space<vmem>>
      %dma_start3A_432 = arith.constant 0 : i32
      %dma_start3A_433 = arith.constant 0 : i32
      %dma_start3A_434 = tpu.memref_slice %arg2[%dma_start3A_432, %dma_start3A_433] : memref<10000x64xf32, #tpu.memory_space<hbm>> -> memref<10000x64xf32, #tpu.memory_space<hbm>>
      tpu.enqueue_indirect_dma source(%dma_start3A_434 : memref<10000x64xf32, #tpu.memory_space<hbm>>) target(%arg15 : memref<200x64xf32, #tpu.memory_space<vmem>>) offsets(%dma_start3A_431 : memref<200xi32, #tpu.memory_space<vmem>>) semaphore(%arg20 : memref<!tpu.dma_semaphore, #tpu.memory_space<semaphore_mem>>)
    } else {
    }
    %eq3A_9 = arith.constant 1 : i32
    %eq3A_10 = arith.cmpi eq, %arg0, %eq3A_9 : i32
    %convert_element_type3A_11 = arith.extui %eq3A_10 : i1 to i32
    %cond3A_12 = arith.constant 0 : i32
    %cond3A_13 = arith.cmpi ne, %convert_element_type3A_11, %cond3A_12 : i32
    scf.if %cond3A_13 {
      %dma_start3A_428 = arith.constant 0 : i32
      %dma_start3A_429 = arith.constant 0 : i32
      %dma_start3A_430 = tpu.memref_slice %arg11[%dma_start3A_428, %dma_start3A_429] : memref<2x200xi32, #tpu.memory_space<vmem>> -> memref<1x200xi32, #tpu.memory_space<vmem>>
      %dma_start3A_431 = tpu.memref_squeeze %dma_start3A_430 : memref<1x200xi32, #tpu.memory_space<vmem>> -> memref<200xi32, #tpu.memory_space<vmem>>
      %dma_start3A_432 = arith.constant 0 : i32
      %dma_start3A_433 = arith.constant 0 : i32
      %dma_start3A_434 = tpu.memref_slice %arg3[%dma_start3A_432, %dma_start3A_433] : memref<10000x64xf32, #tpu.memory_space<hbm>> -> memref<10000x64xf32, #tpu.memory_space<hbm>>
      tpu.enqueue_indirect_dma source(%dma_start3A_434 : memref<10000x64xf32, #tpu.memory_space<hbm>>) target(%arg15 : memref<200x64xf32, #tpu.memory_space<vmem>>) offsets(%dma_start3A_431 : memref<200xi32, #tpu.memory_space<vmem>>) semaphore(%arg20 : memref<!tpu.dma_semaphore, #tpu.memory_space<semaphore_mem>>)
    } else {
    }
    %eq3A_14 = arith.constant 0 : i32
    %eq3A_15 = arith.cmpi eq, %arg0, %eq3A_14 : i32
    %convert_element_type3A_16 = arith.extui %eq3A_15 : i1 to i32
    %cond3A_17 = arith.constant 0 : i32
    %cond3A_18 = arith.cmpi ne, %convert_element_type3A_16, %cond3A_17 : i32
    scf.if %cond3A_18 {
      %dma_start3A_428 = arith.constant 0 : i32
      %dma_start3A_429 = arith.constant 0 : i32
      %dma_start3A_430 = tpu.memref_slice %arg12[%dma_start3A_428, %dma_start3A_429] : memref<2x200xi32, #tpu.memory_space<vmem>> -> memref<1x200xi32, #tpu.memory_space<vmem>>
      %dma_start3A_431 = tpu.memref_squeeze %dma_start3A_430 : memref<1x200xi32, #tpu.memory_space<vmem>> -> memref<200xi32, #tpu.memory_space<vmem>>
      %dma_start3A_432 = arith.constant 0 : i32
      %dma_start3A_433 = arith.constant 0 : i32
      %dma_start3A_434 = tpu.memref_slice %arg2[%dma_start3A_432, %dma_start3A_433] : memref<10000x64xf32, #tpu.memory_space<hbm>> -> memref<10000x64xf32, #tpu.memory_space<hbm>>
      tpu.enqueue_indirect_dma source(%dma_start3A_434 : memref<10000x64xf32, #tpu.memory_space<hbm>>) target(%arg16 : memref<200x64xf32, #tpu.memory_space<vmem>>) offsets(%dma_start3A_431 : memref<200xi32, #tpu.memory_space<vmem>>) semaphore(%arg20 : memref<!tpu.dma_semaphore, #tpu.memory_space<semaphore_mem>>)
    } else {
    }
    %eq3A_19 = arith.constant 1 : i32
    %eq3A_20 = arith.cmpi eq, %arg0, %eq3A_19 : i32
    %convert_element_type3A_21 = arith.extui %eq3A_20 : i1 to i32
    %cond3A_22 = arith.constant 0 : i32
    %cond3A_23 = arith.cmpi ne, %convert_element_type3A_21, %cond3A_22 : i32
    scf.if %cond3A_23 {
      %dma_start3A_428 = arith.constant 0 : i32
      %dma_start3A_429 = arith.constant 0 : i32
      %dma_start3A_430 = tpu.memref_slice %arg12[%dma_start3A_428, %dma_start3A_429] : memref<2x200xi32, #tpu.memory_space<vmem>> -> memref<1x200xi32, #tpu.memory_space<vmem>>
      %dma_start3A_431 = tpu.memref_squeeze %dma_start3A_430 : memref<1x200xi32, #tpu.memory_space<vmem>> -> memref<200xi32, #tpu.memory_space<vmem>>
      %dma_start3A_432 = arith.constant 0 : i32
      %dma_start3A_433 = arith.constant 0 : i32
      %dma_start3A_434 = tpu.memref_slice %arg3[%dma_start3A_432, %dma_start3A_433] : memref<10000x64xf32, #tpu.memory_space<hbm>> -> memref<10000x64xf32, #tpu.memory_space<hbm>>
      tpu.enqueue_indirect_dma source(%dma_start3A_434 : memref<10000x64xf32, #tpu.memory_space<hbm>>) target(%arg16 : memref<200x64xf32, #tpu.memory_space<vmem>>) offsets(%dma_start3A_431 : memref<200xi32, #tpu.memory_space<vmem>>) semaphore(%arg20 : memref<!tpu.dma_semaphore, #tpu.memory_space<semaphore_mem>>)
    } else {
    }
    %add3A_24 = arith.constant 400 : i32
    %add3A_25 = arith.addi %mul3A_2, %add3A_24 : i32
    %multiple_of3A_26 = tpu.assume_multiple %add3A_25, 8 : i32
    %dma_start3A = arith.constant 0 : i32
    %dma_start3A_27 = tpu.memref_slice %arg4[%dma_start3A, %multiple_of3A_26] : memref<2x320000xi32, #tpu.memory_space<hbm>> -> memref<2x200xi32, #tpu.memory_space<hbm>>
    %dma_start3A_28 = arith.constant 0 : i32
    %dma_start3A_29 = tpu.memref_slice %arg4[%dma_start3A_28, %multiple_of3A_26] : memref<2x320000xi32, #tpu.memory_space<hbm>> -> memref<2x200xi32, #tpu.memory_space<hbm>>
    tpu.enqueue_dma source(%dma_start3A_29 : memref<2x200xi32, #tpu.memory_space<hbm>>) target(%arg13 : memref<2x200xi32, #tpu.memory_space<vmem>>) target_semaphore(%arg21 : memref<!tpu.dma_semaphore, #tpu.memory_space<semaphore_mem>>)
    %scan3A = arith.constant 0 : i32
    %scan3A_30 = arith.constant 0 : i32
    %scan3A_31 = arith.constant 25 : i32
    %scan3A_32 = arith.addi %scan3A_30, %scan3A_31 : i32
    %scan3A_33 = arith.constant 1 : i32
    scf.for %scan3A_428 = %scan3A_30 to %scan3A_32 step %scan3A_33  : i32 {
      %mul3A_429 = arith.constant 4 : i32
      %mul3A_430 = arith.muli %scan3A_428, %mul3A_429 : i32
      %add3A_431 = arith.constant 0 : i32
      %add3A_432 = arith.addi %mul3A_430, %add3A_431 : i32
      %dma_wait3A_433 = arith.constant 0 : i32
      %dma_wait3A_434 = tpu.memref_slice %arg4[%dma_wait3A_433, %mul3A_2] : memref<2x320000xi32, #tpu.memory_space<hbm>> -> memref<2x200xi32, #tpu.memory_space<hbm>>
      %dma_wait3A_435 = arith.constant 0 : i32
      %dma_wait3A_436 = tpu.memref_slice %arg4[%dma_wait3A_435, %mul3A_2] : memref<2x320000xi32, #tpu.memory_space<hbm>> -> memref<2x200xi32, #tpu.memory_space<hbm>>
      tpu.wait_dma2 semaphore(%arg21 : memref<!tpu.dma_semaphore, #tpu.memory_space<semaphore_mem>>) src(%dma_wait3A_436 : memref<2x200xi32, #tpu.memory_space<hbm>>) dst(%arg13 : memref<2x200xi32, #tpu.memory_space<vmem>>)
      %eq3A_437 = arith.constant 0 : i32
      %eq3A_438 = arith.cmpi eq, %arg0, %eq3A_437 : i32
      %convert_element_type3A_439 = arith.extui %eq3A_438 : i1 to i32
      %cond3A_440 = arith.constant 0 : i32
      %cond3A_441 = arith.cmpi ne, %convert_element_type3A_439, %cond3A_440 : i32
      scf.if %cond3A_441 {
        %dma_start3A_574 = arith.constant 0 : i32
        %dma_start3A_575 = arith.constant 0 : i32
        %dma_start3A_576 = tpu.memref_slice %arg13[%dma_start3A_574, %dma_start3A_575] : memref<2x200xi32, #tpu.memory_space<vmem>> -> memref<1x200xi32, #tpu.memory_space<vmem>>
        %dma_start3A_577 = tpu.memref_squeeze %dma_start3A_576 : memref<1x200xi32, #tpu.memory_space<vmem>> -> memref<200xi32, #tpu.memory_space<vmem>>
        %dma_start3A_578 = arith.constant 0 : i32
        %dma_start3A_579 = arith.constant 0 : i32
        %dma_start3A_580 = tpu.memref_slice %arg2[%dma_start3A_578, %dma_start3A_579] : memref<10000x64xf32, #tpu.memory_space<hbm>> -> memref<10000x64xf32, #tpu.memory_space<hbm>>
        tpu.enqueue_indirect_dma source(%dma_start3A_580 : memref<10000x64xf32, #tpu.memory_space<hbm>>) target(%arg17 : memref<200x64xf32, #tpu.memory_space<vmem>>) offsets(%dma_start3A_577 : memref<200xi32, #tpu.memory_space<vmem>>) semaphore(%arg20 : memref<!tpu.dma_semaphore, #tpu.memory_space<semaphore_mem>>)
      } else {
      }
      %eq3A_442 = arith.constant 1 : i32
      %eq3A_443 = arith.cmpi eq, %arg0, %eq3A_442 : i32
      %convert_element_type3A_444 = arith.extui %eq3A_443 : i1 to i32
      %cond3A_445 = arith.constant 0 : i32
      %cond3A_446 = arith.cmpi ne, %convert_element_type3A_444, %cond3A_445 : i32
      scf.if %cond3A_446 {
        %dma_start3A_574 = arith.constant 0 : i32
        %dma_start3A_575 = arith.constant 0 : i32
        %dma_start3A_576 = tpu.memref_slice %arg13[%dma_start3A_574, %dma_start3A_575] : memref<2x200xi32, #tpu.memory_space<vmem>> -> memref<1x200xi32, #tpu.memory_space<vmem>>
        %dma_start3A_577 = tpu.memref_squeeze %dma_start3A_576 : memref<1x200xi32, #tpu.memory_space<vmem>> -> memref<200xi32, #tpu.memory_space<vmem>>
        %dma_start3A_578 = arith.constant 0 : i32
        %dma_start3A_579 = arith.constant 0 : i32
        %dma_start3A_580 = tpu.memref_slice %arg3[%dma_start3A_578, %dma_start3A_579] : memref<10000x64xf32, #tpu.memory_space<hbm>> -> memref<10000x64xf32, #tpu.memory_space<hbm>>
        tpu.enqueue_indirect_dma source(%dma_start3A_580 : memref<10000x64xf32, #tpu.memory_space<hbm>>) target(%arg17 : memref<200x64xf32, #tpu.memory_space<vmem>>) offsets(%dma_start3A_577 : memref<200xi32, #tpu.memory_space<vmem>>) semaphore(%arg20 : memref<!tpu.dma_semaphore, #tpu.memory_space<semaphore_mem>>)
      } else {
      }
      %add3A_447 = arith.constant 3 : i32
      %add3A_448 = arith.addi %add3A_432, %add3A_447 : i32
      %min3A = arith.constant 99 : i32
      %min3A_449 = arith.minsi %add3A_448, %min3A : i32
      %mul3A_450 = arith.constant 200 : i32
      %mul3A_451 = arith.muli %min3A_449, %mul3A_450 : i32
      %add3A_452 = arith.addi %mul3A_2, %mul3A_451 : i32
      %multiple_of3A_453 = tpu.assume_multiple %add3A_452, 8 : i32
      %dma_start3A_454 = arith.constant 0 : i32
      %dma_start3A_455 = tpu.memref_slice %arg4[%dma_start3A_454, %multiple_of3A_453] : memref<2x320000xi32, #tpu.memory_space<hbm>> -> memref<2x200xi32, #tpu.memory_space<hbm>>
      %dma_start3A_456 = arith.constant 0 : i32
      %dma_start3A_457 = tpu.memref_slice %arg4[%dma_start3A_456, %multiple_of3A_453] : memref<2x320000xi32, #tpu.memory_space<hbm>> -> memref<2x200xi32, #tpu.memory_space<hbm>>
      tpu.enqueue_dma source(%dma_start3A_457 : memref<2x200xi32, #tpu.memory_space<hbm>>) target(%arg14 : memref<2x200xi32, #tpu.memory_space<vmem>>) target_semaphore(%arg21 : memref<!tpu.dma_semaphore, #tpu.memory_space<semaphore_mem>>)
      %dma_wait3A_458 = arith.constant 0 : i32
      %dma_wait3A_459 = arith.constant 0 : i32
      %dma_wait3A_460 = tpu.memref_slice %arg11[%dma_wait3A_458, %dma_wait3A_459] : memref<2x200xi32, #tpu.memory_space<vmem>> -> memref<1x200xi32, #tpu.memory_space<vmem>>
      %dma_wait3A_461 = tpu.memref_squeeze %dma_wait3A_460 : memref<1x200xi32, #tpu.memory_space<vmem>> -> memref<200xi32, #tpu.memory_space<vmem>>
      %dma_wait3A_462 = arith.constant 0 : i32
      %dma_wait3A_463 = arith.constant 0 : i32
      %dma_wait3A_464 = tpu.memref_slice %arg2[%dma_wait3A_462, %dma_wait3A_463] : memref<10000x64xf32, #tpu.memory_space<hbm>> -> memref<10000x64xf32, #tpu.memory_space<hbm>>
      tpu.wait_indirect_dma semaphore(%arg20 : memref<!tpu.dma_semaphore, #tpu.memory_space<semaphore_mem>>) src(%dma_wait3A_464 : memref<10000x64xf32, #tpu.memory_space<hbm>>) dst(%arg15 : memref<200x64xf32, #tpu.memory_space<vmem>>)
      %run_scoped3A_465 = arith.constant 1 : i32
      "tpu.region"() ({
        %run_scoped3A_574 = tpu.sem_alloc : memref<!tpu.dma_semaphore, #tpu.memory_space<semaphore_mem>>
        %dma_start3A_575 = arith.constant 0 : i32
        %dma_start3A_576 = tpu.memref_slice %arg11[%run_scoped3A_465, %dma_start3A_575] : memref<2x200xi32, #tpu.memory_space<vmem>> -> memref<1x200xi32, #tpu.memory_space<vmem>>
        %dma_start3A_577 = tpu.memref_squeeze %dma_start3A_576 : memref<1x200xi32, #tpu.memory_space<vmem>> -> memref<200xi32, #tpu.memory_space<vmem>>
        %dma_start3A_578 = arith.constant 0 : i32
        %dma_start3A_579 = arith.constant 0 : i32
        %dma_start3A_580 = tpu.memref_slice %arg19[%dma_start3A_578, %dma_start3A_579] : memref<10240x64xf32, #tpu.memory_space<vmem_shared>> -> memref<10240x64xf32, #tpu.memory_space<vmem_shared>>
        tpu.enqueue_indirect_dma source(%arg15 : memref<200x64xf32, #tpu.memory_space<vmem>>) target(%dma_start3A_580 : memref<10240x64xf32, #tpu.memory_space<vmem_shared>>) offsets(%dma_start3A_577 : memref<200xi32, #tpu.memory_space<vmem>>) semaphore(%run_scoped3A_574 : memref<!tpu.dma_semaphore, #tpu.memory_space<semaphore_mem>>) {add = true}
        %dma_wait3A_581 = arith.constant 0 : i32
        %dma_wait3A_582 = tpu.memref_slice %arg11[%run_scoped3A_465, %dma_wait3A_581] : memref<2x200xi32, #tpu.memory_space<vmem>> -> memref<1x200xi32, #tpu.memory_space<vmem>>
        %dma_wait3A_583 = tpu.memref_squeeze %dma_wait3A_582 : memref<1x200xi32, #tpu.memory_space<vmem>> -> memref<200xi32, #tpu.memory_space<vmem>>
        %dma_wait3A_584 = arith.constant 0 : i32
        %dma_wait3A_585 = arith.constant 0 : i32
        %dma_wait3A_586 = tpu.memref_slice %arg19[%dma_wait3A_584, %dma_wait3A_585] : memref<10240x64xf32, #tpu.memory_space<vmem_shared>> -> memref<10240x64xf32, #tpu.memory_space<vmem_shared>>
        tpu.wait_indirect_dma semaphore(%run_scoped3A_574 : memref<!tpu.dma_semaphore, #tpu.memory_space<semaphore_mem>>) src(%arg15 : memref<200x64xf32, #tpu.memory_space<vmem>>) dst(%dma_wait3A_586 : memref<10240x64xf32, #tpu.memory_space<vmem_shared>>)
        tpu.yield
      }) : () -> ()
      %add3A_466 = arith.constant 1 : i32
      %add3A_467 = arith.addi %mul3A_430, %add3A_466 : i32
      %dma_wait3A_468 = arith.constant 0 : i32
      %dma_wait3A_469 = tpu.memref_slice %arg4[%dma_wait3A_468, %mul3A_2] : memref<2x320000xi32, #tpu.memory_space<hbm>> -> memref<2x200xi32, #tpu.memory_space<hbm>>
      %dma_wait3A_470 = arith.constant 0 : i32
      %dma_wait3A_471 = tpu.memref_slice %arg4[%dma_wait3A_470, %mul3A_2] : memref<2x320000xi32, #tpu.memory_space<hbm>> -> memref<2x200xi32, #tpu.memory_space<hbm>>
      tpu.wait_dma2 semaphore(%arg21 : memref<!tpu.dma_semaphore, #tpu.memory_space<semaphore_mem>>) src(%dma_wait3A_471 : memref<2x200xi32, #tpu.memory_space<hbm>>) dst(%arg14 : memref<2x200xi32, #tpu.memory_space<vmem>>)
      %eq3A_472 = arith.constant 0 : i32
      %eq3A_473 = arith.cmpi eq, %arg0, %eq3A_472 : i32
      %convert_element_type3A_474 = arith.extui %eq3A_473 : i1 to i32
      %cond3A_475 = arith.constant 0 : i32
      %cond3A_476 = arith.cmpi ne, %convert_element_type3A_474, %cond3A_475 : i32
      scf.if %cond3A_476 {
        %dma_start3A_574 = arith.constant 0 : i32
        %dma_start3A_575 = arith.constant 0 : i32
        %dma_start3A_576 = tpu.memref_slice %arg14[%dma_start3A_574, %dma_start3A_575] : memref<2x200xi32, #tpu.memory_space<vmem>> -> memref<1x200xi32, #tpu.memory_space<vmem>>
        %dma_start3A_577 = tpu.memref_squeeze %dma_start3A_576 : memref<1x200xi32, #tpu.memory_space<vmem>> -> memref<200xi32, #tpu.memory_space<vmem>>
        %dma_start3A_578 = arith.constant 0 : i32
        %dma_start3A_579 = arith.constant 0 : i32
        %dma_start3A_580 = tpu.memref_slice %arg2[%dma_start3A_578, %dma_start3A_579] : memref<10000x64xf32, #tpu.memory_space<hbm>> -> memref<10000x64xf32, #tpu.memory_space<hbm>>
        tpu.enqueue_indirect_dma source(%dma_start3A_580 : memref<10000x64xf32, #tpu.memory_space<hbm>>) target(%arg18 : memref<200x64xf32, #tpu.memory_space<vmem>>) offsets(%dma_start3A_577 : memref<200xi32, #tpu.memory_space<vmem>>) semaphore(%arg20 : memref<!tpu.dma_semaphore, #tpu.memory_space<semaphore_mem>>)
      } else {
      }
      %eq3A_477 = arith.constant 1 : i32
      %eq3A_478 = arith.cmpi eq, %arg0, %eq3A_477 : i32
      %convert_element_type3A_479 = arith.extui %eq3A_478 : i1 to i32
      %cond3A_480 = arith.constant 0 : i32
      %cond3A_481 = arith.cmpi ne, %convert_element_type3A_479, %cond3A_480 : i32
      scf.if %cond3A_481 {
        %dma_start3A_574 = arith.constant 0 : i32
        %dma_start3A_575 = arith.constant 0 : i32
        %dma_start3A_576 = tpu.memref_slice %arg14[%dma_start3A_574, %dma_start3A_575] : memref<2x200xi32, #tpu.memory_space<vmem>> -> memref<1x200xi32, #tpu.memory_space<vmem>>
        %dma_start3A_577 = tpu.memref_squeeze %dma_start3A_576 : memref<1x200xi32, #tpu.memory_space<vmem>> -> memref<200xi32, #tpu.memory_space<vmem>>
        %dma_start3A_578 = arith.constant 0 : i32
        %dma_start3A_579 = arith.constant 0 : i32
        %dma_start3A_580 = tpu.memref_slice %arg3[%dma_start3A_578, %dma_start3A_579] : memref<10000x64xf32, #tpu.memory_space<hbm>> -> memref<10000x64xf32, #tpu.memory_space<hbm>>
        tpu.enqueue_indirect_dma source(%dma_start3A_580 : memref<10000x64xf32, #tpu.memory_space<hbm>>) target(%arg18 : memref<200x64xf32, #tpu.memory_space<vmem>>) offsets(%dma_start3A_577 : memref<200xi32, #tpu.memory_space<vmem>>) semaphore(%arg20 : memref<!tpu.dma_semaphore, #tpu.memory_space<semaphore_mem>>)
      } else {
      }
      %add3A_482 = arith.constant 3 : i32
      %add3A_483 = arith.addi %add3A_467, %add3A_482 : i32
      %min3A_484 = arith.constant 99 : i32
      %min3A_485 = arith.minsi %add3A_483, %min3A_484 : i32
      %mul3A_486 = arith.constant 200 : i32
      %mul3A_487 = arith.muli %min3A_485, %mul3A_486 : i32
      %add3A_488 = arith.addi %mul3A_2, %mul3A_487 : i32
      %multiple_of3A_489 = tpu.assume_multiple %add3A_488, 8 : i32
      %dma_start3A_490 = arith.constant 0 : i32
      %dma_start3A_491 = tpu.memref_slice %arg4[%dma_start3A_490, %multiple_of3A_489] : memref<2x320000xi32, #tpu.memory_space<hbm>> -> memref<2x200xi32, #tpu.memory_space<hbm>>
      %dma_start3A_492 = arith.constant 0 : i32
      %dma_start3A_493 = tpu.memref_slice %arg4[%dma_start3A_492, %multiple_of3A_489] : memref<2x320000xi32, #tpu.memory_space<hbm>> -> memref<2x200xi32, #tpu.memory_space<hbm>>
      tpu.enqueue_dma source(%dma_start3A_493 : memref<2x200xi32, #tpu.memory_space<hbm>>) target(%arg11 : memref<2x200xi32, #tpu.memory_space<vmem>>) target_semaphore(%arg21 : memref<!tpu.dma_semaphore, #tpu.memory_space<semaphore_mem>>)
      %dma_wait3A_494 = arith.constant 0 : i32
      %dma_wait3A_495 = arith.constant 0 : i32
      %dma_wait3A_496 = tpu.memref_slice %arg12[%dma_wait3A_494, %dma_wait3A_495] : memref<2x200xi32, #tpu.memory_space<vmem>> -> memref<1x200xi32, #tpu.memory_space<vmem>>
      %dma_wait3A_497 = tpu.memref_squeeze %dma_wait3A_496 : memref<1x200xi32, #tpu.memory_space<vmem>> -> memref<200xi32, #tpu.memory_space<vmem>>
      %dma_wait3A_498 = arith.constant 0 : i32
      %dma_wait3A_499 = arith.constant 0 : i32
      %dma_wait3A_500 = tpu.memref_slice %arg2[%dma_wait3A_498, %dma_wait3A_499] : memref<10000x64xf32, #tpu.memory_space<hbm>> -> memref<10000x64xf32, #tpu.memory_space<hbm>>
      tpu.wait_indirect_dma semaphore(%arg20 : memref<!tpu.dma_semaphore, #tpu.memory_space<semaphore_mem>>) src(%dma_wait3A_500 : memref<10000x64xf32, #tpu.memory_space<hbm>>) dst(%arg16 : memref<200x64xf32, #tpu.memory_space<vmem>>)
      %run_scoped3A_501 = arith.constant 1 : i32
      "tpu.region"() ({
        %run_scoped3A_574 = tpu.sem_alloc : memref<!tpu.dma_semaphore, #tpu.memory_space<semaphore_mem>>
        %dma_start3A_575 = arith.constant 0 : i32
        %dma_start3A_576 = tpu.memref_slice %arg12[%run_scoped3A_501, %dma_start3A_575] : memref<2x200xi32, #tpu.memory_space<vmem>> -> memref<1x200xi32, #tpu.memory_space<vmem>>
        %dma_start3A_577 = tpu.memref_squeeze %dma_start3A_576 : memref<1x200xi32, #tpu.memory_space<vmem>> -> memref<200xi32, #tpu.memory_space<vmem>>
        %dma_start3A_578 = arith.constant 0 : i32
        %dma_start3A_579 = arith.constant 0 : i32
        %dma_start3A_580 = tpu.memref_slice %arg19[%dma_start3A_578, %dma_start3A_579] : memref<10240x64xf32, #tpu.memory_space<vmem_shared>> -> memref<10240x64xf32, #tpu.memory_space<vmem_shared>>
        tpu.enqueue_indirect_dma source(%arg16 : memref<200x64xf32, #tpu.memory_space<vmem>>) target(%dma_start3A_580 : memref<10240x64xf32, #tpu.memory_space<vmem_shared>>) offsets(%dma_start3A_577 : memref<200xi32, #tpu.memory_space<vmem>>) semaphore(%run_scoped3A_574 : memref<!tpu.dma_semaphore, #tpu.memory_space<semaphore_mem>>) {add = true}
        %dma_wait3A_581 = arith.constant 0 : i32
        %dma_wait3A_582 = tpu.memref_slice %arg12[%run_scoped3A_501, %dma_wait3A_581] : memref<2x200xi32, #tpu.memory_space<vmem>> -> memref<1x200xi32, #tpu.memory_space<vmem>>
        %dma_wait3A_583 = tpu.memref_squeeze %dma_wait3A_582 : memref<1x200xi32, #tpu.memory_space<vmem>> -> memref<200xi32, #tpu.memory_space<vmem>>
        %dma_wait3A_584 = arith.constant 0 : i32
        %dma_wait3A_585 = arith.constant 0 : i32
        %dma_wait3A_586 = tpu.memref_slice %arg19[%dma_wait3A_584, %dma_wait3A_585] : memref<10240x64xf32, #tpu.memory_space<vmem_shared>> -> memref<10240x64xf32, #tpu.memory_space<vmem_shared>>
        tpu.wait_indirect_dma semaphore(%run_scoped3A_574 : memref<!tpu.dma_semaphore, #tpu.memory_space<semaphore_mem>>) src(%arg16 : memref<200x64xf32, #tpu.memory_space<vmem>>) dst(%dma_wait3A_586 : memref<10240x64xf32, #tpu.memory_space<vmem_shared>>)
        tpu.yield
      }) : () -> ()
      %add3A_502 = arith.constant 2 : i32
      %add3A_503 = arith.addi %mul3A_430, %add3A_502 : i32
      %dma_wait3A_504 = arith.constant 0 : i32
      %dma_wait3A_505 = tpu.memref_slice %arg4[%dma_wait3A_504, %mul3A_2] : memref<2x320000xi32, #tpu.memory_space<hbm>> -> memref<2x200xi32, #tpu.memory_space<hbm>>
      %dma_wait3A_506 = arith.constant 0 : i32
      %dma_wait3A_507 = tpu.memref_slice %arg4[%dma_wait3A_506, %mul3A_2] : memref<2x320000xi32, #tpu.memory_space<hbm>> -> memref<2x200xi32, #tpu.memory_space<hbm>>
      tpu.wait_dma2 semaphore(%arg21 : memref<!tpu.dma_semaphore, #tpu.memory_space<semaphore_mem>>) src(%dma_wait3A_507 : memref<2x200xi32, #tpu.memory_space<hbm>>) dst(%arg11 : memref<2x200xi32, #tpu.memory_space<vmem>>)
      %eq3A_508 = arith.constant 0 : i32
      %eq3A_509 = arith.cmpi eq, %arg0, %eq3A_508 : i32
      %convert_element_type3A_510 = arith.extui %eq3A_509 : i1 to i32
      %cond3A_511 = arith.constant 0 : i32
      %cond3A_512 = arith.cmpi ne, %convert_element_type3A_510, %cond3A_511 : i32
      scf.if %cond3A_512 {
        %dma_start3A_574 = arith.constant 0 : i32
        %dma_start3A_575 = arith.constant 0 : i32
        %dma_start3A_576 = tpu.memref_slice %arg11[%dma_start3A_574, %dma_start3A_575] : memref<2x200xi32, #tpu.memory_space<vmem>> -> memref<1x200xi32, #tpu.memory_space<vmem>>
        %dma_start3A_577 = tpu.memref_squeeze %dma_start3A_576 : memref<1x200xi32, #tpu.memory_space<vmem>> -> memref<200xi32, #tpu.memory_space<vmem>>
        %dma_start3A_578 = arith.constant 0 : i32
        %dma_start3A_579 = arith.constant 0 : i32
        %dma_start3A_580 = tpu.memref_slice %arg2[%dma_start3A_578, %dma_start3A_579] : memref<10000x64xf32, #tpu.memory_space<hbm>> -> memref<10000x64xf32, #tpu.memory_space<hbm>>
        tpu.enqueue_indirect_dma source(%dma_start3A_580 : memref<10000x64xf32, #tpu.memory_space<hbm>>) target(%arg15 : memref<200x64xf32, #tpu.memory_space<vmem>>) offsets(%dma_start3A_577 : memref<200xi32, #tpu.memory_space<vmem>>) semaphore(%arg20 : memref<!tpu.dma_semaphore, #tpu.memory_space<semaphore_mem>>)
      } else {
      }
      %eq3A_513 = arith.constant 1 : i32
      %eq3A_514 = arith.cmpi eq, %arg0, %eq3A_513 : i32
      %convert_element_type3A_515 = arith.extui %eq3A_514 : i1 to i32
      %cond3A_516 = arith.constant 0 : i32
      %cond3A_517 = arith.cmpi ne, %convert_element_type3A_515, %cond3A_516 : i32
      scf.if %cond3A_517 {
        %dma_start3A_574 = arith.constant 0 : i32
        %dma_start3A_575 = arith.constant 0 : i32
        %dma_start3A_576 = tpu.memref_slice %arg11[%dma_start3A_574, %dma_start3A_575] : memref<2x200xi32, #tpu.memory_space<vmem>> -> memref<1x200xi32, #tpu.memory_space<vmem>>
        %dma_start3A_577 = tpu.memref_squeeze %dma_start3A_576 : memref<1x200xi32, #tpu.memory_space<vmem>> -> memref<200xi32, #tpu.memory_space<vmem>>
        %dma_start3A_578 = arith.constant 0 : i32
        %dma_start3A_579 = arith.constant 0 : i32
        %dma_start3A_580 = tpu.memref_slice %arg3[%dma_start3A_578, %dma_start3A_579] : memref<10000x64xf32, #tpu.memory_space<hbm>> -> memref<10000x64xf32, #tpu.memory_space<hbm>>
        tpu.enqueue_indirect_dma source(%dma_start3A_580 : memref<10000x64xf32, #tpu.memory_space<hbm>>) target(%arg15 : memref<200x64xf32, #tpu.memory_space<vmem>>) offsets(%dma_start3A_577 : memref<200xi32, #tpu.memory_space<vmem>>) semaphore(%arg20 : memref<!tpu.dma_semaphore, #tpu.memory_space<semaphore_mem>>)
      } else {
      }
      %add3A_518 = arith.constant 3 : i32
      %add3A_519 = arith.addi %add3A_503, %add3A_518 : i32
      %min3A_520 = arith.constant 99 : i32
      %min3A_521 = arith.minsi %add3A_519, %min3A_520 : i32
      %mul3A_522 = arith.constant 200 : i32
      %mul3A_523 = arith.muli %min3A_521, %mul3A_522 : i32
      %add3A_524 = arith.addi %mul3A_2, %mul3A_523 : i32
      %multiple_of3A_525 = tpu.assume_multiple %add3A_524, 8 : i32
      %dma_start3A_526 = arith.constant 0 : i32
      %dma_start3A_527 = tpu.memref_slice %arg4[%dma_start3A_526, %multiple_of3A_525] : memref<2x320000xi32, #tpu.memory_space<hbm>> -> memref<2x200xi32, #tpu.memory_space<hbm>>
      %dma_start3A_528 = arith.constant 0 : i32
      %dma_start3A_529 = tpu.memref_slice %arg4[%dma_start3A_528, %multiple_of3A_525] : memref<2x320000xi32, #tpu.memory_space<hbm>> -> memref<2x200xi32, #tpu.memory_space<hbm>>
      tpu.enqueue_dma source(%dma_start3A_529 : memref<2x200xi32, #tpu.memory_space<hbm>>) target(%arg12 : memref<2x200xi32, #tpu.memory_space<vmem>>) target_semaphore(%arg21 : memref<!tpu.dma_semaphore, #tpu.memory_space<semaphore_mem>>)
      %dma_wait3A_530 = arith.constant 0 : i32
      %dma_wait3A_531 = arith.constant 0 : i32
      %dma_wait3A_532 = tpu.memref_slice %arg13[%dma_wait3A_530, %dma_wait3A_531] : memref<2x200xi32, #tpu.memory_space<vmem>> -> memref<1x200xi32, #tpu.memory_space<vmem>>
      %dma_wait3A_533 = tpu.memref_squeeze %dma_wait3A_532 : memref<1x200xi32, #tpu.memory_space<vmem>> -> memref<200xi32, #tpu.memory_space<vmem>>
      %dma_wait3A_534 = arith.constant 0 : i32
      %dma_wait3A_535 = arith.constant 0 : i32
      %dma_wait3A_536 = tpu.memref_slice %arg2[%dma_wait3A_534, %dma_wait3A_535] : memref<10000x64xf32, #tpu.memory_space<hbm>> -> memref<10000x64xf32, #tpu.memory_space<hbm>>
      tpu.wait_indirect_dma semaphore(%arg20 : memref<!tpu.dma_semaphore, #tpu.memory_space<semaphore_mem>>) src(%dma_wait3A_536 : memref<10000x64xf32, #tpu.memory_space<hbm>>) dst(%arg17 : memref<200x64xf32, #tpu.memory_space<vmem>>)
      %run_scoped3A_537 = arith.constant 1 : i32
      "tpu.region"() ({
        %run_scoped3A_574 = tpu.sem_alloc : memref<!tpu.dma_semaphore, #tpu.memory_space<semaphore_mem>>
        %dma_start3A_575 = arith.constant 0 : i32
        %dma_start3A_576 = tpu.memref_slice %arg13[%run_scoped3A_537, %dma_start3A_575] : memref<2x200xi32, #tpu.memory_space<vmem>> -> memref<1x200xi32, #tpu.memory_space<vmem>>
        %dma_start3A_577 = tpu.memref_squeeze %dma_start3A_576 : memref<1x200xi32, #tpu.memory_space<vmem>> -> memref<200xi32, #tpu.memory_space<vmem>>
        %dma_start3A_578 = arith.constant 0 : i32
        %dma_start3A_579 = arith.constant 0 : i32
        %dma_start3A_580 = tpu.memref_slice %arg19[%dma_start3A_578, %dma_start3A_579] : memref<10240x64xf32, #tpu.memory_space<vmem_shared>> -> memref<10240x64xf32, #tpu.memory_space<vmem_shared>>
        tpu.enqueue_indirect_dma source(%arg17 : memref<200x64xf32, #tpu.memory_space<vmem>>) target(%dma_start3A_580 : memref<10240x64xf32, #tpu.memory_space<vmem_shared>>) offsets(%dma_start3A_577 : memref<200xi32, #tpu.memory_space<vmem>>) semaphore(%run_scoped3A_574 : memref<!tpu.dma_semaphore, #tpu.memory_space<semaphore_mem>>) {add = true}
        %dma_wait3A_581 = arith.constant 0 : i32
        %dma_wait3A_582 = tpu.memref_slice %arg13[%run_scoped3A_537, %dma_wait3A_581] : memref<2x200xi32, #tpu.memory_space<vmem>> -> memref<1x200xi32, #tpu.memory_space<vmem>>
        %dma_wait3A_583 = tpu.memref_squeeze %dma_wait3A_582 : memref<1x200xi32, #tpu.memory_space<vmem>> -> memref<200xi32, #tpu.memory_space<vmem>>
        %dma_wait3A_584 = arith.constant 0 : i32
        %dma_wait3A_585 = arith.constant 0 : i32
        %dma_wait3A_586 = tpu.memref_slice %arg19[%dma_wait3A_584, %dma_wait3A_585] : memref<10240x64xf32, #tpu.memory_space<vmem_shared>> -> memref<10240x64xf32, #tpu.memory_space<vmem_shared>>
        tpu.wait_indirect_dma semaphore(%run_scoped3A_574 : memref<!tpu.dma_semaphore, #tpu.memory_space<semaphore_mem>>) src(%arg17 : memref<200x64xf32, #tpu.memory_space<vmem>>) dst(%dma_wait3A_586 : memref<10240x64xf32, #tpu.memory_space<vmem_shared>>)
        tpu.yield
      }) : () -> ()
      %add3A_538 = arith.constant 3 : i32
      %add3A_539 = arith.addi %mul3A_430, %add3A_538 : i32
      %dma_wait3A_540 = arith.constant 0 : i32
      %dma_wait3A_541 = tpu.memref_slice %arg4[%dma_wait3A_540, %mul3A_2] : memref<2x320000xi32, #tpu.memory_space<hbm>> -> memref<2x200xi32, #tpu.memory_space<hbm>>
      %dma_wait3A_542 = arith.constant 0 : i32
      %dma_wait3A_543 = tpu.memref_slice %arg4[%dma_wait3A_542, %mul3A_2] : memref<2x320000xi32, #tpu.memory_space<hbm>> -> memref<2x200xi32, #tpu.memory_space<hbm>>
      tpu.wait_dma2 semaphore(%arg21 : memref<!tpu.dma_semaphore, #tpu.memory_space<semaphore_mem>>) src(%dma_wait3A_543 : memref<2x200xi32, #tpu.memory_space<hbm>>) dst(%arg12 : memref<2x200xi32, #tpu.memory_space<vmem>>)
      %eq3A_544 = arith.constant 0 : i32
      %eq3A_545 = arith.cmpi eq, %arg0, %eq3A_544 : i32
      %convert_element_type3A_546 = arith.extui %eq3A_545 : i1 to i32
      %cond3A_547 = arith.constant 0 : i32
      %cond3A_548 = arith.cmpi ne, %convert_element_type3A_546, %cond3A_547 : i32
      scf.if %cond3A_548 {
        %dma_start3A_574 = arith.constant 0 : i32
        %dma_start3A_575 = arith.constant 0 : i32
        %dma_start3A_576 = tpu.memref_slice %arg12[%dma_start3A_574, %dma_start3A_575] : memref<2x200xi32, #tpu.memory_space<vmem>> -> memref<1x200xi32, #tpu.memory_space<vmem>>
        %dma_start3A_577 = tpu.memref_squeeze %dma_start3A_576 : memref<1x200xi32, #tpu.memory_space<vmem>> -> memref<200xi32, #tpu.memory_space<vmem>>
        %dma_start3A_578 = arith.constant 0 : i32
        %dma_start3A_579 = arith.constant 0 : i32
        %dma_start3A_580 = tpu.memref_slice %arg2[%dma_start3A_578, %dma_start3A_579] : memref<10000x64xf32, #tpu.memory_space<hbm>> -> memref<10000x64xf32, #tpu.memory_space<hbm>>
        tpu.enqueue_indirect_dma source(%dma_start3A_580 : memref<10000x64xf32, #tpu.memory_space<hbm>>) target(%arg16 : memref<200x64xf32, #tpu.memory_space<vmem>>) offsets(%dma_start3A_577 : memref<200xi32, #tpu.memory_space<vmem>>) semaphore(%arg20 : memref<!tpu.dma_semaphore, #tpu.memory_space<semaphore_mem>>)
      } else {
      }
      %eq3A_549 = arith.constant 1 : i32
      %eq3A_550 = arith.cmpi eq, %arg0, %eq3A_549 : i32
      %convert_element_type3A_551 = arith.extui %eq3A_550 : i1 to i32
      %cond3A_552 = arith.constant 0 : i32
      %cond3A_553 = arith.cmpi ne, %convert_element_type3A_551, %cond3A_552 : i32
      scf.if %cond3A_553 {
        %dma_start3A_574 = arith.constant 0 : i32
        %dma_start3A_575 = arith.constant 0 : i32
        %dma_start3A_576 = tpu.memref_slice %arg12[%dma_start3A_574, %dma_start3A_575] : memref<2x200xi32, #tpu.memory_space<vmem>> -> memref<1x200xi32, #tpu.memory_space<vmem>>
        %dma_start3A_577 = tpu.memref_squeeze %dma_start3A_576 : memref<1x200xi32, #tpu.memory_space<vmem>> -> memref<200xi32, #tpu.memory_space<vmem>>
        %dma_start3A_578 = arith.constant 0 : i32
        %dma_start3A_579 = arith.constant 0 : i32
        %dma_start3A_580 = tpu.memref_slice %arg3[%dma_start3A_578, %dma_start3A_579] : memref<10000x64xf32, #tpu.memory_space<hbm>> -> memref<10000x64xf32, #tpu.memory_space<hbm>>
        tpu.enqueue_indirect_dma source(%dma_start3A_580 : memref<10000x64xf32, #tpu.memory_space<hbm>>) target(%arg16 : memref<200x64xf32, #tpu.memory_space<vmem>>) offsets(%dma_start3A_577 : memref<200xi32, #tpu.memory_space<vmem>>) semaphore(%arg20 : memref<!tpu.dma_semaphore, #tpu.memory_space<semaphore_mem>>)
      } else {
      }
      %add3A_554 = arith.constant 3 : i32
      %add3A_555 = arith.addi %add3A_539, %add3A_554 : i32
      %min3A_556 = arith.constant 99 : i32
      %min3A_557 = arith.minsi %add3A_555, %min3A_556 : i32
      %mul3A_558 = arith.constant 200 : i32
      %mul3A_559 = arith.muli %min3A_557, %mul3A_558 : i32
      %add3A_560 = arith.addi %mul3A_2, %mul3A_559 : i32
      %multiple_of3A_561 = tpu.assume_multiple %add3A_560, 8 : i32
      %dma_start3A_562 = arith.constant 0 : i32
      %dma_start3A_563 = tpu.memref_slice %arg4[%dma_start3A_562, %multiple_of3A_561] : memref<2x320000xi32, #tpu.memory_space<hbm>> -> memref<2x200xi32, #tpu.memory_space<hbm>>
      %dma_start3A_564 = arith.constant 0 : i32
      %dma_start3A_565 = tpu.memref_slice %arg4[%dma_start3A_564, %multiple_of3A_561] : memref<2x320000xi32, #tpu.memory_space<hbm>> -> memref<2x200xi32, #tpu.memory_space<hbm>>
      tpu.enqueue_dma source(%dma_start3A_565 : memref<2x200xi32, #tpu.memory_space<hbm>>) target(%arg13 : memref<2x200xi32, #tpu.memory_space<vmem>>) target_semaphore(%arg21 : memref<!tpu.dma_semaphore, #tpu.memory_space<semaphore_mem>>)
      %dma_wait3A_566 = arith.constant 0 : i32
      %dma_wait3A_567 = arith.constant 0 : i32
      %dma_wait3A_568 = tpu.memref_slice %arg14[%dma_wait3A_566, %dma_wait3A_567] : memref<2x200xi32, #tpu.memory_space<vmem>> -> memref<1x200xi32, #tpu.memory_space<vmem>>
      %dma_wait3A_569 = tpu.memref_squeeze %dma_wait3A_568 : memref<1x200xi32, #tpu.memory_space<vmem>> -> memref<200xi32, #tpu.memory_space<vmem>>
      %dma_wait3A_570 = arith.constant 0 : i32
      %dma_wait3A_571 = arith.constant 0 : i32
      %dma_wait3A_572 = tpu.memref_slice %arg2[%dma_wait3A_570, %dma_wait3A_571] : memref<10000x64xf32, #tpu.memory_space<hbm>> -> memref<10000x64xf32, #tpu.memory_space<hbm>>
      tpu.wait_indirect_dma semaphore(%arg20 : memref<!tpu.dma_semaphore, #tpu.memory_space<semaphore_mem>>) src(%dma_wait3A_572 : memref<10000x64xf32, #tpu.memory_space<hbm>>) dst(%arg18 : memref<200x64xf32, #tpu.memory_space<vmem>>)
      %run_scoped3A_573 = arith.constant 1 : i32
      "tpu.region"() ({
        %run_scoped3A_574 = tpu.sem_alloc : memref<!tpu.dma_semaphore, #tpu.memory_space<semaphore_mem>>
        %dma_start3A_575 = arith.constant 0 : i32
        %dma_start3A_576 = tpu.memref_slice %arg14[%run_scoped3A_573, %dma_start3A_575] : memref<2x200xi32, #tpu.memory_space<vmem>> -> memref<1x200xi32, #tpu.memory_space<vmem>>
        %dma_start3A_577 = tpu.memref_squeeze %dma_start3A_576 : memref<1x200xi32, #tpu.memory_space<vmem>> -> memref<200xi32, #tpu.memory_space<vmem>>
        %dma_start3A_578 = arith.constant 0 : i32
        %dma_start3A_579 = arith.constant 0 : i32
        %dma_start3A_580 = tpu.memref_slice %arg19[%dma_start3A_578, %dma_start3A_579] : memref<10240x64xf32, #tpu.memory_space<vmem_shared>> -> memref<10240x64xf32, #tpu.memory_space<vmem_shared>>
        tpu.enqueue_indirect_dma source(%arg18 : memref<200x64xf32, #tpu.memory_space<vmem>>) target(%dma_start3A_580 : memref<10240x64xf32, #tpu.memory_space<vmem_shared>>) offsets(%dma_start3A_577 : memref<200xi32, #tpu.memory_space<vmem>>) semaphore(%run_scoped3A_574 : memref<!tpu.dma_semaphore, #tpu.memory_space<semaphore_mem>>) {add = true}
        %dma_wait3A_581 = arith.constant 0 : i32
        %dma_wait3A_582 = tpu.memref_slice %arg14[%run_scoped3A_573, %dma_wait3A_581] : memref<2x200xi32, #tpu.memory_space<vmem>> -> memref<1x200xi32, #tpu.memory_space<vmem>>
        %dma_wait3A_583 = tpu.memref_squeeze %dma_wait3A_582 : memref<1x200xi32, #tpu.memory_space<vmem>> -> memref<200xi32, #tpu.memory_space<vmem>>
        %dma_wait3A_584 = arith.constant 0 : i32
        %dma_wait3A_585 = arith.constant 0 : i32
        %dma_wait3A_586 = tpu.memref_slice %arg19[%dma_wait3A_584, %dma_wait3A_585] : memref<10240x64xf32, #tpu.memory_space<vmem_shared>> -> memref<10240x64xf32, #tpu.memory_space<vmem_shared>>
        tpu.wait_indirect_dma semaphore(%run_scoped3A_574 : memref<!tpu.dma_semaphore, #tpu.memory_space<semaphore_mem>>) src(%arg18 : memref<200x64xf32, #tpu.memory_space<vmem>>) dst(%dma_wait3A_586 : memref<10240x64xf32, #tpu.memory_space<vmem_shared>>)
        tpu.yield
      }) : () -> ()
    }
    %scan3A_34 = arith.constant 25 : i32
    %dma_wait3A = arith.constant 0 : i32
    %dma_wait3A_35 = arith.constant 0 : i32
    %dma_wait3A_36 = tpu.memref_slice %arg11[%dma_wait3A, %dma_wait3A_35] : memref<2x200xi32, #tpu.memory_space<vmem>> -> memref<1x200xi32, #tpu.memory_space<vmem>>
    %dma_wait3A_37 = tpu.memref_squeeze %dma_wait3A_36 : memref<1x200xi32, #tpu.memory_space<vmem>> -> memref<200xi32, #tpu.memory_space<vmem>>
    %dma_wait3A_38 = arith.constant 0 : i32
    %dma_wait3A_39 = arith.constant 0 : i32
    %dma_wait3A_40 = tpu.memref_slice %arg2[%dma_wait3A_38, %dma_wait3A_39] : memref<10000x64xf32, #tpu.memory_space<hbm>> -> memref<10000x64xf32, #tpu.memory_space<hbm>>
    tpu.wait_indirect_dma semaphore(%arg20 : memref<!tpu.dma_semaphore, #tpu.memory_space<semaphore_mem>>) src(%dma_wait3A_40 : memref<10000x64xf32, #tpu.memory_space<hbm>>) dst(%arg15 : memref<200x64xf32, #tpu.memory_space<vmem>>)
    %dma_wait3A_41 = arith.constant 0 : i32
    %dma_wait3A_42 = arith.constant 0 : i32
    %dma_wait3A_43 = tpu.memref_slice %arg12[%dma_wait3A_41, %dma_wait3A_42] : memref<2x200xi32, #tpu.memory_space<vmem>> -> memref<1x200xi32, #tpu.memory_space<vmem>>
    %dma_wait3A_44 = tpu.memref_squeeze %dma_wait3A_43 : memref<1x200xi32, #tpu.memory_space<vmem>> -> memref<200xi32, #tpu.memory_space<vmem>>
    %dma_wait3A_45 = arith.constant 0 : i32
    %dma_wait3A_46 = arith.constant 0 : i32
    %dma_wait3A_47 = tpu.memref_slice %arg2[%dma_wait3A_45, %dma_wait3A_46] : memref<10000x64xf32, #tpu.memory_space<hbm>> -> memref<10000x64xf32, #tpu.memory_space<hbm>>
    tpu.wait_indirect_dma semaphore(%arg20 : memref<!tpu.dma_semaphore, #tpu.memory_space<semaphore_mem>>) src(%dma_wait3A_47 : memref<10000x64xf32, #tpu.memory_space<hbm>>) dst(%arg16 : memref<200x64xf32, #tpu.memory_space<vmem>>)
    %dma_wait3A_48 = arith.constant 0 : i32
    %dma_wait3A_49 = tpu.memref_slice %arg4[%dma_wait3A_48, %mul3A_2] : memref<2x320000xi32, #tpu.memory_space<hbm>> -> memref<2x200xi32, #tpu.memory_space<hbm>>
    %dma_wait3A_50 = arith.constant 0 : i32
    %dma_wait3A_51 = tpu.memref_slice %arg4[%dma_wait3A_50, %mul3A_2] : memref<2x320000xi32, #tpu.memory_space<hbm>> -> memref<2x200xi32, #tpu.memory_space<hbm>>
    tpu.wait_dma2 semaphore(%arg21 : memref<!tpu.dma_semaphore, #tpu.memory_space<semaphore_mem>>) src(%dma_wait3A_51 : memref<2x200xi32, #tpu.memory_space<hbm>>) dst(%arg13 : memref<2x200xi32, #tpu.memory_space<vmem>>)
    %barrier3A_52 = arith.constant 0 : index
    tpu.barrier barrier_id(%barrier3A_52)
    %mul3A_53 = arith.constant 16 : i32
    %mul3A_54 = arith.muli %arg0, %mul3A_53 : i32
    %add3A_55 = arith.addi %mul3A_54, %arg1 : i32
    %mul3A_56 = arith.constant 512 : i32
    %mul3A_57 = arith.muli %add3A_55, %mul3A_56 : i32
    %add3A_58 = arith.constant 0 : i32
    %add3A_59 = arith.addi %mul3A_57, %add3A_58 : i32
    %run_scoped3A = arith.constant 0 : i32
    "tpu.region"() ({
      %run_scoped3A_428 = tpu.sem_alloc : memref<!tpu.dma_semaphore, #tpu.memory_space<semaphore_mem>>
      %dma_start3A_429 = arith.constant 0 : i32
      %dma_start3A_430 = tpu.memref_slice %arg11[%run_scoped3A, %dma_start3A_429] : memref<2x200xi32, #tpu.memory_space<vmem>> -> memref<1x200xi32, #tpu.memory_space<vmem>>
      %dma_start3A_431 = tpu.memref_squeeze %dma_start3A_430 : memref<1x200xi32, #tpu.memory_space<vmem>> -> memref<200xi32, #tpu.memory_space<vmem>>
      %dma_start3A_432 = tpu.memref_slice %arg6[%add3A_59] : memref<16384xi32, #tpu.memory_space<hbm>> -> memref<200xi32, #tpu.memory_space<hbm>>
      %dma_start3A_433 = arith.constant 0 : i32
      %dma_start3A_434 = tpu.memref_slice %arg11[%run_scoped3A, %dma_start3A_433] : memref<2x200xi32, #tpu.memory_space<vmem>> -> memref<1x200xi32, #tpu.memory_space<vmem>>
      %dma_start3A_435 = tpu.memref_squeeze %dma_start3A_434 : memref<1x200xi32, #tpu.memory_space<vmem>> -> memref<200xi32, #tpu.memory_space<vmem>>
      %dma_start3A_436 = tpu.memref_slice %arg6[%add3A_59] : memref<16384xi32, #tpu.memory_space<hbm>> -> memref<200xi32, #tpu.memory_space<hbm>>
      tpu.enqueue_dma source(%dma_start3A_436 : memref<200xi32, #tpu.memory_space<hbm>>) target(%dma_start3A_435 : memref<200xi32, #tpu.memory_space<vmem>>) target_semaphore(%run_scoped3A_428 : memref<!tpu.dma_semaphore, #tpu.memory_space<semaphore_mem>>)
      %dma_wait3A_437 = arith.constant 0 : i32
      %dma_wait3A_438 = tpu.memref_slice %arg11[%run_scoped3A, %dma_wait3A_437] : memref<2x200xi32, #tpu.memory_space<vmem>> -> memref<1x200xi32, #tpu.memory_space<vmem>>
      %dma_wait3A_439 = tpu.memref_squeeze %dma_wait3A_438 : memref<1x200xi32, #tpu.memory_space<vmem>> -> memref<200xi32, #tpu.memory_space<vmem>>
      %dma_wait3A_440 = tpu.memref_slice %arg6[%add3A_59] : memref<16384xi32, #tpu.memory_space<hbm>> -> memref<200xi32, #tpu.memory_space<hbm>>
      %dma_wait3A_441 = arith.constant 0 : i32
      %dma_wait3A_442 = tpu.memref_slice %arg11[%run_scoped3A, %dma_wait3A_441] : memref<2x200xi32, #tpu.memory_space<vmem>> -> memref<1x200xi32, #tpu.memory_space<vmem>>
      %dma_wait3A_443 = tpu.memref_squeeze %dma_wait3A_442 : memref<1x200xi32, #tpu.memory_space<vmem>> -> memref<200xi32, #tpu.memory_space<vmem>>
      %dma_wait3A_444 = tpu.memref_slice %arg6[%add3A_59] : memref<16384xi32, #tpu.memory_space<hbm>> -> memref<200xi32, #tpu.memory_space<hbm>>
      tpu.wait_dma2 semaphore(%run_scoped3A_428 : memref<!tpu.dma_semaphore, #tpu.memory_space<semaphore_mem>>) src(%dma_wait3A_444 : memref<200xi32, #tpu.memory_space<hbm>>) dst(%dma_wait3A_443 : memref<200xi32, #tpu.memory_space<vmem>>)
      tpu.yield
    }) : () -> ()
    %dma_start3A_60 = arith.constant 0 : i32
    %dma_start3A_61 = arith.constant 0 : i32
    %dma_start3A_62 = arith.constant 0 : i32
    %dma_start3A_63 = tpu.memref_slice %arg15[%dma_start3A_61, %dma_start3A_62] : memref<200x64xf32, #tpu.memory_space<vmem>> -> memref<200x64xf32, #tpu.memory_space<vmem>>
    %dma_start3A_64 = arith.constant 0 : i32
    %dma_start3A_65 = tpu.memref_slice %arg11[%dma_start3A_60, %dma_start3A_64] : memref<2x200xi32, #tpu.memory_space<vmem>> -> memref<1x200xi32, #tpu.memory_space<vmem>>
    %dma_start3A_66 = tpu.memref_squeeze %dma_start3A_65 : memref<1x200xi32, #tpu.memory_space<vmem>> -> memref<200xi32, #tpu.memory_space<vmem>>
    %dma_start3A_67 = arith.constant 0 : i32
    %dma_start3A_68 = arith.constant 0 : i32
    %dma_start3A_69 = tpu.memref_slice %arg2[%dma_start3A_67, %dma_start3A_68] : memref<10000x64xf32, #tpu.memory_space<hbm>> -> memref<10000x64xf32, #tpu.memory_space<hbm>>
    tpu.enqueue_indirect_dma source(%dma_start3A_69 : memref<10000x64xf32, #tpu.memory_space<hbm>>) target(%dma_start3A_63 : memref<200x64xf32, #tpu.memory_space<vmem>>) offsets(%dma_start3A_66 : memref<200xi32, #tpu.memory_space<vmem>>) semaphore(%arg20 : memref<!tpu.dma_semaphore, #tpu.memory_space<semaphore_mem>>)
    %dma_start3A_70 = arith.constant 0 : i32
    %dma_start3A_71 = arith.constant 0 : i32
    %dma_start3A_72 = arith.constant 0 : i32
    %dma_start3A_73 = tpu.memref_slice %arg16[%dma_start3A_71, %dma_start3A_72] : memref<200x64xf32, #tpu.memory_space<vmem>> -> memref<200x64xf32, #tpu.memory_space<vmem>>
    %dma_start3A_74 = arith.constant 0 : i32
    %dma_start3A_75 = tpu.memref_slice %arg11[%dma_start3A_70, %dma_start3A_74] : memref<2x200xi32, #tpu.memory_space<vmem>> -> memref<1x200xi32, #tpu.memory_space<vmem>>
    %dma_start3A_76 = tpu.memref_squeeze %dma_start3A_75 : memref<1x200xi32, #tpu.memory_space<vmem>> -> memref<200xi32, #tpu.memory_space<vmem>>
    %dma_start3A_77 = arith.constant 0 : i32
    %dma_start3A_78 = arith.constant 0 : i32
    %dma_start3A_79 = tpu.memref_slice %arg3[%dma_start3A_77, %dma_start3A_78] : memref<10000x64xf32, #tpu.memory_space<hbm>> -> memref<10000x64xf32, #tpu.memory_space<hbm>>
    tpu.enqueue_indirect_dma source(%dma_start3A_79 : memref<10000x64xf32, #tpu.memory_space<hbm>>) target(%dma_start3A_73 : memref<200x64xf32, #tpu.memory_space<vmem>>) offsets(%dma_start3A_76 : memref<200xi32, #tpu.memory_space<vmem>>) semaphore(%arg20 : memref<!tpu.dma_semaphore, #tpu.memory_space<semaphore_mem>>)
    %dma_start3A_80 = arith.constant 0 : i32
    %dma_start3A_81 = arith.constant 0 : i32
    %dma_start3A_82 = arith.constant 0 : i32
    %dma_start3A_83 = tpu.memref_slice %arg22[%dma_start3A_81, %dma_start3A_82] : memref<200x16xf32, #tpu.memory_space<vmem>> -> memref<200x16xf32, #tpu.memory_space<vmem>>
    %dma_start3A_84 = arith.constant 0 : i32
    %dma_start3A_85 = tpu.memref_slice %arg11[%dma_start3A_80, %dma_start3A_84] : memref<2x200xi32, #tpu.memory_space<vmem>> -> memref<1x200xi32, #tpu.memory_space<vmem>>
    %dma_start3A_86 = tpu.memref_squeeze %dma_start3A_85 : memref<1x200xi32, #tpu.memory_space<vmem>> -> memref<200xi32, #tpu.memory_space<vmem>>
    %dma_start3A_87 = arith.constant 0 : i32
    %dma_start3A_88 = arith.constant 0 : i32
    %dma_start3A_89 = tpu.memref_slice %arg7[%dma_start3A_87, %dma_start3A_88] : memref<10000x16xf32, #tpu.memory_space<hbm>> -> memref<10000x16xf32, #tpu.memory_space<hbm>>
    tpu.enqueue_indirect_dma source(%dma_start3A_89 : memref<10000x16xf32, #tpu.memory_space<hbm>>) target(%dma_start3A_83 : memref<200x16xf32, #tpu.memory_space<vmem>>) offsets(%dma_start3A_86 : memref<200xi32, #tpu.memory_space<vmem>>) semaphore(%arg20 : memref<!tpu.dma_semaphore, #tpu.memory_space<semaphore_mem>>)
    %add3A_90 = arith.constant 200 : i32
    %add3A_91 = arith.addi %mul3A_57, %add3A_90 : i32
    %run_scoped3A_92 = arith.constant 0 : i32
    "tpu.region"() ({
      %run_scoped3A_428 = tpu.sem_alloc : memref<!tpu.dma_semaphore, #tpu.memory_space<semaphore_mem>>
      %dma_start3A_429 = arith.constant 0 : i32
      %dma_start3A_430 = tpu.memref_slice %arg13[%run_scoped3A_92, %dma_start3A_429] : memref<2x200xi32, #tpu.memory_space<vmem>> -> memref<1x200xi32, #tpu.memory_space<vmem>>
      %dma_start3A_431 = tpu.memref_squeeze %dma_start3A_430 : memref<1x200xi32, #tpu.memory_space<vmem>> -> memref<200xi32, #tpu.memory_space<vmem>>
      %dma_start3A_432 = tpu.memref_slice %arg6[%add3A_91] : memref<16384xi32, #tpu.memory_space<hbm>> -> memref<200xi32, #tpu.memory_space<hbm>>
      %dma_start3A_433 = arith.constant 0 : i32
      %dma_start3A_434 = tpu.memref_slice %arg13[%run_scoped3A_92, %dma_start3A_433] : memref<2x200xi32, #tpu.memory_space<vmem>> -> memref<1x200xi32, #tpu.memory_space<vmem>>
      %dma_start3A_435 = tpu.memref_squeeze %dma_start3A_434 : memref<1x200xi32, #tpu.memory_space<vmem>> -> memref<200xi32, #tpu.memory_space<vmem>>
      %dma_start3A_436 = tpu.memref_slice %arg6[%add3A_91] : memref<16384xi32, #tpu.memory_space<hbm>> -> memref<200xi32, #tpu.memory_space<hbm>>
      tpu.enqueue_dma source(%dma_start3A_436 : memref<200xi32, #tpu.memory_space<hbm>>) target(%dma_start3A_435 : memref<200xi32, #tpu.memory_space<vmem>>) target_semaphore(%run_scoped3A_428 : memref<!tpu.dma_semaphore, #tpu.memory_space<semaphore_mem>>)
      %dma_wait3A_437 = arith.constant 0 : i32
      %dma_wait3A_438 = tpu.memref_slice %arg13[%run_scoped3A_92, %dma_wait3A_437] : memref<2x200xi32, #tpu.memory_space<vmem>> -> memref<1x200xi32, #tpu.memory_space<vmem>>
      %dma_wait3A_439 = tpu.memref_squeeze %dma_wait3A_438 : memref<1x200xi32, #tpu.memory_space<vmem>> -> memref<200xi32, #tpu.memory_space<vmem>>
      %dma_wait3A_440 = tpu.memref_slice %arg6[%add3A_91] : memref<16384xi32, #tpu.memory_space<hbm>> -> memref<200xi32, #tpu.memory_space<hbm>>
      %dma_wait3A_441 = arith.constant 0 : i32
      %dma_wait3A_442 = tpu.memref_slice %arg13[%run_scoped3A_92, %dma_wait3A_441] : memref<2x200xi32, #tpu.memory_space<vmem>> -> memref<1x200xi32, #tpu.memory_space<vmem>>
      %dma_wait3A_443 = tpu.memref_squeeze %dma_wait3A_442 : memref<1x200xi32, #tpu.memory_space<vmem>> -> memref<200xi32, #tpu.memory_space<vmem>>
      %dma_wait3A_444 = tpu.memref_slice %arg6[%add3A_91] : memref<16384xi32, #tpu.memory_space<hbm>> -> memref<200xi32, #tpu.memory_space<hbm>>
      tpu.wait_dma2 semaphore(%run_scoped3A_428 : memref<!tpu.dma_semaphore, #tpu.memory_space<semaphore_mem>>) src(%dma_wait3A_444 : memref<200xi32, #tpu.memory_space<hbm>>) dst(%dma_wait3A_443 : memref<200xi32, #tpu.memory_space<vmem>>)
      tpu.yield
    }) : () -> ()
    %dma_start3A_93 = arith.constant 0 : i32
    %dma_start3A_94 = arith.constant 0 : i32
    %dma_start3A_95 = arith.constant 0 : i32
    %dma_start3A_96 = tpu.memref_slice %arg17[%dma_start3A_94, %dma_start3A_95] : memref<200x64xf32, #tpu.memory_space<vmem>> -> memref<200x64xf32, #tpu.memory_space<vmem>>
    %dma_start3A_97 = arith.constant 0 : i32
    %dma_start3A_98 = tpu.memref_slice %arg13[%dma_start3A_93, %dma_start3A_97] : memref<2x200xi32, #tpu.memory_space<vmem>> -> memref<1x200xi32, #tpu.memory_space<vmem>>
    %dma_start3A_99 = tpu.memref_squeeze %dma_start3A_98 : memref<1x200xi32, #tpu.memory_space<vmem>> -> memref<200xi32, #tpu.memory_space<vmem>>
    %dma_start3A_100 = arith.constant 0 : i32
    %dma_start3A_101 = arith.constant 0 : i32
    %dma_start3A_102 = tpu.memref_slice %arg2[%dma_start3A_100, %dma_start3A_101] : memref<10000x64xf32, #tpu.memory_space<hbm>> -> memref<10000x64xf32, #tpu.memory_space<hbm>>
    tpu.enqueue_indirect_dma source(%dma_start3A_102 : memref<10000x64xf32, #tpu.memory_space<hbm>>) target(%dma_start3A_96 : memref<200x64xf32, #tpu.memory_space<vmem>>) offsets(%dma_start3A_99 : memref<200xi32, #tpu.memory_space<vmem>>) semaphore(%arg20 : memref<!tpu.dma_semaphore, #tpu.memory_space<semaphore_mem>>)
    %dma_start3A_103 = arith.constant 0 : i32
    %dma_start3A_104 = arith.constant 0 : i32
    %dma_start3A_105 = arith.constant 0 : i32
    %dma_start3A_106 = tpu.memref_slice %arg18[%dma_start3A_104, %dma_start3A_105] : memref<200x64xf32, #tpu.memory_space<vmem>> -> memref<200x64xf32, #tpu.memory_space<vmem>>
    %dma_start3A_107 = arith.constant 0 : i32
    %dma_start3A_108 = tpu.memref_slice %arg13[%dma_start3A_103, %dma_start3A_107] : memref<2x200xi32, #tpu.memory_space<vmem>> -> memref<1x200xi32, #tpu.memory_space<vmem>>
    %dma_start3A_109 = tpu.memref_squeeze %dma_start3A_108 : memref<1x200xi32, #tpu.memory_space<vmem>> -> memref<200xi32, #tpu.memory_space<vmem>>
    %dma_start3A_110 = arith.constant 0 : i32
    %dma_start3A_111 = arith.constant 0 : i32
    %dma_start3A_112 = tpu.memref_slice %arg3[%dma_start3A_110, %dma_start3A_111] : memref<10000x64xf32, #tpu.memory_space<hbm>> -> memref<10000x64xf32, #tpu.memory_space<hbm>>
    tpu.enqueue_indirect_dma source(%dma_start3A_112 : memref<10000x64xf32, #tpu.memory_space<hbm>>) target(%dma_start3A_106 : memref<200x64xf32, #tpu.memory_space<vmem>>) offsets(%dma_start3A_109 : memref<200xi32, #tpu.memory_space<vmem>>) semaphore(%arg20 : memref<!tpu.dma_semaphore, #tpu.memory_space<semaphore_mem>>)
    %dma_start3A_113 = arith.constant 0 : i32
    %dma_start3A_114 = arith.constant 0 : i32
    %dma_start3A_115 = arith.constant 0 : i32
    %dma_start3A_116 = tpu.memref_slice %arg23[%dma_start3A_114, %dma_start3A_115] : memref<200x16xf32, #tpu.memory_space<vmem>> -> memref<200x16xf32, #tpu.memory_space<vmem>>
    %dma_start3A_117 = arith.constant 0 : i32
    %dma_start3A_118 = tpu.memref_slice %arg13[%dma_start3A_113, %dma_start3A_117] : memref<2x200xi32, #tpu.memory_space<vmem>> -> memref<1x200xi32, #tpu.memory_space<vmem>>
    %dma_start3A_119 = tpu.memref_squeeze %dma_start3A_118 : memref<1x200xi32, #tpu.memory_space<vmem>> -> memref<200xi32, #tpu.memory_space<vmem>>
    %dma_start3A_120 = arith.constant 0 : i32
    %dma_start3A_121 = arith.constant 0 : i32
    %dma_start3A_122 = tpu.memref_slice %arg7[%dma_start3A_120, %dma_start3A_121] : memref<10000x16xf32, #tpu.memory_space<hbm>> -> memref<10000x16xf32, #tpu.memory_space<hbm>>
    tpu.enqueue_indirect_dma source(%dma_start3A_122 : memref<10000x16xf32, #tpu.memory_space<hbm>>) target(%dma_start3A_116 : memref<200x16xf32, #tpu.memory_space<vmem>>) offsets(%dma_start3A_119 : memref<200xi32, #tpu.memory_space<vmem>>) semaphore(%arg20 : memref<!tpu.dma_semaphore, #tpu.memory_space<semaphore_mem>>)
    %dma_wait3A_123 = arith.constant 0 : i32
    %dma_wait3A_124 = arith.constant 0 : i32
    %dma_wait3A_125 = arith.constant 0 : i32
    %dma_wait3A_126 = tpu.memref_slice %arg15[%dma_wait3A_124, %dma_wait3A_125] : memref<200x64xf32, #tpu.memory_space<vmem>> -> memref<200x64xf32, #tpu.memory_space<vmem>>
    %dma_wait3A_127 = arith.constant 0 : i32
    %dma_wait3A_128 = tpu.memref_slice %arg11[%dma_wait3A_123, %dma_wait3A_127] : memref<2x200xi32, #tpu.memory_space<vmem>> -> memref<1x200xi32, #tpu.memory_space<vmem>>
    %dma_wait3A_129 = tpu.memref_squeeze %dma_wait3A_128 : memref<1x200xi32, #tpu.memory_space<vmem>> -> memref<200xi32, #tpu.memory_space<vmem>>
    %dma_wait3A_130 = arith.constant 0 : i32
    %dma_wait3A_131 = arith.constant 0 : i32
    %dma_wait3A_132 = tpu.memref_slice %arg2[%dma_wait3A_130, %dma_wait3A_131] : memref<10000x64xf32, #tpu.memory_space<hbm>> -> memref<10000x64xf32, #tpu.memory_space<hbm>>
    tpu.wait_indirect_dma semaphore(%arg20 : memref<!tpu.dma_semaphore, #tpu.memory_space<semaphore_mem>>) src(%dma_wait3A_132 : memref<10000x64xf32, #tpu.memory_space<hbm>>) dst(%dma_wait3A_126 : memref<200x64xf32, #tpu.memory_space<vmem>>)
    %dma_wait3A_133 = arith.constant 0 : i32
    %dma_wait3A_134 = arith.constant 0 : i32
    %dma_wait3A_135 = arith.constant 0 : i32
    %dma_wait3A_136 = tpu.memref_slice %arg16[%dma_wait3A_134, %dma_wait3A_135] : memref<200x64xf32, #tpu.memory_space<vmem>> -> memref<200x64xf32, #tpu.memory_space<vmem>>
    %dma_wait3A_137 = arith.constant 0 : i32
    %dma_wait3A_138 = tpu.memref_slice %arg11[%dma_wait3A_133, %dma_wait3A_137] : memref<2x200xi32, #tpu.memory_space<vmem>> -> memref<1x200xi32, #tpu.memory_space<vmem>>
    %dma_wait3A_139 = tpu.memref_squeeze %dma_wait3A_138 : memref<1x200xi32, #tpu.memory_space<vmem>> -> memref<200xi32, #tpu.memory_space<vmem>>
    %dma_wait3A_140 = arith.constant 0 : i32
    %dma_wait3A_141 = arith.constant 0 : i32
    %dma_wait3A_142 = tpu.memref_slice %arg3[%dma_wait3A_140, %dma_wait3A_141] : memref<10000x64xf32, #tpu.memory_space<hbm>> -> memref<10000x64xf32, #tpu.memory_space<hbm>>
    tpu.wait_indirect_dma semaphore(%arg20 : memref<!tpu.dma_semaphore, #tpu.memory_space<semaphore_mem>>) src(%dma_wait3A_142 : memref<10000x64xf32, #tpu.memory_space<hbm>>) dst(%dma_wait3A_136 : memref<200x64xf32, #tpu.memory_space<vmem>>)
    %dma_wait3A_143 = arith.constant 0 : i32
    %dma_wait3A_144 = arith.constant 0 : i32
    %dma_wait3A_145 = arith.constant 0 : i32
    %dma_wait3A_146 = tpu.memref_slice %arg22[%dma_wait3A_144, %dma_wait3A_145] : memref<200x16xf32, #tpu.memory_space<vmem>> -> memref<200x16xf32, #tpu.memory_space<vmem>>
    %dma_wait3A_147 = arith.constant 0 : i32
    %dma_wait3A_148 = tpu.memref_slice %arg11[%dma_wait3A_143, %dma_wait3A_147] : memref<2x200xi32, #tpu.memory_space<vmem>> -> memref<1x200xi32, #tpu.memory_space<vmem>>
    %dma_wait3A_149 = tpu.memref_squeeze %dma_wait3A_148 : memref<1x200xi32, #tpu.memory_space<vmem>> -> memref<200xi32, #tpu.memory_space<vmem>>
    %dma_wait3A_150 = arith.constant 0 : i32
    %dma_wait3A_151 = arith.constant 0 : i32
    %dma_wait3A_152 = tpu.memref_slice %arg7[%dma_wait3A_150, %dma_wait3A_151] : memref<10000x16xf32, #tpu.memory_space<hbm>> -> memref<10000x16xf32, #tpu.memory_space<hbm>>
    tpu.wait_indirect_dma semaphore(%arg20 : memref<!tpu.dma_semaphore, #tpu.memory_space<semaphore_mem>>) src(%dma_wait3A_152 : memref<10000x16xf32, #tpu.memory_space<hbm>>) dst(%dma_wait3A_146 : memref<200x16xf32, #tpu.memory_space<vmem>>)
    %add3A_153 = arith.constant 0 : i32
    %add3A_154 = arith.addi %mul3A_57, %add3A_153 : i32
    "tpu.region"() ({
      %run_scoped3A_428 = tpu.sem_alloc : memref<!tpu.dma_semaphore, #tpu.memory_space<semaphore_mem>>
      %dma_start3A_429 = arith.constant 0 : i32
      %dma_start3A_430 = arith.constant 0 : i32
      %dma_start3A_431 = tpu.memref_slice %arg15[%dma_start3A_429, %dma_start3A_430] : memref<200x64xf32, #tpu.memory_space<vmem>> -> memref<200x64xf32, #tpu.memory_space<vmem>>
      %dma_start3A_432 = arith.constant 0 : i32
      %dma_start3A_433 = tpu.memref_slice %arg8[%add3A_154, %dma_start3A_432] : memref<16384x128xf32, #tpu.memory_space<hbm>> -> memref<200x64xf32, #tpu.memory_space<hbm>>
      %dma_start3A_434 = arith.constant 0 : i32
      %dma_start3A_435 = tpu.memref_slice %arg8[%add3A_154, %dma_start3A_434] : memref<16384x128xf32, #tpu.memory_space<hbm>> -> memref<200x64xf32, #tpu.memory_space<hbm>>
      %dma_start3A_436 = arith.constant 0 : i32
      %dma_start3A_437 = arith.constant 0 : i32
      %dma_start3A_438 = tpu.memref_slice %arg15[%dma_start3A_436, %dma_start3A_437] : memref<200x64xf32, #tpu.memory_space<vmem>> -> memref<200x64xf32, #tpu.memory_space<vmem>>
      tpu.enqueue_dma source(%dma_start3A_438 : memref<200x64xf32, #tpu.memory_space<vmem>>) target(%dma_start3A_435 : memref<200x64xf32, #tpu.memory_space<hbm>>) target_semaphore(%run_scoped3A_428 : memref<!tpu.dma_semaphore, #tpu.memory_space<semaphore_mem>>)
      %dma_wait3A_439 = arith.constant 0 : i32
      %dma_wait3A_440 = arith.constant 0 : i32
      %dma_wait3A_441 = tpu.memref_slice %arg15[%dma_wait3A_439, %dma_wait3A_440] : memref<200x64xf32, #tpu.memory_space<vmem>> -> memref<200x64xf32, #tpu.memory_space<vmem>>
      %dma_wait3A_442 = arith.constant 0 : i32
      %dma_wait3A_443 = tpu.memref_slice %arg8[%add3A_154, %dma_wait3A_442] : memref<16384x128xf32, #tpu.memory_space<hbm>> -> memref<200x64xf32, #tpu.memory_space<hbm>>
      %dma_wait3A_444 = arith.constant 0 : i32
      %dma_wait3A_445 = tpu.memref_slice %arg8[%add3A_154, %dma_wait3A_444] : memref<16384x128xf32, #tpu.memory_space<hbm>> -> memref<200x64xf32, #tpu.memory_space<hbm>>
      %dma_wait3A_446 = arith.constant 0 : i32
      %dma_wait3A_447 = arith.constant 0 : i32
      %dma_wait3A_448 = tpu.memref_slice %arg15[%dma_wait3A_446, %dma_wait3A_447] : memref<200x64xf32, #tpu.memory_space<vmem>> -> memref<200x64xf32, #tpu.memory_space<vmem>>
      tpu.wait_dma2 semaphore(%run_scoped3A_428 : memref<!tpu.dma_semaphore, #tpu.memory_space<semaphore_mem>>) src(%dma_wait3A_448 : memref<200x64xf32, #tpu.memory_space<vmem>>) dst(%dma_wait3A_445 : memref<200x64xf32, #tpu.memory_space<hbm>>)
      tpu.yield
    }) : () -> ()
    %add3A_155 = arith.constant 0 : i32
    %add3A_156 = arith.addi %mul3A_57, %add3A_155 : i32
    "tpu.region"() ({
      %run_scoped3A_428 = tpu.sem_alloc : memref<!tpu.dma_semaphore, #tpu.memory_space<semaphore_mem>>
      %dma_start3A_429 = arith.constant 0 : i32
      %dma_start3A_430 = arith.constant 0 : i32
      %dma_start3A_431 = tpu.memref_slice %arg16[%dma_start3A_429, %dma_start3A_430] : memref<200x64xf32, #tpu.memory_space<vmem>> -> memref<200x64xf32, #tpu.memory_space<vmem>>
      %dma_start3A_432 = arith.constant 64 : i32
      %dma_start3A_433 = tpu.memref_slice %arg8[%add3A_156, %dma_start3A_432] : memref<16384x128xf32, #tpu.memory_space<hbm>> -> memref<200x64xf32, #tpu.memory_space<hbm>>
      %dma_start3A_434 = arith.constant 64 : i32
      %dma_start3A_435 = tpu.memref_slice %arg8[%add3A_156, %dma_start3A_434] : memref<16384x128xf32, #tpu.memory_space<hbm>> -> memref<200x64xf32, #tpu.memory_space<hbm>>
      %dma_start3A_436 = arith.constant 0 : i32
      %dma_start3A_437 = arith.constant 0 : i32
      %dma_start3A_438 = tpu.memref_slice %arg16[%dma_start3A_436, %dma_start3A_437] : memref<200x64xf32, #tpu.memory_space<vmem>> -> memref<200x64xf32, #tpu.memory_space<vmem>>
      tpu.enqueue_dma source(%dma_start3A_438 : memref<200x64xf32, #tpu.memory_space<vmem>>) target(%dma_start3A_435 : memref<200x64xf32, #tpu.memory_space<hbm>>) target_semaphore(%run_scoped3A_428 : memref<!tpu.dma_semaphore, #tpu.memory_space<semaphore_mem>>)
      %dma_wait3A_439 = arith.constant 0 : i32
      %dma_wait3A_440 = arith.constant 0 : i32
      %dma_wait3A_441 = tpu.memref_slice %arg16[%dma_wait3A_439, %dma_wait3A_440] : memref<200x64xf32, #tpu.memory_space<vmem>> -> memref<200x64xf32, #tpu.memory_space<vmem>>
      %dma_wait3A_442 = arith.constant 64 : i32
      %dma_wait3A_443 = tpu.memref_slice %arg8[%add3A_156, %dma_wait3A_442] : memref<16384x128xf32, #tpu.memory_space<hbm>> -> memref<200x64xf32, #tpu.memory_space<hbm>>
      %dma_wait3A_444 = arith.constant 64 : i32
      %dma_wait3A_445 = tpu.memref_slice %arg8[%add3A_156, %dma_wait3A_444] : memref<16384x128xf32, #tpu.memory_space<hbm>> -> memref<200x64xf32, #tpu.memory_space<hbm>>
      %dma_wait3A_446 = arith.constant 0 : i32
      %dma_wait3A_447 = arith.constant 0 : i32
      %dma_wait3A_448 = tpu.memref_slice %arg16[%dma_wait3A_446, %dma_wait3A_447] : memref<200x64xf32, #tpu.memory_space<vmem>> -> memref<200x64xf32, #tpu.memory_space<vmem>>
      tpu.wait_dma2 semaphore(%run_scoped3A_428 : memref<!tpu.dma_semaphore, #tpu.memory_space<semaphore_mem>>) src(%dma_wait3A_448 : memref<200x64xf32, #tpu.memory_space<vmem>>) dst(%dma_wait3A_445 : memref<200x64xf32, #tpu.memory_space<hbm>>)
      tpu.yield
    }) : () -> ()
    %add3A_157 = arith.constant 0 : i32
    %add3A_158 = arith.addi %mul3A_57, %add3A_157 : i32
    "tpu.region"() ({
      %run_scoped3A_428 = tpu.sem_alloc : memref<!tpu.dma_semaphore, #tpu.memory_space<semaphore_mem>>
      %dma_start3A_429 = arith.constant 0 : i32
      %dma_start3A_430 = arith.constant 0 : i32
      %dma_start3A_431 = tpu.memref_slice %arg22[%dma_start3A_429, %dma_start3A_430] : memref<200x16xf32, #tpu.memory_space<vmem>> -> memref<200x16xf32, #tpu.memory_space<vmem>>
      %dma_start3A_432 = arith.constant 0 : i32
      %dma_start3A_433 = tpu.memref_slice %arg10[%add3A_158, %dma_start3A_432] : memref<16384x16xf32, #tpu.memory_space<hbm>> -> memref<200x16xf32, #tpu.memory_space<hbm>>
      %dma_start3A_434 = arith.constant 0 : i32
      %dma_start3A_435 = tpu.memref_slice %arg10[%add3A_158, %dma_start3A_434] : memref<16384x16xf32, #tpu.memory_space<hbm>> -> memref<200x16xf32, #tpu.memory_space<hbm>>
      %dma_start3A_436 = arith.constant 0 : i32
      %dma_start3A_437 = arith.constant 0 : i32
      %dma_start3A_438 = tpu.memref_slice %arg22[%dma_start3A_436, %dma_start3A_437] : memref<200x16xf32, #tpu.memory_space<vmem>> -> memref<200x16xf32, #tpu.memory_space<vmem>>
      tpu.enqueue_dma source(%dma_start3A_438 : memref<200x16xf32, #tpu.memory_space<vmem>>) target(%dma_start3A_435 : memref<200x16xf32, #tpu.memory_space<hbm>>) target_semaphore(%run_scoped3A_428 : memref<!tpu.dma_semaphore, #tpu.memory_space<semaphore_mem>>)
      %dma_wait3A_439 = arith.constant 0 : i32
      %dma_wait3A_440 = arith.constant 0 : i32
      %dma_wait3A_441 = tpu.memref_slice %arg22[%dma_wait3A_439, %dma_wait3A_440] : memref<200x16xf32, #tpu.memory_space<vmem>> -> memref<200x16xf32, #tpu.memory_space<vmem>>
      %dma_wait3A_442 = arith.constant 0 : i32
      %dma_wait3A_443 = tpu.memref_slice %arg10[%add3A_158, %dma_wait3A_442] : memref<16384x16xf32, #tpu.memory_space<hbm>> -> memref<200x16xf32, #tpu.memory_space<hbm>>
      %dma_wait3A_444 = arith.constant 0 : i32
      %dma_wait3A_445 = tpu.memref_slice %arg10[%add3A_158, %dma_wait3A_444] : memref<16384x16xf32, #tpu.memory_space<hbm>> -> memref<200x16xf32, #tpu.memory_space<hbm>>
      %dma_wait3A_446 = arith.constant 0 : i32
      %dma_wait3A_447 = arith.constant 0 : i32
      %dma_wait3A_448 = tpu.memref_slice %arg22[%dma_wait3A_446, %dma_wait3A_447] : memref<200x16xf32, #tpu.memory_space<vmem>> -> memref<200x16xf32, #tpu.memory_space<vmem>>
      tpu.wait_dma2 semaphore(%run_scoped3A_428 : memref<!tpu.dma_semaphore, #tpu.memory_space<semaphore_mem>>) src(%dma_wait3A_448 : memref<200x16xf32, #tpu.memory_space<vmem>>) dst(%dma_wait3A_445 : memref<200x16xf32, #tpu.memory_space<hbm>>)
      tpu.yield
    }) : () -> ()
    %add3A_159 = arith.constant 400 : i32
    %add3A_160 = arith.addi %mul3A_57, %add3A_159 : i32
    %run_scoped3A_161 = arith.constant 0 : i32
    "tpu.region"() ({
      %run_scoped3A_428 = tpu.sem_alloc : memref<!tpu.dma_semaphore, #tpu.memory_space<semaphore_mem>>
      %dma_start3A_429 = arith.constant 0 : i32
      %dma_start3A_430 = tpu.memref_slice %arg11[%run_scoped3A_161, %dma_start3A_429] : memref<2x200xi32, #tpu.memory_space<vmem>> -> memref<1x112xi32, #tpu.memory_space<vmem>>
      %dma_start3A_431 = tpu.memref_squeeze %dma_start3A_430 : memref<1x112xi32, #tpu.memory_space<vmem>> -> memref<112xi32, #tpu.memory_space<vmem>>
      %dma_start3A_432 = tpu.memref_slice %arg6[%add3A_160] : memref<16384xi32, #tpu.memory_space<hbm>> -> memref<112xi32, #tpu.memory_space<hbm>>
      %dma_start3A_433 = arith.constant 0 : i32
      %dma_start3A_434 = tpu.memref_slice %arg11[%run_scoped3A_161, %dma_start3A_433] : memref<2x200xi32, #tpu.memory_space<vmem>> -> memref<1x112xi32, #tpu.memory_space<vmem>>
      %dma_start3A_435 = tpu.memref_squeeze %dma_start3A_434 : memref<1x112xi32, #tpu.memory_space<vmem>> -> memref<112xi32, #tpu.memory_space<vmem>>
      %dma_start3A_436 = tpu.memref_slice %arg6[%add3A_160] : memref<16384xi32, #tpu.memory_space<hbm>> -> memref<112xi32, #tpu.memory_space<hbm>>
      tpu.enqueue_dma source(%dma_start3A_436 : memref<112xi32, #tpu.memory_space<hbm>>) target(%dma_start3A_435 : memref<112xi32, #tpu.memory_space<vmem>>) target_semaphore(%run_scoped3A_428 : memref<!tpu.dma_semaphore, #tpu.memory_space<semaphore_mem>>)
      %dma_wait3A_437 = arith.constant 0 : i32
      %dma_wait3A_438 = tpu.memref_slice %arg11[%run_scoped3A_161, %dma_wait3A_437] : memref<2x200xi32, #tpu.memory_space<vmem>> -> memref<1x112xi32, #tpu.memory_space<vmem>>
      %dma_wait3A_439 = tpu.memref_squeeze %dma_wait3A_438 : memref<1x112xi32, #tpu.memory_space<vmem>> -> memref<112xi32, #tpu.memory_space<vmem>>
      %dma_wait3A_440 = tpu.memref_slice %arg6[%add3A_160] : memref<16384xi32, #tpu.memory_space<hbm>> -> memref<112xi32, #tpu.memory_space<hbm>>
      %dma_wait3A_441 = arith.constant 0 : i32
      %dma_wait3A_442 = tpu.memref_slice %arg11[%run_scoped3A_161, %dma_wait3A_441] : memref<2x200xi32, #tpu.memory_space<vmem>> -> memref<1x112xi32, #tpu.memory_space<vmem>>
      %dma_wait3A_443 = tpu.memref_squeeze %dma_wait3A_442 : memref<1x112xi32, #tpu.memory_space<vmem>> -> memref<112xi32, #tpu.memory_space<vmem>>
      %dma_wait3A_444 = tpu.memref_slice %arg6[%add3A_160] : memref<16384xi32, #tpu.memory_space<hbm>> -> memref<112xi32, #tpu.memory_space<hbm>>
      tpu.wait_dma2 semaphore(%run_scoped3A_428 : memref<!tpu.dma_semaphore, #tpu.memory_space<semaphore_mem>>) src(%dma_wait3A_444 : memref<112xi32, #tpu.memory_space<hbm>>) dst(%dma_wait3A_443 : memref<112xi32, #tpu.memory_space<vmem>>)
      tpu.yield
    }) : () -> ()
    %dma_start3A_162 = arith.constant 0 : i32
    %dma_start3A_163 = arith.constant 0 : i32
    %dma_start3A_164 = arith.constant 0 : i32
    %dma_start3A_165 = tpu.memref_slice %arg15[%dma_start3A_163, %dma_start3A_164] : memref<200x64xf32, #tpu.memory_space<vmem>> -> memref<112x64xf32, #tpu.memory_space<vmem>>
    %dma_start3A_166 = arith.constant 0 : i32
    %dma_start3A_167 = tpu.memref_slice %arg11[%dma_start3A_162, %dma_start3A_166] : memref<2x200xi32, #tpu.memory_space<vmem>> -> memref<1x112xi32, #tpu.memory_space<vmem>>
    %dma_start3A_168 = tpu.memref_squeeze %dma_start3A_167 : memref<1x112xi32, #tpu.memory_space<vmem>> -> memref<112xi32, #tpu.memory_space<vmem>>
    %dma_start3A_169 = arith.constant 0 : i32
    %dma_start3A_170 = arith.constant 0 : i32
    %dma_start3A_171 = tpu.memref_slice %arg2[%dma_start3A_169, %dma_start3A_170] : memref<10000x64xf32, #tpu.memory_space<hbm>> -> memref<10000x64xf32, #tpu.memory_space<hbm>>
    tpu.enqueue_indirect_dma source(%dma_start3A_171 : memref<10000x64xf32, #tpu.memory_space<hbm>>) target(%dma_start3A_165 : memref<112x64xf32, #tpu.memory_space<vmem>>) offsets(%dma_start3A_168 : memref<112xi32, #tpu.memory_space<vmem>>) semaphore(%arg20 : memref<!tpu.dma_semaphore, #tpu.memory_space<semaphore_mem>>)
    %dma_start3A_172 = arith.constant 0 : i32
    %dma_start3A_173 = arith.constant 0 : i32
    %dma_start3A_174 = arith.constant 0 : i32
    %dma_start3A_175 = tpu.memref_slice %arg16[%dma_start3A_173, %dma_start3A_174] : memref<200x64xf32, #tpu.memory_space<vmem>> -> memref<112x64xf32, #tpu.memory_space<vmem>>
    %dma_start3A_176 = arith.constant 0 : i32
    %dma_start3A_177 = tpu.memref_slice %arg11[%dma_start3A_172, %dma_start3A_176] : memref<2x200xi32, #tpu.memory_space<vmem>> -> memref<1x112xi32, #tpu.memory_space<vmem>>
    %dma_start3A_178 = tpu.memref_squeeze %dma_start3A_177 : memref<1x112xi32, #tpu.memory_space<vmem>> -> memref<112xi32, #tpu.memory_space<vmem>>
    %dma_start3A_179 = arith.constant 0 : i32
    %dma_start3A_180 = arith.constant 0 : i32
    %dma_start3A_181 = tpu.memref_slice %arg3[%dma_start3A_179, %dma_start3A_180] : memref<10000x64xf32, #tpu.memory_space<hbm>> -> memref<10000x64xf32, #tpu.memory_space<hbm>>
    tpu.enqueue_indirect_dma source(%dma_start3A_181 : memref<10000x64xf32, #tpu.memory_space<hbm>>) target(%dma_start3A_175 : memref<112x64xf32, #tpu.memory_space<vmem>>) offsets(%dma_start3A_178 : memref<112xi32, #tpu.memory_space<vmem>>) semaphore(%arg20 : memref<!tpu.dma_semaphore, #tpu.memory_space<semaphore_mem>>)
    %dma_start3A_182 = arith.constant 0 : i32
    %dma_start3A_183 = arith.constant 0 : i32
    %dma_start3A_184 = arith.constant 0 : i32
    %dma_start3A_185 = tpu.memref_slice %arg22[%dma_start3A_183, %dma_start3A_184] : memref<200x16xf32, #tpu.memory_space<vmem>> -> memref<112x16xf32, #tpu.memory_space<vmem>>
    %dma_start3A_186 = arith.constant 0 : i32
    %dma_start3A_187 = tpu.memref_slice %arg11[%dma_start3A_182, %dma_start3A_186] : memref<2x200xi32, #tpu.memory_space<vmem>> -> memref<1x112xi32, #tpu.memory_space<vmem>>
    %dma_start3A_188 = tpu.memref_squeeze %dma_start3A_187 : memref<1x112xi32, #tpu.memory_space<vmem>> -> memref<112xi32, #tpu.memory_space<vmem>>
    %dma_start3A_189 = arith.constant 0 : i32
    %dma_start3A_190 = arith.constant 0 : i32
    %dma_start3A_191 = tpu.memref_slice %arg7[%dma_start3A_189, %dma_start3A_190] : memref<10000x16xf32, #tpu.memory_space<hbm>> -> memref<10000x16xf32, #tpu.memory_space<hbm>>
    tpu.enqueue_indirect_dma source(%dma_start3A_191 : memref<10000x16xf32, #tpu.memory_space<hbm>>) target(%dma_start3A_185 : memref<112x16xf32, #tpu.memory_space<vmem>>) offsets(%dma_start3A_188 : memref<112xi32, #tpu.memory_space<vmem>>) semaphore(%arg20 : memref<!tpu.dma_semaphore, #tpu.memory_space<semaphore_mem>>)
    %dma_wait3A_192 = arith.constant 0 : i32
    %dma_wait3A_193 = arith.constant 0 : i32
    %dma_wait3A_194 = arith.constant 0 : i32
    %dma_wait3A_195 = tpu.memref_slice %arg17[%dma_wait3A_193, %dma_wait3A_194] : memref<200x64xf32, #tpu.memory_space<vmem>> -> memref<200x64xf32, #tpu.memory_space<vmem>>
    %dma_wait3A_196 = arith.constant 0 : i32
    %dma_wait3A_197 = tpu.memref_slice %arg13[%dma_wait3A_192, %dma_wait3A_196] : memref<2x200xi32, #tpu.memory_space<vmem>> -> memref<1x200xi32, #tpu.memory_space<vmem>>
    %dma_wait3A_198 = tpu.memref_squeeze %dma_wait3A_197 : memref<1x200xi32, #tpu.memory_space<vmem>> -> memref<200xi32, #tpu.memory_space<vmem>>
    %dma_wait3A_199 = arith.constant 0 : i32
    %dma_wait3A_200 = arith.constant 0 : i32
    %dma_wait3A_201 = tpu.memref_slice %arg2[%dma_wait3A_199, %dma_wait3A_200] : memref<10000x64xf32, #tpu.memory_space<hbm>> -> memref<10000x64xf32, #tpu.memory_space<hbm>>
    tpu.wait_indirect_dma semaphore(%arg20 : memref<!tpu.dma_semaphore, #tpu.memory_space<semaphore_mem>>) src(%dma_wait3A_201 : memref<10000x64xf32, #tpu.memory_space<hbm>>) dst(%dma_wait3A_195 : memref<200x64xf32, #tpu.memory_space<vmem>>)
    %dma_wait3A_202 = arith.constant 0 : i32
    %dma_wait3A_203 = arith.constant 0 : i32
    %dma_wait3A_204 = arith.constant 0 : i32
    %dma_wait3A_205 = tpu.memref_slice %arg18[%dma_wait3A_203, %dma_wait3A_204] : memref<200x64xf32, #tpu.memory_space<vmem>> -> memref<200x64xf32, #tpu.memory_space<vmem>>
    %dma_wait3A_206 = arith.constant 0 : i32
    %dma_wait3A_207 = tpu.memref_slice %arg13[%dma_wait3A_202, %dma_wait3A_206] : memref<2x200xi32, #tpu.memory_space<vmem>> -> memref<1x200xi32, #tpu.memory_space<vmem>>
    %dma_wait3A_208 = tpu.memref_squeeze %dma_wait3A_207 : memref<1x200xi32, #tpu.memory_space<vmem>> -> memref<200xi32, #tpu.memory_space<vmem>>
    %dma_wait3A_209 = arith.constant 0 : i32
    %dma_wait3A_210 = arith.constant 0 : i32
    %dma_wait3A_211 = tpu.memref_slice %arg3[%dma_wait3A_209, %dma_wait3A_210] : memref<10000x64xf32, #tpu.memory_space<hbm>> -> memref<10000x64xf32, #tpu.memory_space<hbm>>
    tpu.wait_indirect_dma semaphore(%arg20 : memref<!tpu.dma_semaphore, #tpu.memory_space<semaphore_mem>>) src(%dma_wait3A_211 : memref<10000x64xf32, #tpu.memory_space<hbm>>) dst(%dma_wait3A_205 : memref<200x64xf32, #tpu.memory_space<vmem>>)
    %dma_wait3A_212 = arith.constant 0 : i32
    %dma_wait3A_213 = arith.constant 0 : i32
    %dma_wait3A_214 = arith.constant 0 : i32
    %dma_wait3A_215 = tpu.memref_slice %arg23[%dma_wait3A_213, %dma_wait3A_214] : memref<200x16xf32, #tpu.memory_space<vmem>> -> memref<200x16xf32, #tpu.memory_space<vmem>>
    %dma_wait3A_216 = arith.constant 0 : i32
    %dma_wait3A_217 = tpu.memref_slice %arg13[%dma_wait3A_212, %dma_wait3A_216] : memref<2x200xi32, #tpu.memory_space<vmem>> -> memref<1x200xi32, #tpu.memory_space<vmem>>
    %dma_wait3A_218 = tpu.memref_squeeze %dma_wait3A_217 : memref<1x200xi32, #tpu.memory_space<vmem>> -> memref<200xi32, #tpu.memory_space<vmem>>
    %dma_wait3A_219 = arith.constant 0 : i32
    %dma_wait3A_220 = arith.constant 0 : i32
    %dma_wait3A_221 = tpu.memref_slice %arg7[%dma_wait3A_219, %dma_wait3A_220] : memref<10000x16xf32, #tpu.memory_space<hbm>> -> memref<10000x16xf32, #tpu.memory_space<hbm>>
    tpu.wait_indirect_dma semaphore(%arg20 : memref<!tpu.dma_semaphore, #tpu.memory_space<semaphore_mem>>) src(%dma_wait3A_221 : memref<10000x16xf32, #tpu.memory_space<hbm>>) dst(%dma_wait3A_215 : memref<200x16xf32, #tpu.memory_space<vmem>>)
    %add3A_222 = arith.constant 200 : i32
    %add3A_223 = arith.addi %mul3A_57, %add3A_222 : i32
    "tpu.region"() ({
      %run_scoped3A_428 = tpu.sem_alloc : memref<!tpu.dma_semaphore, #tpu.memory_space<semaphore_mem>>
      %dma_start3A_429 = arith.constant 0 : i32
      %dma_start3A_430 = arith.constant 0 : i32
      %dma_start3A_431 = tpu.memref_slice %arg17[%dma_start3A_429, %dma_start3A_430] : memref<200x64xf32, #tpu.memory_space<vmem>> -> memref<200x64xf32, #tpu.memory_space<vmem>>
      %dma_start3A_432 = arith.constant 0 : i32
      %dma_start3A_433 = tpu.memref_slice %arg8[%add3A_223, %dma_start3A_432] : memref<16384x128xf32, #tpu.memory_space<hbm>> -> memref<200x64xf32, #tpu.memory_space<hbm>>
      %dma_start3A_434 = arith.constant 0 : i32
      %dma_start3A_435 = tpu.memref_slice %arg8[%add3A_223, %dma_start3A_434] : memref<16384x128xf32, #tpu.memory_space<hbm>> -> memref<200x64xf32, #tpu.memory_space<hbm>>
      %dma_start3A_436 = arith.constant 0 : i32
      %dma_start3A_437 = arith.constant 0 : i32
      %dma_start3A_438 = tpu.memref_slice %arg17[%dma_start3A_436, %dma_start3A_437] : memref<200x64xf32, #tpu.memory_space<vmem>> -> memref<200x64xf32, #tpu.memory_space<vmem>>
      tpu.enqueue_dma source(%dma_start3A_438 : memref<200x64xf32, #tpu.memory_space<vmem>>) target(%dma_start3A_435 : memref<200x64xf32, #tpu.memory_space<hbm>>) target_semaphore(%run_scoped3A_428 : memref<!tpu.dma_semaphore, #tpu.memory_space<semaphore_mem>>)
      %dma_wait3A_439 = arith.constant 0 : i32
      %dma_wait3A_440 = arith.constant 0 : i32
      %dma_wait3A_441 = tpu.memref_slice %arg17[%dma_wait3A_439, %dma_wait3A_440] : memref<200x64xf32, #tpu.memory_space<vmem>> -> memref<200x64xf32, #tpu.memory_space<vmem>>
      %dma_wait3A_442 = arith.constant 0 : i32
      %dma_wait3A_443 = tpu.memref_slice %arg8[%add3A_223, %dma_wait3A_442] : memref<16384x128xf32, #tpu.memory_space<hbm>> -> memref<200x64xf32, #tpu.memory_space<hbm>>
      %dma_wait3A_444 = arith.constant 0 : i32
      %dma_wait3A_445 = tpu.memref_slice %arg8[%add3A_223, %dma_wait3A_444] : memref<16384x128xf32, #tpu.memory_space<hbm>> -> memref<200x64xf32, #tpu.memory_space<hbm>>
      %dma_wait3A_446 = arith.constant 0 : i32
      %dma_wait3A_447 = arith.constant 0 : i32
      %dma_wait3A_448 = tpu.memref_slice %arg17[%dma_wait3A_446, %dma_wait3A_447] : memref<200x64xf32, #tpu.memory_space<vmem>> -> memref<200x64xf32, #tpu.memory_space<vmem>>
      tpu.wait_dma2 semaphore(%run_scoped3A_428 : memref<!tpu.dma_semaphore, #tpu.memory_space<semaphore_mem>>) src(%dma_wait3A_448 : memref<200x64xf32, #tpu.memory_space<vmem>>) dst(%dma_wait3A_445 : memref<200x64xf32, #tpu.memory_space<hbm>>)
      tpu.yield
    }) : () -> ()
    %add3A_224 = arith.constant 200 : i32
    %add3A_225 = arith.addi %mul3A_57, %add3A_224 : i32
    "tpu.region"() ({
      %run_scoped3A_428 = tpu.sem_alloc : memref<!tpu.dma_semaphore, #tpu.memory_space<semaphore_mem>>
      %dma_start3A_429 = arith.constant 0 : i32
      %dma_start3A_430 = arith.constant 0 : i32
      %dma_start3A_431 = tpu.memref_slice %arg18[%dma_start3A_429, %dma_start3A_430] : memref<200x64xf32, #tpu.memory_space<vmem>> -> memref<200x64xf32, #tpu.memory_space<vmem>>
      %dma_start3A_432 = arith.constant 64 : i32
      %dma_start3A_433 = tpu.memref_slice %arg8[%add3A_225, %dma_start3A_432] : memref<16384x128xf32, #tpu.memory_space<hbm>> -> memref<200x64xf32, #tpu.memory_space<hbm>>
      %dma_start3A_434 = arith.constant 64 : i32
      %dma_start3A_435 = tpu.memref_slice %arg8[%add3A_225, %dma_start3A_434] : memref<16384x128xf32, #tpu.memory_space<hbm>> -> memref<200x64xf32, #tpu.memory_space<hbm>>
      %dma_start3A_436 = arith.constant 0 : i32
      %dma_start3A_437 = arith.constant 0 : i32
      %dma_start3A_438 = tpu.memref_slice %arg18[%dma_start3A_436, %dma_start3A_437] : memref<200x64xf32, #tpu.memory_space<vmem>> -> memref<200x64xf32, #tpu.memory_space<vmem>>
      tpu.enqueue_dma source(%dma_start3A_438 : memref<200x64xf32, #tpu.memory_space<vmem>>) target(%dma_start3A_435 : memref<200x64xf32, #tpu.memory_space<hbm>>) target_semaphore(%run_scoped3A_428 : memref<!tpu.dma_semaphore, #tpu.memory_space<semaphore_mem>>)
      %dma_wait3A_439 = arith.constant 0 : i32
      %dma_wait3A_440 = arith.constant 0 : i32
      %dma_wait3A_441 = tpu.memref_slice %arg18[%dma_wait3A_439, %dma_wait3A_440] : memref<200x64xf32, #tpu.memory_space<vmem>> -> memref<200x64xf32, #tpu.memory_space<vmem>>
      %dma_wait3A_442 = arith.constant 64 : i32
      %dma_wait3A_443 = tpu.memref_slice %arg8[%add3A_225, %dma_wait3A_442] : memref<16384x128xf32, #tpu.memory_space<hbm>> -> memref<200x64xf32, #tpu.memory_space<hbm>>
      %dma_wait3A_444 = arith.constant 64 : i32
      %dma_wait3A_445 = tpu.memref_slice %arg8[%add3A_225, %dma_wait3A_444] : memref<16384x128xf32, #tpu.memory_space<hbm>> -> memref<200x64xf32, #tpu.memory_space<hbm>>
      %dma_wait3A_446 = arith.constant 0 : i32
      %dma_wait3A_447 = arith.constant 0 : i32
      %dma_wait3A_448 = tpu.memref_slice %arg18[%dma_wait3A_446, %dma_wait3A_447] : memref<200x64xf32, #tpu.memory_space<vmem>> -> memref<200x64xf32, #tpu.memory_space<vmem>>
      tpu.wait_dma2 semaphore(%run_scoped3A_428 : memref<!tpu.dma_semaphore, #tpu.memory_space<semaphore_mem>>) src(%dma_wait3A_448 : memref<200x64xf32, #tpu.memory_space<vmem>>) dst(%dma_wait3A_445 : memref<200x64xf32, #tpu.memory_space<hbm>>)
      tpu.yield
    }) : () -> ()
    %add3A_226 = arith.constant 200 : i32
    %add3A_227 = arith.addi %mul3A_57, %add3A_226 : i32
    "tpu.region"() ({
      %run_scoped3A_428 = tpu.sem_alloc : memref<!tpu.dma_semaphore, #tpu.memory_space<semaphore_mem>>
      %dma_start3A_429 = arith.constant 0 : i32
      %dma_start3A_430 = arith.constant 0 : i32
      %dma_start3A_431 = tpu.memref_slice %arg23[%dma_start3A_429, %dma_start3A_430] : memref<200x16xf32, #tpu.memory_space<vmem>> -> memref<200x16xf32, #tpu.memory_space<vmem>>
      %dma_start3A_432 = arith.constant 0 : i32
      %dma_start3A_433 = tpu.memref_slice %arg10[%add3A_227, %dma_start3A_432] : memref<16384x16xf32, #tpu.memory_space<hbm>> -> memref<200x16xf32, #tpu.memory_space<hbm>>
      %dma_start3A_434 = arith.constant 0 : i32
      %dma_start3A_435 = tpu.memref_slice %arg10[%add3A_227, %dma_start3A_434] : memref<16384x16xf32, #tpu.memory_space<hbm>> -> memref<200x16xf32, #tpu.memory_space<hbm>>
      %dma_start3A_436 = arith.constant 0 : i32
      %dma_start3A_437 = arith.constant 0 : i32
      %dma_start3A_438 = tpu.memref_slice %arg23[%dma_start3A_436, %dma_start3A_437] : memref<200x16xf32, #tpu.memory_space<vmem>> -> memref<200x16xf32, #tpu.memory_space<vmem>>
      tpu.enqueue_dma source(%dma_start3A_438 : memref<200x16xf32, #tpu.memory_space<vmem>>) target(%dma_start3A_435 : memref<200x16xf32, #tpu.memory_space<hbm>>) target_semaphore(%run_scoped3A_428 : memref<!tpu.dma_semaphore, #tpu.memory_space<semaphore_mem>>)
      %dma_wait3A_439 = arith.constant 0 : i32
      %dma_wait3A_440 = arith.constant 0 : i32
      %dma_wait3A_441 = tpu.memref_slice %arg23[%dma_wait3A_439, %dma_wait3A_440] : memref<200x16xf32, #tpu.memory_space<vmem>> -> memref<200x16xf32, #tpu.memory_space<vmem>>
      %dma_wait3A_442 = arith.constant 0 : i32
      %dma_wait3A_443 = tpu.memref_slice %arg10[%add3A_227, %dma_wait3A_442] : memref<16384x16xf32, #tpu.memory_space<hbm>> -> memref<200x16xf32, #tpu.memory_space<hbm>>
      %dma_wait3A_444 = arith.constant 0 : i32
      %dma_wait3A_445 = tpu.memref_slice %arg10[%add3A_227, %dma_wait3A_444] : memref<16384x16xf32, #tpu.memory_space<hbm>> -> memref<200x16xf32, #tpu.memory_space<hbm>>
      %dma_wait3A_446 = arith.constant 0 : i32
      %dma_wait3A_447 = arith.constant 0 : i32
      %dma_wait3A_448 = tpu.memref_slice %arg23[%dma_wait3A_446, %dma_wait3A_447] : memref<200x16xf32, #tpu.memory_space<vmem>> -> memref<200x16xf32, #tpu.memory_space<vmem>>
      tpu.wait_dma2 semaphore(%run_scoped3A_428 : memref<!tpu.dma_semaphore, #tpu.memory_space<semaphore_mem>>) src(%dma_wait3A_448 : memref<200x16xf32, #tpu.memory_space<vmem>>) dst(%dma_wait3A_445 : memref<200x16xf32, #tpu.memory_space<hbm>>)
      tpu.yield
    }) : () -> ()
    %dma_wait3A_228 = arith.constant 0 : i32
    %dma_wait3A_229 = arith.constant 0 : i32
    %dma_wait3A_230 = arith.constant 0 : i32
    %dma_wait3A_231 = tpu.memref_slice %arg15[%dma_wait3A_229, %dma_wait3A_230] : memref<200x64xf32, #tpu.memory_space<vmem>> -> memref<112x64xf32, #tpu.memory_space<vmem>>
    %dma_wait3A_232 = arith.constant 0 : i32
    %dma_wait3A_233 = tpu.memref_slice %arg11[%dma_wait3A_228, %dma_wait3A_232] : memref<2x200xi32, #tpu.memory_space<vmem>> -> memref<1x112xi32, #tpu.memory_space<vmem>>
    %dma_wait3A_234 = tpu.memref_squeeze %dma_wait3A_233 : memref<1x112xi32, #tpu.memory_space<vmem>> -> memref<112xi32, #tpu.memory_space<vmem>>
    %dma_wait3A_235 = arith.constant 0 : i32
    %dma_wait3A_236 = arith.constant 0 : i32
    %dma_wait3A_237 = tpu.memref_slice %arg2[%dma_wait3A_235, %dma_wait3A_236] : memref<10000x64xf32, #tpu.memory_space<hbm>> -> memref<10000x64xf32, #tpu.memory_space<hbm>>
    tpu.wait_indirect_dma semaphore(%arg20 : memref<!tpu.dma_semaphore, #tpu.memory_space<semaphore_mem>>) src(%dma_wait3A_237 : memref<10000x64xf32, #tpu.memory_space<hbm>>) dst(%dma_wait3A_231 : memref<112x64xf32, #tpu.memory_space<vmem>>)
    %dma_wait3A_238 = arith.constant 0 : i32
    %dma_wait3A_239 = arith.constant 0 : i32
    %dma_wait3A_240 = arith.constant 0 : i32
    %dma_wait3A_241 = tpu.memref_slice %arg16[%dma_wait3A_239, %dma_wait3A_240] : memref<200x64xf32, #tpu.memory_space<vmem>> -> memref<112x64xf32, #tpu.memory_space<vmem>>
    %dma_wait3A_242 = arith.constant 0 : i32
    %dma_wait3A_243 = tpu.memref_slice %arg11[%dma_wait3A_238, %dma_wait3A_242] : memref<2x200xi32, #tpu.memory_space<vmem>> -> memref<1x112xi32, #tpu.memory_space<vmem>>
    %dma_wait3A_244 = tpu.memref_squeeze %dma_wait3A_243 : memref<1x112xi32, #tpu.memory_space<vmem>> -> memref<112xi32, #tpu.memory_space<vmem>>
    %dma_wait3A_245 = arith.constant 0 : i32
    %dma_wait3A_246 = arith.constant 0 : i32
    %dma_wait3A_247 = tpu.memref_slice %arg3[%dma_wait3A_245, %dma_wait3A_246] : memref<10000x64xf32, #tpu.memory_space<hbm>> -> memref<10000x64xf32, #tpu.memory_space<hbm>>
    tpu.wait_indirect_dma semaphore(%arg20 : memref<!tpu.dma_semaphore, #tpu.memory_space<semaphore_mem>>) src(%dma_wait3A_247 : memref<10000x64xf32, #tpu.memory_space<hbm>>) dst(%dma_wait3A_241 : memref<112x64xf32, #tpu.memory_space<vmem>>)
    %dma_wait3A_248 = arith.constant 0 : i32
    %dma_wait3A_249 = arith.constant 0 : i32
    %dma_wait3A_250 = arith.constant 0 : i32
    %dma_wait3A_251 = tpu.memref_slice %arg22[%dma_wait3A_249, %dma_wait3A_250] : memref<200x16xf32, #tpu.memory_space<vmem>> -> memref<112x16xf32, #tpu.memory_space<vmem>>
    %dma_wait3A_252 = arith.constant 0 : i32
    %dma_wait3A_253 = tpu.memref_slice %arg11[%dma_wait3A_248, %dma_wait3A_252] : memref<2x200xi32, #tpu.memory_space<vmem>> -> memref<1x112xi32, #tpu.memory_space<vmem>>
    %dma_wait3A_254 = tpu.memref_squeeze %dma_wait3A_253 : memref<1x112xi32, #tpu.memory_space<vmem>> -> memref<112xi32, #tpu.memory_space<vmem>>
    %dma_wait3A_255 = arith.constant 0 : i32
    %dma_wait3A_256 = arith.constant 0 : i32
    %dma_wait3A_257 = tpu.memref_slice %arg7[%dma_wait3A_255, %dma_wait3A_256] : memref<10000x16xf32, #tpu.memory_space<hbm>> -> memref<10000x16xf32, #tpu.memory_space<hbm>>
    tpu.wait_indirect_dma semaphore(%arg20 : memref<!tpu.dma_semaphore, #tpu.memory_space<semaphore_mem>>) src(%dma_wait3A_257 : memref<10000x16xf32, #tpu.memory_space<hbm>>) dst(%dma_wait3A_251 : memref<112x16xf32, #tpu.memory_space<vmem>>)
    %add3A_258 = arith.constant 400 : i32
    %add3A_259 = arith.addi %mul3A_57, %add3A_258 : i32
    "tpu.region"() ({
      %run_scoped3A_428 = tpu.sem_alloc : memref<!tpu.dma_semaphore, #tpu.memory_space<semaphore_mem>>
      %dma_start3A_429 = arith.constant 0 : i32
      %dma_start3A_430 = arith.constant 0 : i32
      %dma_start3A_431 = tpu.memref_slice %arg15[%dma_start3A_429, %dma_start3A_430] : memref<200x64xf32, #tpu.memory_space<vmem>> -> memref<112x64xf32, #tpu.memory_space<vmem>>
      %dma_start3A_432 = arith.constant 0 : i32
      %dma_start3A_433 = tpu.memref_slice %arg8[%add3A_259, %dma_start3A_432] : memref<16384x128xf32, #tpu.memory_space<hbm>> -> memref<112x64xf32, #tpu.memory_space<hbm>>
      %dma_start3A_434 = arith.constant 0 : i32
      %dma_start3A_435 = tpu.memref_slice %arg8[%add3A_259, %dma_start3A_434] : memref<16384x128xf32, #tpu.memory_space<hbm>> -> memref<112x64xf32, #tpu.memory_space<hbm>>
      %dma_start3A_436 = arith.constant 0 : i32
      %dma_start3A_437 = arith.constant 0 : i32
      %dma_start3A_438 = tpu.memref_slice %arg15[%dma_start3A_436, %dma_start3A_437] : memref<200x64xf32, #tpu.memory_space<vmem>> -> memref<112x64xf32, #tpu.memory_space<vmem>>
      tpu.enqueue_dma source(%dma_start3A_438 : memref<112x64xf32, #tpu.memory_space<vmem>>) target(%dma_start3A_435 : memref<112x64xf32, #tpu.memory_space<hbm>>) target_semaphore(%run_scoped3A_428 : memref<!tpu.dma_semaphore, #tpu.memory_space<semaphore_mem>>)
      %dma_wait3A_439 = arith.constant 0 : i32
      %dma_wait3A_440 = arith.constant 0 : i32
      %dma_wait3A_441 = tpu.memref_slice %arg15[%dma_wait3A_439, %dma_wait3A_440] : memref<200x64xf32, #tpu.memory_space<vmem>> -> memref<112x64xf32, #tpu.memory_space<vmem>>
      %dma_wait3A_442 = arith.constant 0 : i32
      %dma_wait3A_443 = tpu.memref_slice %arg8[%add3A_259, %dma_wait3A_442] : memref<16384x128xf32, #tpu.memory_space<hbm>> -> memref<112x64xf32, #tpu.memory_space<hbm>>
      %dma_wait3A_444 = arith.constant 0 : i32
      %dma_wait3A_445 = tpu.memref_slice %arg8[%add3A_259, %dma_wait3A_444] : memref<16384x128xf32, #tpu.memory_space<hbm>> -> memref<112x64xf32, #tpu.memory_space<hbm>>
      %dma_wait3A_446 = arith.constant 0 : i32
      %dma_wait3A_447 = arith.constant 0 : i32
      %dma_wait3A_448 = tpu.memref_slice %arg15[%dma_wait3A_446, %dma_wait3A_447] : memref<200x64xf32, #tpu.memory_space<vmem>> -> memref<112x64xf32, #tpu.memory_space<vmem>>
      tpu.wait_dma2 semaphore(%run_scoped3A_428 : memref<!tpu.dma_semaphore, #tpu.memory_space<semaphore_mem>>) src(%dma_wait3A_448 : memref<112x64xf32, #tpu.memory_space<vmem>>) dst(%dma_wait3A_445 : memref<112x64xf32, #tpu.memory_space<hbm>>)
      tpu.yield
    }) : () -> ()
    %add3A_260 = arith.constant 400 : i32
    %add3A_261 = arith.addi %mul3A_57, %add3A_260 : i32
    "tpu.region"() ({
      %run_scoped3A_428 = tpu.sem_alloc : memref<!tpu.dma_semaphore, #tpu.memory_space<semaphore_mem>>
      %dma_start3A_429 = arith.constant 0 : i32
      %dma_start3A_430 = arith.constant 0 : i32
      %dma_start3A_431 = tpu.memref_slice %arg16[%dma_start3A_429, %dma_start3A_430] : memref<200x64xf32, #tpu.memory_space<vmem>> -> memref<112x64xf32, #tpu.memory_space<vmem>>
      %dma_start3A_432 = arith.constant 64 : i32
      %dma_start3A_433 = tpu.memref_slice %arg8[%add3A_261, %dma_start3A_432] : memref<16384x128xf32, #tpu.memory_space<hbm>> -> memref<112x64xf32, #tpu.memory_space<hbm>>
      %dma_start3A_434 = arith.constant 64 : i32
      %dma_start3A_435 = tpu.memref_slice %arg8[%add3A_261, %dma_start3A_434] : memref<16384x128xf32, #tpu.memory_space<hbm>> -> memref<112x64xf32, #tpu.memory_space<hbm>>
      %dma_start3A_436 = arith.constant 0 : i32
      %dma_start3A_437 = arith.constant 0 : i32
      %dma_start3A_438 = tpu.memref_slice %arg16[%dma_start3A_436, %dma_start3A_437] : memref<200x64xf32, #tpu.memory_space<vmem>> -> memref<112x64xf32, #tpu.memory_space<vmem>>
      tpu.enqueue_dma source(%dma_start3A_438 : memref<112x64xf32, #tpu.memory_space<vmem>>) target(%dma_start3A_435 : memref<112x64xf32, #tpu.memory_space<hbm>>) target_semaphore(%run_scoped3A_428 : memref<!tpu.dma_semaphore, #tpu.memory_space<semaphore_mem>>)
      %dma_wait3A_439 = arith.constant 0 : i32
      %dma_wait3A_440 = arith.constant 0 : i32
      %dma_wait3A_441 = tpu.memref_slice %arg16[%dma_wait3A_439, %dma_wait3A_440] : memref<200x64xf32, #tpu.memory_space<vmem>> -> memref<112x64xf32, #tpu.memory_space<vmem>>
      %dma_wait3A_442 = arith.constant 64 : i32
      %dma_wait3A_443 = tpu.memref_slice %arg8[%add3A_261, %dma_wait3A_442] : memref<16384x128xf32, #tpu.memory_space<hbm>> -> memref<112x64xf32, #tpu.memory_space<hbm>>
      %dma_wait3A_444 = arith.constant 64 : i32
      %dma_wait3A_445 = tpu.memref_slice %arg8[%add3A_261, %dma_wait3A_444] : memref<16384x128xf32, #tpu.memory_space<hbm>> -> memref<112x64xf32, #tpu.memory_space<hbm>>
      %dma_wait3A_446 = arith.constant 0 : i32
      %dma_wait3A_447 = arith.constant 0 : i32
      %dma_wait3A_448 = tpu.memref_slice %arg16[%dma_wait3A_446, %dma_wait3A_447] : memref<200x64xf32, #tpu.memory_space<vmem>> -> memref<112x64xf32, #tpu.memory_space<vmem>>
      tpu.wait_dma2 semaphore(%run_scoped3A_428 : memref<!tpu.dma_semaphore, #tpu.memory_space<semaphore_mem>>) src(%dma_wait3A_448 : memref<112x64xf32, #tpu.memory_space<vmem>>) dst(%dma_wait3A_445 : memref<112x64xf32, #tpu.memory_space<hbm>>)
      tpu.yield
    }) : () -> ()
    %add3A_262 = arith.constant 400 : i32
    %add3A_263 = arith.addi %mul3A_57, %add3A_262 : i32
    "tpu.region"() ({
      %run_scoped3A_428 = tpu.sem_alloc : memref<!tpu.dma_semaphore, #tpu.memory_space<semaphore_mem>>
      %dma_start3A_429 = arith.constant 0 : i32
      %dma_start3A_430 = arith.constant 0 : i32
      %dma_start3A_431 = tpu.memref_slice %arg22[%dma_start3A_429, %dma_start3A_430] : memref<200x16xf32, #tpu.memory_space<vmem>> -> memref<112x16xf32, #tpu.memory_space<vmem>>
      %dma_start3A_432 = arith.constant 0 : i32
      %dma_start3A_433 = tpu.memref_slice %arg10[%add3A_263, %dma_start3A_432] : memref<16384x16xf32, #tpu.memory_space<hbm>> -> memref<112x16xf32, #tpu.memory_space<hbm>>
      %dma_start3A_434 = arith.constant 0 : i32
      %dma_start3A_435 = tpu.memref_slice %arg10[%add3A_263, %dma_start3A_434] : memref<16384x16xf32, #tpu.memory_space<hbm>> -> memref<112x16xf32, #tpu.memory_space<hbm>>
      %dma_start3A_436 = arith.constant 0 : i32
      %dma_start3A_437 = arith.constant 0 : i32
      %dma_start3A_438 = tpu.memref_slice %arg22[%dma_start3A_436, %dma_start3A_437] : memref<200x16xf32, #tpu.memory_space<vmem>> -> memref<112x16xf32, #tpu.memory_space<vmem>>
      tpu.enqueue_dma source(%dma_start3A_438 : memref<112x16xf32, #tpu.memory_space<vmem>>) target(%dma_start3A_435 : memref<112x16xf32, #tpu.memory_space<hbm>>) target_semaphore(%run_scoped3A_428 : memref<!tpu.dma_semaphore, #tpu.memory_space<semaphore_mem>>)
      %dma_wait3A_439 = arith.constant 0 : i32
      %dma_wait3A_440 = arith.constant 0 : i32
      %dma_wait3A_441 = tpu.memref_slice %arg22[%dma_wait3A_439, %dma_wait3A_440] : memref<200x16xf32, #tpu.memory_space<vmem>> -> memref<112x16xf32, #tpu.memory_space<vmem>>
      %dma_wait3A_442 = arith.constant 0 : i32
      %dma_wait3A_443 = tpu.memref_slice %arg10[%add3A_263, %dma_wait3A_442] : memref<16384x16xf32, #tpu.memory_space<hbm>> -> memref<112x16xf32, #tpu.memory_space<hbm>>
      %dma_wait3A_444 = arith.constant 0 : i32
      %dma_wait3A_445 = tpu.memref_slice %arg10[%add3A_263, %dma_wait3A_444] : memref<16384x16xf32, #tpu.memory_space<hbm>> -> memref<112x16xf32, #tpu.memory_space<hbm>>
      %dma_wait3A_446 = arith.constant 0 : i32
      %dma_wait3A_447 = arith.constant 0 : i32
      %dma_wait3A_448 = tpu.memref_slice %arg22[%dma_wait3A_446, %dma_wait3A_447] : memref<200x16xf32, #tpu.memory_space<vmem>> -> memref<112x16xf32, #tpu.memory_space<vmem>>
      tpu.wait_dma2 semaphore(%run_scoped3A_428 : memref<!tpu.dma_semaphore, #tpu.memory_space<semaphore_mem>>) src(%dma_wait3A_448 : memref<112x16xf32, #tpu.memory_space<vmem>>) dst(%dma_wait3A_445 : memref<112x16xf32, #tpu.memory_space<hbm>>)
      tpu.yield
    }) : () -> ()
    %mul3A_264 = arith.constant 1024 : i32
    %mul3A_265 = arith.muli %arg1, %mul3A_264 : i32
    %add3A_266 = arith.constant 0 : i32
    %add3A_267 = arith.addi %mul3A_265, %add3A_266 : i32
    %run_scoped3A_268 = arith.constant 0 : i32
    "tpu.region"() ({
      %run_scoped3A_428 = tpu.sem_alloc : memref<!tpu.dma_semaphore, #tpu.memory_space<semaphore_mem>>
      %dma_start3A_429 = arith.constant 0 : i32
      %dma_start3A_430 = tpu.memref_slice %arg12[%run_scoped3A_268, %dma_start3A_429] : memref<2x200xi32, #tpu.memory_space<vmem>> -> memref<1x200xi32, #tpu.memory_space<vmem>>
      %dma_start3A_431 = tpu.memref_squeeze %dma_start3A_430 : memref<1x200xi32, #tpu.memory_space<vmem>> -> memref<200xi32, #tpu.memory_space<vmem>>
      %dma_start3A_432 = tpu.memref_slice %arg6[%add3A_267] : memref<16384xi32, #tpu.memory_space<hbm>> -> memref<200xi32, #tpu.memory_space<hbm>>
      %dma_start3A_433 = arith.constant 0 : i32
      %dma_start3A_434 = tpu.memref_slice %arg12[%run_scoped3A_268, %dma_start3A_433] : memref<2x200xi32, #tpu.memory_space<vmem>> -> memref<1x200xi32, #tpu.memory_space<vmem>>
      %dma_start3A_435 = tpu.memref_squeeze %dma_start3A_434 : memref<1x200xi32, #tpu.memory_space<vmem>> -> memref<200xi32, #tpu.memory_space<vmem>>
      %dma_start3A_436 = tpu.memref_slice %arg6[%add3A_267] : memref<16384xi32, #tpu.memory_space<hbm>> -> memref<200xi32, #tpu.memory_space<hbm>>
      tpu.enqueue_dma source(%dma_start3A_436 : memref<200xi32, #tpu.memory_space<hbm>>) target(%dma_start3A_435 : memref<200xi32, #tpu.memory_space<vmem>>) target_semaphore(%run_scoped3A_428 : memref<!tpu.dma_semaphore, #tpu.memory_space<semaphore_mem>>)
      %dma_wait3A_437 = arith.constant 0 : i32
      %dma_wait3A_438 = tpu.memref_slice %arg12[%run_scoped3A_268, %dma_wait3A_437] : memref<2x200xi32, #tpu.memory_space<vmem>> -> memref<1x200xi32, #tpu.memory_space<vmem>>
      %dma_wait3A_439 = tpu.memref_squeeze %dma_wait3A_438 : memref<1x200xi32, #tpu.memory_space<vmem>> -> memref<200xi32, #tpu.memory_space<vmem>>
      %dma_wait3A_440 = tpu.memref_slice %arg6[%add3A_267] : memref<16384xi32, #tpu.memory_space<hbm>> -> memref<200xi32, #tpu.memory_space<hbm>>
      %dma_wait3A_441 = arith.constant 0 : i32
      %dma_wait3A_442 = tpu.memref_slice %arg12[%run_scoped3A_268, %dma_wait3A_441] : memref<2x200xi32, #tpu.memory_space<vmem>> -> memref<1x200xi32, #tpu.memory_space<vmem>>
      %dma_wait3A_443 = tpu.memref_squeeze %dma_wait3A_442 : memref<1x200xi32, #tpu.memory_space<vmem>> -> memref<200xi32, #tpu.memory_space<vmem>>
      %dma_wait3A_444 = tpu.memref_slice %arg6[%add3A_267] : memref<16384xi32, #tpu.memory_space<hbm>> -> memref<200xi32, #tpu.memory_space<hbm>>
      tpu.wait_dma2 semaphore(%run_scoped3A_428 : memref<!tpu.dma_semaphore, #tpu.memory_space<semaphore_mem>>) src(%dma_wait3A_444 : memref<200xi32, #tpu.memory_space<hbm>>) dst(%dma_wait3A_443 : memref<200xi32, #tpu.memory_space<vmem>>)
      tpu.yield
    }) : () -> ()
    %dma_start3A_269 = arith.constant 0 : i32
    %dma_start3A_270 = arith.constant 0 : i32
    %dma_start3A_271 = arith.constant 0 : i32
    %dma_start3A_272 = tpu.memref_slice %arg15[%dma_start3A_270, %dma_start3A_271] : memref<200x64xf32, #tpu.memory_space<vmem>> -> memref<200x64xf32, #tpu.memory_space<vmem>>
    %dma_start3A_273 = arith.constant 0 : i32
    %dma_start3A_274 = tpu.memref_slice %arg12[%dma_start3A_269, %dma_start3A_273] : memref<2x200xi32, #tpu.memory_space<vmem>> -> memref<1x200xi32, #tpu.memory_space<vmem>>
    %dma_start3A_275 = tpu.memref_squeeze %dma_start3A_274 : memref<1x200xi32, #tpu.memory_space<vmem>> -> memref<200xi32, #tpu.memory_space<vmem>>
    %dma_start3A_276 = arith.constant 0 : i32
    %dma_start3A_277 = arith.constant 0 : i32
    %dma_start3A_278 = tpu.memref_slice %arg19[%dma_start3A_276, %dma_start3A_277] : memref<10240x64xf32, #tpu.memory_space<vmem_shared>> -> memref<10240x64xf32, #tpu.memory_space<vmem_shared>>
    tpu.enqueue_indirect_dma source(%dma_start3A_278 : memref<10240x64xf32, #tpu.memory_space<vmem_shared>>) target(%dma_start3A_272 : memref<200x64xf32, #tpu.memory_space<vmem>>) offsets(%dma_start3A_275 : memref<200xi32, #tpu.memory_space<vmem>>) semaphore(%arg20 : memref<!tpu.dma_semaphore, #tpu.memory_space<semaphore_mem>>)
    %add3A_279 = arith.constant 200 : i32
    %add3A_280 = arith.addi %mul3A_265, %add3A_279 : i32
    %run_scoped3A_281 = arith.constant 0 : i32
    "tpu.region"() ({
      %run_scoped3A_428 = tpu.sem_alloc : memref<!tpu.dma_semaphore, #tpu.memory_space<semaphore_mem>>
      %dma_start3A_429 = arith.constant 0 : i32
      %dma_start3A_430 = tpu.memref_slice %arg14[%run_scoped3A_281, %dma_start3A_429] : memref<2x200xi32, #tpu.memory_space<vmem>> -> memref<1x200xi32, #tpu.memory_space<vmem>>
      %dma_start3A_431 = tpu.memref_squeeze %dma_start3A_430 : memref<1x200xi32, #tpu.memory_space<vmem>> -> memref<200xi32, #tpu.memory_space<vmem>>
      %dma_start3A_432 = tpu.memref_slice %arg6[%add3A_280] : memref<16384xi32, #tpu.memory_space<hbm>> -> memref<200xi32, #tpu.memory_space<hbm>>
      %dma_start3A_433 = arith.constant 0 : i32
      %dma_start3A_434 = tpu.memref_slice %arg14[%run_scoped3A_281, %dma_start3A_433] : memref<2x200xi32, #tpu.memory_space<vmem>> -> memref<1x200xi32, #tpu.memory_space<vmem>>
      %dma_start3A_435 = tpu.memref_squeeze %dma_start3A_434 : memref<1x200xi32, #tpu.memory_space<vmem>> -> memref<200xi32, #tpu.memory_space<vmem>>
      %dma_start3A_436 = tpu.memref_slice %arg6[%add3A_280] : memref<16384xi32, #tpu.memory_space<hbm>> -> memref<200xi32, #tpu.memory_space<hbm>>
      tpu.enqueue_dma source(%dma_start3A_436 : memref<200xi32, #tpu.memory_space<hbm>>) target(%dma_start3A_435 : memref<200xi32, #tpu.memory_space<vmem>>) target_semaphore(%run_scoped3A_428 : memref<!tpu.dma_semaphore, #tpu.memory_space<semaphore_mem>>)
      %dma_wait3A_437 = arith.constant 0 : i32
      %dma_wait3A_438 = tpu.memref_slice %arg14[%run_scoped3A_281, %dma_wait3A_437] : memref<2x200xi32, #tpu.memory_space<vmem>> -> memref<1x200xi32, #tpu.memory_space<vmem>>
      %dma_wait3A_439 = tpu.memref_squeeze %dma_wait3A_438 : memref<1x200xi32, #tpu.memory_space<vmem>> -> memref<200xi32, #tpu.memory_space<vmem>>
      %dma_wait3A_440 = tpu.memref_slice %arg6[%add3A_280] : memref<16384xi32, #tpu.memory_space<hbm>> -> memref<200xi32, #tpu.memory_space<hbm>>
      %dma_wait3A_441 = arith.constant 0 : i32
      %dma_wait3A_442 = tpu.memref_slice %arg14[%run_scoped3A_281, %dma_wait3A_441] : memref<2x200xi32, #tpu.memory_space<vmem>> -> memref<1x200xi32, #tpu.memory_space<vmem>>
      %dma_wait3A_443 = tpu.memref_squeeze %dma_wait3A_442 : memref<1x200xi32, #tpu.memory_space<vmem>> -> memref<200xi32, #tpu.memory_space<vmem>>
      %dma_wait3A_444 = tpu.memref_slice %arg6[%add3A_280] : memref<16384xi32, #tpu.memory_space<hbm>> -> memref<200xi32, #tpu.memory_space<hbm>>
      tpu.wait_dma2 semaphore(%run_scoped3A_428 : memref<!tpu.dma_semaphore, #tpu.memory_space<semaphore_mem>>) src(%dma_wait3A_444 : memref<200xi32, #tpu.memory_space<hbm>>) dst(%dma_wait3A_443 : memref<200xi32, #tpu.memory_space<vmem>>)
      tpu.yield
    }) : () -> ()
    %dma_start3A_282 = arith.constant 0 : i32
    %dma_start3A_283 = arith.constant 0 : i32
    %dma_start3A_284 = arith.constant 0 : i32
    %dma_start3A_285 = tpu.memref_slice %arg16[%dma_start3A_283, %dma_start3A_284] : memref<200x64xf32, #tpu.memory_space<vmem>> -> memref<200x64xf32, #tpu.memory_space<vmem>>
    %dma_start3A_286 = arith.constant 0 : i32
    %dma_start3A_287 = tpu.memref_slice %arg14[%dma_start3A_282, %dma_start3A_286] : memref<2x200xi32, #tpu.memory_space<vmem>> -> memref<1x200xi32, #tpu.memory_space<vmem>>
    %dma_start3A_288 = tpu.memref_squeeze %dma_start3A_287 : memref<1x200xi32, #tpu.memory_space<vmem>> -> memref<200xi32, #tpu.memory_space<vmem>>
    %dma_start3A_289 = arith.constant 0 : i32
    %dma_start3A_290 = arith.constant 0 : i32
    %dma_start3A_291 = tpu.memref_slice %arg19[%dma_start3A_289, %dma_start3A_290] : memref<10240x64xf32, #tpu.memory_space<vmem_shared>> -> memref<10240x64xf32, #tpu.memory_space<vmem_shared>>
    tpu.enqueue_indirect_dma source(%dma_start3A_291 : memref<10240x64xf32, #tpu.memory_space<vmem_shared>>) target(%dma_start3A_285 : memref<200x64xf32, #tpu.memory_space<vmem>>) offsets(%dma_start3A_288 : memref<200xi32, #tpu.memory_space<vmem>>) semaphore(%arg20 : memref<!tpu.dma_semaphore, #tpu.memory_space<semaphore_mem>>)
    %dma_wait3A_292 = arith.constant 0 : i32
    %dma_wait3A_293 = arith.constant 0 : i32
    %dma_wait3A_294 = arith.constant 0 : i32
    %dma_wait3A_295 = tpu.memref_slice %arg15[%dma_wait3A_293, %dma_wait3A_294] : memref<200x64xf32, #tpu.memory_space<vmem>> -> memref<200x64xf32, #tpu.memory_space<vmem>>
    %dma_wait3A_296 = arith.constant 0 : i32
    %dma_wait3A_297 = tpu.memref_slice %arg12[%dma_wait3A_292, %dma_wait3A_296] : memref<2x200xi32, #tpu.memory_space<vmem>> -> memref<1x200xi32, #tpu.memory_space<vmem>>
    %dma_wait3A_298 = tpu.memref_squeeze %dma_wait3A_297 : memref<1x200xi32, #tpu.memory_space<vmem>> -> memref<200xi32, #tpu.memory_space<vmem>>
    %dma_wait3A_299 = arith.constant 0 : i32
    %dma_wait3A_300 = arith.constant 0 : i32
    %dma_wait3A_301 = tpu.memref_slice %arg19[%dma_wait3A_299, %dma_wait3A_300] : memref<10240x64xf32, #tpu.memory_space<vmem_shared>> -> memref<10240x64xf32, #tpu.memory_space<vmem_shared>>
    tpu.wait_indirect_dma semaphore(%arg20 : memref<!tpu.dma_semaphore, #tpu.memory_space<semaphore_mem>>) src(%dma_wait3A_301 : memref<10240x64xf32, #tpu.memory_space<vmem_shared>>) dst(%dma_wait3A_295 : memref<200x64xf32, #tpu.memory_space<vmem>>)
    %add3A_302 = arith.constant 0 : i32
    %add3A_303 = arith.addi %mul3A_265, %add3A_302 : i32
    %mul3A_304 = arith.constant 64 : i32
    %mul3A_305 = arith.muli %arg0, %mul3A_304 : i32
    "tpu.region"() ({
      %run_scoped3A_428 = tpu.sem_alloc : memref<!tpu.dma_semaphore, #tpu.memory_space<semaphore_mem>>
      %dma_start3A_429 = arith.constant 0 : i32
      %dma_start3A_430 = arith.constant 0 : i32
      %dma_start3A_431 = tpu.memref_slice %arg15[%dma_start3A_429, %dma_start3A_430] : memref<200x64xf32, #tpu.memory_space<vmem>> -> memref<200x64xf32, #tpu.memory_space<vmem>>
      %dma_start3A_432 = tpu.memref_slice %arg9[%add3A_303, %mul3A_305] : memref<16384x128xf32, #tpu.memory_space<hbm>> -> memref<200x64xf32, #tpu.memory_space<hbm>>
      %dma_start3A_433 = tpu.memref_slice %arg9[%add3A_303, %mul3A_305] : memref<16384x128xf32, #tpu.memory_space<hbm>> -> memref<200x64xf32, #tpu.memory_space<hbm>>
      %dma_start3A_434 = arith.constant 0 : i32
      %dma_start3A_435 = arith.constant 0 : i32
      %dma_start3A_436 = tpu.memref_slice %arg15[%dma_start3A_434, %dma_start3A_435] : memref<200x64xf32, #tpu.memory_space<vmem>> -> memref<200x64xf32, #tpu.memory_space<vmem>>
      tpu.enqueue_dma source(%dma_start3A_436 : memref<200x64xf32, #tpu.memory_space<vmem>>) target(%dma_start3A_433 : memref<200x64xf32, #tpu.memory_space<hbm>>) target_semaphore(%run_scoped3A_428 : memref<!tpu.dma_semaphore, #tpu.memory_space<semaphore_mem>>)
      %dma_wait3A_437 = arith.constant 0 : i32
      %dma_wait3A_438 = arith.constant 0 : i32
      %dma_wait3A_439 = tpu.memref_slice %arg15[%dma_wait3A_437, %dma_wait3A_438] : memref<200x64xf32, #tpu.memory_space<vmem>> -> memref<200x64xf32, #tpu.memory_space<vmem>>
      %dma_wait3A_440 = tpu.memref_slice %arg9[%add3A_303, %mul3A_305] : memref<16384x128xf32, #tpu.memory_space<hbm>> -> memref<200x64xf32, #tpu.memory_space<hbm>>
      %dma_wait3A_441 = tpu.memref_slice %arg9[%add3A_303, %mul3A_305] : memref<16384x128xf32, #tpu.memory_space<hbm>> -> memref<200x64xf32, #tpu.memory_space<hbm>>
      %dma_wait3A_442 = arith.constant 0 : i32
      %dma_wait3A_443 = arith.constant 0 : i32
      %dma_wait3A_444 = tpu.memref_slice %arg15[%dma_wait3A_442, %dma_wait3A_443] : memref<200x64xf32, #tpu.memory_space<vmem>> -> memref<200x64xf32, #tpu.memory_space<vmem>>
      tpu.wait_dma2 semaphore(%run_scoped3A_428 : memref<!tpu.dma_semaphore, #tpu.memory_space<semaphore_mem>>) src(%dma_wait3A_444 : memref<200x64xf32, #tpu.memory_space<vmem>>) dst(%dma_wait3A_441 : memref<200x64xf32, #tpu.memory_space<hbm>>)
      tpu.yield
    }) : () -> ()
    %add3A_306 = arith.constant 400 : i32
    %add3A_307 = arith.addi %mul3A_265, %add3A_306 : i32
    %run_scoped3A_308 = arith.constant 0 : i32
    "tpu.region"() ({
      %run_scoped3A_428 = tpu.sem_alloc : memref<!tpu.dma_semaphore, #tpu.memory_space<semaphore_mem>>
      %dma_start3A_429 = arith.constant 0 : i32
      %dma_start3A_430 = tpu.memref_slice %arg12[%run_scoped3A_308, %dma_start3A_429] : memref<2x200xi32, #tpu.memory_space<vmem>> -> memref<1x200xi32, #tpu.memory_space<vmem>>
      %dma_start3A_431 = tpu.memref_squeeze %dma_start3A_430 : memref<1x200xi32, #tpu.memory_space<vmem>> -> memref<200xi32, #tpu.memory_space<vmem>>
      %dma_start3A_432 = tpu.memref_slice %arg6[%add3A_307] : memref<16384xi32, #tpu.memory_space<hbm>> -> memref<200xi32, #tpu.memory_space<hbm>>
      %dma_start3A_433 = arith.constant 0 : i32
      %dma_start3A_434 = tpu.memref_slice %arg12[%run_scoped3A_308, %dma_start3A_433] : memref<2x200xi32, #tpu.memory_space<vmem>> -> memref<1x200xi32, #tpu.memory_space<vmem>>
      %dma_start3A_435 = tpu.memref_squeeze %dma_start3A_434 : memref<1x200xi32, #tpu.memory_space<vmem>> -> memref<200xi32, #tpu.memory_space<vmem>>
      %dma_start3A_436 = tpu.memref_slice %arg6[%add3A_307] : memref<16384xi32, #tpu.memory_space<hbm>> -> memref<200xi32, #tpu.memory_space<hbm>>
      tpu.enqueue_dma source(%dma_start3A_436 : memref<200xi32, #tpu.memory_space<hbm>>) target(%dma_start3A_435 : memref<200xi32, #tpu.memory_space<vmem>>) target_semaphore(%run_scoped3A_428 : memref<!tpu.dma_semaphore, #tpu.memory_space<semaphore_mem>>)
      %dma_wait3A_437 = arith.constant 0 : i32
      %dma_wait3A_438 = tpu.memref_slice %arg12[%run_scoped3A_308, %dma_wait3A_437] : memref<2x200xi32, #tpu.memory_space<vmem>> -> memref<1x200xi32, #tpu.memory_space<vmem>>
      %dma_wait3A_439 = tpu.memref_squeeze %dma_wait3A_438 : memref<1x200xi32, #tpu.memory_space<vmem>> -> memref<200xi32, #tpu.memory_space<vmem>>
      %dma_wait3A_440 = tpu.memref_slice %arg6[%add3A_307] : memref<16384xi32, #tpu.memory_space<hbm>> -> memref<200xi32, #tpu.memory_space<hbm>>
      %dma_wait3A_441 = arith.constant 0 : i32
      %dma_wait3A_442 = tpu.memref_slice %arg12[%run_scoped3A_308, %dma_wait3A_441] : memref<2x200xi32, #tpu.memory_space<vmem>> -> memref<1x200xi32, #tpu.memory_space<vmem>>
      %dma_wait3A_443 = tpu.memref_squeeze %dma_wait3A_442 : memref<1x200xi32, #tpu.memory_space<vmem>> -> memref<200xi32, #tpu.memory_space<vmem>>
      %dma_wait3A_444 = tpu.memref_slice %arg6[%add3A_307] : memref<16384xi32, #tpu.memory_space<hbm>> -> memref<200xi32, #tpu.memory_space<hbm>>
      tpu.wait_dma2 semaphore(%run_scoped3A_428 : memref<!tpu.dma_semaphore, #tpu.memory_space<semaphore_mem>>) src(%dma_wait3A_444 : memref<200xi32, #tpu.memory_space<hbm>>) dst(%dma_wait3A_443 : memref<200xi32, #tpu.memory_space<vmem>>)
      tpu.yield
    }) : () -> ()
    %dma_start3A_309 = arith.constant 0 : i32
    %dma_start3A_310 = arith.constant 0 : i32
    %dma_start3A_311 = arith.constant 0 : i32
    %dma_start3A_312 = tpu.memref_slice %arg15[%dma_start3A_310, %dma_start3A_311] : memref<200x64xf32, #tpu.memory_space<vmem>> -> memref<200x64xf32, #tpu.memory_space<vmem>>
    %dma_start3A_313 = arith.constant 0 : i32
    %dma_start3A_314 = tpu.memref_slice %arg12[%dma_start3A_309, %dma_start3A_313] : memref<2x200xi32, #tpu.memory_space<vmem>> -> memref<1x200xi32, #tpu.memory_space<vmem>>
    %dma_start3A_315 = tpu.memref_squeeze %dma_start3A_314 : memref<1x200xi32, #tpu.memory_space<vmem>> -> memref<200xi32, #tpu.memory_space<vmem>>
    %dma_start3A_316 = arith.constant 0 : i32
    %dma_start3A_317 = arith.constant 0 : i32
    %dma_start3A_318 = tpu.memref_slice %arg19[%dma_start3A_316, %dma_start3A_317] : memref<10240x64xf32, #tpu.memory_space<vmem_shared>> -> memref<10240x64xf32, #tpu.memory_space<vmem_shared>>
    tpu.enqueue_indirect_dma source(%dma_start3A_318 : memref<10240x64xf32, #tpu.memory_space<vmem_shared>>) target(%dma_start3A_312 : memref<200x64xf32, #tpu.memory_space<vmem>>) offsets(%dma_start3A_315 : memref<200xi32, #tpu.memory_space<vmem>>) semaphore(%arg20 : memref<!tpu.dma_semaphore, #tpu.memory_space<semaphore_mem>>)
    %dma_wait3A_319 = arith.constant 0 : i32
    %dma_wait3A_320 = arith.constant 0 : i32
    %dma_wait3A_321 = arith.constant 0 : i32
    %dma_wait3A_322 = tpu.memref_slice %arg16[%dma_wait3A_320, %dma_wait3A_321] : memref<200x64xf32, #tpu.memory_space<vmem>> -> memref<200x64xf32, #tpu.memory_space<vmem>>
    %dma_wait3A_323 = arith.constant 0 : i32
    %dma_wait3A_324 = tpu.memref_slice %arg14[%dma_wait3A_319, %dma_wait3A_323] : memref<2x200xi32, #tpu.memory_space<vmem>> -> memref<1x200xi32, #tpu.memory_space<vmem>>
    %dma_wait3A_325 = tpu.memref_squeeze %dma_wait3A_324 : memref<1x200xi32, #tpu.memory_space<vmem>> -> memref<200xi32, #tpu.memory_space<vmem>>
    %dma_wait3A_326 = arith.constant 0 : i32
    %dma_wait3A_327 = arith.constant 0 : i32
    %dma_wait3A_328 = tpu.memref_slice %arg19[%dma_wait3A_326, %dma_wait3A_327] : memref<10240x64xf32, #tpu.memory_space<vmem_shared>> -> memref<10240x64xf32, #tpu.memory_space<vmem_shared>>
    tpu.wait_indirect_dma semaphore(%arg20 : memref<!tpu.dma_semaphore, #tpu.memory_space<semaphore_mem>>) src(%dma_wait3A_328 : memref<10240x64xf32, #tpu.memory_space<vmem_shared>>) dst(%dma_wait3A_322 : memref<200x64xf32, #tpu.memory_space<vmem>>)
    %add3A_329 = arith.constant 200 : i32
    %add3A_330 = arith.addi %mul3A_265, %add3A_329 : i32
    %mul3A_331 = arith.constant 64 : i32
    %mul3A_332 = arith.muli %arg0, %mul3A_331 : i32
    "tpu.region"() ({
      %run_scoped3A_428 = tpu.sem_alloc : memref<!tpu.dma_semaphore, #tpu.memory_space<semaphore_mem>>
      %dma_start3A_429 = arith.constant 0 : i32
      %dma_start3A_430 = arith.constant 0 : i32
      %dma_start3A_431 = tpu.memref_slice %arg16[%dma_start3A_429, %dma_start3A_430] : memref<200x64xf32, #tpu.memory_space<vmem>> -> memref<200x64xf32, #tpu.memory_space<vmem>>
      %dma_start3A_432 = tpu.memref_slice %arg9[%add3A_330, %mul3A_332] : memref<16384x128xf32, #tpu.memory_space<hbm>> -> memref<200x64xf32, #tpu.memory_space<hbm>>
      %dma_start3A_433 = tpu.memref_slice %arg9[%add3A_330, %mul3A_332] : memref<16384x128xf32, #tpu.memory_space<hbm>> -> memref<200x64xf32, #tpu.memory_space<hbm>>
      %dma_start3A_434 = arith.constant 0 : i32
      %dma_start3A_435 = arith.constant 0 : i32
      %dma_start3A_436 = tpu.memref_slice %arg16[%dma_start3A_434, %dma_start3A_435] : memref<200x64xf32, #tpu.memory_space<vmem>> -> memref<200x64xf32, #tpu.memory_space<vmem>>
      tpu.enqueue_dma source(%dma_start3A_436 : memref<200x64xf32, #tpu.memory_space<vmem>>) target(%dma_start3A_433 : memref<200x64xf32, #tpu.memory_space<hbm>>) target_semaphore(%run_scoped3A_428 : memref<!tpu.dma_semaphore, #tpu.memory_space<semaphore_mem>>)
      %dma_wait3A_437 = arith.constant 0 : i32
      %dma_wait3A_438 = arith.constant 0 : i32
      %dma_wait3A_439 = tpu.memref_slice %arg16[%dma_wait3A_437, %dma_wait3A_438] : memref<200x64xf32, #tpu.memory_space<vmem>> -> memref<200x64xf32, #tpu.memory_space<vmem>>
      %dma_wait3A_440 = tpu.memref_slice %arg9[%add3A_330, %mul3A_332] : memref<16384x128xf32, #tpu.memory_space<hbm>> -> memref<200x64xf32, #tpu.memory_space<hbm>>
      %dma_wait3A_441 = tpu.memref_slice %arg9[%add3A_330, %mul3A_332] : memref<16384x128xf32, #tpu.memory_space<hbm>> -> memref<200x64xf32, #tpu.memory_space<hbm>>
      %dma_wait3A_442 = arith.constant 0 : i32
      %dma_wait3A_443 = arith.constant 0 : i32
      %dma_wait3A_444 = tpu.memref_slice %arg16[%dma_wait3A_442, %dma_wait3A_443] : memref<200x64xf32, #tpu.memory_space<vmem>> -> memref<200x64xf32, #tpu.memory_space<vmem>>
      tpu.wait_dma2 semaphore(%run_scoped3A_428 : memref<!tpu.dma_semaphore, #tpu.memory_space<semaphore_mem>>) src(%dma_wait3A_444 : memref<200x64xf32, #tpu.memory_space<vmem>>) dst(%dma_wait3A_441 : memref<200x64xf32, #tpu.memory_space<hbm>>)
      tpu.yield
    }) : () -> ()
    %add3A_333 = arith.constant 600 : i32
    %add3A_334 = arith.addi %mul3A_265, %add3A_333 : i32
    %run_scoped3A_335 = arith.constant 0 : i32
    "tpu.region"() ({
      %run_scoped3A_428 = tpu.sem_alloc : memref<!tpu.dma_semaphore, #tpu.memory_space<semaphore_mem>>
      %dma_start3A_429 = arith.constant 0 : i32
      %dma_start3A_430 = tpu.memref_slice %arg14[%run_scoped3A_335, %dma_start3A_429] : memref<2x200xi32, #tpu.memory_space<vmem>> -> memref<1x200xi32, #tpu.memory_space<vmem>>
      %dma_start3A_431 = tpu.memref_squeeze %dma_start3A_430 : memref<1x200xi32, #tpu.memory_space<vmem>> -> memref<200xi32, #tpu.memory_space<vmem>>
      %dma_start3A_432 = tpu.memref_slice %arg6[%add3A_334] : memref<16384xi32, #tpu.memory_space<hbm>> -> memref<200xi32, #tpu.memory_space<hbm>>
      %dma_start3A_433 = arith.constant 0 : i32
      %dma_start3A_434 = tpu.memref_slice %arg14[%run_scoped3A_335, %dma_start3A_433] : memref<2x200xi32, #tpu.memory_space<vmem>> -> memref<1x200xi32, #tpu.memory_space<vmem>>
      %dma_start3A_435 = tpu.memref_squeeze %dma_start3A_434 : memref<1x200xi32, #tpu.memory_space<vmem>> -> memref<200xi32, #tpu.memory_space<vmem>>
      %dma_start3A_436 = tpu.memref_slice %arg6[%add3A_334] : memref<16384xi32, #tpu.memory_space<hbm>> -> memref<200xi32, #tpu.memory_space<hbm>>
      tpu.enqueue_dma source(%dma_start3A_436 : memref<200xi32, #tpu.memory_space<hbm>>) target(%dma_start3A_435 : memref<200xi32, #tpu.memory_space<vmem>>) target_semaphore(%run_scoped3A_428 : memref<!tpu.dma_semaphore, #tpu.memory_space<semaphore_mem>>)
      %dma_wait3A_437 = arith.constant 0 : i32
      %dma_wait3A_438 = tpu.memref_slice %arg14[%run_scoped3A_335, %dma_wait3A_437] : memref<2x200xi32, #tpu.memory_space<vmem>> -> memref<1x200xi32, #tpu.memory_space<vmem>>
      %dma_wait3A_439 = tpu.memref_squeeze %dma_wait3A_438 : memref<1x200xi32, #tpu.memory_space<vmem>> -> memref<200xi32, #tpu.memory_space<vmem>>
      %dma_wait3A_440 = tpu.memref_slice %arg6[%add3A_334] : memref<16384xi32, #tpu.memory_space<hbm>> -> memref<200xi32, #tpu.memory_space<hbm>>
      %dma_wait3A_441 = arith.constant 0 : i32
      %dma_wait3A_442 = tpu.memref_slice %arg14[%run_scoped3A_335, %dma_wait3A_441] : memref<2x200xi32, #tpu.memory_space<vmem>> -> memref<1x200xi32, #tpu.memory_space<vmem>>
      %dma_wait3A_443 = tpu.memref_squeeze %dma_wait3A_442 : memref<1x200xi32, #tpu.memory_space<vmem>> -> memref<200xi32, #tpu.memory_space<vmem>>
      %dma_wait3A_444 = tpu.memref_slice %arg6[%add3A_334] : memref<16384xi32, #tpu.memory_space<hbm>> -> memref<200xi32, #tpu.memory_space<hbm>>
      tpu.wait_dma2 semaphore(%run_scoped3A_428 : memref<!tpu.dma_semaphore, #tpu.memory_space<semaphore_mem>>) src(%dma_wait3A_444 : memref<200xi32, #tpu.memory_space<hbm>>) dst(%dma_wait3A_443 : memref<200xi32, #tpu.memory_space<vmem>>)
      tpu.yield
    }) : () -> ()
    %dma_start3A_336 = arith.constant 0 : i32
    %dma_start3A_337 = arith.constant 0 : i32
    %dma_start3A_338 = arith.constant 0 : i32
    %dma_start3A_339 = tpu.memref_slice %arg16[%dma_start3A_337, %dma_start3A_338] : memref<200x64xf32, #tpu.memory_space<vmem>> -> memref<200x64xf32, #tpu.memory_space<vmem>>
    %dma_start3A_340 = arith.constant 0 : i32
    %dma_start3A_341 = tpu.memref_slice %arg14[%dma_start3A_336, %dma_start3A_340] : memref<2x200xi32, #tpu.memory_space<vmem>> -> memref<1x200xi32, #tpu.memory_space<vmem>>
    %dma_start3A_342 = tpu.memref_squeeze %dma_start3A_341 : memref<1x200xi32, #tpu.memory_space<vmem>> -> memref<200xi32, #tpu.memory_space<vmem>>
    %dma_start3A_343 = arith.constant 0 : i32
    %dma_start3A_344 = arith.constant 0 : i32
    %dma_start3A_345 = tpu.memref_slice %arg19[%dma_start3A_343, %dma_start3A_344] : memref<10240x64xf32, #tpu.memory_space<vmem_shared>> -> memref<10240x64xf32, #tpu.memory_space<vmem_shared>>
    tpu.enqueue_indirect_dma source(%dma_start3A_345 : memref<10240x64xf32, #tpu.memory_space<vmem_shared>>) target(%dma_start3A_339 : memref<200x64xf32, #tpu.memory_space<vmem>>) offsets(%dma_start3A_342 : memref<200xi32, #tpu.memory_space<vmem>>) semaphore(%arg20 : memref<!tpu.dma_semaphore, #tpu.memory_space<semaphore_mem>>)
    %dma_wait3A_346 = arith.constant 0 : i32
    %dma_wait3A_347 = arith.constant 0 : i32
    %dma_wait3A_348 = arith.constant 0 : i32
    %dma_wait3A_349 = tpu.memref_slice %arg15[%dma_wait3A_347, %dma_wait3A_348] : memref<200x64xf32, #tpu.memory_space<vmem>> -> memref<200x64xf32, #tpu.memory_space<vmem>>
    %dma_wait3A_350 = arith.constant 0 : i32
    %dma_wait3A_351 = tpu.memref_slice %arg12[%dma_wait3A_346, %dma_wait3A_350] : memref<2x200xi32, #tpu.memory_space<vmem>> -> memref<1x200xi32, #tpu.memory_space<vmem>>
    %dma_wait3A_352 = tpu.memref_squeeze %dma_wait3A_351 : memref<1x200xi32, #tpu.memory_space<vmem>> -> memref<200xi32, #tpu.memory_space<vmem>>
    %dma_wait3A_353 = arith.constant 0 : i32
    %dma_wait3A_354 = arith.constant 0 : i32
    %dma_wait3A_355 = tpu.memref_slice %arg19[%dma_wait3A_353, %dma_wait3A_354] : memref<10240x64xf32, #tpu.memory_space<vmem_shared>> -> memref<10240x64xf32, #tpu.memory_space<vmem_shared>>
    tpu.wait_indirect_dma semaphore(%arg20 : memref<!tpu.dma_semaphore, #tpu.memory_space<semaphore_mem>>) src(%dma_wait3A_355 : memref<10240x64xf32, #tpu.memory_space<vmem_shared>>) dst(%dma_wait3A_349 : memref<200x64xf32, #tpu.memory_space<vmem>>)
    %add3A_356 = arith.constant 400 : i32
    %add3A_357 = arith.addi %mul3A_265, %add3A_356 : i32
    %mul3A_358 = arith.constant 64 : i32
    %mul3A_359 = arith.muli %arg0, %mul3A_358 : i32
    "tpu.region"() ({
      %run_scoped3A_428 = tpu.sem_alloc : memref<!tpu.dma_semaphore, #tpu.memory_space<semaphore_mem>>
      %dma_start3A_429 = arith.constant 0 : i32
      %dma_start3A_430 = arith.constant 0 : i32
      %dma_start3A_431 = tpu.memref_slice %arg15[%dma_start3A_429, %dma_start3A_430] : memref<200x64xf32, #tpu.memory_space<vmem>> -> memref<200x64xf32, #tpu.memory_space<vmem>>
      %dma_start3A_432 = tpu.memref_slice %arg9[%add3A_357, %mul3A_359] : memref<16384x128xf32, #tpu.memory_space<hbm>> -> memref<200x64xf32, #tpu.memory_space<hbm>>
      %dma_start3A_433 = tpu.memref_slice %arg9[%add3A_357, %mul3A_359] : memref<16384x128xf32, #tpu.memory_space<hbm>> -> memref<200x64xf32, #tpu.memory_space<hbm>>
      %dma_start3A_434 = arith.constant 0 : i32
      %dma_start3A_435 = arith.constant 0 : i32
      %dma_start3A_436 = tpu.memref_slice %arg15[%dma_start3A_434, %dma_start3A_435] : memref<200x64xf32, #tpu.memory_space<vmem>> -> memref<200x64xf32, #tpu.memory_space<vmem>>
      tpu.enqueue_dma source(%dma_start3A_436 : memref<200x64xf32, #tpu.memory_space<vmem>>) target(%dma_start3A_433 : memref<200x64xf32, #tpu.memory_space<hbm>>) target_semaphore(%run_scoped3A_428 : memref<!tpu.dma_semaphore, #tpu.memory_space<semaphore_mem>>)
      %dma_wait3A_437 = arith.constant 0 : i32
      %dma_wait3A_438 = arith.constant 0 : i32
      %dma_wait3A_439 = tpu.memref_slice %arg15[%dma_wait3A_437, %dma_wait3A_438] : memref<200x64xf32, #tpu.memory_space<vmem>> -> memref<200x64xf32, #tpu.memory_space<vmem>>
      %dma_wait3A_440 = tpu.memref_slice %arg9[%add3A_357, %mul3A_359] : memref<16384x128xf32, #tpu.memory_space<hbm>> -> memref<200x64xf32, #tpu.memory_space<hbm>>
      %dma_wait3A_441 = tpu.memref_slice %arg9[%add3A_357, %mul3A_359] : memref<16384x128xf32, #tpu.memory_space<hbm>> -> memref<200x64xf32, #tpu.memory_space<hbm>>
      %dma_wait3A_442 = arith.constant 0 : i32
      %dma_wait3A_443 = arith.constant 0 : i32
      %dma_wait3A_444 = tpu.memref_slice %arg15[%dma_wait3A_442, %dma_wait3A_443] : memref<200x64xf32, #tpu.memory_space<vmem>> -> memref<200x64xf32, #tpu.memory_space<vmem>>
      tpu.wait_dma2 semaphore(%run_scoped3A_428 : memref<!tpu.dma_semaphore, #tpu.memory_space<semaphore_mem>>) src(%dma_wait3A_444 : memref<200x64xf32, #tpu.memory_space<vmem>>) dst(%dma_wait3A_441 : memref<200x64xf32, #tpu.memory_space<hbm>>)
      tpu.yield
    }) : () -> ()
    %add3A_360 = arith.constant 800 : i32
    %add3A_361 = arith.addi %mul3A_265, %add3A_360 : i32
    %run_scoped3A_362 = arith.constant 0 : i32
    "tpu.region"() ({
      %run_scoped3A_428 = tpu.sem_alloc : memref<!tpu.dma_semaphore, #tpu.memory_space<semaphore_mem>>
      %dma_start3A_429 = arith.constant 0 : i32
      %dma_start3A_430 = tpu.memref_slice %arg12[%run_scoped3A_362, %dma_start3A_429] : memref<2x200xi32, #tpu.memory_space<vmem>> -> memref<1x200xi32, #tpu.memory_space<vmem>>
      %dma_start3A_431 = tpu.memref_squeeze %dma_start3A_430 : memref<1x200xi32, #tpu.memory_space<vmem>> -> memref<200xi32, #tpu.memory_space<vmem>>
      %dma_start3A_432 = tpu.memref_slice %arg6[%add3A_361] : memref<16384xi32, #tpu.memory_space<hbm>> -> memref<200xi32, #tpu.memory_space<hbm>>
      %dma_start3A_433 = arith.constant 0 : i32
      %dma_start3A_434 = tpu.memref_slice %arg12[%run_scoped3A_362, %dma_start3A_433] : memref<2x200xi32, #tpu.memory_space<vmem>> -> memref<1x200xi32, #tpu.memory_space<vmem>>
      %dma_start3A_435 = tpu.memref_squeeze %dma_start3A_434 : memref<1x200xi32, #tpu.memory_space<vmem>> -> memref<200xi32, #tpu.memory_space<vmem>>
      %dma_start3A_436 = tpu.memref_slice %arg6[%add3A_361] : memref<16384xi32, #tpu.memory_space<hbm>> -> memref<200xi32, #tpu.memory_space<hbm>>
      tpu.enqueue_dma source(%dma_start3A_436 : memref<200xi32, #tpu.memory_space<hbm>>) target(%dma_start3A_435 : memref<200xi32, #tpu.memory_space<vmem>>) target_semaphore(%run_scoped3A_428 : memref<!tpu.dma_semaphore, #tpu.memory_space<semaphore_mem>>)
      %dma_wait3A_437 = arith.constant 0 : i32
      %dma_wait3A_438 = tpu.memref_slice %arg12[%run_scoped3A_362, %dma_wait3A_437] : memref<2x200xi32, #tpu.memory_space<vmem>> -> memref<1x200xi32, #tpu.memory_space<vmem>>
      %dma_wait3A_439 = tpu.memref_squeeze %dma_wait3A_438 : memref<1x200xi32, #tpu.memory_space<vmem>> -> memref<200xi32, #tpu.memory_space<vmem>>
      %dma_wait3A_440 = tpu.memref_slice %arg6[%add3A_361] : memref<16384xi32, #tpu.memory_space<hbm>> -> memref<200xi32, #tpu.memory_space<hbm>>
      %dma_wait3A_441 = arith.constant 0 : i32
      %dma_wait3A_442 = tpu.memref_slice %arg12[%run_scoped3A_362, %dma_wait3A_441] : memref<2x200xi32, #tpu.memory_space<vmem>> -> memref<1x200xi32, #tpu.memory_space<vmem>>
      %dma_wait3A_443 = tpu.memref_squeeze %dma_wait3A_442 : memref<1x200xi32, #tpu.memory_space<vmem>> -> memref<200xi32, #tpu.memory_space<vmem>>
      %dma_wait3A_444 = tpu.memref_slice %arg6[%add3A_361] : memref<16384xi32, #tpu.memory_space<hbm>> -> memref<200xi32, #tpu.memory_space<hbm>>
      tpu.wait_dma2 semaphore(%run_scoped3A_428 : memref<!tpu.dma_semaphore, #tpu.memory_space<semaphore_mem>>) src(%dma_wait3A_444 : memref<200xi32, #tpu.memory_space<hbm>>) dst(%dma_wait3A_443 : memref<200xi32, #tpu.memory_space<vmem>>)
      tpu.yield
    }) : () -> ()
    %dma_start3A_363 = arith.constant 0 : i32
    %dma_start3A_364 = arith.constant 0 : i32
    %dma_start3A_365 = arith.constant 0 : i32
    %dma_start3A_366 = tpu.memref_slice %arg15[%dma_start3A_364, %dma_start3A_365] : memref<200x64xf32, #tpu.memory_space<vmem>> -> memref<200x64xf32, #tpu.memory_space<vmem>>
    %dma_start3A_367 = arith.constant 0 : i32
    %dma_start3A_368 = tpu.memref_slice %arg12[%dma_start3A_363, %dma_start3A_367] : memref<2x200xi32, #tpu.memory_space<vmem>> -> memref<1x200xi32, #tpu.memory_space<vmem>>
    %dma_start3A_369 = tpu.memref_squeeze %dma_start3A_368 : memref<1x200xi32, #tpu.memory_space<vmem>> -> memref<200xi32, #tpu.memory_space<vmem>>
    %dma_start3A_370 = arith.constant 0 : i32
    %dma_start3A_371 = arith.constant 0 : i32
    %dma_start3A_372 = tpu.memref_slice %arg19[%dma_start3A_370, %dma_start3A_371] : memref<10240x64xf32, #tpu.memory_space<vmem_shared>> -> memref<10240x64xf32, #tpu.memory_space<vmem_shared>>
    tpu.enqueue_indirect_dma source(%dma_start3A_372 : memref<10240x64xf32, #tpu.memory_space<vmem_shared>>) target(%dma_start3A_366 : memref<200x64xf32, #tpu.memory_space<vmem>>) offsets(%dma_start3A_369 : memref<200xi32, #tpu.memory_space<vmem>>) semaphore(%arg20 : memref<!tpu.dma_semaphore, #tpu.memory_space<semaphore_mem>>)
    %dma_wait3A_373 = arith.constant 0 : i32
    %dma_wait3A_374 = arith.constant 0 : i32
    %dma_wait3A_375 = arith.constant 0 : i32
    %dma_wait3A_376 = tpu.memref_slice %arg16[%dma_wait3A_374, %dma_wait3A_375] : memref<200x64xf32, #tpu.memory_space<vmem>> -> memref<200x64xf32, #tpu.memory_space<vmem>>
    %dma_wait3A_377 = arith.constant 0 : i32
    %dma_wait3A_378 = tpu.memref_slice %arg14[%dma_wait3A_373, %dma_wait3A_377] : memref<2x200xi32, #tpu.memory_space<vmem>> -> memref<1x200xi32, #tpu.memory_space<vmem>>
    %dma_wait3A_379 = tpu.memref_squeeze %dma_wait3A_378 : memref<1x200xi32, #tpu.memory_space<vmem>> -> memref<200xi32, #tpu.memory_space<vmem>>
    %dma_wait3A_380 = arith.constant 0 : i32
    %dma_wait3A_381 = arith.constant 0 : i32
    %dma_wait3A_382 = tpu.memref_slice %arg19[%dma_wait3A_380, %dma_wait3A_381] : memref<10240x64xf32, #tpu.memory_space<vmem_shared>> -> memref<10240x64xf32, #tpu.memory_space<vmem_shared>>
    tpu.wait_indirect_dma semaphore(%arg20 : memref<!tpu.dma_semaphore, #tpu.memory_space<semaphore_mem>>) src(%dma_wait3A_382 : memref<10240x64xf32, #tpu.memory_space<vmem_shared>>) dst(%dma_wait3A_376 : memref<200x64xf32, #tpu.memory_space<vmem>>)
    %add3A_383 = arith.constant 600 : i32
    %add3A_384 = arith.addi %mul3A_265, %add3A_383 : i32
    %mul3A_385 = arith.constant 64 : i32
    %mul3A_386 = arith.muli %arg0, %mul3A_385 : i32
    "tpu.region"() ({
      %run_scoped3A_428 = tpu.sem_alloc : memref<!tpu.dma_semaphore, #tpu.memory_space<semaphore_mem>>
      %dma_start3A_429 = arith.constant 0 : i32
      %dma_start3A_430 = arith.constant 0 : i32
      %dma_start3A_431 = tpu.memref_slice %arg16[%dma_start3A_429, %dma_start3A_430] : memref<200x64xf32, #tpu.memory_space<vmem>> -> memref<200x64xf32, #tpu.memory_space<vmem>>
      %dma_start3A_432 = tpu.memref_slice %arg9[%add3A_384, %mul3A_386] : memref<16384x128xf32, #tpu.memory_space<hbm>> -> memref<200x64xf32, #tpu.memory_space<hbm>>
      %dma_start3A_433 = tpu.memref_slice %arg9[%add3A_384, %mul3A_386] : memref<16384x128xf32, #tpu.memory_space<hbm>> -> memref<200x64xf32, #tpu.memory_space<hbm>>
      %dma_start3A_434 = arith.constant 0 : i32
      %dma_start3A_435 = arith.constant 0 : i32
      %dma_start3A_436 = tpu.memref_slice %arg16[%dma_start3A_434, %dma_start3A_435] : memref<200x64xf32, #tpu.memory_space<vmem>> -> memref<200x64xf32, #tpu.memory_space<vmem>>
      tpu.enqueue_dma source(%dma_start3A_436 : memref<200x64xf32, #tpu.memory_space<vmem>>) target(%dma_start3A_433 : memref<200x64xf32, #tpu.memory_space<hbm>>) target_semaphore(%run_scoped3A_428 : memref<!tpu.dma_semaphore, #tpu.memory_space<semaphore_mem>>)
      %dma_wait3A_437 = arith.constant 0 : i32
      %dma_wait3A_438 = arith.constant 0 : i32
      %dma_wait3A_439 = tpu.memref_slice %arg16[%dma_wait3A_437, %dma_wait3A_438] : memref<200x64xf32, #tpu.memory_space<vmem>> -> memref<200x64xf32, #tpu.memory_space<vmem>>
      %dma_wait3A_440 = tpu.memref_slice %arg9[%add3A_384, %mul3A_386] : memref<16384x128xf32, #tpu.memory_space<hbm>> -> memref<200x64xf32, #tpu.memory_space<hbm>>
      %dma_wait3A_441 = tpu.memref_slice %arg9[%add3A_384, %mul3A_386] : memref<16384x128xf32, #tpu.memory_space<hbm>> -> memref<200x64xf32, #tpu.memory_space<hbm>>
      %dma_wait3A_442 = arith.constant 0 : i32
      %dma_wait3A_443 = arith.constant 0 : i32
      %dma_wait3A_444 = tpu.memref_slice %arg16[%dma_wait3A_442, %dma_wait3A_443] : memref<200x64xf32, #tpu.memory_space<vmem>> -> memref<200x64xf32, #tpu.memory_space<vmem>>
      tpu.wait_dma2 semaphore(%run_scoped3A_428 : memref<!tpu.dma_semaphore, #tpu.memory_space<semaphore_mem>>) src(%dma_wait3A_444 : memref<200x64xf32, #tpu.memory_space<vmem>>) dst(%dma_wait3A_441 : memref<200x64xf32, #tpu.memory_space<hbm>>)
      tpu.yield
    }) : () -> ()
    %add3A_387 = arith.constant 1000 : i32
    %add3A_388 = arith.addi %mul3A_265, %add3A_387 : i32
    %run_scoped3A_389 = arith.constant 0 : i32
    "tpu.region"() ({
      %run_scoped3A_428 = tpu.sem_alloc : memref<!tpu.dma_semaphore, #tpu.memory_space<semaphore_mem>>
      %dma_start3A_429 = arith.constant 0 : i32
      %dma_start3A_430 = tpu.memref_slice %arg14[%run_scoped3A_389, %dma_start3A_429] : memref<2x200xi32, #tpu.memory_space<vmem>> -> memref<1x24xi32, #tpu.memory_space<vmem>>
      %dma_start3A_431 = tpu.memref_squeeze %dma_start3A_430 : memref<1x24xi32, #tpu.memory_space<vmem>> -> memref<24xi32, #tpu.memory_space<vmem>>
      %dma_start3A_432 = tpu.memref_slice %arg6[%add3A_388] : memref<16384xi32, #tpu.memory_space<hbm>> -> memref<24xi32, #tpu.memory_space<hbm>>
      %dma_start3A_433 = arith.constant 0 : i32
      %dma_start3A_434 = tpu.memref_slice %arg14[%run_scoped3A_389, %dma_start3A_433] : memref<2x200xi32, #tpu.memory_space<vmem>> -> memref<1x24xi32, #tpu.memory_space<vmem>>
      %dma_start3A_435 = tpu.memref_squeeze %dma_start3A_434 : memref<1x24xi32, #tpu.memory_space<vmem>> -> memref<24xi32, #tpu.memory_space<vmem>>
      %dma_start3A_436 = tpu.memref_slice %arg6[%add3A_388] : memref<16384xi32, #tpu.memory_space<hbm>> -> memref<24xi32, #tpu.memory_space<hbm>>
      tpu.enqueue_dma source(%dma_start3A_436 : memref<24xi32, #tpu.memory_space<hbm>>) target(%dma_start3A_435 : memref<24xi32, #tpu.memory_space<vmem>>) target_semaphore(%run_scoped3A_428 : memref<!tpu.dma_semaphore, #tpu.memory_space<semaphore_mem>>)
      %dma_wait3A_437 = arith.constant 0 : i32
      %dma_wait3A_438 = tpu.memref_slice %arg14[%run_scoped3A_389, %dma_wait3A_437] : memref<2x200xi32, #tpu.memory_space<vmem>> -> memref<1x24xi32, #tpu.memory_space<vmem>>
      %dma_wait3A_439 = tpu.memref_squeeze %dma_wait3A_438 : memref<1x24xi32, #tpu.memory_space<vmem>> -> memref<24xi32, #tpu.memory_space<vmem>>
      %dma_wait3A_440 = tpu.memref_slice %arg6[%add3A_388] : memref<16384xi32, #tpu.memory_space<hbm>> -> memref<24xi32, #tpu.memory_space<hbm>>
      %dma_wait3A_441 = arith.constant 0 : i32
      %dma_wait3A_442 = tpu.memref_slice %arg14[%run_scoped3A_389, %dma_wait3A_441] : memref<2x200xi32, #tpu.memory_space<vmem>> -> memref<1x24xi32, #tpu.memory_space<vmem>>
      %dma_wait3A_443 = tpu.memref_squeeze %dma_wait3A_442 : memref<1x24xi32, #tpu.memory_space<vmem>> -> memref<24xi32, #tpu.memory_space<vmem>>
      %dma_wait3A_444 = tpu.memref_slice %arg6[%add3A_388] : memref<16384xi32, #tpu.memory_space<hbm>> -> memref<24xi32, #tpu.memory_space<hbm>>
      tpu.wait_dma2 semaphore(%run_scoped3A_428 : memref<!tpu.dma_semaphore, #tpu.memory_space<semaphore_mem>>) src(%dma_wait3A_444 : memref<24xi32, #tpu.memory_space<hbm>>) dst(%dma_wait3A_443 : memref<24xi32, #tpu.memory_space<vmem>>)
      tpu.yield
    }) : () -> ()
    %dma_start3A_390 = arith.constant 0 : i32
    %dma_start3A_391 = arith.constant 0 : i32
    %dma_start3A_392 = arith.constant 0 : i32
    %dma_start3A_393 = tpu.memref_slice %arg16[%dma_start3A_391, %dma_start3A_392] : memref<200x64xf32, #tpu.memory_space<vmem>> -> memref<24x64xf32, #tpu.memory_space<vmem>>
    %dma_start3A_394 = arith.constant 0 : i32
    %dma_start3A_395 = tpu.memref_slice %arg14[%dma_start3A_390, %dma_start3A_394] : memref<2x200xi32, #tpu.memory_space<vmem>> -> memref<1x24xi32, #tpu.memory_space<vmem>>
    %dma_start3A_396 = tpu.memref_squeeze %dma_start3A_395 : memref<1x24xi32, #tpu.memory_space<vmem>> -> memref<24xi32, #tpu.memory_space<vmem>>
    %dma_start3A_397 = arith.constant 0 : i32
    %dma_start3A_398 = arith.constant 0 : i32
    %dma_start3A_399 = tpu.memref_slice %arg19[%dma_start3A_397, %dma_start3A_398] : memref<10240x64xf32, #tpu.memory_space<vmem_shared>> -> memref<10240x64xf32, #tpu.memory_space<vmem_shared>>
    tpu.enqueue_indirect_dma source(%dma_start3A_399 : memref<10240x64xf32, #tpu.memory_space<vmem_shared>>) target(%dma_start3A_393 : memref<24x64xf32, #tpu.memory_space<vmem>>) offsets(%dma_start3A_396 : memref<24xi32, #tpu.memory_space<vmem>>) semaphore(%arg20 : memref<!tpu.dma_semaphore, #tpu.memory_space<semaphore_mem>>)
    %dma_wait3A_400 = arith.constant 0 : i32
    %dma_wait3A_401 = arith.constant 0 : i32
    %dma_wait3A_402 = arith.constant 0 : i32
    %dma_wait3A_403 = tpu.memref_slice %arg15[%dma_wait3A_401, %dma_wait3A_402] : memref<200x64xf32, #tpu.memory_space<vmem>> -> memref<200x64xf32, #tpu.memory_space<vmem>>
    %dma_wait3A_404 = arith.constant 0 : i32
    %dma_wait3A_405 = tpu.memref_slice %arg12[%dma_wait3A_400, %dma_wait3A_404] : memref<2x200xi32, #tpu.memory_space<vmem>> -> memref<1x200xi32, #tpu.memory_space<vmem>>
    %dma_wait3A_406 = tpu.memref_squeeze %dma_wait3A_405 : memref<1x200xi32, #tpu.memory_space<vmem>> -> memref<200xi32, #tpu.memory_space<vmem>>
    %dma_wait3A_407 = arith.constant 0 : i32
    %dma_wait3A_408 = arith.constant 0 : i32
    %dma_wait3A_409 = tpu.memref_slice %arg19[%dma_wait3A_407, %dma_wait3A_408] : memref<10240x64xf32, #tpu.memory_space<vmem_shared>> -> memref<10240x64xf32, #tpu.memory_space<vmem_shared>>
    tpu.wait_indirect_dma semaphore(%arg20 : memref<!tpu.dma_semaphore, #tpu.memory_space<semaphore_mem>>) src(%dma_wait3A_409 : memref<10240x64xf32, #tpu.memory_space<vmem_shared>>) dst(%dma_wait3A_403 : memref<200x64xf32, #tpu.memory_space<vmem>>)
    %add3A_410 = arith.constant 800 : i32
    %add3A_411 = arith.addi %mul3A_265, %add3A_410 : i32
    %mul3A_412 = arith.constant 64 : i32
    %mul3A_413 = arith.muli %arg0, %mul3A_412 : i32
    "tpu.region"() ({
      %run_scoped3A_428 = tpu.sem_alloc : memref<!tpu.dma_semaphore, #tpu.memory_space<semaphore_mem>>
      %dma_start3A_429 = arith.constant 0 : i32
      %dma_start3A_430 = arith.constant 0 : i32
      %dma_start3A_431 = tpu.memref_slice %arg15[%dma_start3A_429, %dma_start3A_430] : memref<200x64xf32, #tpu.memory_space<vmem>> -> memref<200x64xf32, #tpu.memory_space<vmem>>
      %dma_start3A_432 = tpu.memref_slice %arg9[%add3A_411, %mul3A_413] : memref<16384x128xf32, #tpu.memory_space<hbm>> -> memref<200x64xf32, #tpu.memory_space<hbm>>
      %dma_start3A_433 = tpu.memref_slice %arg9[%add3A_411, %mul3A_413] : memref<16384x128xf32, #tpu.memory_space<hbm>> -> memref<200x64xf32, #tpu.memory_space<hbm>>
      %dma_start3A_434 = arith.constant 0 : i32
      %dma_start3A_435 = arith.constant 0 : i32
      %dma_start3A_436 = tpu.memref_slice %arg15[%dma_start3A_434, %dma_start3A_435] : memref<200x64xf32, #tpu.memory_space<vmem>> -> memref<200x64xf32, #tpu.memory_space<vmem>>
      tpu.enqueue_dma source(%dma_start3A_436 : memref<200x64xf32, #tpu.memory_space<vmem>>) target(%dma_start3A_433 : memref<200x64xf32, #tpu.memory_space<hbm>>) target_semaphore(%run_scoped3A_428 : memref<!tpu.dma_semaphore, #tpu.memory_space<semaphore_mem>>)
      %dma_wait3A_437 = arith.constant 0 : i32
      %dma_wait3A_438 = arith.constant 0 : i32
      %dma_wait3A_439 = tpu.memref_slice %arg15[%dma_wait3A_437, %dma_wait3A_438] : memref<200x64xf32, #tpu.memory_space<vmem>> -> memref<200x64xf32, #tpu.memory_space<vmem>>
      %dma_wait3A_440 = tpu.memref_slice %arg9[%add3A_411, %mul3A_413] : memref<16384x128xf32, #tpu.memory_space<hbm>> -> memref<200x64xf32, #tpu.memory_space<hbm>>
      %dma_wait3A_441 = tpu.memref_slice %arg9[%add3A_411, %mul3A_413] : memref<16384x128xf32, #tpu.memory_space<hbm>> -> memref<200x64xf32, #tpu.memory_space<hbm>>
      %dma_wait3A_442 = arith.constant 0 : i32
      %dma_wait3A_443 = arith.constant 0 : i32
      %dma_wait3A_444 = tpu.memref_slice %arg15[%dma_wait3A_442, %dma_wait3A_443] : memref<200x64xf32, #tpu.memory_space<vmem>> -> memref<200x64xf32, #tpu.memory_space<vmem>>
      tpu.wait_dma2 semaphore(%run_scoped3A_428 : memref<!tpu.dma_semaphore, #tpu.memory_space<semaphore_mem>>) src(%dma_wait3A_444 : memref<200x64xf32, #tpu.memory_space<vmem>>) dst(%dma_wait3A_441 : memref<200x64xf32, #tpu.memory_space<hbm>>)
      tpu.yield
    }) : () -> ()
    %dma_wait3A_414 = arith.constant 0 : i32
    %dma_wait3A_415 = arith.constant 0 : i32
    %dma_wait3A_416 = arith.constant 0 : i32
    %dma_wait3A_417 = tpu.memref_slice %arg16[%dma_wait3A_415, %dma_wait3A_416] : memref<200x64xf32, #tpu.memory_space<vmem>> -> memref<24x64xf32, #tpu.memory_space<vmem>>
    %dma_wait3A_418 = arith.constant 0 : i32
    %dma_wait3A_419 = tpu.memref_slice %arg14[%dma_wait3A_414, %dma_wait3A_418] : memref<2x200xi32, #tpu.memory_space<vmem>> -> memref<1x24xi32, #tpu.memory_space<vmem>>
    %dma_wait3A_420 = tpu.memref_squeeze %dma_wait3A_419 : memref<1x24xi32, #tpu.memory_space<vmem>> -> memref<24xi32, #tpu.memory_space<vmem>>
    %dma_wait3A_421 = arith.constant 0 : i32
    %dma_wait3A_422 = arith.constant 0 : i32
    %dma_wait3A_423 = tpu.memref_slice %arg19[%dma_wait3A_421, %dma_wait3A_422] : memref<10240x64xf32, #tpu.memory_space<vmem_shared>> -> memref<10240x64xf32, #tpu.memory_space<vmem_shared>>
    tpu.wait_indirect_dma semaphore(%arg20 : memref<!tpu.dma_semaphore, #tpu.memory_space<semaphore_mem>>) src(%dma_wait3A_423 : memref<10240x64xf32, #tpu.memory_space<vmem_shared>>) dst(%dma_wait3A_417 : memref<24x64xf32, #tpu.memory_space<vmem>>)
    %add3A_424 = arith.constant 1000 : i32
    %add3A_425 = arith.addi %mul3A_265, %add3A_424 : i32
    %mul3A_426 = arith.constant 64 : i32
    %mul3A_427 = arith.muli %arg0, %mul3A_426 : i32
    "tpu.region"() ({
      %run_scoped3A_428 = tpu.sem_alloc : memref<!tpu.dma_semaphore, #tpu.memory_space<semaphore_mem>>
      %dma_start3A_429 = arith.constant 0 : i32
      %dma_start3A_430 = arith.constant 0 : i32
      %dma_start3A_431 = tpu.memref_slice %arg16[%dma_start3A_429, %dma_start3A_430] : memref<200x64xf32, #tpu.memory_space<vmem>> -> memref<24x64xf32, #tpu.memory_space<vmem>>
      %dma_start3A_432 = tpu.memref_slice %arg9[%add3A_425, %mul3A_427] : memref<16384x128xf32, #tpu.memory_space<hbm>> -> memref<24x64xf32, #tpu.memory_space<hbm>>
      %dma_start3A_433 = tpu.memref_slice %arg9[%add3A_425, %mul3A_427] : memref<16384x128xf32, #tpu.memory_space<hbm>> -> memref<24x64xf32, #tpu.memory_space<hbm>>
      %dma_start3A_434 = arith.constant 0 : i32
      %dma_start3A_435 = arith.constant 0 : i32
      %dma_start3A_436 = tpu.memref_slice %arg16[%dma_start3A_434, %dma_start3A_435] : memref<200x64xf32, #tpu.memory_space<vmem>> -> memref<24x64xf32, #tpu.memory_space<vmem>>
      tpu.enqueue_dma source(%dma_start3A_436 : memref<24x64xf32, #tpu.memory_space<vmem>>) target(%dma_start3A_433 : memref<24x64xf32, #tpu.memory_space<hbm>>) target_semaphore(%run_scoped3A_428 : memref<!tpu.dma_semaphore, #tpu.memory_space<semaphore_mem>>)
      %dma_wait3A_437 = arith.constant 0 : i32
      %dma_wait3A_438 = arith.constant 0 : i32
      %dma_wait3A_439 = tpu.memref_slice %arg16[%dma_wait3A_437, %dma_wait3A_438] : memref<200x64xf32, #tpu.memory_space<vmem>> -> memref<24x64xf32, #tpu.memory_space<vmem>>
      %dma_wait3A_440 = tpu.memref_slice %arg9[%add3A_425, %mul3A_427] : memref<16384x128xf32, #tpu.memory_space<hbm>> -> memref<24x64xf32, #tpu.memory_space<hbm>>
      %dma_wait3A_441 = tpu.memref_slice %arg9[%add3A_425, %mul3A_427] : memref<16384x128xf32, #tpu.memory_space<hbm>> -> memref<24x64xf32, #tpu.memory_space<hbm>>
      %dma_wait3A_442 = arith.constant 0 : i32
      %dma_wait3A_443 = arith.constant 0 : i32
      %dma_wait3A_444 = tpu.memref_slice %arg16[%dma_wait3A_442, %dma_wait3A_443] : memref<200x64xf32, #tpu.memory_space<vmem>> -> memref<24x64xf32, #tpu.memory_space<vmem>>
      tpu.wait_dma2 semaphore(%run_scoped3A_428 : memref<!tpu.dma_semaphore, #tpu.memory_space<semaphore_mem>>) src(%dma_wait3A_444 : memref<24x64xf32, #tpu.memory_space<vmem>>) dst(%dma_wait3A_441 : memref<24x64xf32, #tpu.memory_space<hbm>>)
      tpu.yield
    }) : () -> ()
    return
  }
}

module attributes {stable_mosaic.version = 14 : i64} {
  func.func @_dense_body(%arg0: i32, %arg1: memref<1024x128xf32, #tpu.memory_space<vmem>>, %arg2: memref<1024x128xf32, #tpu.memory_space<vmem>>, %arg3: memref<1024x16xf32, #tpu.memory_space<vmem>>, %arg4: memref<1024x16xf32, #tpu.memory_space<vmem>>, %arg5: memref<128x128xf32, #tpu.memory_space<vmem>>, %arg6: memref<128x128xf32, #tpu.memory_space<vmem>>, %arg7: memref<1x128xf32, #tpu.memory_space<vmem>>, %arg8: memref<1024x64xf32, #tpu.memory_space<vmem>>, %arg9: memref<1024x64xf32, #tpu.memory_space<vmem>>, %arg10: memref<1024x16xf32, #tpu.memory_space<vmem>>) attributes {dimension_semantics = [#tpu.dimension_semantics<arbitrary>], iteration_bounds = array<i64: 10>, scalar_prefetch = 0 : i64, scratch_operands = 0 : i64, tpu.core_type = #tpu.core_type<tc>, window_params = [{transform_indices = @transform_0, window_bounds = array<i64: 1024, 128>}, {transform_indices = @transform_1, window_bounds = array<i64: 1024, 128>}, {transform_indices = @transform_2, window_bounds = array<i64: 1024, 16>}, {transform_indices = @transform_3, window_bounds = array<i64: 1024, 16>}, {pipeline_mode = #tpu.pipeline_mode<synchronous>, transform_indices = @transform_4, window_bounds = array<i64: 128, 128>}, {pipeline_mode = #tpu.pipeline_mode<synchronous>, transform_indices = @transform_5, window_bounds = array<i64: 128, 128>}, {pipeline_mode = #tpu.pipeline_mode<synchronous>, transform_indices = @transform_6, window_bounds = array<i64: 1, 128>}, {transform_indices = @transform_7, window_bounds = array<i64: 1024, 64>}, {transform_indices = @transform_8, window_bounds = array<i64: 1024, 64>}, {transform_indices = @transform_9, window_bounds = array<i64: 1024, 16>}]} {
    %get3A = arith.constant 0 : index
    %get3A_0 = arith.constant 0 : index
    %get3A_1 = vector.load %arg1[%get3A, %get3A_0] : memref<1024x128xf32, #tpu.memory_space<vmem>>, vector<1024x128xf32>
    %get3A_2 = arith.constant 0 : index
    %get3A_3 = arith.constant 0 : index
    %get3A_4 = vector.load %arg3[%get3A_2, %get3A_3] : memref<1024x16xf32, #tpu.memory_space<vmem>>, vector<1024x1xf32>
    %get3A_5 = arith.constant 0 : index
    %get3A_6 = arith.constant 0 : index
    %get3A_7 = vector.load %arg4[%get3A_5, %get3A_6] : memref<1024x16xf32, #tpu.memory_space<vmem>>, vector<1024x1xf32>
    %add3A = arith.addf %get3A_4, %get3A_7 : vector<1024x1xf32>
    %max3A = arith.constant 1.000000e+00 : f32
    %max3A_8 = vector.broadcast %max3A : f32 to vector<1024x1xf32>
    %max3A_9 = arith.maximumf %add3A, %max3A_8 : vector<1024x1xf32>
    %div3A = arith.constant 1.000000e+00 : f32
    %div3A_10 = vector.broadcast %div3A : f32 to vector<1024x1xf32>
    %div3A_11 = arith.divf %div3A_10, %max3A_9 : vector<1024x1xf32>
    %get3A_12 = arith.constant 0 : index
    %get3A_13 = arith.constant 0 : index
    %get3A_14 = vector.load %arg2[%get3A_12, %get3A_13] : memref<1024x128xf32, #tpu.memory_space<vmem>>, vector<1024x128xf32>
    %mul3A = vector.broadcast %div3A_11 : vector<1024x1xf32> to vector<1024x128xf32>
    %mul3A_15 = arith.mulf %get3A_14, %mul3A : vector<1024x128xf32>
    %get3A_16 = arith.constant 0 : index
    %get3A_17 = arith.constant 0 : index
    %get3A_18 = vector.load %arg5[%get3A_16, %get3A_17] : memref<128x128xf32, #tpu.memory_space<vmem>>, vector<128x128xf32>
    %dot_general3A = arith.constant dense<0.000000e+00> : vector<1024x128xf32>
    %dot_general3A_19 = tpu.matmul %get3A_1, %get3A_18, %dot_general3A {dimension_numbers = #tpu.dot_dimension_numbers<[1], [0], [0], [1], [0, 0, 1, 1], [], []>, transpose_lhs_hint = false} : vector<1024x128xf32>, vector<128x128xf32>, vector<1024x128xf32> -> vector<1024x128xf32>
    %get3A_20 = arith.constant 0 : index
    %get3A_21 = arith.constant 0 : index
    %get3A_22 = vector.load %arg6[%get3A_20, %get3A_21] : memref<128x128xf32, #tpu.memory_space<vmem>>, vector<128x128xf32>
    %dot_general3A_23 = arith.constant dense<0.000000e+00> : vector<1024x128xf32>
    %dot_general3A_24 = tpu.matmul %mul3A_15, %get3A_22, %dot_general3A_23 {dimension_numbers = #tpu.dot_dimension_numbers<[1], [0], [0], [1], [0, 0, 1, 1], [], []>, transpose_lhs_hint = false} : vector<1024x128xf32>, vector<128x128xf32>, vector<1024x128xf32> -> vector<1024x128xf32>
    %add3A_25 = arith.addf %dot_general3A_19, %dot_general3A_24 : vector<1024x128xf32>
    %get3A_26 = arith.constant 0 : index
    %get3A_27 = arith.constant 0 : index
    %get3A_28 = vector.load %arg7[%get3A_26, %get3A_27] : memref<1x128xf32, #tpu.memory_space<vmem>>, vector<1x128xf32>
    %add3A_29 = vector.broadcast %get3A_28 : vector<1x128xf32> to vector<1024x128xf32>
    %add3A_30 = arith.addf %add3A_25, %add3A_29 : vector<1024x128xf32>
    %max3A_31 = arith.constant 0.000000e+00 : f32
    %max3A_32 = vector.broadcast %max3A_31 : f32 to vector<1024x128xf32>
    %max3A_33 = arith.maximumf %add3A_30, %max3A_32 : vector<1024x128xf32>
    %slice3A = vector.extract_strided_slice %max3A_33 {offsets = [0, 0], sizes = [1024, 64], strides = [1, 1]} : vector<1024x128xf32> to vector<1024x64xf32>
    %swap3A = arith.constant 0 : index
    %swap3A_34 = arith.constant 0 : index
    %swap3A_35 = vector.load %arg8[%swap3A, %swap3A_34] : memref<1024x64xf32, #tpu.memory_space<vmem>>, vector<1024x64xf32>
    tpu.vector_store %arg8[%swap3A, %swap3A_34], %slice3A {strides = array<i32>} : memref<1024x64xf32, #tpu.memory_space<vmem>>, vector<1024x64xf32>,
    %slice3A_36 = vector.extract_strided_slice %max3A_33 {offsets = [0, 64], sizes = [1024, 64], strides = [1, 1]} : vector<1024x128xf32> to vector<1024x64xf32>
    %swap3A_37 = arith.constant 0 : index
    %swap3A_38 = arith.constant 0 : index
    %swap3A_39 = vector.load %arg9[%swap3A_37, %swap3A_38] : memref<1024x64xf32, #tpu.memory_space<vmem>>, vector<1024x64xf32>
    tpu.vector_store %arg9[%swap3A_37, %swap3A_38], %slice3A_36 {strides = array<i32>} : memref<1024x64xf32, #tpu.memory_space<vmem>>, vector<1024x64xf32>,
    %broadcast_in_dim3A = vector.shape_cast %div3A_11 : vector<1024x1xf32> to vector<1024x1xf32>
    %broadcast_in_dim3A_40 = vector.broadcast %broadcast_in_dim3A : vector<1024x1xf32> to vector<1024x16xf32>
    %swap3A_41 = arith.constant 0 : index
    %swap3A_42 = arith.constant 0 : index
    %swap3A_43 = vector.load %arg10[%swap3A_41, %swap3A_42] : memref<1024x16xf32, #tpu.memory_space<vmem>>, vector<1024x16xf32>
    tpu.vector_store %arg10[%swap3A_41, %swap3A_42], %broadcast_in_dim3A_40 {strides = array<i32>} : memref<1024x16xf32, #tpu.memory_space<vmem>>, vector<1024x16xf32>,
    return
  }
  func.func @transform_0(%arg0: i32) -> (i32, i32) {
    %c0_i32 = arith.constant 0 : i32
    %c0_i32_0 = arith.constant 0 : i32
    return %arg0, %c0_i32 : i32, i32
  }
  func.func @transform_1(%arg0: i32) -> (i32, i32) {
    %c0_i32 = arith.constant 0 : i32
    %c0_i32_0 = arith.constant 0 : i32
    return %arg0, %c0_i32 : i32, i32
  }
  func.func @transform_2(%arg0: i32) -> (i32, i32) {
    %c0_i32 = arith.constant 0 : i32
    %c0_i32_0 = arith.constant 0 : i32
    return %arg0, %c0_i32 : i32, i32
  }
  func.func @transform_3(%arg0: i32) -> (i32, i32) {
    %c0_i32 = arith.constant 0 : i32
    %c0_i32_0 = arith.constant 0 : i32
    return %arg0, %c0_i32 : i32, i32
  }
  func.func @transform_4(%arg0: i32) -> (i32, i32) {
    %c0_i32 = arith.constant 0 : i32
    %c0_i32_0 = arith.constant 0 : i32
    %c0_i32_1 = arith.constant 0 : i32
    return %c0_i32, %c0_i32_0 : i32, i32
  }
  func.func @transform_5(%arg0: i32) -> (i32, i32) {
    %c0_i32 = arith.constant 0 : i32
    %c0_i32_0 = arith.constant 0 : i32
    %c0_i32_1 = arith.constant 0 : i32
    return %c0_i32, %c0_i32_0 : i32, i32
  }
  func.func @transform_6(%arg0: i32) -> (i32, i32) {
    %c0_i32 = arith.constant 0 : i32
    %c0_i32_0 = arith.constant 0 : i32
    %c0_i32_1 = arith.constant 0 : i32
    return %c0_i32, %c0_i32_0 : i32, i32
  }
  func.func @transform_7(%arg0: i32) -> (i32, i32) {
    %c0_i32 = arith.constant 0 : i32
    %c0_i32_0 = arith.constant 0 : i32
    return %arg0, %c0_i32 : i32, i32
  }
  func.func @transform_8(%arg0: i32) -> (i32, i32) {
    %c0_i32 = arith.constant 0 : i32
    %c0_i32_0 = arith.constant 0 : i32
    return %arg0, %c0_i32 : i32, i32
  }
  func.func @transform_9(%arg0: i32) -> (i32, i32) {
    %c0_i32 = arith.constant 0 : i32
    %c0_i32_0 = arith.constant 0 : i32
    return %arg0, %c0_i32 : i32, i32
  }
}

module attributes {stable_mosaic.version = 14 : i64} {
  func.func @_head_body(%arg0: i32, %arg1: memref<8192x128xf32, #tpu.memory_space<vmem>>, %arg2: memref<8192x128xf32, #tpu.memory_space<vmem>>, %arg3: memref<8192x16xf32, #tpu.memory_space<vmem>>, %arg4: memref<128x128xf32, #tpu.memory_space<vmem>>, %arg5: memref<128x128xf32, #tpu.memory_space<vmem>>, %arg6: memref<1x128xf32, #tpu.memory_space<vmem>>, %arg7: memref<128x128xf32, #tpu.memory_space<vmem>>, %arg8: memref<128x128xf32, #tpu.memory_space<vmem>>, %arg9: memref<128x128xf32, #tpu.memory_space<vmem>>, %arg10: memref<1x128xf32, #tpu.memory_space<vmem>>, %arg11: memref<1x128xf32, #tpu.memory_space<vmem>>, %arg12: memref<1x128xf32, #tpu.memory_space<vmem>>, %arg13: memref<128x128xf32, #tpu.memory_space<vmem>>, %arg14: memref<1x128xf32, #tpu.memory_space<vmem>>, %arg15: memref<4096x128xf32, #tpu.memory_space<vmem>>, %arg16: memref<4096x128xf32, #tpu.memory_space<vmem>>, %arg17: memref<4096x128xf32, #tpu.memory_space<vmem>>) attributes {dimension_semantics = [#tpu.dimension_semantics<arbitrary>], iteration_bounds = array<i64: 2>, scalar_prefetch = 0 : i64, scratch_operands = 0 : i64, tpu.core_type = #tpu.core_type<tc>, window_params = [{transform_indices = @transform_0, window_bounds = array<i64: 8192, 128>}, {transform_indices = @transform_1, window_bounds = array<i64: 8192, 128>}, {transform_indices = @transform_2, window_bounds = array<i64: 8192, 16>}, {pipeline_mode = #tpu.pipeline_mode<synchronous>, transform_indices = @transform_3, window_bounds = array<i64: 128, 128>}, {pipeline_mode = #tpu.pipeline_mode<synchronous>, transform_indices = @transform_4, window_bounds = array<i64: 128, 128>}, {pipeline_mode = #tpu.pipeline_mode<synchronous>, transform_indices = @transform_5, window_bounds = array<i64: 1, 128>}, {pipeline_mode = #tpu.pipeline_mode<synchronous>, transform_indices = @transform_6, window_bounds = array<i64: 128, 128>}, {pipeline_mode = #tpu.pipeline_mode<synchronous>, transform_indices = @transform_7, window_bounds = array<i64: 128, 128>}, {pipeline_mode = #tpu.pipeline_mode<synchronous>, transform_indices = @transform_8, window_bounds = array<i64: 128, 128>}, {pipeline_mode = #tpu.pipeline_mode<synchronous>, transform_indices = @transform_9, window_bounds = array<i64: 1, 128>}, {pipeline_mode = #tpu.pipeline_mode<synchronous>, transform_indices = @transform_10, window_bounds = array<i64: 1, 128>}, {pipeline_mode = #tpu.pipeline_mode<synchronous>, transform_indices = @transform_11, window_bounds = array<i64: 1, 128>}, {pipeline_mode = #tpu.pipeline_mode<synchronous>, transform_indices = @transform_12, window_bounds = array<i64: 128, 128>}, {pipeline_mode = #tpu.pipeline_mode<synchronous>, transform_indices = @transform_13, window_bounds = array<i64: 1, 128>}, {pipeline_mode = #tpu.pipeline_mode<synchronous>, transform_indices = @transform_14, window_bounds = array<i64: 4096, 128>}, {pipeline_mode = #tpu.pipeline_mode<synchronous>, transform_indices = @transform_15, window_bounds = array<i64: 4096, 128>}, {pipeline_mode = #tpu.pipeline_mode<synchronous>, transform_indices = @transform_16, window_bounds = array<i64: 4096, 128>}]} {
    %get3A = arith.constant 0 : index
    %get3A_0 = arith.constant 0 : index
    %get3A_1 = vector.load %arg3[%get3A, %get3A_0] : memref<8192x16xf32, #tpu.memory_space<vmem>>, vector<8192x1xf32>
    %get3A_2 = arith.constant 0 : index
    %get3A_3 = arith.constant 0 : index
    %get3A_4 = vector.load %arg1[%get3A_2, %get3A_3] : memref<8192x128xf32, #tpu.memory_space<vmem>>, vector<8192x128xf32>
    %get3A_5 = arith.constant 0 : index
    %get3A_6 = arith.constant 0 : index
    %get3A_7 = vector.load %arg4[%get3A_5, %get3A_6] : memref<128x128xf32, #tpu.memory_space<vmem>>, vector<128x128xf32>
    %dot_general3A = arith.constant dense<0.000000e+00> : vector<8192x128xf32>
    %dot_general3A_8 = tpu.matmul %get3A_4, %get3A_7, %dot_general3A {dimension_numbers = #tpu.dot_dimension_numbers<[1], [0], [0], [1], [0, 0, 1, 1], [], []>, transpose_lhs_hint = false} : vector<8192x128xf32>, vector<128x128xf32>, vector<8192x128xf32> -> vector<8192x128xf32>
    %get3A_9 = arith.constant 0 : index
    %get3A_10 = arith.constant 0 : index
    %get3A_11 = vector.load %arg2[%get3A_9, %get3A_10] : memref<8192x128xf32, #tpu.memory_space<vmem>>, vector<8192x128xf32>
    %mul3A = vector.broadcast %get3A_1 : vector<8192x1xf32> to vector<8192x128xf32>
    %mul3A_12 = arith.mulf %get3A_11, %mul3A : vector<8192x128xf32>
    %get3A_13 = arith.constant 0 : index
    %get3A_14 = arith.constant 0 : index
    %get3A_15 = vector.load %arg5[%get3A_13, %get3A_14] : memref<128x128xf32, #tpu.memory_space<vmem>>, vector<128x128xf32>
    %dot_general3A_16 = arith.constant dense<0.000000e+00> : vector<8192x128xf32>
    %dot_general3A_17 = tpu.matmul %mul3A_12, %get3A_15, %dot_general3A_16 {dimension_numbers = #tpu.dot_dimension_numbers<[1], [0], [0], [1], [0, 0, 1, 1], [], []>, transpose_lhs_hint = false} : vector<8192x128xf32>, vector<128x128xf32>, vector<8192x128xf32> -> vector<8192x128xf32>
    %add3A = arith.addf %dot_general3A_8, %dot_general3A_17 : vector<8192x128xf32>
    %get3A_18 = arith.constant 0 : index
    %get3A_19 = arith.constant 0 : index
    %get3A_20 = vector.load %arg6[%get3A_18, %get3A_19] : memref<1x128xf32, #tpu.memory_space<vmem>>, vector<1x128xf32>
    %add3A_21 = vector.broadcast %get3A_20 : vector<1x128xf32> to vector<8192x128xf32>
    %add3A_22 = arith.addf %add3A, %add3A_21 : vector<8192x128xf32>
    %max3A = arith.constant 0.000000e+00 : f32
    %max3A_23 = vector.broadcast %max3A : f32 to vector<8192x128xf32>
    %max3A_24 = arith.maximumf %add3A_22, %max3A_23 : vector<8192x128xf32>
    %slice3A = vector.extract_strided_slice %max3A_24 {offsets = [0, 0], sizes = [4096, 128], strides = [1, 1]} : vector<8192x128xf32> to vector<4096x128xf32>
    %slice3A_25 = vector.extract_strided_slice %max3A_24 {offsets = [4096, 0], sizes = [4096, 128], strides = [1, 1]} : vector<8192x128xf32> to vector<4096x128xf32>
    %get3A_26 = arith.constant 0 : index
    %get3A_27 = arith.constant 0 : index
    %get3A_28 = vector.load %arg7[%get3A_26, %get3A_27] : memref<128x128xf32, #tpu.memory_space<vmem>>, vector<128x128xf32>
    %dot_general3A_29 = arith.constant dense<0.000000e+00> : vector<4096x128xf32>
    %dot_general3A_30 = tpu.matmul %slice3A, %get3A_28, %dot_general3A_29 {dimension_numbers = #tpu.dot_dimension_numbers<[1], [0], [0], [1], [0, 0, 1, 1], [], []>, transpose_lhs_hint = false} : vector<4096x128xf32>, vector<128x128xf32>, vector<4096x128xf32> -> vector<4096x128xf32>
    %get3A_31 = arith.constant 0 : index
    %get3A_32 = arith.constant 0 : index
    %get3A_33 = vector.load %arg8[%get3A_31, %get3A_32] : memref<128x128xf32, #tpu.memory_space<vmem>>, vector<128x128xf32>
    %dot_general3A_34 = arith.constant dense<0.000000e+00> : vector<4096x128xf32>
    %dot_general3A_35 = tpu.matmul %slice3A_25, %get3A_33, %dot_general3A_34 {dimension_numbers = #tpu.dot_dimension_numbers<[1], [0], [0], [1], [0, 0, 1, 1], [], []>, transpose_lhs_hint = false} : vector<4096x128xf32>, vector<128x128xf32>, vector<4096x128xf32> -> vector<4096x128xf32>
    %add3A_36 = arith.addf %dot_general3A_30, %dot_general3A_35 : vector<4096x128xf32>
    %sub3A = arith.subf %slice3A, %slice3A_25 : vector<4096x128xf32>
    %abs3A = math.absf %sub3A : vector<4096x128xf32>
    %get3A_37 = arith.constant 0 : index
    %get3A_38 = arith.constant 0 : index
    %get3A_39 = vector.load %arg9[%get3A_37, %get3A_38] : memref<128x128xf32, #tpu.memory_space<vmem>>, vector<128x128xf32>
    %dot_general3A_40 = arith.constant dense<0.000000e+00> : vector<4096x128xf32>
    %dot_general3A_41 = tpu.matmul %abs3A, %get3A_39, %dot_general3A_40 {dimension_numbers = #tpu.dot_dimension_numbers<[1], [0], [0], [1], [0, 0, 1, 1], [], []>, transpose_lhs_hint = false} : vector<4096x128xf32>, vector<128x128xf32>, vector<4096x128xf32> -> vector<4096x128xf32>
    %add3A_42 = arith.addf %add3A_36, %dot_general3A_41 : vector<4096x128xf32>
    %get3A_43 = arith.constant 0 : index
    %get3A_44 = arith.constant 0 : index
    %get3A_45 = vector.load %arg10[%get3A_43, %get3A_44] : memref<1x128xf32, #tpu.memory_space<vmem>>, vector<1x128xf32>
    %add3A_46 = vector.broadcast %get3A_45 : vector<1x128xf32> to vector<4096x128xf32>
    %add3A_47 = arith.addf %add3A_42, %add3A_46 : vector<4096x128xf32>
    %reduce_sum3A = arith.constant dense<0.000000e+00> : vector<128xf32>
    %reduce_sum3A_48 = vector.multi_reduction <add>, %add3A_47, %reduce_sum3A [0] : vector<4096x128xf32> to vector<128xf32>
    %broadcast_in_dim3A = vector.shape_cast %reduce_sum3A_48 : vector<128xf32> to vector<1x128xf32>
    %div3A = arith.constant 4.096000e+03 : f32
    %div3A_49 = vector.broadcast %div3A : f32 to vector<1x128xf32>
    %div3A_50 = arith.divf %broadcast_in_dim3A, %div3A_49 : vector<1x128xf32>
    %sub3A_51 = vector.broadcast %div3A_50 : vector<1x128xf32> to vector<4096x128xf32>
    %sub3A_52 = arith.subf %add3A_47, %sub3A_51 : vector<4096x128xf32>
    %integer_pow3A = arith.mulf %sub3A_52, %sub3A_52 : vector<4096x128xf32>
    %reduce_sum3A_53 = arith.constant dense<0.000000e+00> : vector<128xf32>
    %reduce_sum3A_54 = vector.multi_reduction <add>, %integer_pow3A, %reduce_sum3A_53 [0] : vector<4096x128xf32> to vector<128xf32>
    %broadcast_in_dim3A_55 = vector.shape_cast %reduce_sum3A_54 : vector<128xf32> to vector<1x128xf32>
    %div3A_56 = arith.constant 4.096000e+03 : f32
    %div3A_57 = vector.broadcast %div3A_56 : f32 to vector<1x128xf32>
    %div3A_58 = arith.divf %broadcast_in_dim3A_55, %div3A_57 : vector<1x128xf32>
    %get3A_59 = arith.constant 0 : index
    %get3A_60 = arith.constant 0 : index
    %get3A_61 = vector.load %arg11[%get3A_59, %get3A_60] : memref<1x128xf32, #tpu.memory_space<vmem>>, vector<1x128xf32>
    %sub3A_62 = vector.broadcast %div3A_50 : vector<1x128xf32> to vector<4096x128xf32>
    %sub3A_63 = arith.subf %add3A_47, %sub3A_62 : vector<4096x128xf32>
    %mul3A_64 = vector.broadcast %get3A_61 : vector<1x128xf32> to vector<4096x128xf32>
    %mul3A_65 = arith.mulf %mul3A_64, %sub3A_63 : vector<4096x128xf32>
    %add3A_66 = arith.constant 9.99999974E-6 : f32
    %add3A_67 = vector.broadcast %add3A_66 : f32 to vector<1x128xf32>
    %add3A_68 = arith.addf %div3A_58, %add3A_67 : vector<1x128xf32>
    %sqrt3A = math.sqrt %add3A_68 : vector<1x128xf32>
    %div3A_69 = vector.broadcast %sqrt3A : vector<1x128xf32> to vector<4096x128xf32>
    %div3A_70 = arith.divf %mul3A_65, %div3A_69 : vector<4096x128xf32>
    %get3A_71 = arith.constant 0 : index
    %get3A_72 = arith.constant 0 : index
    %get3A_73 = vector.load %arg12[%get3A_71, %get3A_72] : memref<1x128xf32, #tpu.memory_space<vmem>>, vector<1x128xf32>
    %add3A_74 = vector.broadcast %get3A_73 : vector<1x128xf32> to vector<4096x128xf32>
    %add3A_75 = arith.addf %div3A_70, %add3A_74 : vector<4096x128xf32>
    %max3A_76 = arith.constant 0.000000e+00 : f32
    %max3A_77 = vector.broadcast %max3A_76 : f32 to vector<4096x128xf32>
    %max3A_78 = arith.maximumf %add3A_75, %max3A_77 : vector<4096x128xf32>
    %eq3A = arith.constant 0 : i32
    %eq3A_79 = arith.cmpi eq, %arg0, %eq3A : i32
    %convert_element_type3A = arith.extui %eq3A_79 : i1 to i32
    %cond3A = arith.constant 0 : i32
    %cond3A_80 = arith.cmpi ne, %convert_element_type3A, %cond3A : i32
    scf.if %cond3A_80 {
      %swap3A = arith.constant 0 : index
      %swap3A_86 = arith.constant 0 : index
      %swap3A_87 = vector.load %arg16[%swap3A, %swap3A_86] : memref<4096x128xf32, #tpu.memory_space<vmem>>, vector<4096x128xf32>
      tpu.vector_store %arg16[%swap3A, %swap3A_86], %max3A_78 {strides = array<i32>} : memref<4096x128xf32, #tpu.memory_space<vmem>>, vector<4096x128xf32>,
      %get3A_88 = arith.constant 0 : index
      %get3A_89 = arith.constant 0 : index
      %get3A_90 = vector.load %arg13[%get3A_88, %get3A_89] : memref<128x128xf32, #tpu.memory_space<vmem>>, vector<128x128xf32>
      %dot_general3A_91 = arith.constant dense<0.000000e+00> : vector<4096x128xf32>
      %dot_general3A_92 = tpu.matmul %max3A_78, %get3A_90, %dot_general3A_91 {dimension_numbers = #tpu.dot_dimension_numbers<[1], [0], [0], [1], [0, 0, 1, 1], [], []>, transpose_lhs_hint = false} : vector<4096x128xf32>, vector<128x128xf32>, vector<4096x128xf32> -> vector<4096x128xf32>
      %get3A_93 = arith.constant 0 : index
      %get3A_94 = arith.constant 0 : index
      %get3A_95 = vector.load %arg14[%get3A_93, %get3A_94] : memref<1x128xf32, #tpu.memory_space<vmem>>, vector<1x128xf32>
      %add3A_96 = vector.broadcast %get3A_95 : vector<1x128xf32> to vector<4096x128xf32>
      %add3A_97 = arith.addf %dot_general3A_92, %add3A_96 : vector<4096x128xf32>
      %swap3A_98 = arith.constant 0 : index
      %swap3A_99 = arith.constant 0 : index
      %swap3A_100 = vector.load %arg15[%swap3A_98, %swap3A_99] : memref<4096x128xf32, #tpu.memory_space<vmem>>, vector<4096x128xf32>
      tpu.vector_store %arg15[%swap3A_98, %swap3A_99], %add3A_97 {strides = array<i32>} : memref<4096x128xf32, #tpu.memory_space<vmem>>, vector<4096x128xf32>,
    } else {
    }
    %eq3A_81 = arith.constant 1 : i32
    %eq3A_82 = arith.cmpi eq, %arg0, %eq3A_81 : i32
    %convert_element_type3A_83 = arith.extui %eq3A_82 : i1 to i32
    %cond3A_84 = arith.constant 0 : i32
    %cond3A_85 = arith.cmpi ne, %convert_element_type3A_83, %cond3A_84 : i32
    scf.if %cond3A_85 {
      %swap3A = arith.constant 0 : index
      %swap3A_86 = arith.constant 0 : index
      %swap3A_87 = vector.load %arg17[%swap3A, %swap3A_86] : memref<4096x128xf32, #tpu.memory_space<vmem>>, vector<4096x128xf32>
      tpu.vector_store %arg17[%swap3A, %swap3A_86], %max3A_78 {strides = array<i32>} : memref<4096x128xf32, #tpu.memory_space<vmem>>, vector<4096x128xf32>,
    } else {
    }
    return
  }
  func.func @transform_0(%arg0: i32) -> (i32, i32) {
    %c0_i32 = arith.constant 0 : i32
    %c0_i32_0 = arith.constant 0 : i32
    return %arg0, %c0_i32 : i32, i32
  }
  func.func @transform_1(%arg0: i32) -> (i32, i32) {
    %c0_i32 = arith.constant 0 : i32
    %c0_i32_0 = arith.constant 0 : i32
    return %arg0, %c0_i32 : i32, i32
  }
  func.func @transform_2(%arg0: i32) -> (i32, i32) {
    %c0_i32 = arith.constant 0 : i32
    %c0_i32_0 = arith.constant 0 : i32
    return %arg0, %c0_i32 : i32, i32
  }
  func.func @transform_3(%arg0: i32) -> (i32, i32) {
    %c0_i32 = arith.constant 0 : i32
    %c0_i32_0 = arith.constant 0 : i32
    %c0_i32_1 = arith.constant 0 : i32
    return %c0_i32, %c0_i32_0 : i32, i32
  }
  func.func @transform_4(%arg0: i32) -> (i32, i32) {
    %c0_i32 = arith.constant 0 : i32
    %c0_i32_0 = arith.constant 0 : i32
    %c0_i32_1 = arith.constant 0 : i32
    return %c0_i32, %c0_i32_0 : i32, i32
  }
  func.func @transform_5(%arg0: i32) -> (i32, i32) {
    %c0_i32 = arith.constant 0 : i32
    %c0_i32_0 = arith.constant 0 : i32
    %c0_i32_1 = arith.constant 0 : i32
    return %c0_i32, %c0_i32_0 : i32, i32
  }
  func.func @transform_6(%arg0: i32) -> (i32, i32) {
    %c0_i32 = arith.constant 0 : i32
    %c0_i32_0 = arith.constant 0 : i32
    %c0_i32_1 = arith.constant 0 : i32
    return %c0_i32, %c0_i32_0 : i32, i32
  }
  func.func @transform_7(%arg0: i32) -> (i32, i32) {
    %c0_i32 = arith.constant 0 : i32
    %c0_i32_0 = arith.constant 0 : i32
    %c0_i32_1 = arith.constant 0 : i32
    return %c0_i32, %c0_i32_0 : i32, i32
  }
  func.func @transform_8(%arg0: i32) -> (i32, i32) {
    %c0_i32 = arith.constant 0 : i32
    %c0_i32_0 = arith.constant 0 : i32
    %c0_i32_1 = arith.constant 0 : i32
    return %c0_i32, %c0_i32_0 : i32, i32
  }
  func.func @transform_9(%arg0: i32) -> (i32, i32) {
    %c0_i32 = arith.constant 0 : i32
    %c0_i32_0 = arith.constant 0 : i32
    %c0_i32_1 = arith.constant 0 : i32
    return %c0_i32, %c0_i32_0 : i32, i32
  }
  func.func @transform_10(%arg0: i32) -> (i32, i32) {
    %c0_i32 = arith.constant 0 : i32
    %c0_i32_0 = arith.constant 0 : i32
    %c0_i32_1 = arith.constant 0 : i32
    return %c0_i32, %c0_i32_0 : i32, i32
  }
  func.func @transform_11(%arg0: i32) -> (i32, i32) {
    %c0_i32 = arith.constant 0 : i32
    %c0_i32_0 = arith.constant 0 : i32
    %c0_i32_1 = arith.constant 0 : i32
    return %c0_i32, %c0_i32_0 : i32, i32
  }
  func.func @transform_12(%arg0: i32) -> (i32, i32) {
    %c0_i32 = arith.constant 0 : i32
    %c0_i32_0 = arith.constant 0 : i32
    %c0_i32_1 = arith.constant 0 : i32
    return %c0_i32, %c0_i32_0 : i32, i32
  }
  func.func @transform_13(%arg0: i32) -> (i32, i32) {
    %c0_i32 = arith.constant 0 : i32
    %c0_i32_0 = arith.constant 0 : i32
    %c0_i32_1 = arith.constant 0 : i32
    return %c0_i32, %c0_i32_0 : i32, i32
  }
  func.func @transform_14(%arg0: i32) -> (i32, i32) {
    %c0_i32 = arith.constant 0 : i32
    %c0_i32_0 = arith.constant 0 : i32
    %c0_i32_1 = arith.constant 0 : i32
    return %c0_i32, %c0_i32_0 : i32, i32
  }
  func.func @transform_15(%arg0: i32) -> (i32, i32) {
    %c0_i32 = arith.constant 0 : i32
    %c0_i32_0 = arith.constant 0 : i32
    %c0_i32_1 = arith.constant 0 : i32
    return %c0_i32, %c0_i32_0 : i32, i32
  }
  func.func @transform_16(%arg0: i32) -> (i32, i32) {
    %c0_i32 = arith.constant 0 : i32
    %c0_i32_0 = arith.constant 0 : i32
    %c0_i32_1 = arith.constant 0 : i32
    return %c0_i32, %c0_i32_0 : i32, i32
  }
}

</mosaic_0001>

<sc_bundles>
// kernel: kernel.6.cloned.1.call-start
scs
__scs_entry_jumppad:
0x0: {  	(pc) =	sbr.rel $0x88, $3  }
0x1: {  	(tag) =	ssettag $0x0;
	lr =	simm.s32 $0x1  }
0x2: {  	[smem:$0x3F8F] =	sst lr;
	_ =	strace $0xD0000000  }
0x3: {  	_ = 	snop  }
0x4: {  	_ = 	snop  }
0x5: {  	_ = 	snop  }
0x6: {  	_ = 	snop  }
0x7: {  	_ = 	snop  }
__scs_overlays_trampoline_lowered:
0x8: {  	[smem:$0x3F9E] =	sst s0  }
0x9: {  	[smem:$0x3F9F] =	sst s1  }
0xa: {  	[smem:$0x3FA0] =	sst s2  }
0xb: {  	[smem:$0x3FA1] =	sst s3  }
0xc: {  	[smem:$0x3FA2] =	sst s4  }
0xd: {  	[smem:$0x3FA3] =	sst s5  }
0xe: {  	[smem:$0x3FA4] =	sst s6  }
0xf: {  	[smem:$0x3FA5] =	sst s7  }
0x10: {  	[smem:$0x3FA6] =	sst s8  }
0x11: {  	[smem:$0x3FA7] =	sst s9;
	s0 =	simm.s32 @!p0 $0x0  }
0x12: {  	s1 =	sld [smem:$0x3F8D];
	s0 =	simm.s32 @p0 $0x1  }
0x13: {  	[smem:$0x3FA8] =	sst s0;
	s0 =	simm.s32 @!p1 $0x0  }
0x14: {  	s2 =	sld [smem:$0x3F8C];
	s0 =	simm.s32 @p1 $0x1  }
0x15: {  	[smem:$0x3FA9] =	sst s0;
	s0 =	simm.s32 @!p2 $0x0  }
0x16: {  	s3 =	sld [smem:$0x3FDB];
	s0 =	simm.s32 @p2 $0x1  }
0x17: {  	s4 =	simm.s32 $0x1BF5;
	[smem:$0x3FAB] =	sst s0  }
0x18: {  	s0 =	sld [smem:$0x3F8E];
	_ =	swait.ge [sflag:s4], $0x0  }
0x19: {  	s7 =	sld [smem:$0x3F8F]  }
0x1a: {  	s8 =	sadd.s32 $0xFFFFE003, lr  }
0x1b: {  	s9 =	sadd.s32 $0xFFFFFEF7, lr;
	s5 =	simm.s32 $0xFFFFFFFF;
	p2 =	slt.u32 s8, $0xFFFFF086  }
0x1c: {  	p1 =	slt.u32 s9, $0xF7A;
	s5 =	simm.s32 @!p2 $0x0  }
0x1d: {  	s5 =	simm.s32 @p1 $0x1;
	p0 =	seq.s32 s7, s2  }
0x1e: {  	s7 =	smul.u32 @!p0 $0xF7A, s2;
	p2 =	seq.s32 @!p0 s5, $0x0  }
0x1f: {  	s9 =	smul.u32 $0xF7A, s1;
	s8 =	simm.s32 @!p0 $0x1BF5;
	p2 =	por !p2, p0  }
0x20: {  	[sflag:s8] =	ssyncset.s32 @!p0 $0xFFFFF086;
	s6 =	sadd.s32 @!p0 s3, s7;
	s7 =	simm.s32 @!p0 $0x108  }
0x21: {  	s3 =	sadd.s32 s3, s9;
	s6 =	sadd.s32 @!p0 $0x88, s6;
	s7 =	simm.s32 @p2 $0x1082  }
0x22: {  	[simem:s7], [sflag:s8] =	dma.local @!p0 [hbm:s6], $0xF7A  }
0x23: {  	s9 =	sor.u32 $0xD0000000, s2;
	s6 =	simm.s32 $0x108;
	_ =	swait.ge @!p0 [sflag:s8], $0x0  }
0x24: {  	s3 =	sadd.s32 $0x88, s3;
	s6 =	simm.s32 @!p1 $0x1082;
	[sflag:s4] =	ssyncset.s32 $0xFFFFF086  }
0x25: {  	[simem:s6], [sflag:s4] =	dma.local [hbm:s3], $0xF7A  }
0x26: {  	[smem:$0x3F8F] =	sst s1;
	(tag) =	ssettag s2;
	_ =	strace s9  }
0x27: {  	s1 =	sld [smem:$0x3F9F]  }
0x28: {  	s2 =	sld [smem:$0x3FA0]  }
0x29: {  	s4 =	sld [smem:$0x3FA2]  }
0x2a: {  	p0 =	seq.s32 s5, $0x0;
	s5 =	sld [smem:$0x3FA3]  }
0x2b: {  	s6 =	sld [smem:$0x3FA4]  }
0x2c: {  	s7 =	sld [smem:$0x3FA5]  }
0x2d: {  	s3 =	simm.s32 $0x108;
	s8 =	sld [smem:$0x3FA6]  }
0x2e: {  	s3 =	simm.s32 @!p0 $0x1082;
	s9 =	sld [smem:$0x3FA7]  }
0x2f: {  	lr =	sadd.s32 s0, s3;
	s0 =	sld [smem:$0x3F9E]  }
0x30: {  	s3 =	sld [smem:$0x3FA1]  }
0x31: {  	[smem:$0x3FAA] =	sst s10  }
0x32: {  	s10 =	sld [smem:$0x3FA8];
	_ =	sdelay $0x3  }
0x33: {  	p0 =	seq.s32 s10, $0x1;
	s10 =	sld [smem:$0x3FAA];
	_ =	sdelay $0x3  }
0x34: {  	[smem:$0x3FAA] =	sst s10  }
0x35: {  	s10 =	sld [smem:$0x3FA9];
	_ =	sdelay $0x3  }
0x36: {  	p1 =	seq.s32 s10, $0x1;
	s10 =	sld [smem:$0x3FAA];
	_ =	sdelay $0x3  }
0x37: {  	[smem:$0x3FAA] =	sst s10  }
0x38: {  	s10 =	sld [smem:$0x3FAB]  }
0x39: {  	_ = 	snop;
	(pc) =	sbr.ind lr, $3  }
0x3a: {  	_ = 	snop  }
0x3b: {  	_ = 	snop  }
0x3c: {  	p2 =	seq.s32 s10, $0x1;
	s10 =	sld [smem:$0x3FAA]  }
0x3d: {  	_ =	shalt  }
0x3e: {  	_ =	shalt  }
0x3f: {  	_ =	shalt  }
0x40: {  	_ =	shalt  }
0x41: {  	_ =	shalt  }
0x42: {  	_ =	shalt  }
0x43: {  	_ =	shalt  }
0x44: {  	_ =	shalt  }
0x45: {  	_ =	shalt  }
0x46: {  	_ =	shalt  }
0x47: {  	_ =	shalt  }
0x48: {  	_ =	shalt  }
0x49: {  	_ =	shalt  }
0x4a: {  	_ =	shalt  }
0x4b: {  	_ =	shalt  }
0x4c: {  	_ =	shalt  }
0x4d: {  	_ =	shalt  }
0x4e: {  	_ =	shalt  }
0x4f: {  	_ =	shalt  }
0x50: {  	_ =	shalt  }
0x51: {  	_ =	shalt  }
0x52: {  	_ =	shalt  }
0x53: {  	_ =	shalt  }
0x54: {  	_ =	shalt  }
0x55: {  	_ =	shalt  }
0x56: {  	_ =	shalt  }
0x57: {  	_ =	shalt  }
0x58: {  	_ =	shalt  }
0x59: {  	_ =	shalt  }
0x5a: {  	_ =	shalt  }
0x5b: {  	_ =	shalt  }
0x5c: {  	_ =	shalt  }
0x5d: {  	_ =	shalt  }
0x5e: {  	_ =	shalt  }
0x5f: {  	_ =	shalt  }
0x60: {  	_ =	shalt  }
0x61: {  	_ =	shalt  }
0x62: {  	_ =	shalt  }
0x63: {  	_ =	shalt  }
0x64: {  	_ =	shalt  }
0x65: {  	_ =	shalt  }
0x66: {  	_ =	shalt  }
0x67: {  	_ =	shalt  }
0x68: {  	_ =	shalt  }
0x69: {  	_ =	shalt  }
0x6a: {  	_ =	shalt  }
0x6b: {  	_ =	shalt  }
0x6c: {  	_ =	shalt  }
0x6d: {  	_ =	shalt  }
0x6e: {  	_ =	shalt  }
0x6f: {  	_ =	shalt  }
0x70: {  	_ =	shalt  }
0x71: {  	_ =	shalt  }
0x72: {  	_ =	shalt  }
0x73: {  	_ =	shalt  }
0x74: {  	_ =	shalt  }
0x75: {  	_ =	shalt  }
0x76: {  	_ =	shalt  }
0x77: {  	_ =	shalt  }
0x78: {  	_ =	shalt  }
0x79: {  	_ =	shalt  }
0x7a: {  	_ =	shalt  }
0x7b: {  	_ =	shalt  }
0x7c: {  	_ =	shalt  }
0x7d: {  	_ =	shalt  }
0x7e: {  	_ =	shalt  }
0x7f: {  	_ =	shalt  }
0x80: {  	_ =	shalt  }
0x81: {  	_ =	shalt  }
0x82: {  	_ =	shalt  }
0x83: {  	_ =	shalt  }
0x84: {  	_ =	shalt  }
0x85: {  	_ =	shalt  }
0x86: {  	_ =	shalt  }
0x87: {  	_ =	shalt  }
.Lfunc_end0:
.L_simem_size_0:
called_computation_lowered:
.L_overlay_start_0:
0x88: {  	s2 =	sld [smem:$0x3FD9]  }
0x89: {  	s3 =	sld [smem:$0x3FFE];
	_ =	sdelay $0x1  }
0x8a: {  	s1 =	srdreg.scid  }
0x8b: {  	s0 =	sand.u32 $0x1, s1  }
0x8c: {  	s14 =	sshll.u32 s0, $0xA;
	s2 =	sadd.s32 s3, s2  }
0x8d: {  	s2 =	sadd.s32 s2, s14  }
0x8e: {  	[smem:$0x3FB6] =	sst s2  }
0x8f: {  	_ = 	snop  }
0x90: {  	s2 =	sld [smem:$0x3FD0];
	_ =	sdelay $0x2  }
0x91: {  	s15 =	simm.s32 $0xA;
	s4 =	simm.s32 $0x10  }
0x92: {  	[smem:s4], [sflag:s15] =	dma.local [hbm:s2], $0x1  }
0x93: {  	_ =	swait.eq [sflag:s15], $0x1  }
0x94: {  	s16 =	sld [smem:$0x10];
	[sflag:s15] =	ssyncset.done $0x0  }
0x95: {  	s17 =	sld [smem:$0x11];
	[sflag:s15] =	ssyncadd.s32 $0xFFFFFFFF  }
0x96: {  	s18 =	sld [smem:$0x12];
	(tm) =	ssettm $0x1  }
0x97: {  	s5 =	sld [smem:$0x3FFB];
	_ =	sdelay $0x3  }
0x98: {  	_ =	strace s5  }
0x99: {  	s5 =	sld [smem:$0x3FFC];
	_ =	sdelay $0x3  }
0x9a: {  	_ =	strace s5  }
0x9b: {  	s5 =	sld [smem:$0x3FFD];
	_ =	sdelay $0x3  }
0x9c: {  	_ =	strace s5  }
0x9d: {  	_ =	strace $0x8FFFFFFF  }
0x9e: {  	s19 =	sld [smem:$0x3FDB];
	_ =	sdelay $0x1  }
0x9f: {  	s6 =	simm.s32 $_scs_section_size  }
0xa0: {  	s7 =	simm.s32 $_size__tile_overlayer_lowered;
	s8 =	simm.s32 $_tile_overlayer_lowered  }
0xa1: {  	s22 =	simm.s32 $0x1BFF;
	s21 =	sshll.u32 s8, $0x1;
	s5 =	sadd.s32 s6, s19  }
0xa2: {  	s9 =	simm.s32 $0x0;
	s20 =	sshll.u32 s7, $0x1;
	s7 =	sadd.s32 s21, s5  }
0xa3: {  	[timem:s9], [sflag:s22] =	dma.local [hbm:s7], s20  }
0xa4: {  	_ =	swait.ge [sflag:s22], s20  }
0xa5: {  	s6 =	ssub.s32 $0x0, s20;
	[sflag:s22] =	ssyncset.done $0x0  }
0xa6: {  	[sflag:s22] =	ssyncadd.s32 s6;
	_ =	sdelay $0x1  }
0xa7: {  	s23 =	simm.s32 $0x1B8B  }
0xa8: {  	_ =	swait.ge [sflag:s23], $0x1  }
0xa9: {  	[sflag:s23] =	ssyncset.done $0x0  }
0xaa: {  	s25 =	simm.s32 $0x1B8E;
	s24 =	sld [smem:$0x3FFE];
	[sflag:s23] =	ssyncadd.s32 $0xFFFFFFFF  }
0xab: {  	s26 =	simm.s32 $execute0_lowered;
	[smem:$0x3FD2] =	sst s25  }
0xac: {  	s7 =	sshll.u32 s26, $0x1;
	_ =	strace $0x80000046;
	[dreg:$0x1] =	wrdreg $0xFFFFFFFF  }
0xad: {  	s28 =	simm.s32 $_size_execute0_lowered;
	s5 =	sadd.s32 s5, s7;
	[dreg:$0x0] =	wrdreg $0x0  }
0xae: {  	s7 =	sshll.u32 s28, $0x1;
	[dreg:$0x2] =	wrdreg s5  }
0xaf: {  	[dreg:$0x3] =	wrdreg s7  }
0xb0: {  	[dreg:$0x4] =	wrdreg $0xC0  }
0xb1: {  	_ =	task [dreg:s9], $0x5FFFF  }
0xb2: {  	[dreg:$0x1] =	wrdreg $0xFFFFFFFF  }
0xb3: {  	[dreg:$0x0] =	wrdreg $0x60  }
0xb4: {  	[dreg:$0x2] =	wrdreg s24  }
0xb5: {  	[dreg:$0x3] =	wrdreg s18  }
0xb6: {  	[dreg:$0x4] =	wrdreg s16  }
0xb7: {  	[dreg:$0x5] =	wrdreg s17  }
0xb8: {  	[dreg:$0x6] =	wrdreg $0xCE400  }
0xb9: {  	[dreg:$0x7] =	wrdreg $0x17AC00  }
0xba: {  	[dreg:$0x8] =	wrdreg $0x9  }
0xbb: {  	_ =	task.clear_ibuf [dreg:s9], $0x9FFFF;
	_ =	strace $0x90000046  }
0xbc: {  	s29 =	simm.s32 $0x9;
	_ =	strace $0x80000048  }
0xbd: {  	_ =	swait.ge [sflag:s29], $0x1  }
0xbe: {  	[sflag:s29] =	ssyncadd.s32 $0xFFFFFFFF  }
0xbf: {  	_ =	strace $0x90000048  }
0xc0: {  	_ =	sfence  }
0xc1: {  	s30 =	sld [smem:$0x0];
	_ =	sdelay $0x2  }
0xc2: {  	s31 =	sshll.u32 s1, $0xD;
	s1 =	sshrl.u32 s1, $0x2  }
0xc3: {  	s3 =	sand.u32 $0x4000, s31;
	s1 =	sadd.s32 s1, s30  }
0xc4: {  	s0 =	sor.u32 s3, s0;
	s1 =	sshll.u32 s1, $0x11  }
0xc5: {  	s0 =	sor.u32 s1, s0  }
0xc6: {  	s0 =	sadd.s32 $0x8F2B, s0  }
0xc7: {  	[sflag:s0] =	ssyncadd.remote.s32 $0x1  }
0xc8: {  	_ =	sfence.sel $0xFFFF  }
0xc9: {  	[dreg:$0x0] =	wrdreg $0xFFFFFFFF;
	(pc) =	sbr.abs _section_cstart, $3  }
0xca: {  	[dreg:$0x1] =	wrdreg $0xFFFFFFFF  }
0xcb: {  	_ =	task.clear_ibuf [dreg:s9], $0x2FFFF;
	_ =	strace $0x9FFFFFFF  }
0xcc: {  	(tm) =	ssettm $0x7FFFFFFF  }
0xcd: {  	_ =	shalt  }
tec
execute0_lowered:
.L_overlay_start_1:
0x0: {  	(tag) =	ssettag $0x1  }
0x1: {  	s0 =	rddreg [dreg:$0x0]  }
0x2: {  	s1 =	rddreg [dreg:$0x1]  }
0x3: {  	s2 =	rddreg [dreg:$0x3]  }
0x4: {  	s3 =	rddreg [dreg:$0x4]  }
0x5: {  	s4 =	rddreg [dreg:$0x5];
	s5 =	simm.s32 $0x0;
	s17 =	stileid.u32  }
0x6: {  	s6 =	srdreg.scid;
	s28 =	simm.s32 $0x320;
	s29 =	simm.s32 $0x2  }
0x7: {  	s30 =	simm.s32 $0x6A40;
	s31 =	simm.s32 $0x4B0;
	s7 =	smul.u32 $0x14000, s17  }
0x8: {  	[smem:$0x7FF] =	sst s5;
	s8 =	sand.u32 $0x1, s6;
	s9 =	smul.u32 $0xA000, s17  }
0x9: {  	s11 =	sadd.s32 $0x17E00, s0;
	s6 =	sadd.s32 $0x4400, s0;
	s15 =	smul.u32 $0x2800, s17  }
0xa: {  	s26 =	sshll.u32 s17, $0x6;
	s16 =	smul.u32 $0x4E20, s17;
	_ =	strace $0x80000047  }
0xb: {  	s10 =	sshll.u32 s8, $0x6;
	s13 =	ssub.s32 $0x2, s8;
	p0 =	seq.s32 s8, $0x0  }
0xc: {  	s10 =	sor.u32 s10, s7;
	s7 =	sadd.s32 $0x2B800, s0;
	s12 =	sshrl.u32 s9, $0x3  }
0xd: {  	s14 =	sshrl.u32 s13, $0x1;
	s19 =	sadd.s32 s9, s3;
	s9 =	sor.u32 $0x1C03, s26  }
0xe: {  	s20 =	sadd.s32 s15, s4;
	s21 =	sadd.s32 $0xC8, s16;
	s22 =	sshrl.u32 s16, $0x3  }
0xf: {  	s26 =	sadd.s32 $0x320, s16;
	s13 =	ssub.s32 s13, s14;
	[dreg:$0xe] =	wrdreg s20  }
0x10: {  	s14 =	sshrl.u32 s15, $0x3;
	[dreg:$0x7] =	wrdreg s26;
	s15 =	sadd.s32 $0x3E8, s16  }
0x11: {  	s6 =	smov.u32 @p0 s11;
	s24 =	sadd.s32 s7, s22;
	[dreg:$0x8] =	wrdreg s15  }
0x12: {  	s10 =	sshrl.u32 s10, $0x3;
	s16 =	sadd.s32 $0x4B0, s16;
	[dreg:$0x10] =	wrdreg s24  }
0x13: {  	s12 =	sadd.s32 s12, s0;
	s26 =	simm.s32 $0x578;
	[dreg:$0x9] =	wrdreg s16  }
0x14: {  	s23 =	sshrl.u32 s21, $0x3;
	s18 =	sadd.s32 $0x3F200, s12;
	[dreg:$0xc] =	wrdreg s26  }
0x15: {  	s10 =	sadd.s32 s10, s0;
	s1 =	sadd.s32 s1, s14;
	[dreg:$0xd] =	wrdreg s18  }
0x16: {  	s0 =	sadd.s32 $0x53200, s0;
	s25 =	sadd.s32 s7, s23;
	[dreg:$0xf] =	wrdreg s1  }
0x17: {  	s12 =	sadd.s32 $0x32, s24;
	s21 =	smax.u32 s13, $0x1;
	[dreg:$0x11] =	wrdreg s25  }
0x18: {  	s24 =	simm.s32 $0x258;
	s26 =	simm.s32 $0x3840;
	[dreg:$0x12] =	wrdreg s12  }
0x19: {  	s18 =	smul.u32 $0x9C4, s17;
	s20 =	sadd.s32 $0x58200, s10;
	[dreg:$0x14] =	wrdreg s21  }
0x1a: {  	s0 =	smov.u32 @p0 s2;
	s10 =	sshrl.u32 s19, $0x3;
	[dreg:$0xa] =	wrdreg s24  }
0x1b: {  	s25 =	simm.s32 $0x3E8;
	s24 =	simm.s32 $0x190;
	s2 =	simm.s32 $0x4  }
0x1c: {  	s1 =	simm.s32 $0x9C40;
	s21 =	simm.s32 $0x0;
	[dreg:$0x13] =	wrdreg s20  }
0x1d: {  	s0 =	sadd.s32 s0, s14;
	s20 =	simm.s32 $0x3;
	[dreg:$0xb] =	wrdreg s25  }
0x1e: {  	s25 =	simm.s32 $0x640;
	[dreg:$0x17] =	wrdreg s10;
	s22 =	sadd.s32 s18, s7  }
0x1f: {  	[dreg:$0x15] =	wrdreg s0;
	s0 =	simm.s32 $0x1;
	s23 =	sadd.s32 $0x4B, s22  }
0x20: {  	s22 =	simm.s32 $0xC8;
	[dreg:$0x16] =	wrdreg s23;
	s23 =	simm.s32 $0x4E200  }
.LBB2_1:
0x21: {  	s8 =	rddreg [dreg:$0xd]  }
0x22: {  	[spmem:s10], [sflag:s9] =	dma.local [hbm:s8], $0x1400  }
0x23: {  	_ =	swait.ge [sflag:s20], $0x1400  }
0x24: {  	s11 =	rddreg [dreg:$0xe]  }
0x25: {  	[sflag:s20] =	ssyncset.done $0x0;
	s13 =	rddreg [dreg:$0xf];
	s12 =	sshrl.u32 s11, $0x3  }
0x26: {  	[sflag:s20] =	ssyncadd.s32 $0xFFFFEC00;
	[dreg:$0x18] =	wrdreg s12  }
0x27: {  	[spmem:s12], [sflag:s9] =	dma.local [hbm:s13], $0x500  }
0x28: {  	_ =	swait.ge [sflag:s20], $0x500  }
0x29: {  	[sflag:s20] =	ssyncset.done $0x0  }
0x2a: {  	[sflag:s20] =	ssyncadd.s32 $0xFFFFFB00  }
0x2b: {  	s15 =	simm.s32 $0x16E40;
	s14 =	rddreg [dreg:$0x2]  }
0x2c: {  	[tilespmem:s15], [sflag:$0x3] =	stream.linear.gather [hbm4b:s14+s5], $0xC80, $0x38;
	[tilespmem:$0x1A2C0] =	vst v63  }
0x2d: {  	_ =	swait.ge [sflag:s20], $0xC80  }
0x2e: {  	[sflag:s20] =	ssyncset.done $0x0  }
0x2f: {  	[sflag:s20] =	ssyncadd.s32 $0xFFFFF380  }
0x30: {  	[bflag:$0x0] =	sbarrier.arrive $0xFFFF  }
0x31: {  	s16 =	rddreg [dreg:$0x10]  }
0x32: {  	[tilespmem:s5], [sflag:$0x3] =	stream.strided.gather [hbm4b:s16+s22], $0x190, s23, s22, $0x38;
	[tilespmem:$0x1A2C0] =	vst v63  }
0x33: {  	_ =	swait.ge [sflag:s20], $0x190  }
0x34: {  	[sflag:s20] =	ssyncset.done $0x0  }
0x35: {  	s17 =	rddreg [dreg:$0x11];
	[sflag:s20] =	ssyncadd.s32 $0xFFFFFE70  }
0x36: {  	[tilespmem:s24], [sflag:$0x3] =	stream.strided.gather [hbm4b:s17+s22], $0x190, s23, s22, $0x38;
	[tilespmem:$0x1A2C0] =	vst v63  }
0x37: {  	_ =	swait.ge [sflag:s20], $0x190  }
0x38: {  	[sflag:s20] =	ssyncset.done $0x0  }
0x39: {  	[sflag:s20] =	ssyncadd.s32 $0xFFFFFE70  }
0x3a: {  	[tilespmem:s25], [sflag:$0x1] =	stream.indirect.gather [hbm4b:s6+s22], $0x40, s5, s22, $0xb8;
	[tilespmem:$0x1A2C0] =	vst v63  }
0x3b: {  	_ = 	snop  }
0x3c: {  	[tilespmem:s26], [sflag:$0x1] =	stream.indirect.gather [hbm4b:s6+s22], $0x40, s24, s22, $0xb8;
	[tilespmem:$0x1A2C0] =	vst v63  }
0x3d: {  	s18 =	rddreg [dreg:$0x12]  }
0x3e: {  	[tilespmem:s28], [sflag:$0x2] =	stream.strided.gather [hbm4b:s18+s22], $0x190, s23, s22, $0x38;
	[tilespmem:$0x1A2C0] =	vst v63  }
0x3f: {  	_ =	swait.ge [sflag:s29], $0x190  }
0x40: {  	[sflag:s29] =	ssyncset.done $0x0  }
0x41: {  	[sflag:s29] =	ssyncadd.s32 $0xFFFFFE70  }
0x42: {  	[tilespmem:s30], [sflag:$0x1] =	stream.indirect.gather [hbm4b:s6+s22], $0x40, s28, s22, $0xb8;
	[tilespmem:$0x1A2C0] =	vst v63  }
0x43: {  	s8 =	rddreg [dreg:$0x16]  }
0x44: {  	[tilespmem:s31], [sflag:$0x2] =	stream.strided.gather [hbm4b:s8+s22], $0x190, s23, s22, $0x38;
	[tilespmem:$0x1A2C0] =	vst v63  }
0x45: {  	p1 =	por $0x0, $0x0;
	_ =	swait.ge [sflag:s0], $0x3200  }
0x46: {  	s10 =	simm.s32 $0x1;
	s11 =	simm.s32 $0x1;
	[sflag:s0] =	ssyncset.done $0x0  }
0x47: {  	s10 =	simm.s32 @!p0 $0x0;
	s11 =	simm.s32 @!p1 $0x0;
	[sflag:s0] =	ssyncadd.s32 $0xFFFFCE00  }
0x48: {  	[spmem:s3] =	stream.indirect.scatter.add.f32 [tilespmem:s25], [sflag:$0x4], $0x40, s22, s22, $0xb8;
	[tilespmem:$0x1A2C0] =	vst v63  }
0x49: {  	p2 =	seq.s32 s10, s11;
	_ =	swait.ge [sflag:s2], $0x3200  }
0x4a: {  	s11 =	simm.s32 @!p2 $0xC8;
	[sflag:s2] =	ssyncset.done $0x0  }
0x4b: {  	s13 =	simm.s32 @!p2 $0x16E40;
	s14 =	simm.s32 @!p2 $0x4;
	[sflag:s2] =	ssyncadd.s32 $0xFFFFCE00  }
0x4c: {  	[spmem:s4] =	stream.indirect.scatter.add.f32 @!p2 [tilespmem:s13], [sflag:$0x4], $0x10, s11, s11, $0xb8;
	[tilespmem:$0x1A2C0] =	vst v63  }
0x4d: {  	_ =	swait.ge @!p2 [sflag:s14], $0xC80  }
0x4e: {  	[sflag:s14] =	ssyncset.done @!p2 $0x0  }
0x4f: {  	s19 =	smin.u32 s5, $0x5F;
	[sflag:s14] =	ssyncadd.s32 @!p2 $0xFFFFF380  }
0x50: {  	s11 =	smul.u32 $0xC8, s19;
	_ =	swait.ge [sflag:s29], $0x190  }
0x51: {  	s12 =	rddreg [dreg:$0x7]  }
0x52: {  	[sflag:s29] =	ssyncset.done $0x0;
	s11 =	sadd.s32 s11, s12  }
0x53: {  	[sflag:s29] =	ssyncadd.s32 $0xFFFFFE70;
	s11 =	sshrl.u32 s11, $0x3  }
0x54: {  	[tilespmem:s1], [sflag:$0x1] =	stream.indirect.gather [hbm4b:s6+s22], $0x40, s31, s22, $0xb8;
	[tilespmem:$0x1A2C0] =	vst v63  }
0x55: {  	s11 =	sadd.s32 s7, s11  }
0x56: {  	[tilespmem:s5], [sflag:$0x2] =	stream.strided.gather [hbm4b:s11+s22], $0x190, s23, s22, $0x38;
	[tilespmem:$0x1A2C0] =	vst v63  }
0x57: {  	_ =	swait.ge [sflag:s0], $0x3200  }
0x58: {  	[sflag:s0] =	ssyncset.done $0x0  }
0x59: {  	p2 =	por !p1, !p1;
	s13 =	rddreg [dreg:$0xa];
	[sflag:s0] =	ssyncadd.s32 $0xFFFFCE00  }
0x5a: {  	[spmem:s3] =	stream.indirect.scatter.add.f32 [tilespmem:s26], [sflag:$0x4], $0x40, s13, s22, $0xb8;
	[tilespmem:$0x1A2C0] =	vst v63  }
0x5b: {  	p2 =	por @!p0 p1, p1;
	_ =	swait.ge [sflag:s2], $0x3200  }
0x5c: {  	s14 =	simm.s32 @p2 $0xC8;
	s15 =	simm.s32 @p2 $0x258;
	[sflag:s2] =	ssyncset.done $0x0  }
0x5d: {  	s11 =	simm.s32 @p2 $0x16E40;
	s13 =	simm.s32 @p2 $0x4;
	[sflag:s2] =	ssyncadd.s32 $0xFFFFCE00  }
0x5e: {  	[spmem:s4] =	stream.indirect.scatter.add.f32 @p2 [tilespmem:s11], [sflag:$0x4], $0x10, s15, s14, $0xb8;
	[tilespmem:$0x1A2C0] =	vst v63  }
0x5f: {  	_ =	swait.ge @p2 [sflag:s13], $0xC80  }
0x60: {  	[sflag:s13] =	ssyncset.done @p2 $0x0  }
0x61: {  	s14 =	smin.u32 s5, $0x5E;
	[sflag:s13] =	ssyncadd.s32 @p2 $0xFFFFF380  }
0x62: {  	s11 =	smul.u32 $0xC8, s14;
	_ =	swait.ge [sflag:s29], $0x190  }
0x63: {  	s15 =	rddreg [dreg:$0x8]  }
0x64: {  	[sflag:s29] =	ssyncset.done $0x0;
	s11 =	sadd.s32 s11, s15  }
0x65: {  	[sflag:s29] =	ssyncadd.s32 $0xFFFFFE70;
	s11 =	sshrl.u32 s11, $0x3  }
0x66: {  	[tilespmem:s25], [sflag:$0x1] =	stream.indirect.gather [hbm4b:s6+s22], $0x40, s5, s22, $0xb8;
	[tilespmem:$0x1A2C0] =	vst v63  }
0x67: {  	s11 =	sadd.s32 s7, s11  }
0x68: {  	[tilespmem:s24], [sflag:$0x2] =	stream.strided.gather [hbm4b:s11+s22], $0x190, s23, s22, $0x38;
	[tilespmem:$0x1A2C0] =	vst v63  }
0x69: {  	_ =	swait.ge [sflag:s0], $0x3200  }
0x6a: {  	p1 =	por $0x0, $0x0;
	s13 =	simm.s32 $0x1;
	[sflag:s0] =	ssyncset.done $0x0  }
0x6b: {  	s13 =	simm.s32 @!p1 $0x0;
	s16 =	rddreg [dreg:$0xb];
	[sflag:s0] =	ssyncadd.s32 $0xFFFFCE00  }
0x6c: {  	[spmem:s3] =	stream.indirect.scatter.add.f32 [tilespmem:s30], [sflag:$0x4], $0x40, s16, s22, $0xb8;
	[tilespmem:$0x1A2C0] =	vst v63  }
0x6d: {  	p1 =	seq.s32 s10, s13;
	_ =	swait.ge [sflag:s2], $0x3200  }
0x6e: {  	s13 =	simm.s32 @!p1 $0x3E8;
	s14 =	simm.s32 @!p1 $0x16E40;
	[sflag:s2] =	ssyncset.done $0x0  }
0x6f: {  	s15 =	simm.s32 @!p1 $0x4;
	s11 =	simm.s32 @!p1 $0xC8;
	[sflag:s2] =	ssyncadd.s32 $0xFFFFCE00  }
0x70: {  	[spmem:s4] =	stream.indirect.scatter.add.f32 @!p1 [tilespmem:s14], [sflag:$0x4], $0x10, s13, s11, $0xb8;
	[tilespmem:$0x1A2C0] =	vst v63  }
0x71: {  	_ =	swait.ge @!p1 [sflag:s15], $0xC80  }
0x72: {  	[sflag:s15] =	ssyncset.done @!p1 $0x0  }
0x73: {  	s17 =	smin.u32 s5, $0x5D;
	[sflag:s15] =	ssyncadd.s32 @!p1 $0xFFFFF380  }
0x74: {  	s19 =	smul.u32 $0xC8, s17;
	_ =	swait.ge [sflag:s29], $0x190  }
0x75: {  	s11 =	simm.s32 $0x1;
	s14 =	sadd.s32 $0x64, s8;
	s18 =	rddreg [dreg:$0x9]  }
0x76: {  	s15 =	simm.s32 $0x4;
	[sflag:s29] =	ssyncset.done $0x0;
	s13 =	sadd.s32 s19, s18  }
0x77: {  	[sflag:s29] =	ssyncadd.s32 $0xFFFFFE70;
	s16 =	sshrl.u32 s13, $0x3;
	s13 =	simm.s32 $0x0  }
.LBB2_2:
0x78: {  	[tilespmem:s26], [sflag:$0x1] =	stream.indirect.gather [hbm4b:s6+s22], $0x40, s24, s22, $0xb8;
	[tilespmem:$0x1A2C0] =	vst v63  }
0x79: {  	s12 =	sadd.s32 s7, s16  }
0x7a: {  	[tilespmem:s28], [sflag:$0x2] =	stream.strided.gather [hbm4b:s12+s22], $0x190, s23, s22, $0x38;
	[tilespmem:$0x1A2C0] =	vst v63  }
0x7b: {  	s17 =	sadd.s32 $0x3, s13;
	_ =	swait.ge [sflag:s0], $0x3200  }
0x7c: {  	p2 =	sgt.u32 s17, $0x31;
	s12 =	simm.s32 $0x1;
	[sflag:s0] =	ssyncset.done $0x0  }
0x7d: {  	s12 =	simm.s32 @!p2 $0x0;
	s8 =	rddreg [dreg:$0xc];
	[sflag:s0] =	ssyncadd.s32 $0xFFFFCE00  }
0x7e: {  	[spmem:s3] =	stream.indirect.scatter.add.f32 [tilespmem:s1], [sflag:$0x4], $0x40, s8, s22, $0xb8;
	[tilespmem:$0x1A2C0] =	vst v63  }
0x7f: {  	p2 =	seq.s32 s10, s12;
	_ =	swait.ge [sflag:s2], $0x3200  }
0x80: {  	s12 =	simm.s32 @!p2 $0xC8;
	s17 =	simm.s32 @!p2 $0x578;
	[sflag:s2] =	ssyncset.done $0x0  }
0x81: {  	s18 =	simm.s32 @!p2 $0x16E40;
	s19 =	simm.s32 @!p2 $0x3;
	[sflag:s2] =	ssyncadd.s32 $0xFFFFCE00  }
0x82: {  	[spmem:s4] =	stream.indirect.scatter.add.f32 @!p2 [tilespmem:s18], [sflag:$0x3], $0x10, s17, s12, $0xb8;
	[tilespmem:$0x1A2C0] =	vst v63  }
0x83: {  	_ =	swait.ge @!p2 [sflag:s19], $0xC80  }
0x84: {  	[sflag:s19] =	ssyncset.done @!p2 $0x0  }
0x85: {  	[sflag:s19] =	ssyncadd.s32 @!p2 $0xFFFFF380  }
0x86: {  	_ =	swait.ge [sflag:s29], $0x190  }
0x87: {  	[sflag:s29] =	ssyncset.done $0x0  }
0x88: {  	[sflag:s29] =	ssyncadd.s32 $0xFFFFFE70  }
0x89: {  	[tilespmem:s30], [sflag:$0x1] =	stream.indirect.gather [hbm4b:s6+s22], $0x40, s28, s22, $0xb8;
	[tilespmem:$0x1A2C0] =	vst v63  }
0x8a: {  	_ = 	snop  }
0x8b: {  	[tilespmem:s31], [sflag:$0x2] =	stream.strided.gather [hbm4b:s14+s22], $0x190, s23, s22, $0x38;
	[tilespmem:$0x1A2C0] =	vst v63  }
0x8c: {  	s16 =	smov.u32 s11;
	_ =	swait.ge [sflag:s0], $0x3200  }
0x8d: {  	p3 =	sgt.u32 s16, $0xC;
	s12 =	simm.s32 $0x1;
	[sflag:s0] =	ssyncset.done $0x0  }
0x8e: {  	s12 =	simm.s32 @!p3 $0x0;
	[sflag:s0] =	ssyncadd.s32 $0xFFFFCE00  }
0x8f: {  	[spmem:s3] =	stream.indirect.scatter.add.f32 [tilespmem:s25], [sflag:$0x4], $0x40, s22, s22, $0xb8;
	[tilespmem:$0x1A2C0] =	vst v63  }
0x90: {  	p4 =	seq.s32 s10, s12;
	_ =	swait.ge [sflag:s2], $0x3200  }
0x91: {  	s12 =	simm.s32 @!p4 $0xC8;
	[sflag:s2] =	ssyncset.done $0x0  }
0x92: {  	s17 =	simm.s32 @!p4 $0x16E40;
	s18 =	simm.s32 @!p4 $0x4;
	[sflag:s2] =	ssyncadd.s32 $0xFFFFCE00  }
0x93: {  	[spmem:s4] =	stream.indirect.scatter.add.f32 @!p4 [tilespmem:s17], [sflag:$0x4], $0x10, s12, s12, $0xb8;
	[tilespmem:$0x1A2C0] =	vst v63  }
0x94: {  	_ =	swait.ge @!p4 [sflag:s18], $0xC80  }
0x95: {  	[sflag:s18] =	ssyncset.done @!p4 $0x0  }
0x96: {  	s17 =	smin.u32 s15, $0x5F;
	[sflag:s18] =	ssyncadd.s32 @!p4 $0xFFFFF380  }
0x97: {  	s12 =	smul.u32 $0xC8, s17;
	_ =	swait.ge [sflag:s29], $0x190  }
0x98: {  	s18 =	rddreg [dreg:$0x7]  }
0x99: {  	[sflag:s29] =	ssyncset.done $0x0;
	s12 =	sadd.s32 s12, s18  }
0x9a: {  	[sflag:s29] =	ssyncadd.s32 $0xFFFFFE70;
	s12 =	sshrl.u32 s12, $0x3  }
0x9b: {  	[tilespmem:s1], [sflag:$0x1] =	stream.indirect.gather [hbm4b:s6+s22], $0x40, s31, s22, $0xb8;
	[tilespmem:$0x1A2C0] =	vst v63  }
0x9c: {  	s12 =	sadd.s32 s7, s12  }
0x9d: {  	[tilespmem:s5], [sflag:$0x2] =	stream.strided.gather [hbm4b:s12+s22], $0x190, s23, s22, $0x38;
	[tilespmem:$0x1A2C0] =	vst v63  }
0x9e: {  	_ =	swait.ge [sflag:s0], $0x3200  }
0x9f: {  	p2 =	por !p3, !p3;
	[sflag:s0] =	ssyncset.done $0x0  }
0xa0: {  	p2 =	por @!p0 p3, p3;
	s19 =	rddreg [dreg:$0xa];
	[sflag:s0] =	ssyncadd.s32 $0xFFFFCE00  }
0xa1: {  	[spmem:s3] =	stream.indirect.scatter.add.f32 [tilespmem:s26], [sflag:$0x4], $0x40, s19, s22, $0xb8;
	[tilespmem:$0x1A2C0] =	vst v63  }
0xa2: {  	s8 =	smin.u32 s15, $0x5E;
	s17 =	simm.s32 @p2 $0x16E40;
	_ =	swait.ge [sflag:s2], $0x3200  }
0xa3: {  	s18 =	simm.s32 @p2 $0x4;
	s12 =	smul.u32 $0xC8, s8;
	[sflag:s2] =	ssyncset.done $0x0  }
0xa4: {  	s8 =	simm.s32 @p2 $0x258;
	s19 =	simm.s32 @p2 $0xC8;
	[sflag:s2] =	ssyncadd.s32 $0xFFFFCE00  }
0xa5: {  	[spmem:s4] =	stream.indirect.scatter.add.f32 @p2 [tilespmem:s17], [sflag:$0x4], $0x10, s8, s19, $0xb8;
	[tilespmem:$0x1A2C0] =	vst v63  }
0xa6: {  	_ =	swait.ge @p2 [sflag:s18], $0xC80  }
0xa7: {  	[sflag:s18] =	ssyncset.done @p2 $0x0  }
0xa8: {  	[sflag:s18] =	ssyncadd.s32 @p2 $0xFFFFF380  }
0xa9: {  	_ =	swait.ge [sflag:s29], $0x190  }
0xaa: {  	s19 =	rddreg [dreg:$0x8]  }
0xab: {  	[sflag:s29] =	ssyncset.done $0x0;
	s8 =	sadd.s32 s12, s19  }
0xac: {  	[sflag:s29] =	ssyncadd.s32 $0xFFFFFE70;
	s8 =	sshrl.u32 s8, $0x3  }
0xad: {  	[tilespmem:s25], [sflag:$0x1] =	stream.indirect.gather [hbm4b:s6+s22], $0x40, s5, s22, $0xb8;
	[tilespmem:$0x1A2C0] =	vst v63  }
0xae: {  	s8 =	sadd.s32 s7, s8  }
0xaf: {  	[tilespmem:s24], [sflag:$0x2] =	stream.strided.gather [hbm4b:s8+s22], $0x190, s23, s22, $0x38;
	[tilespmem:$0x1A2C0] =	vst v63  }
0xb0: {  	_ =	swait.ge [sflag:s0], $0x3200  }
0xb1: {  	p2 =	sgt.u32 s16, $0xB;
	s12 =	simm.s32 $0x1;
	[sflag:s0] =	ssyncset.done $0x0  }
0xb2: {  	s12 =	simm.s32 @!p2 $0x0;
	s17 =	rddreg [dreg:$0xb];
	[sflag:s0] =	ssyncadd.s32 $0xFFFFCE00  }
0xb3: {  	[spmem:s3] =	stream.indirect.scatter.add.f32 [tilespmem:s30], [sflag:$0x4], $0x40, s17, s22, $0xb8;
	[tilespmem:$0x1A2C0] =	vst v63  }
0xb4: {  	p2 =	seq.s32 s10, s12;
	_ =	swait.ge [sflag:s2], $0x3200  }
0xb5: {  	s8 =	simm.s32 @!p2 $0xC8;
	s12 =	simm.s32 @!p2 $0x3E8;
	[sflag:s2] =	ssyncset.done $0x0  }
0xb6: {  	s16 =	simm.s32 @!p2 $0x16E40;
	s17 =	simm.s32 @!p2 $0x4;
	[sflag:s2] =	ssyncadd.s32 $0xFFFFCE00  }
0xb7: {  	[spmem:s4] =	stream.indirect.scatter.add.f32 @!p2 [tilespmem:s16], [sflag:$0x4], $0x10, s12, s8, $0xb8;
	[tilespmem:$0x1A2C0] =	vst v63  }
0xb8: {  	s11 =	sadd.s32 $0x1, s11;
	_ =	swait.ge @!p2 [sflag:s17], $0xC80  }
0xb9: {  	p1 =	sne.s32 s11, $0x19;
	[sflag:s17] =	ssyncset.done @!p2 $0x0  }
.Ltmp0:
0xba: {  	s18 =	smin.u32 s15, $0x5D;
	[sflag:s17] =	ssyncadd.s32 @!p2 $0xFFFFF380;
	(pc) =	sbr.rel @p1 .LBB2_2-.Ltmp0, $4  }
0xbb: {  	s8 =	smul.u32 $0xC8, s18;
	_ =	swait.ge [sflag:s29], $0x190  }
0xbc: {  	s13 =	smov.u32 s15;
	s19 =	rddreg [dreg:$0x9]  }
0xbd: {  	s14 =	sadd.s32 $0x64, s14;
	[sflag:s29] =	ssyncset.done $0x0;
	s8 =	sadd.s32 s8, s19  }
0xbe: {  	s15 =	sadd.s32 $0x4, s15;
	[sflag:s29] =	ssyncadd.s32 $0xFFFFFE70;
	s16 =	sshrl.u32 s8, $0x3  }
0xbf: {  	[tilespmem:s26], [sflag:$0x1] =	stream.indirect.gather [hbm4b:s6+s22], $0x40, s24, s22, $0xb8;
	[tilespmem:$0x1A2C0] =	vst v63  }
0xc0: {  	s8 =	sadd.s32 s7, s16  }
0xc1: {  	[tilespmem:s28], [sflag:$0x2] =	stream.strided.gather [hbm4b:s8+s22], $0x190, s23, s22, $0x38;
	[tilespmem:$0x1A2C0] =	vst v63  }
0xc2: {  	s11 =	sadd.s32 $0x3, s13;
	_ =	swait.ge [sflag:s0], $0x3200  }
0xc3: {  	p1 =	sgt.u32 s11, $0x31;
	s8 =	simm.s32 $0x1;
	[sflag:s0] =	ssyncset.done $0x0  }
0xc4: {  	s8 =	simm.s32 @!p1 $0x0;
	s14 =	rddreg [dreg:$0xc];
	[sflag:s0] =	ssyncadd.s32 $0xFFFFCE00  }
0xc5: {  	[spmem:s3] =	stream.indirect.scatter.add.f32 [tilespmem:s1], [sflag:$0x4], $0x40, s14, s22, $0xb8;
	[tilespmem:$0x1A2C0] =	vst v63  }
0xc6: {  	p1 =	seq.s32 s10, s8;
	_ =	swait.ge [sflag:s2], $0x3200  }
0xc7: {  	s8 =	simm.s32 @!p1 $0xC8;
	[sflag:s2] =	ssyncset.done $0x0  }
0xc8: {  	s10 =	simm.s32 @!p1 $0x578;
	s11 =	simm.s32 @!p1 $0x16E40;
	[sflag:s2] =	ssyncadd.s32 $0xFFFFCE00  }
0xc9: {  	[spmem:s4] =	stream.indirect.scatter.add.f32 @!p1 [tilespmem:s11], [sflag:$0x3], $0x10, s10, s8, $0xb8;
	[tilespmem:$0x1A2C0] =	vst v63  }
0xca: {  	s8 =	simm.s32 @!p1 $0x3  }
0xcb: {  	_ =	swait.ge @!p1 [sflag:s8], $0xC80  }
0xcc: {  	[sflag:s8] =	ssyncset.done @!p1 $0x0  }
0xcd: {  	[sflag:s8] =	ssyncadd.s32 @!p1 $0xFFFFF380  }
0xce: {  	_ =	swait.ge [sflag:s0], $0x3200  }
0xcf: {  	[sflag:s0] =	ssyncset.done $0x0  }
0xd0: {  	[sflag:s0] =	ssyncadd.s32 $0xFFFFCE00  }
0xd1: {  	_ =	swait.ge [sflag:s0], $0x3200  }
0xd2: {  	[sflag:s0] =	ssyncset.done $0x0  }
0xd3: {  	[sflag:s0] =	ssyncadd.s32 $0xFFFFCE00  }
0xd4: {  	_ =	swait.ge [sflag:s29], $0x190  }
0xd5: {  	[sflag:s29] =	ssyncset.done $0x0  }
0xd6: {  	[sflag:s29] =	ssyncadd.s32 $0xFFFFFE70  }
0xd7: {  	[bflag:$0x0] =	sbarrier.arrive $0xFFFF  }
0xd8: {  	s15 =	rddreg [dreg:$0x13]  }
0xd9: {  	s16 =	simm.s32 $0x10;
	s12 =	simm.s32 $0x8;
	s10 =	rddreg [dreg:$0x17]  }
0xda: {  	[hbm:s15@s16], [sflag:s9] =	dma.strided [spmem:s10@s12], $0x1400, s0, $0x8   }
0xdb: {  	_ =	swait.ge [sflag:s20], $0x1400  }
0xdc: {  	[sflag:s20] =	ssyncset.done $0x0;
	s17 =	rddreg [dreg:$0x15]  }
0xdd: {  	s18 =	rddreg [dreg:$0x18];
	[sflag:s20] =	ssyncadd.s32 $0xFFFFEC00  }
0xde: {  	[hbm:s17], [sflag:s9] =	dma.local [spmem:s18], $0x500  }
0xdf: {  	_ =	swait.ge [sflag:s20], $0x500  }
0xe0: {  	s21 =	sadd.s32 $0x1, s21;
	s19 =	rddreg [dreg:$0x14]  }
0xe1: {  	p1 =	sne.s32 s21, s19  }
.Ltmp1:
0xe2: {  	_ = 	snop;
	(pc) =	sbr.rel @p1 .LBB2_1-.Ltmp1, $3  }
0xe3: {  	_ =	sdelay $0x1  }
0xe4: {  	[sflag:s20] =	ssyncset.done $0x0  }
0xe5: {  	[sflag:s20] =	ssyncadd.s32 $0xFFFFFB00  }
0xe6: {  	_ =	sfence.sel $0x180000  }
0xe7: {  	[bflag:$0x0] =	sbarrier.arrive $0xFFFF  }
0xe8: {  	_ =	strace $0x90000047  }
0xe9: {  	s0 =	stileid.u32;
	[bflag:$0x2] =	sbarrier.arrive $0xFFFF  }
0xea: {  	p0 =	sne.s32 s0, $0x0;
	s0 =	rddreg [dreg:$0x6]  }
0xeb: {  	s0 =	sadd.s32 @!p0 $0x100000, s0  }
0xec: {  	[sflag:s0] =	ssyncadd.tile.s32 @!p0 $0x1;
	_ =	shalt  }
.Lfunc_end2:
_tile_overlayer_lowered:
.L_overlay_start_2:
0xed: {  	(tag) =	ssettag $0x2  }
0xee: {  	s0 =	rddreg [dreg:$0x0];
	s2 =	stileid.u32  }
0xef: {  	s1 =	rddreg [dreg:$0x1];
	p0 =	sne.s32 s2, $0x0  }
0xf0: {  	s3 =	rddreg [dreg:$0x2];
	[bflag:$0x3] =	sbarrier.arrive $0xFFFF;
	s2 =	simm.s32 @!p0 $0x1C03  }
0xf1: {  	[timem:s3], [sflag:s2] =	dma.local @!p0 [hbm:s0], s1  }
0xf2: {  	s0 =	simm.s32 @!p0 $0x3  }
0xf3: {  	_ =	swait.ge @!p0 [sflag:s0], s1  }
0xf4: {  	s1 =	ssub.s32 @!p0 $0x0, s1;
	[sflag:s0] =	ssyncset.done @!p0 $0x0  }
0xf5: {  	[sflag:s0] =	ssyncadd.s32 @!p0 s1  }
0xf6: {  	[bflag:$0x3] =	sbarrier.arrive $0xFFFF  }
0xf7: {  	_ =	shalt  }

// kernel: kernel.9.cloned.1.call-start
scs
__scs_entry_jumppad:
0x0: {  	(pc) =	sbr.rel $0x88, $3  }
0x1: {  	(tag) =	ssettag $0x0;
	lr =	simm.s32 $0x1  }
0x2: {  	[smem:$0x3F8F] =	sst lr;
	_ =	strace $0xD0000000  }
0x3: {  	_ = 	snop  }
0x4: {  	_ = 	snop  }
0x5: {  	_ = 	snop  }
0x6: {  	_ = 	snop  }
0x7: {  	_ = 	snop  }
__scs_overlays_trampoline_lowered:
0x8: {  	[smem:$0x3F9E] =	sst s0  }
0x9: {  	[smem:$0x3F9F] =	sst s1  }
0xa: {  	[smem:$0x3FA0] =	sst s2  }
0xb: {  	[smem:$0x3FA1] =	sst s3  }
0xc: {  	[smem:$0x3FA2] =	sst s4  }
0xd: {  	[smem:$0x3FA3] =	sst s5  }
0xe: {  	[smem:$0x3FA4] =	sst s6  }
0xf: {  	[smem:$0x3FA5] =	sst s7  }
0x10: {  	[smem:$0x3FA6] =	sst s8  }
0x11: {  	[smem:$0x3FA7] =	sst s9;
	s0 =	simm.s32 @!p0 $0x0  }
0x12: {  	s1 =	sld [smem:$0x3F8D];
	s0 =	simm.s32 @p0 $0x1  }
0x13: {  	[smem:$0x3FA8] =	sst s0;
	s0 =	simm.s32 @!p1 $0x0  }
0x14: {  	s2 =	sld [smem:$0x3F8C];
	s0 =	simm.s32 @p1 $0x1  }
0x15: {  	[smem:$0x3FA9] =	sst s0;
	s0 =	simm.s32 @!p2 $0x0  }
0x16: {  	s3 =	sld [smem:$0x3FDB];
	s0 =	simm.s32 @p2 $0x1  }
0x17: {  	s4 =	simm.s32 $0x1BF5;
	[smem:$0x3FAB] =	sst s0  }
0x18: {  	s0 =	sld [smem:$0x3F8E];
	_ =	swait.ge [sflag:s4], $0x0  }
0x19: {  	s7 =	sld [smem:$0x3F8F]  }
0x1a: {  	s8 =	sadd.s32 $0xFFFFE003, lr  }
0x1b: {  	s9 =	sadd.s32 $0xFFFFFEF7, lr;
	s5 =	simm.s32 $0xFFFFFFFF;
	p2 =	slt.u32 s8, $0xFFFFF086  }
0x1c: {  	p1 =	slt.u32 s9, $0xF7A;
	s5 =	simm.s32 @!p2 $0x0  }
0x1d: {  	s5 =	simm.s32 @p1 $0x1;
	p0 =	seq.s32 s7, s2  }
0x1e: {  	s7 =	smul.u32 @!p0 $0xF7A, s2;
	p2 =	seq.s32 @!p0 s5, $0x0  }
0x1f: {  	s9 =	smul.u32 $0xF7A, s1;
	s8 =	simm.s32 @!p0 $0x1BF5;
	p2 =	por !p2, p0  }
0x20: {  	[sflag:s8] =	ssyncset.s32 @!p0 $0xFFFFF086;
	s6 =	sadd.s32 @!p0 s3, s7;
	s7 =	simm.s32 @!p0 $0x108  }
0x21: {  	s3 =	sadd.s32 s3, s9;
	s6 =	sadd.s32 @!p0 $0x88, s6;
	s7 =	simm.s32 @p2 $0x1082  }
0x22: {  	[simem:s7], [sflag:s8] =	dma.local @!p0 [hbm:s6], $0xF7A  }
0x23: {  	s9 =	sor.u32 $0xD0000000, s2;
	s6 =	simm.s32 $0x108;
	_ =	swait.ge @!p0 [sflag:s8], $0x0  }
0x24: {  	s3 =	sadd.s32 $0x88, s3;
	s6 =	simm.s32 @!p1 $0x1082;
	[sflag:s4] =	ssyncset.s32 $0xFFFFF086  }
0x25: {  	[simem:s6], [sflag:s4] =	dma.local [hbm:s3], $0xF7A  }
0x26: {  	[smem:$0x3F8F] =	sst s1;
	(tag) =	ssettag s2;
	_ =	strace s9  }
0x27: {  	s1 =	sld [smem:$0x3F9F]  }
0x28: {  	s2 =	sld [smem:$0x3FA0]  }
0x29: {  	s4 =	sld [smem:$0x3FA2]  }
0x2a: {  	p0 =	seq.s32 s5, $0x0;
	s5 =	sld [smem:$0x3FA3]  }
0x2b: {  	s6 =	sld [smem:$0x3FA4]  }
0x2c: {  	s7 =	sld [smem:$0x3FA5]  }
0x2d: {  	s3 =	simm.s32 $0x108;
	s8 =	sld [smem:$0x3FA6]  }
0x2e: {  	s3 =	simm.s32 @!p0 $0x1082;
	s9 =	sld [smem:$0x3FA7]  }
0x2f: {  	lr =	sadd.s32 s0, s3;
	s0 =	sld [smem:$0x3F9E]  }
0x30: {  	s3 =	sld [smem:$0x3FA1]  }
0x31: {  	[smem:$0x3FAA] =	sst s10  }
0x32: {  	s10 =	sld [smem:$0x3FA8];
	_ =	sdelay $0x3  }
0x33: {  	p0 =	seq.s32 s10, $0x1;
	s10 =	sld [smem:$0x3FAA];
	_ =	sdelay $0x3  }
0x34: {  	[smem:$0x3FAA] =	sst s10  }
0x35: {  	s10 =	sld [smem:$0x3FA9];
	_ =	sdelay $0x3  }
0x36: {  	p1 =	seq.s32 s10, $0x1;
	s10 =	sld [smem:$0x3FAA];
	_ =	sdelay $0x3  }
0x37: {  	[smem:$0x3FAA] =	sst s10  }
0x38: {  	s10 =	sld [smem:$0x3FAB]  }
0x39: {  	_ = 	snop;
	(pc) =	sbr.ind lr, $3  }
0x3a: {  	_ = 	snop  }
0x3b: {  	_ = 	snop  }
0x3c: {  	p2 =	seq.s32 s10, $0x1;
	s10 =	sld [smem:$0x3FAA]  }
0x3d: {  	_ =	shalt  }
0x3e: {  	_ =	shalt  }
0x3f: {  	_ =	shalt  }
0x40: {  	_ =	shalt  }
0x41: {  	_ =	shalt  }
0x42: {  	_ =	shalt  }
0x43: {  	_ =	shalt  }
0x44: {  	_ =	shalt  }
0x45: {  	_ =	shalt  }
0x46: {  	_ =	shalt  }
0x47: {  	_ =	shalt  }
0x48: {  	_ =	shalt  }
0x49: {  	_ =	shalt  }
0x4a: {  	_ =	shalt  }
0x4b: {  	_ =	shalt  }
0x4c: {  	_ =	shalt  }
0x4d: {  	_ =	shalt  }
0x4e: {  	_ =	shalt  }
0x4f: {  	_ =	shalt  }
0x50: {  	_ =	shalt  }
0x51: {  	_ =	shalt  }
0x52: {  	_ =	shalt  }
0x53: {  	_ =	shalt  }
0x54: {  	_ =	shalt  }
0x55: {  	_ =	shalt  }
0x56: {  	_ =	shalt  }
0x57: {  	_ =	shalt  }
0x58: {  	_ =	shalt  }
0x59: {  	_ =	shalt  }
0x5a: {  	_ =	shalt  }
0x5b: {  	_ =	shalt  }
0x5c: {  	_ =	shalt  }
0x5d: {  	_ =	shalt  }
0x5e: {  	_ =	shalt  }
0x5f: {  	_ =	shalt  }
0x60: {  	_ =	shalt  }
0x61: {  	_ =	shalt  }
0x62: {  	_ =	shalt  }
0x63: {  	_ =	shalt  }
0x64: {  	_ =	shalt  }
0x65: {  	_ =	shalt  }
0x66: {  	_ =	shalt  }
0x67: {  	_ =	shalt  }
0x68: {  	_ =	shalt  }
0x69: {  	_ =	shalt  }
0x6a: {  	_ =	shalt  }
0x6b: {  	_ =	shalt  }
0x6c: {  	_ =	shalt  }
0x6d: {  	_ =	shalt  }
0x6e: {  	_ =	shalt  }
0x6f: {  	_ =	shalt  }
0x70: {  	_ =	shalt  }
0x71: {  	_ =	shalt  }
0x72: {  	_ =	shalt  }
0x73: {  	_ =	shalt  }
0x74: {  	_ =	shalt  }
0x75: {  	_ =	shalt  }
0x76: {  	_ =	shalt  }
0x77: {  	_ =	shalt  }
0x78: {  	_ =	shalt  }
0x79: {  	_ =	shalt  }
0x7a: {  	_ =	shalt  }
0x7b: {  	_ =	shalt  }
0x7c: {  	_ =	shalt  }
0x7d: {  	_ =	shalt  }
0x7e: {  	_ =	shalt  }
0x7f: {  	_ =	shalt  }
0x80: {  	_ =	shalt  }
0x81: {  	_ =	shalt  }
0x82: {  	_ =	shalt  }
0x83: {  	_ =	shalt  }
0x84: {  	_ =	shalt  }
0x85: {  	_ =	shalt  }
0x86: {  	_ =	shalt  }
0x87: {  	_ =	shalt  }
.Lfunc_end0:
.L_simem_size_0:
called_computation.1_lowered:
.L_overlay_start_0:
0x88: {  	s2 =	sld [smem:$0x3FD9]  }
0x89: {  	s3 =	sld [smem:$0x3FFE];
	_ =	sdelay $0x1  }
0x8a: {  	s1 =	srdreg.scid  }
0x8b: {  	s0 =	sand.u32 $0x1, s1  }
0x8c: {  	s14 =	sshll.u32 s0, $0xA;
	s2 =	sadd.s32 s3, s2  }
0x8d: {  	s2 =	sadd.s32 s2, s14  }
0x8e: {  	[smem:$0x3FB6] =	sst s2  }
0x8f: {  	_ = 	snop  }
0x90: {  	s2 =	sld [smem:$0x3FD0];
	_ =	sdelay $0x2  }
0x91: {  	s15 =	simm.s32 $0xA;
	s4 =	simm.s32 $0x10  }
0x92: {  	[smem:s4], [sflag:s15] =	dma.local [hbm:s2], $0x1  }
0x93: {  	_ =	swait.eq [sflag:s15], $0x1  }
0x94: {  	[sflag:s15] =	ssyncset.done $0x0  }
0x95: {  	s16 =	sld [smem:$0x11];
	[sflag:s15] =	ssyncadd.s32 $0xFFFFFFFF  }
0x96: {  	s17 =	sld [smem:$0x12];
	(tm) =	ssettm $0x1  }
0x97: {  	s18 =	sld [smem:$0x3FFB];
	_ =	sdelay $0x3  }
0x98: {  	_ =	strace s18  }
0x99: {  	s4 =	sld [smem:$0x3FFC];
	_ =	sdelay $0x3  }
0x9a: {  	_ =	strace s4  }
0x9b: {  	s4 =	sld [smem:$0x3FFD];
	_ =	sdelay $0x3  }
0x9c: {  	_ =	strace s4  }
0x9d: {  	_ =	strace $0x8FFFFFFF  }
0x9e: {  	s19 =	sld [smem:$0x3FDB];
	_ =	sdelay $0x1  }
0x9f: {  	s5 =	simm.s32 $_scs_section_size  }
0xa0: {  	s6 =	simm.s32 $_size__tile_overlayer_lowered;
	s7 =	simm.s32 $_tile_overlayer_lowered  }
0xa1: {  	s22 =	simm.s32 $0x1BFF;
	s21 =	sshll.u32 s7, $0x1;
	s4 =	sadd.s32 s5, s19  }
0xa2: {  	s8 =	simm.s32 $0x0;
	s20 =	sshll.u32 s6, $0x1;
	s6 =	sadd.s32 s21, s4  }
0xa3: {  	[timem:s8], [sflag:s22] =	dma.local [hbm:s6], s20  }
0xa4: {  	_ =	swait.ge [sflag:s22], s20  }
0xa5: {  	s5 =	ssub.s32 $0x0, s20;
	[sflag:s22] =	ssyncset.done $0x0  }
0xa6: {  	[sflag:s22] =	ssyncadd.s32 s5;
	_ =	sdelay $0x1  }
0xa7: {  	s23 =	simm.s32 $0x1B8B  }
0xa8: {  	_ =	swait.ge [sflag:s23], $0x1  }
0xa9: {  	[sflag:s23] =	ssyncset.done $0x0  }
0xaa: {  	s25 =	simm.s32 $0x1B8E;
	s24 =	sld [smem:$0x3FFE];
	[sflag:s23] =	ssyncadd.s32 $0xFFFFFFFF  }
0xab: {  	s26 =	simm.s32 $execute0_lowered;
	[smem:$0x3FD2] =	sst s25  }
0xac: {  	s6 =	sshll.u32 s26, $0x1;
	_ =	strace $0x80000049;
	[dreg:$0x1] =	wrdreg $0xFFFFFFFF  }
0xad: {  	s28 =	simm.s32 $_size_execute0_lowered;
	s4 =	sadd.s32 s4, s6;
	[dreg:$0x0] =	wrdreg $0x0  }
0xae: {  	s6 =	sshll.u32 s28, $0x1;
	[dreg:$0x2] =	wrdreg s4  }
0xaf: {  	[dreg:$0x3] =	wrdreg s6  }
0xb0: {  	[dreg:$0x4] =	wrdreg $0xC0  }
0xb1: {  	_ =	task [dreg:s8], $0x5FFFF  }
0xb2: {  	[dreg:$0x1] =	wrdreg $0xFFFFFFFF  }
0xb3: {  	[dreg:$0x0] =	wrdreg $0x60  }
0xb4: {  	[dreg:$0x2] =	wrdreg s24  }
0xb5: {  	[dreg:$0x3] =	wrdreg s16  }
0xb6: {  	[dreg:$0x4] =	wrdreg s17  }
0xb7: {  	[dreg:$0x5] =	wrdreg $0xCE400  }
0xb8: {  	[dreg:$0x6] =	wrdreg $0x9  }
0xb9: {  	_ =	task.clear_ibuf [dreg:s8], $0x7FFFF;
	_ =	strace $0x90000049  }
0xba: {  	s29 =	simm.s32 $0x9;
	_ =	strace $0x8000004B  }
0xbb: {  	_ =	swait.ge [sflag:s29], $0x1  }
0xbc: {  	[sflag:s29] =	ssyncadd.s32 $0xFFFFFFFF  }
0xbd: {  	_ =	strace $0x9000004B  }
0xbe: {  	_ =	sfence  }
0xbf: {  	s30 =	sld [smem:$0x0];
	_ =	sdelay $0x2  }
0xc0: {  	s31 =	sshll.u32 s1, $0xD;
	s1 =	sshrl.u32 s1, $0x2  }
0xc1: {  	s3 =	sand.u32 $0x4000, s31;
	s1 =	sadd.s32 s1, s30  }
0xc2: {  	s0 =	sor.u32 s3, s0;
	s1 =	sshll.u32 s1, $0x11  }
0xc3: {  	s0 =	sor.u32 s1, s0  }
0xc4: {  	s0 =	sadd.s32 $0x8F2B, s0  }
0xc5: {  	[sflag:s0] =	ssyncadd.remote.s32 $0x1  }
0xc6: {  	_ =	sfence.sel $0xFFFF  }
0xc7: {  	[dreg:$0x0] =	wrdreg $0xFFFFFFFF;
	(pc) =	sbr.abs _section_cstart, $3  }
0xc8: {  	[dreg:$0x1] =	wrdreg $0xFFFFFFFF  }
0xc9: {  	_ =	task.clear_ibuf [dreg:s8], $0x2FFFF;
	_ =	strace $0x9FFFFFFF  }
0xca: {  	(tm) =	ssettm $0x7FFFFFFF  }
0xcb: {  	_ =	shalt  }
tec
execute0_lowered:
.L_overlay_start_1:
0x0: {  	(tag) =	ssettag $0x1  }
0x1: {  	s0 =	rddreg [dreg:$0x0]  }
0x2: {  	s1 =	rddreg [dreg:$0x1]  }
0x3: {  	s6 =	rddreg [dreg:$0x2]  }
0x4: {  	s3 =	rddreg [dreg:$0x3]  }
0x5: {  	s4 =	simm.s32 $0x0;
	s16 =	stileid.u32;
	s2 =	srdreg.scid  }
0x6: {  	s28 =	simm.s32 $0x40;
	s29 =	simm.s32 $0x80;
	[smem:$0x7FF] =	sst s4  }
0x7: {  	s7 =	sand.u32 $0x1, s2;
	s2 =	smul.u32 $0x4E20, s16;
	s8 =	sadd.s32 $0x80200, s0  }
0x8: {  	s11 =	sadd.s32 $0x80A00, s0;
	s12 =	sshll.u32 s16, $0x9;
	s21 =	sadd.s32 $0x80A08, s0  }
0x9: {  	s30 =	sadd.s32 $0x17E00, s0;
	_ =	strace $0x8000004A;
	s5 =	ssub.s32 $0x2, s7  }
0xa: {  	s14 =	sshll.u32 s7, $0xD;
	p0 =	seq.s32 s7, $0x0;
	s7 =	sshll.u32 s7, $0x6  }
0xb: {  	s9 =	sshrl.u32 s5, $0x1;
	s10 =	sadd.s32 $0x320, s2;
	s13 =	sadd.s32 $0x3E8, s2  }
0xc: {  	s15 =	sor.u32 s12, s14;
	s17 =	sadd.s32 $0x4B0, s2;
	[dreg:$0x5] =	wrdreg s10  }
0xd: {  	s5 =	ssub.s32 s5, s9;
	[dreg:$0x6] =	wrdreg s13;
	s12 =	sshrl.u32 s15, $0x3  }
0xe: {  	s13 =	sor.u32 $0xC8, s15;
	[dreg:$0x7] =	wrdreg s17;
	s20 =	sshll.u32 s15, $0x4  }
0xf: {  	s22 =	sor.u32 $0x190, s15;
	s9 =	sshll.u32 s15, $0x1;
	s18 =	sadd.s32 s8, s12  }
0x10: {  	s19 =	sshrl.u32 s13, $0x3;
	s14 =	sadd.s32 s11, s20;
	[dreg:$0xb] =	wrdreg s18  }
0x11: {  	s23 =	sshrl.u32 s22, $0x3;
	s9 =	sadd.s32 s6, s9;
	[dreg:$0xd] =	wrdreg s14  }
0x12: {  	s15 =	sshll.u32 s13, $0x4;
	s5 =	smax.u32 s5, $0x1;
	[dreg:$0xf] =	wrdreg s9  }
0x13: {  	s10 =	sadd.s32 s8, s19;
	s24 =	sadd.s32 s8, s23;
	[smem:$0x7FA] =	sst s5  }
0x14: {  	s25 =	sadd.s32 s11, s15;
	s26 =	sadd.s32 s15, s21;
	[dreg:$0xc] =	wrdreg s10  }
0x15: {  	s14 =	sshll.u32 s13, $0x1;
	s15 =	sshll.u32 s22, $0x4;
	[dreg:$0x10] =	wrdreg s24  }
0x16: {  	s18 =	sshll.u32 s16, $0xA;
	s19 =	sshll.u32 s16, $0x7;
	[dreg:$0x11] =	wrdreg s25  }
0x17: {  	s5 =	simm.s32 $0x0;
	s10 =	sadd.s32 s20, s21;
	[dreg:$0x12] =	wrdreg s26  }
0x18: {  	s9 =	sadd.s32 s6, s14;
	s17 =	sadd.s32 s11, s15;
	[dreg:$0xe] =	wrdreg s10  }
0x19: {  	s12 =	sadd.s32 s15, s21;
	s13 =	sor.u32 $0xC8, s18;
	[dreg:$0x13] =	wrdreg s9  }
0x1a: {  	s24 =	sor.u32 $0x258, s18;
	s26 =	sor.u32 $0x320, s18;
	[dreg:$0x14] =	wrdreg s17  }
0x1b: {  	s14 =	simm.s32 $0x578;
	[dreg:$0x15] =	wrdreg s12;
	s10 =	sshll.u32 s22, $0x1  }
0x1c: {  	s20 =	sshrl.u32 s13, $0x3;
	s22 =	sor.u32 $0x190, s18;
	s25 =	sshrl.u32 s24, $0x3  }
0x1d: {  	s9 =	sor.u32 $0x3E8, s18;
	s15 =	sshrl.u32 s26, $0x3;
	s17 =	sshll.u32 s16, $0x11  }
0x1e: {  	[dreg:$0xa] =	wrdreg s14;
	s14 =	simm.s32 $0xC8;
	s6 =	sadd.s32 s6, s10  }
0x1f: {  	s21 =	sadd.s32 s8, s20;
	s23 =	sshrl.u32 s22, $0x3;
	s18 =	sshrl.u32 s9, $0x3  }
0x20: {  	s20 =	sshll.u32 s13, $0x7;
	s9 =	sshll.u32 s9, $0x7;
	[dreg:$0x16] =	wrdreg s6  }
0x21: {  	s6 =	sadd.s32 s8, s19;
	[dreg:$0x18] =	wrdreg s21;
	s10 =	sadd.s32 s8, s23  }
0x22: {  	s19 =	sor.u32 s7, s17;
	s21 =	sshll.u32 s24, $0x7;
	[dreg:$0x17] =	wrdreg s6  }
0x23: {  	s23 =	simm.s32 $0x258;
	s24 =	simm.s32 $0x3E8;
	[dreg:$0x19] =	wrdreg s10  }
0x24: {  	s10 =	sadd.s32 s8, s25;
	s6 =	sshll.u32 s22, $0x7;
	[dreg:$0x8] =	wrdreg s23  }
0x25: {  	s11 =	sor.u32 s7, s21;
	s22 =	sshll.u32 s26, $0x7;
	[dreg:$0x9] =	wrdreg s24  }
0x26: {  	s25 =	sadd.s32 $0xC0A00, s0;
	[dreg:$0x1a] =	wrdreg s10;
	s10 =	sadd.s32 s8, s15  }
0x27: {  	s8 =	sadd.s32 s8, s18;
	s6 =	sor.u32 s7, s6;
	[dreg:$0x1b] =	wrdreg s10  }
0x28: {  	s12 =	sor.u32 s7, s22;
	s18 =	sshll.u32 s16, $0x6;
	[dreg:$0x1c] =	wrdreg s8  }
0x29: {  	s10 =	sor.u32 s7, s20;
	s7 =	sor.u32 s7, s9;
	s8 =	sshrl.u32 s19, $0x3  }
0x2a: {  	s6 =	sshrl.u32 s6, $0x3;
	s19 =	sadd.s32 $0xC8, s2;
	s20 =	smul.u32 $0x9C4, s16  }
0x2b: {  	s2 =	sshrl.u32 s2, $0x3;
	s8 =	sadd.s32 s25, s8;
	s26 =	sshrl.u32 s10, $0x3  }
0x2c: {  	s6 =	sadd.s32 s25, s6;
	s10 =	sshrl.u32 s11, $0x3;
	s11 =	sshrl.u32 s12, $0x3  }
0x2d: {  	s12 =	smul.u32 $0xA000, s16;
	s13 =	sshrl.u32 s7, $0x3;
	[dreg:$0x1d] =	wrdreg s8  }
0x2e: {  	s21 =	sshrl.u32 s19, $0x3;
	s8 =	sadd.s32 s25, s26;
	[dreg:$0x1f] =	wrdreg s6  }
0x2f: {  	s16 =	simm.s32 $0x190;
	s6 =	sadd.s32 s25, s10;
	[dreg:$0x1e] =	wrdreg s8  }
0x30: {  	s19 =	simm.s32 $0x320;
	[smem:$0x7F4] =	sst s6;
	s6 =	sadd.s32 s25, s11  }
0x31: {  	s15 =	sshrl.u32 s12, $0x3;
	s8 =	sadd.s32 $0x4400, s0;
	s17 =	sadd.s32 s12, s3  }
0x32: {  	[smem:$0x7F5] =	sst s6;
	s6 =	sadd.s32 s25, s13;
	s31 =	smov.u32 s8  }
0x33: {  	s25 =	sshrl.u32 s17, $0x3;
	s13 =	simm.s32 $0x3;
	s17 =	simm.s32 $0x640  }
0x34: {  	[smem:$0x7F6] =	sst s6;
	s6 =	sadd.s32 s15, s0;
	s0 =	sadd.s32 $0x2B800, s0  }
0x35: {  	s31 =	smov.u32 @p0 s30;
	[smem:$0x7FB] =	sst s25;
	s15 =	simm.s32 $0x4E200  }
0x36: {  	s25 =	simm.s32 $0x16E40;
	s6 =	sadd.s32 $0x3F200, s6;
	s22 =	sadd.s32 s0, s2  }
0x37: {  	s23 =	sadd.s32 s0, s21;
	s24 =	sadd.s32 s20, s0;
	s20 =	simm.s32 $0x2  }
0x38: {  	s21 =	simm.s32 $0x6A40;
	s2 =	simm.s32 $0x70;
	[smem:$0x7F7] =	sst s6  }
0x39: {  	s6 =	sor.u32 $0x1C03, s18;
	[smem:$0x7F9] =	sst s23;
	s10 =	sadd.s32 $0x4B, s24  }
0x3a: {  	[smem:$0x7FC] =	sst s22;
	s26 =	sadd.s32 $0x32, s22;
	s18 =	simm.s32 $0x3840  }
0x3b: {  	s22 =	simm.s32 $0x4B0;
	s23 =	simm.s32 $0x1;
	[smem:$0x7F8] =	sst s6  }
0x3c: {  	s24 =	simm.s32 $0x9C40;
	[smem:$0x7FD] =	sst s26;
	s26 =	simm.s32 $0x17AC0  }
.LBB2_1:
0x3d: {  	s6 =	sld [smem:$0x7F7]  }
0x3e: {  	s7 =	sld [smem:$0x7F8]  }
0x3f: {  	s9 =	sld [smem:$0x7FB];
	_ =	sdelay $0x2  }
0x40: {  	[spmem:s9], [sflag:s7] =	dma.local [hbm:s6], $0x1400  }
0x41: {  	_ =	swait.ge [sflag:s13], $0x1400  }
0x42: {  	[sflag:s13] =	ssyncset.done $0x0  }
0x43: {  	[sflag:s13] =	ssyncadd.s32 $0xFFFFEC00  }
0x44: {  	[bflag:$0x0] =	sbarrier.arrive $0xFFFF  }
0x45: {  	s12 =	sld [smem:$0x7FC];
	_ =	sdelay $0x2  }
0x46: {  	[tilespmem:s4], [sflag:$0x3] =	stream.strided.gather [hbm4b:s12+s14], $0x190, s15, s14, $0x38;
	[tilespmem:$0x18740] =	vst v63  }
0x47: {  	_ =	swait.ge [sflag:s13], $0x190  }
0x48: {  	s7 =	sld [smem:$0x7F9]  }
0x49: {  	[sflag:s13] =	ssyncset.done $0x0  }
0x4a: {  	[sflag:s13] =	ssyncadd.s32 $0xFFFFFE70  }
0x4b: {  	[tilespmem:s16], [sflag:$0x3] =	stream.strided.gather [hbm4b:s7+s14], $0x190, s15, s14, $0x38;
	[tilespmem:$0x18740] =	vst v63  }
0x4c: {  	_ =	swait.ge [sflag:s13], $0x190  }
0x4d: {  	[sflag:s13] =	ssyncset.done $0x0  }
0x4e: {  	[sflag:s13] =	ssyncadd.s32 $0xFFFFFE70  }
0x4f: {  	[tilespmem:s17], [sflag:$0x1] =	stream.indirect.gather [hbm4b:s31+s14], $0x40, s4, s14, $0xb8;
	[tilespmem:$0x18740] =	vst v63  }
0x50: {  	s9 =	sld [smem:$0x7FD]  }
0x51: {  	[tilespmem:s18], [sflag:$0x1] =	stream.indirect.gather [hbm4b:s31+s14], $0x40, s16, s14, $0xb8;
	[tilespmem:$0x18740] =	vst v63  }
0x52: {  	_ = 	snop  }
0x53: {  	[tilespmem:s19], [sflag:$0x2] =	stream.strided.gather [hbm4b:s9+s14], $0x190, s15, s14, $0x38;
	[tilespmem:$0x18740] =	vst v63  }
0x54: {  	_ =	swait.ge [sflag:s20], $0x190  }
0x55: {  	[sflag:s20] =	ssyncset.done $0x0  }
0x56: {  	[sflag:s20] =	ssyncadd.s32 $0xFFFFFE70  }
0x57: {  	[tilespmem:s21], [sflag:$0x1] =	stream.indirect.gather [hbm4b:s31+s14], $0x40, s19, s14, $0xb8;
	[tilespmem:$0x18740] =	vst v63  }
0x58: {  	_ = 	snop  }
0x59: {  	[tilespmem:s22], [sflag:$0x2] =	stream.strided.gather [hbm4b:s10+s14], $0x190, s15, s14, $0x38;
	[tilespmem:$0x18740] =	vst v63  }
0x5a: {  	_ =	swait.ge [sflag:s23], $0x3200  }
0x5b: {  	[sflag:s23] =	ssyncset.done $0x0  }
0x5c: {  	[sflag:s23] =	ssyncadd.s32 $0xFFFFCE00  }
0x5d: {  	[spmem:s3] =	stream.indirect.scatter.add.f32 [tilespmem:s17], [sflag:$0x3], $0x40, s14, s14, $0xb8;
	[tilespmem:$0x18740] =	vst v63  }
0x5e: {  	_ =	swait.ge [sflag:s13], $0x3200  }
0x5f: {  	[sflag:s13] =	ssyncset.done $0x0  }
0x60: {  	s11 =	smin.u32 s4, $0x5F;
	[sflag:s13] =	ssyncadd.s32 $0xFFFFCE00  }
0x61: {  	s6 =	smul.u32 $0xC8, s11;
	_ =	swait.ge [sflag:s20], $0x190  }
0x62: {  	[sflag:s20] =	ssyncset.done $0x0;
	s12 =	rddreg [dreg:$0x5]  }
0x63: {  	[sflag:s20] =	ssyncadd.s32 $0xFFFFFE70;
	s6 =	sadd.s32 s6, s12  }
0x64: {  	[tilespmem:s24], [sflag:$0x1] =	stream.indirect.gather [hbm4b:s31+s14], $0x40, s22, s14, $0xb8;
	[tilespmem:$0x18740] =	vst v63  }
0x65: {  	s6 =	sshrl.u32 s6, $0x3  }
0x66: {  	s6 =	sadd.s32 s0, s6  }
0x67: {  	[tilespmem:s4], [sflag:$0x2] =	stream.strided.gather [hbm4b:s6+s14], $0x190, s15, s14, $0x38;
	[tilespmem:$0x18740] =	vst v63  }
0x68: {  	_ =	swait.ge [sflag:s23], $0x3200  }
0x69: {  	[sflag:s23] =	ssyncset.done $0x0  }
0x6a: {  	s9 =	rddreg [dreg:$0x8];
	[sflag:s23] =	ssyncadd.s32 $0xFFFFCE00  }
0x6b: {  	[spmem:s3] =	stream.indirect.scatter.add.f32 [tilespmem:s18], [sflag:$0x3], $0x40, s9, s14, $0xb8;
	[tilespmem:$0x18740] =	vst v63  }
0x6c: {  	_ =	swait.ge [sflag:s13], $0x3200  }
0x6d: {  	[sflag:s13] =	ssyncset.done $0x0  }
0x6e: {  	s11 =	smin.u32 s4, $0x5E;
	[sflag:s13] =	ssyncadd.s32 $0xFFFFCE00  }
0x6f: {  	s6 =	smul.u32 $0xC8, s11;
	_ =	swait.ge [sflag:s20], $0x190  }
0x70: {  	s12 =	rddreg [dreg:$0x6]  }
0x71: {  	[sflag:s20] =	ssyncset.done $0x0;
	s6 =	sadd.s32 s6, s12  }
0x72: {  	[sflag:s20] =	ssyncadd.s32 $0xFFFFFE70;
	s6 =	sshrl.u32 s6, $0x3  }
0x73: {  	[tilespmem:s17], [sflag:$0x1] =	stream.indirect.gather [hbm4b:s31+s14], $0x40, s4, s14, $0xb8;
	[tilespmem:$0x18740] =	vst v63  }
0x74: {  	s6 =	sadd.s32 s0, s6  }
0x75: {  	[tilespmem:s16], [sflag:$0x2] =	stream.strided.gather [hbm4b:s6+s14], $0x190, s15, s14, $0x38;
	[tilespmem:$0x18740] =	vst v63  }
0x76: {  	_ =	swait.ge [sflag:s23], $0x3200  }
0x77: {  	[sflag:s23] =	ssyncset.done $0x0  }
0x78: {  	s9 =	rddreg [dreg:$0x9];
	[sflag:s23] =	ssyncadd.s32 $0xFFFFCE00  }
0x79: {  	[spmem:s3] =	stream.indirect.scatter.add.f32 [tilespmem:s21], [sflag:$0x3], $0x40, s9, s14, $0xb8;
	[tilespmem:$0x18740] =	vst v63  }
0x7a: {  	_ =	swait.ge [sflag:s13], $0x3200  }
0x7b: {  	[sflag:s13] =	ssyncset.done $0x0  }
0x7c: {  	[sflag:s13] =	ssyncadd.s32 $0xFFFFCE00  }
0x7d: {  	s11 =	smin.u32 s4, $0x5D;
	_ =	swait.ge [sflag:s20], $0x190  }
0x7e: {  	s7 =	simm.s32 $0x4;
	s6 =	smul.u32 $0xC8, s11;
	[sflag:s20] =	ssyncset.done $0x0  }
0x7f: {  	s9 =	sadd.s32 $0x64, s10;
	s12 =	rddreg [dreg:$0x7];
	[sflag:s20] =	ssyncadd.s32 $0xFFFFFE70  }
.LBB2_2:
0x80: {  	[tilespmem:s18], [sflag:$0x1] =	stream.indirect.gather [hbm4b:s31+s14], $0x40, s16, s14, $0xb8;
	[tilespmem:$0x18740] =	vst v63  }
0x81: {  	s6 =	sadd.s32 s6, s12  }
0x82: {  	s6 =	sshrl.u32 s6, $0x3  }
0x83: {  	s6 =	sadd.s32 s0, s6  }
0x84: {  	[tilespmem:s19], [sflag:$0x2] =	stream.strided.gather [hbm4b:s6+s14], $0x190, s15, s14, $0x38;
	[tilespmem:$0x18740] =	vst v63  }
0x85: {  	_ =	swait.ge [sflag:s23], $0x3200  }
0x86: {  	[sflag:s23] =	ssyncset.done $0x0  }
0x87: {  	s12 =	rddreg [dreg:$0xa];
	[sflag:s23] =	ssyncadd.s32 $0xFFFFCE00  }
0x88: {  	[spmem:s3] =	stream.indirect.scatter.add.f32 [tilespmem:s24], [sflag:$0x3], $0x40, s12, s14, $0xb8;
	[tilespmem:$0x18740] =	vst v63  }
0x89: {  	_ =	swait.ge [sflag:s13], $0x3200  }
0x8a: {  	[sflag:s13] =	ssyncset.done $0x0  }
0x8b: {  	[sflag:s13] =	ssyncadd.s32 $0xFFFFCE00  }
0x8c: {  	_ =	swait.ge [sflag:s20], $0x190  }
0x8d: {  	[sflag:s20] =	ssyncset.done $0x0  }
0x8e: {  	[sflag:s20] =	ssyncadd.s32 $0xFFFFFE70  }
0x8f: {  	[tilespmem:s21], [sflag:$0x1] =	stream.indirect.gather [hbm4b:s31+s14], $0x40, s19, s14, $0xb8;
	[tilespmem:$0x18740] =	vst v63  }
0x90: {  	_ = 	snop  }
0x91: {  	[tilespmem:s22], [sflag:$0x2] =	stream.strided.gather [hbm4b:s9+s14], $0x190, s15, s14, $0x38;
	[tilespmem:$0x18740] =	vst v63  }
0x92: {  	_ =	swait.ge [sflag:s23], $0x3200  }
0x93: {  	[sflag:s23] =	ssyncset.done $0x0  }
0x94: {  	[sflag:s23] =	ssyncadd.s32 $0xFFFFCE00  }
0x95: {  	[spmem:s3] =	stream.indirect.scatter.add.f32 [tilespmem:s17], [sflag:$0x3], $0x40, s14, s14, $0xb8;
	[tilespmem:$0x18740] =	vst v63  }
0x96: {  	_ =	swait.ge [sflag:s13], $0x3200  }
0x97: {  	s11 =	smov.u32 s7;
	[sflag:s13] =	ssyncset.done $0x0  }
0x98: {  	s6 =	smin.u32 s11, $0x5F;
	[sflag:s13] =	ssyncadd.s32 $0xFFFFCE00  }
0x99: {  	s6 =	smul.u32 $0xC8, s6;
	_ =	swait.ge [sflag:s20], $0x190  }
0x9a: {  	[sflag:s20] =	ssyncset.done $0x0;
	s12 =	rddreg [dreg:$0x5]  }
0x9b: {  	[sflag:s20] =	ssyncadd.s32 $0xFFFFFE70;
	s6 =	sadd.s32 s6, s12  }
0x9c: {  	[tilespmem:s24], [sflag:$0x1] =	stream.indirect.gather [hbm4b:s31+s14], $0x40, s22, s14, $0xb8;
	[tilespmem:$0x18740] =	vst v63  }
0x9d: {  	s6 =	sshrl.u32 s6, $0x3  }
0x9e: {  	s6 =	sadd.s32 s0, s6  }
0x9f: {  	[tilespmem:s4], [sflag:$0x2] =	stream.strided.gather [hbm4b:s6+s14], $0x190, s15, s14, $0x38;
	[tilespmem:$0x18740] =	vst v63  }
0xa0: {  	_ =	swait.ge [sflag:s23], $0x3200  }
0xa1: {  	[sflag:s23] =	ssyncset.done $0x0  }
0xa2: {  	s12 =	rddreg [dreg:$0x8];
	[sflag:s23] =	ssyncadd.s32 $0xFFFFCE00  }
0xa3: {  	[spmem:s3] =	stream.indirect.scatter.add.f32 [tilespmem:s18], [sflag:$0x3], $0x40, s12, s14, $0xb8;
	[tilespmem:$0x18740] =	vst v63  }
0xa4: {  	_ =	swait.ge [sflag:s13], $0x3200  }
0xa5: {  	[sflag:s13] =	ssyncset.done $0x0  }
0xa6: {  	s6 =	smin.u32 s11, $0x5E;
	[sflag:s13] =	ssyncadd.s32 $0xFFFFCE00  }
0xa7: {  	s6 =	smul.u32 $0xC8, s6;
	_ =	swait.ge [sflag:s20], $0x190  }
0xa8: {  	s12 =	rddreg [dreg:$0x6]  }
0xa9: {  	[sflag:s20] =	ssyncset.done $0x0;
	s6 =	sadd.s32 s6, s12  }
0xaa: {  	[sflag:s20] =	ssyncadd.s32 $0xFFFFFE70;
	s6 =	sshrl.u32 s6, $0x3  }
0xab: {  	[tilespmem:s17], [sflag:$0x1] =	stream.indirect.gather [hbm4b:s31+s14], $0x40, s4, s14, $0xb8;
	[tilespmem:$0x18740] =	vst v63  }
0xac: {  	s6 =	sadd.s32 s0, s6  }
0xad: {  	[tilespmem:s16], [sflag:$0x2] =	stream.strided.gather [hbm4b:s6+s14], $0x190, s15, s14, $0x38;
	[tilespmem:$0x18740] =	vst v63  }
0xae: {  	_ =	swait.ge [sflag:s23], $0x3200  }
0xaf: {  	[sflag:s23] =	ssyncset.done $0x0  }
0xb0: {  	s12 =	rddreg [dreg:$0x9];
	[sflag:s23] =	ssyncadd.s32 $0xFFFFCE00  }
0xb1: {  	[spmem:s3] =	stream.indirect.scatter.add.f32 [tilespmem:s21], [sflag:$0x3], $0x40, s12, s14, $0xb8;
	[tilespmem:$0x18740] =	vst v63  }
0xb2: {  	p0 =	sne.s32 s7, $0x60;
	_ =	swait.ge [sflag:s13], $0x3200  }
.Ltmp0:
0xb3: {  	[sflag:s13] =	ssyncset.done $0x0;
	(pc) =	sbr.rel @p0 .LBB2_2-.Ltmp0, $4  }
0xb4: {  	[sflag:s13] =	ssyncadd.s32 $0xFFFFCE00  }
0xb5: {  	s7 =	sadd.s32 $0x4, s7;
	_ =	swait.ge [sflag:s20], $0x190  }
0xb6: {  	s9 =	sadd.s32 $0x64, s9;
	s11 =	smin.u32 s11, $0x5D;
	[sflag:s20] =	ssyncset.done $0x0  }
0xb7: {  	s6 =	smul.u32 $0xC8, s11;
	s12 =	rddreg [dreg:$0x7];
	[sflag:s20] =	ssyncadd.s32 $0xFFFFFE70  }
0xb8: {  	[tilespmem:s18], [sflag:$0x1] =	stream.indirect.gather [hbm4b:s31+s14], $0x40, s16, s14, $0xb8;
	[tilespmem:$0x18740] =	vst v63  }
0xb9: {  	s6 =	sadd.s32 s6, s12  }
0xba: {  	s6 =	sshrl.u32 s6, $0x3  }
0xbb: {  	s6 =	sadd.s32 s0, s6  }
0xbc: {  	[tilespmem:s19], [sflag:$0x2] =	stream.strided.gather [hbm4b:s6+s14], $0x190, s15, s14, $0x38;
	[tilespmem:$0x18740] =	vst v63  }
0xbd: {  	_ =	swait.ge [sflag:s23], $0x3200  }
0xbe: {  	[sflag:s23] =	ssyncset.done $0x0  }
0xbf: {  	s9 =	rddreg [dreg:$0xa];
	[sflag:s23] =	ssyncadd.s32 $0xFFFFCE00  }
0xc0: {  	[spmem:s3] =	stream.indirect.scatter.add.f32 [tilespmem:s24], [sflag:$0x3], $0x40, s9, s14, $0xb8;
	[tilespmem:$0x18740] =	vst v63  }
0xc1: {  	_ =	swait.ge [sflag:s13], $0x3200  }
0xc2: {  	[sflag:s13] =	ssyncset.done $0x0  }
0xc3: {  	[sflag:s13] =	ssyncadd.s32 $0xFFFFCE00  }
0xc4: {  	_ =	swait.ge [sflag:s23], $0x3200  }
0xc5: {  	[sflag:s23] =	ssyncset.done $0x0  }
0xc6: {  	[sflag:s23] =	ssyncadd.s32 $0xFFFFCE00  }
0xc7: {  	_ =	swait.ge [sflag:s23], $0x3200  }
0xc8: {  	[sflag:s23] =	ssyncset.done $0x0  }
0xc9: {  	[sflag:s23] =	ssyncadd.s32 $0xFFFFCE00  }
0xca: {  	_ =	swait.ge [sflag:s20], $0x190  }
0xcb: {  	[sflag:s20] =	ssyncset.done $0x0  }
0xcc: {  	[sflag:s20] =	ssyncadd.s32 $0xFFFFFE70  }
0xcd: {  	[bflag:$0x0] =	sbarrier.arrive $0xFFFF  }
0xce: {  	s11 =	rddreg [dreg:$0xb]  }
0xcf: {  	[tilespmem:s4], [sflag:$0x3] =	stream.linear.gather [hbm4b:s11+s4], $0xC8, $0x38;
	[tilespmem:$0x18740] =	vst v63  }
0xd0: {  	_ =	swait.ge [sflag:s13], $0xC8  }
0xd1: {  	[sflag:s13] =	ssyncset.done $0x0  }
0xd2: {  	[sflag:s13] =	ssyncadd.s32 $0xFFFFFF38  }
0xd3: {  	[tilespmem:s17], [sflag:$0x1] =	stream.indirect.gather [hbm4b:s30+s14], $0x40, s4, s14, $0xb8;
	[tilespmem:$0x18740] =	vst v63  }
0xd4: {  	_ = 	snop  }
0xd5: {  	[tilespmem:s18], [sflag:$0x1] =	stream.indirect.gather [hbm4b:s8+s14], $0x40, s4, s14, $0xb8;
	[tilespmem:$0x18740] =	vst v63  }
0xd6: {  	_ = 	snop  }
0xd7: {  	[tilespmem:s25], [sflag:$0x1] =	stream.indirect.gather [hbm4b:s1+s14], $0x10, s4, s14, $0xb8;
	[tilespmem:$0x18740] =	vst v63  }
0xd8: {  	s12 =	rddreg [dreg:$0xc]  }
0xd9: {  	[tilespmem:s19], [sflag:$0x3] =	stream.linear.gather [hbm4b:s12+s4], $0xC8, $0x38;
	[tilespmem:$0x18740] =	vst v63  }
0xda: {  	_ =	swait.ge [sflag:s13], $0xC8  }
0xdb: {  	[sflag:s13] =	ssyncset.done $0x0  }
0xdc: {  	[sflag:s13] =	ssyncadd.s32 $0xFFFFFF38  }
0xdd: {  	[tilespmem:s21], [sflag:$0x1] =	stream.indirect.gather [hbm4b:s30+s14], $0x40, s19, s14, $0xb8;
	[tilespmem:$0x18740] =	vst v63  }
0xde: {  	_ = 	snop  }
0xdf: {  	[tilespmem:s24], [sflag:$0x1] =	stream.indirect.gather [hbm4b:s8+s14], $0x40, s19, s14, $0xb8;
	[tilespmem:$0x18740] =	vst v63  }
0xe0: {  	_ = 	snop  }
0xe1: {  	[tilespmem:s26], [sflag:$0x1] =	stream.indirect.gather [hbm4b:s1+s14], $0x10, s19, s14, $0xb8;
	[tilespmem:$0x18740] =	vst v63  }
0xe2: {  	_ =	swait.ge [sflag:s23], $0x3200  }
0xe3: {  	[sflag:s23] =	ssyncset.done $0x0  }
0xe4: {  	[sflag:s23] =	ssyncadd.s32 $0xFFFFCE00  }
0xe5: {  	_ =	swait.ge [sflag:s23], $0x3200  }
0xe6: {  	[sflag:s23] =	ssyncset.done $0x0  }
0xe7: {  	[sflag:s23] =	ssyncadd.s32 $0xFFFFCE00  }
0xe8: {  	_ =	swait.ge [sflag:s23], $0xC80  }
0xe9: {  	[sflag:s23] =	ssyncset.done $0x0  }
0xea: {  	s7 =	rddreg [dreg:$0xd];
	[sflag:s23] =	ssyncadd.s32 $0xFFFFF380  }
0xeb: {  	[hbm4b:s7+s28] =	stream.strided.scatter [tilespmem:s17], [sflag:$0x3], $0x3200, s29, s28, $0x38;
	[tilespmem:$0x18740] =	vst v63  }
0xec: {  	_ =	swait.ge [sflag:s13], $0x3200  }
0xed: {  	[sflag:s13] =	ssyncset.done $0x0  }
0xee: {  	s9 =	rddreg [dreg:$0xe];
	[sflag:s13] =	ssyncadd.s32 $0xFFFFCE00  }
0xef: {  	[hbm4b:s9+s28] =	stream.strided.scatter [tilespmem:s18], [sflag:$0x3], $0x3200, s29, s28, $0x38;
	[tilespmem:$0x18740] =	vst v63  }
0xf0: {  	_ =	swait.ge [sflag:s13], $0x3200  }
0xf1: {  	[sflag:s13] =	ssyncset.done $0x0  }
0xf2: {  	s11 =	rddreg [dreg:$0xf];
	[sflag:s13] =	ssyncadd.s32 $0xFFFFCE00  }
0xf3: {  	[hbm4b:s11+s4] =	stream.linear.scatter [tilespmem:s25], [sflag:$0x3], $0xC80, $0x38;
	[tilespmem:$0x18740] =	vst v63  }
0xf4: {  	_ =	swait.ge [sflag:s13], $0xC80  }
0xf5: {  	[sflag:s13] =	ssyncset.done $0x0  }
0xf6: {  	s12 =	rddreg [dreg:$0x10];
	[sflag:s13] =	ssyncadd.s32 $0xFFFFF380  }
0xf7: {  	[tilespmem:s4], [sflag:$0x3] =	stream.linear.gather [hbm4b:s12+s4], $0x70, $0x38;
	[tilespmem:$0x18740] =	vst v63  }
0xf8: {  	_ =	swait.ge [sflag:s13], $0x70  }
0xf9: {  	[sflag:s13] =	ssyncset.done $0x0  }
0xfa: {  	[sflag:s13] =	ssyncadd.s32 $0xFFFFFF90  }
0xfb: {  	[tilespmem:s17], [sflag:$0x1] =	stream.indirect.gather [hbm4b:s30+s2], $0x40, s4, s2, $0xb8;
	[tilespmem:$0x18740] =	vst v63  }
0xfc: {  	_ = 	snop  }
0xfd: {  	[tilespmem:s18], [sflag:$0x1] =	stream.indirect.gather [hbm4b:s8+s2], $0x40, s4, s2, $0xb8;
	[tilespmem:$0x18740] =	vst v63  }
0xfe: {  	_ = 	snop  }
0xff: {  	[tilespmem:s25], [sflag:$0x1] =	stream.indirect.gather [hbm4b:s1+s2], $0x10, s4, s2, $0xb8;
	[tilespmem:$0x18740] =	vst v63  }
0x100: {  	_ =	swait.ge [sflag:s23], $0x3200  }
0x101: {  	[sflag:s23] =	ssyncset.done $0x0  }
0x102: {  	[sflag:s23] =	ssyncadd.s32 $0xFFFFCE00  }
0x103: {  	_ =	swait.ge [sflag:s23], $0x3200  }
0x104: {  	[sflag:s23] =	ssyncset.done $0x0  }
0x105: {  	[sflag:s23] =	ssyncadd.s32 $0xFFFFCE00  }
0x106: {  	_ =	swait.ge [sflag:s23], $0xC80  }
0x107: {  	[sflag:s23] =	ssyncset.done $0x0  }
0x108: {  	s7 =	rddreg [dreg:$0x11];
	[sflag:s23] =	ssyncadd.s32 $0xFFFFF380  }
0x109: {  	[hbm4b:s7+s28] =	stream.strided.scatter [tilespmem:s21], [sflag:$0x3], $0x3200, s29, s28, $0x38;
	[tilespmem:$0x18740] =	vst v63  }
0x10a: {  	_ =	swait.ge [sflag:s13], $0x3200  }
0x10b: {  	[sflag:s13] =	ssyncset.done $0x0  }
0x10c: {  	s9 =	rddreg [dreg:$0x12];
	[sflag:s13] =	ssyncadd.s32 $0xFFFFCE00  }
0x10d: {  	[hbm4b:s9+s28] =	stream.strided.scatter [tilespmem:s24], [sflag:$0x3], $0x3200, s29, s28, $0x38;
	[tilespmem:$0x18740] =	vst v63  }
0x10e: {  	_ =	swait.ge [sflag:s13], $0x3200  }
0x10f: {  	[sflag:s13] =	ssyncset.done $0x0  }
0x110: {  	s11 =	rddreg [dreg:$0x13];
	[sflag:s13] =	ssyncadd.s32 $0xFFFFCE00  }
0x111: {  	[hbm4b:s11+s4] =	stream.linear.scatter [tilespmem:s26], [sflag:$0x3], $0xC80, $0x38;
	[tilespmem:$0x18740] =	vst v63  }
0x112: {  	_ =	swait.ge [sflag:s13], $0xC80  }
0x113: {  	[sflag:s13] =	ssyncset.done $0x0  }
0x114: {  	[sflag:s13] =	ssyncadd.s32 $0xFFFFF380  }
0x115: {  	_ =	swait.ge [sflag:s23], $0x1C00  }
0x116: {  	[sflag:s23] =	ssyncset.done $0x0  }
0x117: {  	[sflag:s23] =	ssyncadd.s32 $0xFFFFE400  }
0x118: {  	_ =	swait.ge [sflag:s23], $0x1C00  }
0x119: {  	[sflag:s23] =	ssyncset.done $0x0  }
0x11a: {  	[sflag:s23] =	ssyncadd.s32 $0xFFFFE400  }
0x11b: {  	_ =	swait.ge [sflag:s23], $0x700  }
0x11c: {  	[sflag:s23] =	ssyncset.done $0x0  }
0x11d: {  	s12 =	rddreg [dreg:$0x14];
	[sflag:s23] =	ssyncadd.s32 $0xFFFFF900  }
0x11e: {  	[hbm4b:s12+s28] =	stream.strided.scatter [tilespmem:s17], [sflag:$0x3], $0x1C00, s29, s28, $0x38;
	[tilespmem:$0x18740] =	vst v63  }
0x11f: {  	_ =	swait.ge [sflag:s13], $0x1C00  }
0x120: {  	[sflag:s13] =	ssyncset.done $0x0  }
0x121: {  	s7 =	rddreg [dreg:$0x15];
	[sflag:s13] =	ssyncadd.s32 $0xFFFFE400  }
0x122: {  	[hbm4b:s7+s28] =	stream.strided.scatter [tilespmem:s18], [sflag:$0x3], $0x1C00, s29, s28, $0x38;
	[tilespmem:$0x18740] =	vst v63  }
0x123: {  	_ =	swait.ge [sflag:s13], $0x1C00  }
0x124: {  	[sflag:s13] =	ssyncset.done $0x0  }
0x125: {  	s9 =	rddreg [dreg:$0x16];
	[sflag:s13] =	ssyncadd.s32 $0xFFFFE400  }
0x126: {  	[hbm4b:s9+s4] =	stream.linear.scatter [tilespmem:s25], [sflag:$0x3], $0x700, $0x38;
	[tilespmem:$0x18740] =	vst v63  }
0x127: {  	_ =	swait.ge [sflag:s13], $0x700  }
0x128: {  	[sflag:s13] =	ssyncset.done $0x0  }
0x129: {  	s11 =	rddreg [dreg:$0x17];
	[sflag:s13] =	ssyncadd.s32 $0xFFFFF900  }
0x12a: {  	[tilespmem:s16], [sflag:$0x3] =	stream.linear.gather [hbm4b:s11+s4], $0xC8, $0x38;
	[tilespmem:$0x18740] =	vst v63  }
0x12b: {  	_ =	swait.ge [sflag:s13], $0xC8  }
0x12c: {  	[sflag:s13] =	ssyncset.done $0x0  }
0x12d: {  	[sflag:s13] =	ssyncadd.s32 $0xFFFFFF38  }
0x12e: {  	[tilespmem:s17], [sflag:$0x1] =	stream.indirect.gather [spmem:s3], $0x40, s16, s14, $0xb8;
	[tilespmem:$0x18740] =	vst v63  }
0x12f: {  	s12 =	rddreg [dreg:$0x18]  }
0x130: {  	[tilespmem:s22], [sflag:$0x3] =	stream.linear.gather [hbm4b:s12+s4], $0xC8, $0x38;
	[tilespmem:$0x18740] =	vst v63  }
0x131: {  	_ =	swait.ge [sflag:s13], $0xC8  }
0x132: {  	[sflag:s13] =	ssyncset.done $0x0  }
0x133: {  	[sflag:s13] =	ssyncadd.s32 $0xFFFFFF38  }
0x134: {  	[tilespmem:s18], [sflag:$0x1] =	stream.indirect.gather [spmem:s3], $0x40, s22, s14, $0xb8;
	[tilespmem:$0x18740] =	vst v63  }
0x135: {  	_ =	swait.ge [sflag:s23], $0x3200  }
0x136: {  	[sflag:s23] =	ssyncset.done $0x0  }
0x137: {  	s7 =	rddreg [dreg:$0x1d];
	[sflag:s23] =	ssyncadd.s32 $0xFFFFCE00  }
0x138: {  	[hbm4b:s7+s28] =	stream.strided.scatter [tilespmem:s17], [sflag:$0x3], $0x3200, s29, s28, $0x38;
	[tilespmem:$0x18740] =	vst v63  }
0x139: {  	_ =	swait.ge [sflag:s13], $0x3200  }
0x13a: {  	[sflag:s13] =	ssyncset.done $0x0  }
0x13b: {  	s9 =	rddreg [dreg:$0x19];
	[sflag:s13] =	ssyncadd.s32 $0xFFFFCE00  }
0x13c: {  	[tilespmem:s16], [sflag:$0x3] =	stream.linear.gather [hbm4b:s9+s4], $0xC8, $0x38;
	[tilespmem:$0x18740] =	vst v63  }
0x13d: {  	_ =	swait.ge [sflag:s13], $0xC8  }
0x13e: {  	[sflag:s13] =	ssyncset.done $0x0  }
0x13f: {  	[sflag:s13] =	ssyncadd.s32 $0xFFFFFF38  }
0x140: {  	[tilespmem:s17], [sflag:$0x1] =	stream.indirect.gather [spmem:s3], $0x40, s16, s14, $0xb8;
	[tilespmem:$0x18740] =	vst v63  }
0x141: {  	_ =	swait.ge [sflag:s23], $0x3200  }
0x142: {  	[sflag:s23] =	ssyncset.done $0x0  }
0x143: {  	s11 =	rddreg [dreg:$0x1e];
	[sflag:s23] =	ssyncadd.s32 $0xFFFFCE00  }
0x144: {  	[hbm4b:s11+s28] =	stream.strided.scatter [tilespmem:s18], [sflag:$0x3], $0x3200, s29, s28, $0x38;
	[tilespmem:$0x18740] =	vst v63  }
0x145: {  	_ =	swait.ge [sflag:s13], $0x3200  }
0x146: {  	[sflag:s13] =	ssyncset.done $0x0  }
0x147: {  	s12 =	rddreg [dreg:$0x1a];
	[sflag:s13] =	ssyncadd.s32 $0xFFFFCE00  }
0x148: {  	[tilespmem:s22], [sflag:$0x3] =	stream.linear.gather [hbm4b:s12+s4], $0xC8, $0x38;
	[tilespmem:$0x18740] =	vst v63  }
0x149: {  	_ =	swait.ge [sflag:s13], $0xC8  }
0x14a: {  	[sflag:s13] =	ssyncset.done $0x0  }
0x14b: {  	[sflag:s13] =	ssyncadd.s32 $0xFFFFFF38  }
0x14c: {  	[tilespmem:s18], [sflag:$0x1] =	stream.indirect.gather [spmem:s3], $0x40, s22, s14, $0xb8;
	[tilespmem:$0x18740] =	vst v63  }
0x14d: {  	_ =	swait.ge [sflag:s23], $0x3200  }
0x14e: {  	[sflag:s23] =	ssyncset.done $0x0  }
0x14f: {  	s7 =	rddreg [dreg:$0x1f];
	[sflag:s23] =	ssyncadd.s32 $0xFFFFCE00  }
0x150: {  	[hbm4b:s7+s28] =	stream.strided.scatter [tilespmem:s17], [sflag:$0x3], $0x3200, s29, s28, $0x38;
	[tilespmem:$0x18740] =	vst v63  }
0x151: {  	_ =	swait.ge [sflag:s13], $0x3200  }
0x152: {  	[sflag:s13] =	ssyncset.done $0x0  }
0x153: {  	s9 =	rddreg [dreg:$0x1b];
	[sflag:s13] =	ssyncadd.s32 $0xFFFFCE00  }
0x154: {  	[tilespmem:s16], [sflag:$0x3] =	stream.linear.gather [hbm4b:s9+s4], $0xC8, $0x38;
	[tilespmem:$0x18740] =	vst v63  }
0x155: {  	_ =	swait.ge [sflag:s13], $0xC8  }
0x156: {  	[sflag:s13] =	ssyncset.done $0x0  }
0x157: {  	[sflag:s13] =	ssyncadd.s32 $0xFFFFFF38  }
0x158: {  	[tilespmem:s17], [sflag:$0x1] =	stream.indirect.gather [spmem:s3], $0x40, s16, s14, $0xb8;
	[tilespmem:$0x18740] =	vst v63  }
0x159: {  	_ =	swait.ge [sflag:s23], $0x3200  }
0x15a: {  	s11 =	sld [smem:$0x7F4]  }
0x15b: {  	[sflag:s23] =	ssyncset.done $0x0  }
0x15c: {  	[sflag:s23] =	ssyncadd.s32 $0xFFFFCE00  }
0x15d: {  	[hbm4b:s11+s28] =	stream.strided.scatter [tilespmem:s18], [sflag:$0x3], $0x3200, s29, s28, $0x38;
	[tilespmem:$0x18740] =	vst v63  }
0x15e: {  	_ =	swait.ge [sflag:s13], $0x3200  }
0x15f: {  	[sflag:s13] =	ssyncset.done $0x0  }
0x160: {  	s12 =	rddreg [dreg:$0x1c];
	[sflag:s13] =	ssyncadd.s32 $0xFFFFCE00  }
0x161: {  	[tilespmem:s22], [sflag:$0x3] =	stream.linear.gather [hbm4b:s12+s4], $0x18, $0x38;
	[tilespmem:$0x18740] =	vst v63  }
0x162: {  	_ =	swait.ge [sflag:s13], $0x18  }
0x163: {  	[sflag:s13] =	ssyncset.done $0x0  }
0x164: {  	s7 =	simm.s32 $0x18;
	[sflag:s13] =	ssyncadd.s32 $0xFFFFFFE8  }
0x165: {  	[tilespmem:s18], [sflag:$0x1] =	stream.indirect.gather [spmem:s3], $0x40, s22, s7, $0xb8;
	[tilespmem:$0x18740] =	vst v63  }
0x166: {  	_ =	swait.ge [sflag:s23], $0x3200  }
0x167: {  	s9 =	sld [smem:$0x7F5]  }
0x168: {  	[sflag:s23] =	ssyncset.done $0x0  }
0x169: {  	[sflag:s23] =	ssyncadd.s32 $0xFFFFCE00  }
0x16a: {  	[hbm4b:s9+s28] =	stream.strided.scatter [tilespmem:s17], [sflag:$0x3], $0x3200, s29, s28, $0x38;
	[tilespmem:$0x18740] =	vst v63  }
0x16b: {  	_ =	swait.ge [sflag:s13], $0x3200  }
0x16c: {  	[sflag:s13] =	ssyncset.done $0x0  }
0x16d: {  	[sflag:s13] =	ssyncadd.s32 $0xFFFFCE00  }
0x16e: {  	_ =	swait.ge [sflag:s23], $0x600  }
0x16f: {  	s11 =	sld [smem:$0x7F6]  }
0x170: {  	[sflag:s23] =	ssyncset.done $0x0  }
0x171: {  	[sflag:s23] =	ssyncadd.s32 $0xFFFFFA00  }
0x172: {  	[hbm4b:s11+s28] =	stream.strided.scatter [tilespmem:s18], [sflag:$0x3], $0x600, s29, s28, $0x38;
	[tilespmem:$0x18740] =	vst v63  }
0x173: {  	_ =	swait.ge [sflag:s13], $0x600  }
0x174: {  	s12 =	sld [smem:$0x7FA];
	_ =	sdelay $0x1  }
0x175: {  	s5 =	sadd.s32 $0x1, s5  }
0x176: {  	p0 =	sne.s32 s5, s12  }
.Ltmp1:
0x177: {  	_ = 	snop;
	(pc) =	sbr.rel @p0 .LBB2_1-.Ltmp1, $3  }
0x178: {  	_ =	sdelay $0x1  }
0x179: {  	[sflag:s13] =	ssyncset.done $0x0  }
0x17a: {  	[sflag:s13] =	ssyncadd.s32 $0xFFFFFA00  }
0x17b: {  	_ =	sfence.sel $0x180000  }
0x17c: {  	[bflag:$0x0] =	sbarrier.arrive $0xFFFF  }
0x17d: {  	_ =	strace $0x9000004A  }
0x17e: {  	s0 =	stileid.u32;
	[bflag:$0x2] =	sbarrier.arrive $0xFFFF  }
0x17f: {  	p0 =	sne.s32 s0, $0x0;
	s0 =	rddreg [dreg:$0x4]  }
0x180: {  	s0 =	sadd.s32 @!p0 $0x100000, s0  }
0x181: {  	[sflag:s0] =	ssyncadd.tile.s32 @!p0 $0x1;
	_ =	shalt  }
.Lfunc_end2:
_tile_overlayer_lowered:
.L_overlay_start_2:
0x182: {  	(tag) =	ssettag $0x2  }
0x183: {  	s0 =	rddreg [dreg:$0x0];
	s2 =	stileid.u32  }
0x184: {  	s1 =	rddreg [dreg:$0x1];
	p0 =	sne.s32 s2, $0x0  }
0x185: {  	s3 =	rddreg [dreg:$0x2];
	[bflag:$0x3] =	sbarrier.arrive $0xFFFF;
	s2 =	simm.s32 @!p0 $0x1C03  }
0x186: {  	[timem:s3], [sflag:s2] =	dma.local @!p0 [hbm:s0], s1  }
0x187: {  	s0 =	simm.s32 @!p0 $0x3  }
0x188: {  	_ =	swait.ge @!p0 [sflag:s0], s1  }
0x189: {  	s1 =	ssub.s32 @!p0 $0x0, s1;
	[sflag:s0] =	ssyncset.done @!p0 $0x0  }
0x18a: {  	[sflag:s0] =	ssyncadd.s32 @!p0 s1  }
0x18b: {  	[bflag:$0x3] =	sbarrier.arrive $0xFFFF  }
0x18c: {  	_ =	shalt  }

</sc_bundles>
